<compile_context>
chip_gen: v7x
topology: tpu7x:2x2x1
jax: 0.10.2.dev20260603
libtpu: 0.0.44.dev20260713+nightly
codegen_flags: <defaults>
</compile_context>

<pallas_src>
import functools

import jax
import jax.numpy as jnp
from jax import lax
from jax.experimental import pallas as pl
from jax.experimental.pallas import tpu as pltpu
from jax.experimental.pallas import tpu_sc as plsc

N_NODES = 10000
NPAD = 10240
VOCAB = 100000
D = 128
E = 320000
CHUNK = 128
NW = 32
ECHUNK = 120
NJ = 84
NJX = NJ + 4
EPAD = NJX * NW * ECHUNK
EPERT = EPAD // NW
N_HCHUNK = NPAD // CHUNK
ROWS_PER_TILE = NPAD // 16


def _mesh():
    return plsc.VectorSubcoreMesh(
        core_axis_name="c", subcore_axis_name="s", num_cores=2, num_subcores=16
    )


def _sc_prep_body(batch_hbm, src_hbm, dst_hbm, emb_hbm,
                  h0_hbm, degp_hbm,
                  idxa, idxb, idxc, rows_v, rows2_v, hs_v, hd_v,
                  sidx_all, didx_all,
                  sem, sem2, sem_h, sem_a, sem_b, sem_c, sem_w0, sem_w1):
    cid = lax.axis_index("c")
    sid = lax.axis_index("s")
    w = sid * 2 + cid
    z16 = jnp.zeros((16,), jnp.float32)

    e0 = w * EPERT
    pltpu.async_copy(src_hbm.at[pl.ds(e0, EPERT)], sidx_all, sem_h)
    pltpu.async_copy(dst_hbm.at[pl.ds(e0, EPERT)], didx_all, sem_h)

    def zl(i, carry):
        for u in range(4):
            hs_v[pl.ds(i * 64 + u * 16, 16)] = z16
            hd_v[pl.ds(i * 64 + u * 16, 16)] = z16
        return carry
    lax.fori_loop(0, NPAD // 64, zl, 0)

    c2 = w + 2 * NW
    pltpu.async_copy(batch_hbm.at[pl.ds(w * CHUNK, CHUNK)], idxa, sem_a)
    pltpu.async_copy(batch_hbm.at[pl.ds((w + NW) * CHUNK, CHUNK)], idxb, sem_b)

    @pl.when(c2 < N_HCHUNK)
    def _():
        pltpu.async_copy(batch_hbm.at[pl.ds(c2 * CHUNK, CHUNK)], idxc, sem_c)

    pltpu.make_async_copy(batch_hbm.at[pl.ds(0, CHUNK)], idxa, sem_a).wait()
    pltpu.async_copy(emb_hbm.at[idxa], rows_v, sem)
    pltpu.make_async_copy(batch_hbm.at[pl.ds(0, CHUNK)], idxb, sem_b).wait()
    pltpu.async_copy(emb_hbm.at[idxb], rows2_v, sem2)
    pltpu.make_async_copy(emb_hbm.at[pl.ds(0, CHUNK)], rows_v, sem).wait()
    pltpu.async_copy(rows_v, h0_hbm.at[pl.ds(w * CHUNK, CHUNK)], sem_w0)
    pltpu.make_async_copy(emb_hbm.at[pl.ds(0, CHUNK)], rows2_v, sem2).wait()
    pltpu.async_copy(rows2_v, h0_hbm.at[pl.ds((w + NW) * CHUNK, CHUNK)], sem_w1)

    @pl.when(c2 < N_HCHUNK)
    def _():
        pltpu.make_async_copy(batch_hbm.at[pl.ds(0, CHUNK)], idxc, sem_c).wait()
        pltpu.make_async_copy(
            rows_v, h0_hbm.at[pl.ds(0, CHUNK)], sem_w0).wait()
        pltpu.async_copy(emb_hbm.at[idxc], rows_v, sem)
        pltpu.make_async_copy(emb_hbm.at[pl.ds(0, CHUNK)], rows_v, sem).wait()
        pltpu.async_copy(rows_v, h0_hbm.at[pl.ds(c2 * CHUNK, CHUNK)], sem_w0)
        pltpu.make_async_copy(
            rows_v, h0_hbm.at[pl.ds(0, CHUNK)], sem_w0).wait()

    @pl.when(c2 >= N_HCHUNK)
    def _():
        pltpu.make_async_copy(
            rows_v, h0_hbm.at[pl.ds(0, CHUNK)], sem_w0).wait()
    pltpu.make_async_copy(rows2_v, h0_hbm.at[pl.ds(0, CHUNK)], sem_w1).wait()

    ones16 = jnp.full((16,), 1.0, jnp.float32)
    pltpu.make_async_copy(src_hbm.at[pl.ds(0, EPERT)], sidx_all, sem_h).wait()
    pltpu.make_async_copy(dst_hbm.at[pl.ds(0, EPERT)], didx_all, sem_h).wait()

    def dchunk(i, carry):
        for u in range(3):
            plsc.addupdate_scatter(
                hs_v, [sidx_all[pl.ds(i * 48 + u * 16, 16)]], ones16)
            plsc.addupdate_scatter(
                hd_v, [didx_all[pl.ds(i * 48 + u * 16, 16)]], ones16)
        return carry
    lax.fori_loop(0, EPERT // 48, dchunk, 0)

    pltpu.sync_copy(hs_v, degp_hbm.at[w, 0])
    pltpu.sync_copy(hd_v, degp_hbm.at[w, 1])


def _sc_prep(batch_pad, src, dst, emb_table):
    f = functools.partial(
        pl.kernel,
        out_type=(
            jax.ShapeDtypeStruct((NPAD, D), jnp.float32),
            jax.ShapeDtypeStruct((NW, 2, NPAD), jnp.float32),
        ),
        mesh=_mesh(),
        scratch_types=[
            pltpu.VMEM((CHUNK,), jnp.int32),
            pltpu.VMEM((CHUNK,), jnp.int32),
            pltpu.VMEM((CHUNK,), jnp.int32),
            pltpu.VMEM((CHUNK, D), jnp.float32),
            pltpu.VMEM((CHUNK, D), jnp.float32),
            pltpu.VMEM((NPAD,), jnp.float32),
            pltpu.VMEM((NPAD,), jnp.float32),
            pltpu.VMEM((EPERT,), jnp.int32),
            pltpu.VMEM((EPERT,), jnp.int32),
        ] + [pltpu.SemaphoreType.DMA] * 8,
        compiler_params=pltpu.CompilerParams(needs_layout_passes=False),
    )(_sc_prep_body)
    return f(batch_pad, src, dst, emb_table)


NBUF = 3


def _sc_msgpass_body(hw_hbm, src_hbm, dst_hbm, part_hbm,
                     sidx, didx, rows, zbuf_v, agg_sh, sem_i, sem_g):
    cid = lax.axis_index("c")
    sid = lax.axis_index("s")
    w = sid * 2 + cid
    z16 = jnp.zeros((16,), jnp.float32)

    ZR = 16
    for i in range(ZR):
        for jj in range(D // 16):
            zbuf_v[i, pl.ds(jj * 16, 16)] = z16
    for t in range(ROWS_PER_TILE // ZR):
        pltpu.async_copy(
            zbuf_v, agg_sh.at[pl.ds(sid * ROWS_PER_TILE + t * ZR, ZR)],
            sem_g[0])
    for t in range(ROWS_PER_TILE // ZR):
        pltpu.make_async_copy(
            zbuf_v, agg_sh.at[pl.ds(0, ZR)], sem_g[0]).wait()
    plsc.subcore_barrier()

    def issue_idx(s, b):
        c = (w + NW * s) * ECHUNK
        pltpu.async_copy(src_hbm.at[pl.ds(c, ECHUNK)], sidx[b], sem_i[b])
        pltpu.async_copy(dst_hbm.at[pl.ds(c, ECHUNK)], didx[b], sem_i[b])

    def wait_idx(b):
        pltpu.make_async_copy(src_hbm.at[pl.ds(0, ECHUNK)], sidx[b], sem_i[b]).wait()
        pltpu.make_async_copy(dst_hbm.at[pl.ds(0, ECHUNK)], didx[b], sem_i[b]).wait()

    def issue_gather(b):
        pltpu.async_copy(hw_hbm.at[sidx[b]], rows[b], sem_g[b])

    def wait_rows(b):
        pltpu.make_async_copy(hw_hbm.at[pl.ds(0, ECHUNK)], rows[b], sem_g[b]).wait()

    for b in range(NBUF):
        issue_idx(b, b)
    for b in range(NBUF - 1):
        wait_idx(b)
        issue_gather(b)

    def body(t, carry):
        s0 = NBUF * t
        for b in range(NBUF):
            wait_rows(b)
            wait_idx((b + NBUF - 1) % NBUF)
            issue_gather((b + NBUF - 1) % NBUF)
            pltpu.sync_copy(rows[b], agg_sh.at[didx[b]], add=True)
            issue_idx(s0 + b + NBUF, b)
        return carry
    lax.fori_loop(0, NJ // NBUF, body, 0)

    for b in range(NBUF - 1):
        wait_rows(b)
    wait_idx(NBUF - 1)

    plsc.subcore_barrier()
    for t in range(ROWS_PER_TILE // CHUNK):
        r0 = sid * ROWS_PER_TILE + t * CHUNK
        pltpu.async_copy(agg_sh.at[pl.ds(r0, CHUNK)],
                         part_hbm.at[cid, pl.ds(r0, CHUNK)], sem_g[0])
    for t in range(ROWS_PER_TILE // CHUNK):
        pltpu.make_async_copy(
            agg_sh.at[pl.ds(0, CHUNK)],
            part_hbm.at[cid, pl.ds(0, CHUNK)], sem_g[0]).wait()


def _sc_msgpass(hw, src, dst):
    f = functools.partial(
        pl.kernel,
        out_type=jax.ShapeDtypeStruct((2, NPAD, D), jnp.float32),
        mesh=_mesh(),
        scratch_types=[
            tuple(pltpu.VMEM((ECHUNK,), jnp.int32) for _ in range(NBUF)),
            tuple(pltpu.VMEM((ECHUNK,), jnp.int32) for _ in range(NBUF)),
            tuple(pltpu.VMEM((ECHUNK, D), jnp.float32) for _ in range(NBUF)),
            pltpu.VMEM((16, D), jnp.float32),
            pltpu.VMEM_SHARED((NPAD, D), jnp.float32),
            tuple(pltpu.SemaphoreType.DMA for _ in range(NBUF)),
            tuple(pltpu.SemaphoreType.DMA for _ in range(NBUF)),
        ],
        compiler_params=pltpu.CompilerParams(needs_layout_passes=False),
    )(_sc_msgpass_body)
    return f(hw, src, dst)



R = 1024
GRID = NPAD // R


def _block_norms(dg):
    iota = lax.broadcasted_iota(jnp.int32, (2 * NW, 1), 0)
    m_src = jnp.where(iota % 2 == 0, 1.0, 0.0)
    dims = (((0,), (0,)), ((), ()))
    deg_s = lax.dot_general(dg, m_src, dims,
                            preferred_element_type=jnp.float32)
    deg_d = lax.dot_general(dg, 1.0 - m_src, dims,
                            preferred_element_type=jnp.float32)

    def norm(deg):
        return jnp.where(deg > 0, lax.rsqrt(jnp.maximum(deg, 1.0)), 0.0)
    return norm(deg_s), norm(deg_d)


def _tc_l1_body(h_ref, w_ref, dg_ref, out_ref):
    ns, _ = _block_norms(dg_ref[...])
    hw = jnp.dot(h_ref[...], w_ref[...], preferred_element_type=jnp.float32)
    out_ref[...] = hw * ns


def _tc_l1(h0, W1, degp):
    return pl.pallas_call(
        _tc_l1_body,
        grid=(GRID,),
        in_specs=[
            pl.BlockSpec((R, D), lambda i: (i, 0)),
            pl.BlockSpec((D, D), lambda i: (0, 0)),
            pl.BlockSpec((2 * NW, R), lambda i: (0, i)),
        ],
        out_specs=pl.BlockSpec((R, D), lambda i: (i, 0)),
        out_shape=jax.ShapeDtypeStruct((NPAD, D), jnp.float32),
    )(h0, W1, degp)


def _tc_mid_body(p_ref, b_ref, w_ref, dg_ref, out_ref):
    ns, nd = _block_norms(dg_ref[...])
    agg = p_ref[0] + p_ref[1]
    h = jnp.maximum(agg * nd + b_ref[...], 0.0)
    out_ref[...] = jnp.dot(
        h, w_ref[...], preferred_element_type=jnp.float32) * ns


def _tc_mid(p, b1, W2, degp):
    return pl.pallas_call(
        _tc_mid_body,
        grid=(GRID,),
        in_specs=[
            pl.BlockSpec((2, R, D), lambda i: (0, i, 0)),
            pl.BlockSpec((1, D), lambda i: (0, 0)),
            pl.BlockSpec((D, D), lambda i: (0, 0)),
            pl.BlockSpec((2 * NW, R), lambda i: (0, i)),
        ],
        out_specs=pl.BlockSpec((R, D), lambda i: (i, 0)),
        out_shape=jax.ShapeDtypeStruct((NPAD, D), jnp.float32),
    )(p, b1, W2, degp)


def _tc_fin_body(q_ref, b_ref, dg_ref, out_ref):
    _, nd = _block_norms(dg_ref[...])
    agg = q_ref[0] + q_ref[1]
    out_ref[...] = jnp.maximum(agg * nd + b_ref[...], 0.0)


def _tc_fin(q, b2, degp):
    return pl.pallas_call(
        _tc_fin_body,
        grid=(GRID,),
        in_specs=[
            pl.BlockSpec((2, R, D), lambda i: (0, i, 0)),
            pl.BlockSpec((1, D), lambda i: (0, 0)),
            pl.BlockSpec((2 * NW, R), lambda i: (0, i)),
        ],
        out_specs=pl.BlockSpec((R, D), lambda i: (i, 0)),
        out_shape=jax.ShapeDtypeStruct((NPAD, D), jnp.float32),
    )(q, b2, degp)


def kernel(batch, edge_index, emb_table, W1, b1, W2, b2):
    epad = N_NODES + (jnp.arange(EPAD - E, dtype=jnp.int32) % (NPAD - N_NODES))
    src = jnp.concatenate([edge_index[0].astype(jnp.int32), epad])
    dst = jnp.concatenate([edge_index[1].astype(jnp.int32), epad])
    batch_pad = jnp.concatenate(
        [batch.astype(jnp.int32), jnp.zeros((NPAD - N_NODES,), jnp.int32)])

    h0, degp = _sc_prep(batch_pad, src, dst, emb_table)
    degp = degp.reshape(2 * NW, NPAD)

    hw1 = _tc_l1(h0, W1, degp)
    p1 = _sc_msgpass(hw1, src, dst)
    hw2 = _tc_mid(p1, b1.reshape(1, D), W2, degp)
    p2 = _sc_msgpass(hw2, src, dst)
    out = _tc_fin(p2, b2.reshape(1, D), degp)
    return out[:N_NODES]

# --- scband reference (transcript-rebuilt; emitter-appended) ---
"""Pipeline reference for scband-emb-gcnencoder-24051816858276 (READ-ONLY COPY).

The authoritative reference and input builder live on the scoring server;
editing this copy changes nothing except your own understanding.
"""

import jax, jax.numpy as jnp
import numpy as np

N_NODES = 10000
VOCAB = 100000
EMB_DIM = 128
OUT_DIM = 128
N_EDGES = 320000


def setup_inputs(seed: int = 0) -> dict:
    key = jax.random.key(seed)
    k1, k2, k3, k4, k5, k6, k7 = jax.random.split(key, 7)
    batch = jax.random.randint(k1, (N_NODES,), 0, VOCAB, dtype=jnp.int64) if jax.config.jax_enable_x64 else jax.random.randint(k1, (N_NODES,), 0, VOCAB, dtype=jnp.int32)
    edge_index = jax.random.randint(k2, (2, N_EDGES), 0, N_NODES, dtype=jnp.int32)
    emb_table = jax.random.normal(k3, (VOCAB, EMB_DIM), dtype=jnp.float32)
    # GraphConv weights (glorot-ish scaling)
    W1 = jax.random.normal(k4, (EMB_DIM, OUT_DIM), dtype=jnp.float32) / np.sqrt(EMB_DIM)
    b1 = jnp.zeros((OUT_DIM,), dtype=jnp.float32)
    W2 = jax.random.normal(k5, (OUT_DIM, OUT_DIM), dtype=jnp.float32) / np.sqrt(OUT_DIM)
    b2 = jnp.zeros((OUT_DIM,), dtype=jnp.float32)
    return {"batch": batch, "edge_index": edge_index, "emb_table": emb_table,
            "W1": W1, "b1": b1, "W2": W2, "b2": b2}


def _graph_conv(h, src, dst, norm_src, norm_dst, W, b):
    # DGL GraphConv, norm='both': D_dst^{-1/2} A D_src^{-1/2} (X W) + b
    h = h @ W
    h = h * norm_src[:, None]
    agg = jax.ops.segment_sum(h[src], dst, num_segments=N_NODES)
    agg = agg * norm_dst[:, None]
    return agg + b


def reference(batch, edge_index, emb_table, W1, b1, W2, b2):
    src = edge_index[0]
    dst = edge_index[1]
    ones = jnp.ones((src.shape[0],), dtype=jnp.float32)
    deg_out = jax.ops.segment_sum(ones, src, num_segments=N_NODES)
    deg_in = jax.ops.segment_sum(ones, dst, num_segments=N_NODES)
    norm_src = jnp.where(deg_out > 0, jax.lax.rsqrt(jnp.maximum(deg_out, 1.0)), 0.0)
    norm_dst = jnp.where(deg_in > 0, jax.lax.rsqrt(jnp.maximum(deg_in, 1.0)), 0.0)
    # embedding lookup
    h = jnp.take(emb_table, batch, axis=0)
    # layer 1: GraphConv -> dropout(eval=identity) -> relu
    h = jax.nn.relu(_graph_conv(h, src, dst, norm_src, norm_dst, W1, b1))
    # layer 2
    h = jax.nn.relu(_graph_conv(h, src, dst, norm_src, norm_dst, W2, b2))
    return h

if __name__ == "__main__":
    import jax
    _d = setup_inputs()
    print(jax.jit(kernel)(*tuple(_d.values())))

</pallas_src>

<mosaic_0001>
#map = affine_map<(d0, d1) -> (0, 0)>
#map1 = affine_map<(d0, d1) -> (0)>
#map2 = affine_map<(d0, d1) -> (0, 0, 0)>
module attributes {stable_mosaic.version = 14 : i64} {
  func.func @_sc_msgpass_body(%arg0: i32, %arg1: i32, %arg2: memref<10240x128xf32, #tpu.memory_space<hbm>>, %arg3: memref<337920xi32, #tpu.memory_space<hbm>>, %arg4: memref<337920xi32, #tpu.memory_space<hbm>>, %arg5: memref<2x10240x128xf32, #tpu.memory_space<hbm>>, %arg6: memref<120xi32, #tpu.memory_space<vmem>>, %arg7: memref<120xi32, #tpu.memory_space<vmem>>, %arg8: memref<120xi32, #tpu.memory_space<vmem>>, %arg9: memref<120xi32, #tpu.memory_space<vmem>>, %arg10: memref<120xi32, #tpu.memory_space<vmem>>, %arg11: memref<120xi32, #tpu.memory_space<vmem>>, %arg12: memref<120x128xf32, #tpu.memory_space<vmem>>, %arg13: memref<120x128xf32, #tpu.memory_space<vmem>>, %arg14: memref<120x128xf32, #tpu.memory_space<vmem>>, %arg15: memref<16x128xf32, #tpu.memory_space<vmem>>, %arg16: memref<10240x128xf32, #tpu.memory_space<vmem_shared>>, %arg17: memref<!tpu.dma_semaphore, #tpu.memory_space<semaphore_mem>>, %arg18: memref<!tpu.dma_semaphore, #tpu.memory_space<semaphore_mem>>, %arg19: memref<!tpu.dma_semaphore, #tpu.memory_space<semaphore_mem>>, %arg20: memref<!tpu.dma_semaphore, #tpu.memory_space<semaphore_mem>>, %arg21: memref<!tpu.dma_semaphore, #tpu.memory_space<semaphore_mem>>, %arg22: memref<!tpu.dma_semaphore, #tpu.memory_space<semaphore_mem>>) attributes {dimension_semantics = [#tpu.dimension_semantics<core_parallel>, #tpu.dimension_semantics<subcore_parallel>], iteration_bounds = array<i64: 2, 16>, scalar_prefetch = 0 : i64, scratch_operands = 17 : i64, tpu.core_type = #tpu.core_type<sc_vector_subcore>, window_params = [{transform_indices = #map}, {transform_indices = #map1}, {transform_indices = #map1}, {transform_indices = #map2}]} {
    %mul3A = arith.constant 2 : i32
    %mul3A_0 = arith.muli %arg1, %mul3A : i32
    %add3A = arith.addi %mul3A_0, %arg0 : i32
    %broadcast_in_dim3A = arith.constant 0.000000e+00 : f32
    %broadcast_in_dim3A_1 = vector.broadcast %broadcast_in_dim3A : f32 to vector<16xf32>
    %swap3A = arith.constant 0 : i32
    %swap3A_2 = arith.index_cast %swap3A : i32 to index
    %swap3A_3 = arith.constant 0 : index
    %swap3A_4 = tpu.vector_load %arg15[%swap3A_2, %swap3A_3] {strides = array<i32>} : memref<16x128xf32, #tpu.memory_space<vmem>>, vector<16xf32>,
    tpu.vector_store %arg15[%swap3A_2, %swap3A_3], %broadcast_in_dim3A_1 {strides = array<i32>} : memref<16x128xf32, #tpu.memory_space<vmem>>, vector<16xf32>,
    %swap3A_5 = arith.constant 0 : i32
    %swap3A_6 = arith.index_cast %swap3A_5 : i32 to index
    %swap3A_7 = arith.constant 16 : index
    %swap3A_8 = tpu.vector_load %arg15[%swap3A_6, %swap3A_7] {strides = array<i32>} : memref<16x128xf32, #tpu.memory_space<vmem>>, vector<16xf32>,
    tpu.vector_store %arg15[%swap3A_6, %swap3A_7], %broadcast_in_dim3A_1 {strides = array<i32>} : memref<16x128xf32, #tpu.memory_space<vmem>>, vector<16xf32>,
    %swap3A_9 = arith.constant 0 : i32
    %swap3A_10 = arith.index_cast %swap3A_9 : i32 to index
    %swap3A_11 = arith.constant 32 : index
    %swap3A_12 = tpu.vector_load %arg15[%swap3A_10, %swap3A_11] {strides = array<i32>} : memref<16x128xf32, #tpu.memory_space<vmem>>, vector<16xf32>,
    tpu.vector_store %arg15[%swap3A_10, %swap3A_11], %broadcast_in_dim3A_1 {strides = array<i32>} : memref<16x128xf32, #tpu.memory_space<vmem>>, vector<16xf32>,
    %swap3A_13 = arith.constant 0 : i32
    %swap3A_14 = arith.index_cast %swap3A_13 : i32 to index
    %swap3A_15 = arith.constant 48 : index
    %swap3A_16 = tpu.vector_load %arg15[%swap3A_14, %swap3A_15] {strides = array<i32>} : memref<16x128xf32, #tpu.memory_space<vmem>>, vector<16xf32>,
    tpu.vector_store %arg15[%swap3A_14, %swap3A_15], %broadcast_in_dim3A_1 {strides = array<i32>} : memref<16x128xf32, #tpu.memory_space<vmem>>, vector<16xf32>,
    %swap3A_17 = arith.constant 0 : i32
    %swap3A_18 = arith.index_cast %swap3A_17 : i32 to index
    %swap3A_19 = arith.constant 64 : index
    %swap3A_20 = tpu.vector_load %arg15[%swap3A_18, %swap3A_19] {strides = array<i32>} : memref<16x128xf32, #tpu.memory_space<vmem>>, vector<16xf32>,
    tpu.vector_store %arg15[%swap3A_18, %swap3A_19], %broadcast_in_dim3A_1 {strides = array<i32>} : memref<16x128xf32, #tpu.memory_space<vmem>>, vector<16xf32>,
    %swap3A_21 = arith.constant 0 : i32
    %swap3A_22 = arith.index_cast %swap3A_21 : i32 to index
    %swap3A_23 = arith.constant 80 : index
    %swap3A_24 = tpu.vector_load %arg15[%swap3A_22, %swap3A_23] {strides = array<i32>} : memref<16x128xf32, #tpu.memory_space<vmem>>, vector<16xf32>,
    tpu.vector_store %arg15[%swap3A_22, %swap3A_23], %broadcast_in_dim3A_1 {strides = array<i32>} : memref<16x128xf32, #tpu.memory_space<vmem>>, vector<16xf32>,
    %swap3A_25 = arith.constant 0 : i32
    %swap3A_26 = arith.index_cast %swap3A_25 : i32 to index
    %swap3A_27 = arith.constant 96 : index
    %swap3A_28 = tpu.vector_load %arg15[%swap3A_26, %swap3A_27] {strides = array<i32>} : memref<16x128xf32, #tpu.memory_space<vmem>>, vector<16xf32>,
    tpu.vector_store %arg15[%swap3A_26, %swap3A_27], %broadcast_in_dim3A_1 {strides = array<i32>} : memref<16x128xf32, #tpu.memory_space<vmem>>, vector<16xf32>,
    %swap3A_29 = arith.constant 0 : i32
    %swap3A_30 = arith.index_cast %swap3A_29 : i32 to index
    %swap3A_31 = arith.constant 112 : index
    %swap3A_32 = tpu.vector_load %arg15[%swap3A_30, %swap3A_31] {strides = array<i32>} : memref<16x128xf32, #tpu.memory_space<vmem>>, vector<16xf32>,
    tpu.vector_store %arg15[%swap3A_30, %swap3A_31], %broadcast_in_dim3A_1 {strides = array<i32>} : memref<16x128xf32, #tpu.memory_space<vmem>>, vector<16xf32>,
    %swap3A_33 = arith.constant 1 : i32
    %swap3A_34 = arith.index_cast %swap3A_33 : i32 to index
    %swap3A_35 = arith.constant 0 : index
    %swap3A_36 = tpu.vector_load %arg15[%swap3A_34, %swap3A_35] {strides = array<i32>} : memref<16x128xf32, #tpu.memory_space<vmem>>, vector<16xf32>,
    tpu.vector_store %arg15[%swap3A_34, %swap3A_35], %broadcast_in_dim3A_1 {strides = array<i32>} : memref<16x128xf32, #tpu.memory_space<vmem>>, vector<16xf32>,
    %swap3A_37 = arith.constant 1 : i32
    %swap3A_38 = arith.index_cast %swap3A_37 : i32 to index
    %swap3A_39 = arith.constant 16 : index
    %swap3A_40 = tpu.vector_load %arg15[%swap3A_38, %swap3A_39] {strides = array<i32>} : memref<16x128xf32, #tpu.memory_space<vmem>>, vector<16xf32>,
    tpu.vector_store %arg15[%swap3A_38, %swap3A_39], %broadcast_in_dim3A_1 {strides = array<i32>} : memref<16x128xf32, #tpu.memory_space<vmem>>, vector<16xf32>,
    %swap3A_41 = arith.constant 1 : i32
    %swap3A_42 = arith.index_cast %swap3A_41 : i32 to index
    %swap3A_43 = arith.constant 32 : index
    %swap3A_44 = tpu.vector_load %arg15[%swap3A_42, %swap3A_43] {strides = array<i32>} : memref<16x128xf32, #tpu.memory_space<vmem>>, vector<16xf32>,
    tpu.vector_store %arg15[%swap3A_42, %swap3A_43], %broadcast_in_dim3A_1 {strides = array<i32>} : memref<16x128xf32, #tpu.memory_space<vmem>>, vector<16xf32>,
    %swap3A_45 = arith.constant 1 : i32
    %swap3A_46 = arith.index_cast %swap3A_45 : i32 to index
    %swap3A_47 = arith.constant 48 : index
    %swap3A_48 = tpu.vector_load %arg15[%swap3A_46, %swap3A_47] {strides = array<i32>} : memref<16x128xf32, #tpu.memory_space<vmem>>, vector<16xf32>,
    tpu.vector_store %arg15[%swap3A_46, %swap3A_47], %broadcast_in_dim3A_1 {strides = array<i32>} : memref<16x128xf32, #tpu.memory_space<vmem>>, vector<16xf32>,
    %swap3A_49 = arith.constant 1 : i32
    %swap3A_50 = arith.index_cast %swap3A_49 : i32 to index
    %swap3A_51 = arith.constant 64 : index
    %swap3A_52 = tpu.vector_load %arg15[%swap3A_50, %swap3A_51] {strides = array<i32>} : memref<16x128xf32, #tpu.memory_space<vmem>>, vector<16xf32>,
    tpu.vector_store %arg15[%swap3A_50, %swap3A_51], %broadcast_in_dim3A_1 {strides = array<i32>} : memref<16x128xf32, #tpu.memory_space<vmem>>, vector<16xf32>,
    %swap3A_53 = arith.constant 1 : i32
    %swap3A_54 = arith.index_cast %swap3A_53 : i32 to index
    %swap3A_55 = arith.constant 80 : index
    %swap3A_56 = tpu.vector_load %arg15[%swap3A_54, %swap3A_55] {strides = array<i32>} : memref<16x128xf32, #tpu.memory_space<vmem>>, vector<16xf32>,
    tpu.vector_store %arg15[%swap3A_54, %swap3A_55], %broadcast_in_dim3A_1 {strides = array<i32>} : memref<16x128xf32, #tpu.memory_space<vmem>>, vector<16xf32>,
    %swap3A_57 = arith.constant 1 : i32
    %swap3A_58 = arith.index_cast %swap3A_57 : i32 to index
    %swap3A_59 = arith.constant 96 : index
    %swap3A_60 = tpu.vector_load %arg15[%swap3A_58, %swap3A_59] {strides = array<i32>} : memref<16x128xf32, #tpu.memory_space<vmem>>, vector<16xf32>,
    tpu.vector_store %arg15[%swap3A_58, %swap3A_59], %broadcast_in_dim3A_1 {strides = array<i32>} : memref<16x128xf32, #tpu.memory_space<vmem>>, vector<16xf32>,
    %swap3A_61 = arith.constant 1 : i32
    %swap3A_62 = arith.index_cast %swap3A_61 : i32 to index
    %swap3A_63 = arith.constant 112 : index
    %swap3A_64 = tpu.vector_load %arg15[%swap3A_62, %swap3A_63] {strides = array<i32>} : memref<16x128xf32, #tpu.memory_space<vmem>>, vector<16xf32>,
    tpu.vector_store %arg15[%swap3A_62, %swap3A_63], %broadcast_in_dim3A_1 {strides = array<i32>} : memref<16x128xf32, #tpu.memory_space<vmem>>, vector<16xf32>,
    %swap3A_65 = arith.constant 2 : i32
    %swap3A_66 = arith.index_cast %swap3A_65 : i32 to index
    %swap3A_67 = arith.constant 0 : index
    %swap3A_68 = tpu.vector_load %arg15[%swap3A_66, %swap3A_67] {strides = array<i32>} : memref<16x128xf32, #tpu.memory_space<vmem>>, vector<16xf32>,
    tpu.vector_store %arg15[%swap3A_66, %swap3A_67], %broadcast_in_dim3A_1 {strides = array<i32>} : memref<16x128xf32, #tpu.memory_space<vmem>>, vector<16xf32>,
    %swap3A_69 = arith.constant 2 : i32
    %swap3A_70 = arith.index_cast %swap3A_69 : i32 to index
    %swap3A_71 = arith.constant 16 : index
    %swap3A_72 = tpu.vector_load %arg15[%swap3A_70, %swap3A_71] {strides = array<i32>} : memref<16x128xf32, #tpu.memory_space<vmem>>, vector<16xf32>,
    tpu.vector_store %arg15[%swap3A_70, %swap3A_71], %broadcast_in_dim3A_1 {strides = array<i32>} : memref<16x128xf32, #tpu.memory_space<vmem>>, vector<16xf32>,
    %swap3A_73 = arith.constant 2 : i32
    %swap3A_74 = arith.index_cast %swap3A_73 : i32 to index
    %swap3A_75 = arith.constant 32 : index
    %swap3A_76 = tpu.vector_load %arg15[%swap3A_74, %swap3A_75] {strides = array<i32>} : memref<16x128xf32, #tpu.memory_space<vmem>>, vector<16xf32>,
    tpu.vector_store %arg15[%swap3A_74, %swap3A_75], %broadcast_in_dim3A_1 {strides = array<i32>} : memref<16x128xf32, #tpu.memory_space<vmem>>, vector<16xf32>,
    %swap3A_77 = arith.constant 2 : i32
    %swap3A_78 = arith.index_cast %swap3A_77 : i32 to index
    %swap3A_79 = arith.constant 48 : index
    %swap3A_80 = tpu.vector_load %arg15[%swap3A_78, %swap3A_79] {strides = array<i32>} : memref<16x128xf32, #tpu.memory_space<vmem>>, vector<16xf32>,
    tpu.vector_store %arg15[%swap3A_78, %swap3A_79], %broadcast_in_dim3A_1 {strides = array<i32>} : memref<16x128xf32, #tpu.memory_space<vmem>>, vector<16xf32>,
    %swap3A_81 = arith.constant 2 : i32
    %swap3A_82 = arith.index_cast %swap3A_81 : i32 to index
    %swap3A_83 = arith.constant 64 : index
    %swap3A_84 = tpu.vector_load %arg15[%swap3A_82, %swap3A_83] {strides = array<i32>} : memref<16x128xf32, #tpu.memory_space<vmem>>, vector<16xf32>,
    tpu.vector_store %arg15[%swap3A_82, %swap3A_83], %broadcast_in_dim3A_1 {strides = array<i32>} : memref<16x128xf32, #tpu.memory_space<vmem>>, vector<16xf32>,
    %swap3A_85 = arith.constant 2 : i32
    %swap3A_86 = arith.index_cast %swap3A_85 : i32 to index
    %swap3A_87 = arith.constant 80 : index
    %swap3A_88 = tpu.vector_load %arg15[%swap3A_86, %swap3A_87] {strides = array<i32>} : memref<16x128xf32, #tpu.memory_space<vmem>>, vector<16xf32>,
    tpu.vector_store %arg15[%swap3A_86, %swap3A_87], %broadcast_in_dim3A_1 {strides = array<i32>} : memref<16x128xf32, #tpu.memory_space<vmem>>, vector<16xf32>,
    %swap3A_89 = arith.constant 2 : i32
    %swap3A_90 = arith.index_cast %swap3A_89 : i32 to index
    %swap3A_91 = arith.constant 96 : index
    %swap3A_92 = tpu.vector_load %arg15[%swap3A_90, %swap3A_91] {strides = array<i32>} : memref<16x128xf32, #tpu.memory_space<vmem>>, vector<16xf32>,
    tpu.vector_store %arg15[%swap3A_90, %swap3A_91], %broadcast_in_dim3A_1 {strides = array<i32>} : memref<16x128xf32, #tpu.memory_space<vmem>>, vector<16xf32>,
    %swap3A_93 = arith.constant 2 : i32
    %swap3A_94 = arith.index_cast %swap3A_93 : i32 to index
    %swap3A_95 = arith.constant 112 : index
    %swap3A_96 = tpu.vector_load %arg15[%swap3A_94, %swap3A_95] {strides = array<i32>} : memref<16x128xf32, #tpu.memory_space<vmem>>, vector<16xf32>,
    tpu.vector_store %arg15[%swap3A_94, %swap3A_95], %broadcast_in_dim3A_1 {strides = array<i32>} : memref<16x128xf32, #tpu.memory_space<vmem>>, vector<16xf32>,
    %swap3A_97 = arith.constant 3 : i32
    %swap3A_98 = arith.index_cast %swap3A_97 : i32 to index
    %swap3A_99 = arith.constant 0 : index
    %swap3A_100 = tpu.vector_load %arg15[%swap3A_98, %swap3A_99] {strides = array<i32>} : memref<16x128xf32, #tpu.memory_space<vmem>>, vector<16xf32>,
    tpu.vector_store %arg15[%swap3A_98, %swap3A_99], %broadcast_in_dim3A_1 {strides = array<i32>} : memref<16x128xf32, #tpu.memory_space<vmem>>, vector<16xf32>,
    %swap3A_101 = arith.constant 3 : i32
    %swap3A_102 = arith.index_cast %swap3A_101 : i32 to index
    %swap3A_103 = arith.constant 16 : index
    %swap3A_104 = tpu.vector_load %arg15[%swap3A_102, %swap3A_103] {strides = array<i32>} : memref<16x128xf32, #tpu.memory_space<vmem>>, vector<16xf32>,
    tpu.vector_store %arg15[%swap3A_102, %swap3A_103], %broadcast_in_dim3A_1 {strides = array<i32>} : memref<16x128xf32, #tpu.memory_space<vmem>>, vector<16xf32>,
    %swap3A_105 = arith.constant 3 : i32
    %swap3A_106 = arith.index_cast %swap3A_105 : i32 to index
    %swap3A_107 = arith.constant 32 : index
    %swap3A_108 = tpu.vector_load %arg15[%swap3A_106, %swap3A_107] {strides = array<i32>} : memref<16x128xf32, #tpu.memory_space<vmem>>, vector<16xf32>,
    tpu.vector_store %arg15[%swap3A_106, %swap3A_107], %broadcast_in_dim3A_1 {strides = array<i32>} : memref<16x128xf32, #tpu.memory_space<vmem>>, vector<16xf32>,
    %swap3A_109 = arith.constant 3 : i32
    %swap3A_110 = arith.index_cast %swap3A_109 : i32 to index
    %swap3A_111 = arith.constant 48 : index
    %swap3A_112 = tpu.vector_load %arg15[%swap3A_110, %swap3A_111] {strides = array<i32>} : memref<16x128xf32, #tpu.memory_space<vmem>>, vector<16xf32>,
    tpu.vector_store %arg15[%swap3A_110, %swap3A_111], %broadcast_in_dim3A_1 {strides = array<i32>} : memref<16x128xf32, #tpu.memory_space<vmem>>, vector<16xf32>,
    %swap3A_113 = arith.constant 3 : i32
    %swap3A_114 = arith.index_cast %swap3A_113 : i32 to index
    %swap3A_115 = arith.constant 64 : index
    %swap3A_116 = tpu.vector_load %arg15[%swap3A_114, %swap3A_115] {strides = array<i32>} : memref<16x128xf32, #tpu.memory_space<vmem>>, vector<16xf32>,
    tpu.vector_store %arg15[%swap3A_114, %swap3A_115], %broadcast_in_dim3A_1 {strides = array<i32>} : memref<16x128xf32, #tpu.memory_space<vmem>>, vector<16xf32>,
    %swap3A_117 = arith.constant 3 : i32
    %swap3A_118 = arith.index_cast %swap3A_117 : i32 to index
    %swap3A_119 = arith.constant 80 : index
    %swap3A_120 = tpu.vector_load %arg15[%swap3A_118, %swap3A_119] {strides = array<i32>} : memref<16x128xf32, #tpu.memory_space<vmem>>, vector<16xf32>,
    tpu.vector_store %arg15[%swap3A_118, %swap3A_119], %broadcast_in_dim3A_1 {strides = array<i32>} : memref<16x128xf32, #tpu.memory_space<vmem>>, vector<16xf32>,
    %swap3A_121 = arith.constant 3 : i32
    %swap3A_122 = arith.index_cast %swap3A_121 : i32 to index
    %swap3A_123 = arith.constant 96 : index
    %swap3A_124 = tpu.vector_load %arg15[%swap3A_122, %swap3A_123] {strides = array<i32>} : memref<16x128xf32, #tpu.memory_space<vmem>>, vector<16xf32>,
    tpu.vector_store %arg15[%swap3A_122, %swap3A_123], %broadcast_in_dim3A_1 {strides = array<i32>} : memref<16x128xf32, #tpu.memory_space<vmem>>, vector<16xf32>,
    %swap3A_125 = arith.constant 3 : i32
    %swap3A_126 = arith.index_cast %swap3A_125 : i32 to index
    %swap3A_127 = arith.constant 112 : index
    %swap3A_128 = tpu.vector_load %arg15[%swap3A_126, %swap3A_127] {strides = array<i32>} : memref<16x128xf32, #tpu.memory_space<vmem>>, vector<16xf32>,
    tpu.vector_store %arg15[%swap3A_126, %swap3A_127], %broadcast_in_dim3A_1 {strides = array<i32>} : memref<16x128xf32, #tpu.memory_space<vmem>>, vector<16xf32>,
    %swap3A_129 = arith.constant 4 : i32
    %swap3A_130 = arith.index_cast %swap3A_129 : i32 to index
    %swap3A_131 = arith.constant 0 : index
    %swap3A_132 = tpu.vector_load %arg15[%swap3A_130, %swap3A_131] {strides = array<i32>} : memref<16x128xf32, #tpu.memory_space<vmem>>, vector<16xf32>,
    tpu.vector_store %arg15[%swap3A_130, %swap3A_131], %broadcast_in_dim3A_1 {strides = array<i32>} : memref<16x128xf32, #tpu.memory_space<vmem>>, vector<16xf32>,
    %swap3A_133 = arith.constant 4 : i32
    %swap3A_134 = arith.index_cast %swap3A_133 : i32 to index
    %swap3A_135 = arith.constant 16 : index
    %swap3A_136 = tpu.vector_load %arg15[%swap3A_134, %swap3A_135] {strides = array<i32>} : memref<16x128xf32, #tpu.memory_space<vmem>>, vector<16xf32>,
    tpu.vector_store %arg15[%swap3A_134, %swap3A_135], %broadcast_in_dim3A_1 {strides = array<i32>} : memref<16x128xf32, #tpu.memory_space<vmem>>, vector<16xf32>,
    %swap3A_137 = arith.constant 4 : i32
    %swap3A_138 = arith.index_cast %swap3A_137 : i32 to index
    %swap3A_139 = arith.constant 32 : index
    %swap3A_140 = tpu.vector_load %arg15[%swap3A_138, %swap3A_139] {strides = array<i32>} : memref<16x128xf32, #tpu.memory_space<vmem>>, vector<16xf32>,
    tpu.vector_store %arg15[%swap3A_138, %swap3A_139], %broadcast_in_dim3A_1 {strides = array<i32>} : memref<16x128xf32, #tpu.memory_space<vmem>>, vector<16xf32>,
    %swap3A_141 = arith.constant 4 : i32
    %swap3A_142 = arith.index_cast %swap3A_141 : i32 to index
    %swap3A_143 = arith.constant 48 : index
    %swap3A_144 = tpu.vector_load %arg15[%swap3A_142, %swap3A_143] {strides = array<i32>} : memref<16x128xf32, #tpu.memory_space<vmem>>, vector<16xf32>,
    tpu.vector_store %arg15[%swap3A_142, %swap3A_143], %broadcast_in_dim3A_1 {strides = array<i32>} : memref<16x128xf32, #tpu.memory_space<vmem>>, vector<16xf32>,
    %swap3A_145 = arith.constant 4 : i32
    %swap3A_146 = arith.index_cast %swap3A_145 : i32 to index
    %swap3A_147 = arith.constant 64 : index
    %swap3A_148 = tpu.vector_load %arg15[%swap3A_146, %swap3A_147] {strides = array<i32>} : memref<16x128xf32, #tpu.memory_space<vmem>>, vector<16xf32>,
    tpu.vector_store %arg15[%swap3A_146, %swap3A_147], %broadcast_in_dim3A_1 {strides = array<i32>} : memref<16x128xf32, #tpu.memory_space<vmem>>, vector<16xf32>,
    %swap3A_149 = arith.constant 4 : i32
    %swap3A_150 = arith.index_cast %swap3A_149 : i32 to index
    %swap3A_151 = arith.constant 80 : index
    %swap3A_152 = tpu.vector_load %arg15[%swap3A_150, %swap3A_151] {strides = array<i32>} : memref<16x128xf32, #tpu.memory_space<vmem>>, vector<16xf32>,
    tpu.vector_store %arg15[%swap3A_150, %swap3A_151], %broadcast_in_dim3A_1 {strides = array<i32>} : memref<16x128xf32, #tpu.memory_space<vmem>>, vector<16xf32>,
    %swap3A_153 = arith.constant 4 : i32
    %swap3A_154 = arith.index_cast %swap3A_153 : i32 to index
    %swap3A_155 = arith.constant 96 : index
    %swap3A_156 = tpu.vector_load %arg15[%swap3A_154, %swap3A_155] {strides = array<i32>} : memref<16x128xf32, #tpu.memory_space<vmem>>, vector<16xf32>,
    tpu.vector_store %arg15[%swap3A_154, %swap3A_155], %broadcast_in_dim3A_1 {strides = array<i32>} : memref<16x128xf32, #tpu.memory_space<vmem>>, vector<16xf32>,
    %swap3A_157 = arith.constant 4 : i32
    %swap3A_158 = arith.index_cast %swap3A_157 : i32 to index
    %swap3A_159 = arith.constant 112 : index
    %swap3A_160 = tpu.vector_load %arg15[%swap3A_158, %swap3A_159] {strides = array<i32>} : memref<16x128xf32, #tpu.memory_space<vmem>>, vector<16xf32>,
    tpu.vector_store %arg15[%swap3A_158, %swap3A_159], %broadcast_in_dim3A_1 {strides = array<i32>} : memref<16x128xf32, #tpu.memory_space<vmem>>, vector<16xf32>,
    %swap3A_161 = arith.constant 5 : i32
    %swap3A_162 = arith.index_cast %swap3A_161 : i32 to index
    %swap3A_163 = arith.constant 0 : index
    %swap3A_164 = tpu.vector_load %arg15[%swap3A_162, %swap3A_163] {strides = array<i32>} : memref<16x128xf32, #tpu.memory_space<vmem>>, vector<16xf32>,
    tpu.vector_store %arg15[%swap3A_162, %swap3A_163], %broadcast_in_dim3A_1 {strides = array<i32>} : memref<16x128xf32, #tpu.memory_space<vmem>>, vector<16xf32>,
    %swap3A_165 = arith.constant 5 : i32
    %swap3A_166 = arith.index_cast %swap3A_165 : i32 to index
    %swap3A_167 = arith.constant 16 : index
    %swap3A_168 = tpu.vector_load %arg15[%swap3A_166, %swap3A_167] {strides = array<i32>} : memref<16x128xf32, #tpu.memory_space<vmem>>, vector<16xf32>,
    tpu.vector_store %arg15[%swap3A_166, %swap3A_167], %broadcast_in_dim3A_1 {strides = array<i32>} : memref<16x128xf32, #tpu.memory_space<vmem>>, vector<16xf32>,
    %swap3A_169 = arith.constant 5 : i32
    %swap3A_170 = arith.index_cast %swap3A_169 : i32 to index
    %swap3A_171 = arith.constant 32 : index
    %swap3A_172 = tpu.vector_load %arg15[%swap3A_170, %swap3A_171] {strides = array<i32>} : memref<16x128xf32, #tpu.memory_space<vmem>>, vector<16xf32>,
    tpu.vector_store %arg15[%swap3A_170, %swap3A_171], %broadcast_in_dim3A_1 {strides = array<i32>} : memref<16x128xf32, #tpu.memory_space<vmem>>, vector<16xf32>,
    %swap3A_173 = arith.constant 5 : i32
    %swap3A_174 = arith.index_cast %swap3A_173 : i32 to index
    %swap3A_175 = arith.constant 48 : index
    %swap3A_176 = tpu.vector_load %arg15[%swap3A_174, %swap3A_175] {strides = array<i32>} : memref<16x128xf32, #tpu.memory_space<vmem>>, vector<16xf32>,
    tpu.vector_store %arg15[%swap3A_174, %swap3A_175], %broadcast_in_dim3A_1 {strides = array<i32>} : memref<16x128xf32, #tpu.memory_space<vmem>>, vector<16xf32>,
    %swap3A_177 = arith.constant 5 : i32
    %swap3A_178 = arith.index_cast %swap3A_177 : i32 to index
    %swap3A_179 = arith.constant 64 : index
    %swap3A_180 = tpu.vector_load %arg15[%swap3A_178, %swap3A_179] {strides = array<i32>} : memref<16x128xf32, #tpu.memory_space<vmem>>, vector<16xf32>,
    tpu.vector_store %arg15[%swap3A_178, %swap3A_179], %broadcast_in_dim3A_1 {strides = array<i32>} : memref<16x128xf32, #tpu.memory_space<vmem>>, vector<16xf32>,
    %swap3A_181 = arith.constant 5 : i32
    %swap3A_182 = arith.index_cast %swap3A_181 : i32 to index
    %swap3A_183 = arith.constant 80 : index
    %swap3A_184 = tpu.vector_load %arg15[%swap3A_182, %swap3A_183] {strides = array<i32>} : memref<16x128xf32, #tpu.memory_space<vmem>>, vector<16xf32>,
    tpu.vector_store %arg15[%swap3A_182, %swap3A_183], %broadcast_in_dim3A_1 {strides = array<i32>} : memref<16x128xf32, #tpu.memory_space<vmem>>, vector<16xf32>,
    %swap3A_185 = arith.constant 5 : i32
    %swap3A_186 = arith.index_cast %swap3A_185 : i32 to index
    %swap3A_187 = arith.constant 96 : index
    %swap3A_188 = tpu.vector_load %arg15[%swap3A_186, %swap3A_187] {strides = array<i32>} : memref<16x128xf32, #tpu.memory_space<vmem>>, vector<16xf32>,
    tpu.vector_store %arg15[%swap3A_186, %swap3A_187], %broadcast_in_dim3A_1 {strides = array<i32>} : memref<16x128xf32, #tpu.memory_space<vmem>>, vector<16xf32>,
    %swap3A_189 = arith.constant 5 : i32
    %swap3A_190 = arith.index_cast %swap3A_189 : i32 to index
    %swap3A_191 = arith.constant 112 : index
    %swap3A_192 = tpu.vector_load %arg15[%swap3A_190, %swap3A_191] {strides = array<i32>} : memref<16x128xf32, #tpu.memory_space<vmem>>, vector<16xf32>,
    tpu.vector_store %arg15[%swap3A_190, %swap3A_191], %broadcast_in_dim3A_1 {strides = array<i32>} : memref<16x128xf32, #tpu.memory_space<vmem>>, vector<16xf32>,
    %swap3A_193 = arith.constant 6 : i32
    %swap3A_194 = arith.index_cast %swap3A_193 : i32 to index
    %swap3A_195 = arith.constant 0 : index
    %swap3A_196 = tpu.vector_load %arg15[%swap3A_194, %swap3A_195] {strides = array<i32>} : memref<16x128xf32, #tpu.memory_space<vmem>>, vector<16xf32>,
    tpu.vector_store %arg15[%swap3A_194, %swap3A_195], %broadcast_in_dim3A_1 {strides = array<i32>} : memref<16x128xf32, #tpu.memory_space<vmem>>, vector<16xf32>,
    %swap3A_197 = arith.constant 6 : i32
    %swap3A_198 = arith.index_cast %swap3A_197 : i32 to index
    %swap3A_199 = arith.constant 16 : index
    %swap3A_200 = tpu.vector_load %arg15[%swap3A_198, %swap3A_199] {strides = array<i32>} : memref<16x128xf32, #tpu.memory_space<vmem>>, vector<16xf32>,
    tpu.vector_store %arg15[%swap3A_198, %swap3A_199], %broadcast_in_dim3A_1 {strides = array<i32>} : memref<16x128xf32, #tpu.memory_space<vmem>>, vector<16xf32>,
    %swap3A_201 = arith.constant 6 : i32
    %swap3A_202 = arith.index_cast %swap3A_201 : i32 to index
    %swap3A_203 = arith.constant 32 : index
    %swap3A_204 = tpu.vector_load %arg15[%swap3A_202, %swap3A_203] {strides = array<i32>} : memref<16x128xf32, #tpu.memory_space<vmem>>, vector<16xf32>,
    tpu.vector_store %arg15[%swap3A_202, %swap3A_203], %broadcast_in_dim3A_1 {strides = array<i32>} : memref<16x128xf32, #tpu.memory_space<vmem>>, vector<16xf32>,
    %swap3A_205 = arith.constant 6 : i32
    %swap3A_206 = arith.index_cast %swap3A_205 : i32 to index
    %swap3A_207 = arith.constant 48 : index
    %swap3A_208 = tpu.vector_load %arg15[%swap3A_206, %swap3A_207] {strides = array<i32>} : memref<16x128xf32, #tpu.memory_space<vmem>>, vector<16xf32>,
    tpu.vector_store %arg15[%swap3A_206, %swap3A_207], %broadcast_in_dim3A_1 {strides = array<i32>} : memref<16x128xf32, #tpu.memory_space<vmem>>, vector<16xf32>,
    %swap3A_209 = arith.constant 6 : i32
    %swap3A_210 = arith.index_cast %swap3A_209 : i32 to index
    %swap3A_211 = arith.constant 64 : index
    %swap3A_212 = tpu.vector_load %arg15[%swap3A_210, %swap3A_211] {strides = array<i32>} : memref<16x128xf32, #tpu.memory_space<vmem>>, vector<16xf32>,
    tpu.vector_store %arg15[%swap3A_210, %swap3A_211], %broadcast_in_dim3A_1 {strides = array<i32>} : memref<16x128xf32, #tpu.memory_space<vmem>>, vector<16xf32>,
    %swap3A_213 = arith.constant 6 : i32
    %swap3A_214 = arith.index_cast %swap3A_213 : i32 to index
    %swap3A_215 = arith.constant 80 : index
    %swap3A_216 = tpu.vector_load %arg15[%swap3A_214, %swap3A_215] {strides = array<i32>} : memref<16x128xf32, #tpu.memory_space<vmem>>, vector<16xf32>,
    tpu.vector_store %arg15[%swap3A_214, %swap3A_215], %broadcast_in_dim3A_1 {strides = array<i32>} : memref<16x128xf32, #tpu.memory_space<vmem>>, vector<16xf32>,
    %swap3A_217 = arith.constant 6 : i32
    %swap3A_218 = arith.index_cast %swap3A_217 : i32 to index
    %swap3A_219 = arith.constant 96 : index
    %swap3A_220 = tpu.vector_load %arg15[%swap3A_218, %swap3A_219] {strides = array<i32>} : memref<16x128xf32, #tpu.memory_space<vmem>>, vector<16xf32>,
    tpu.vector_store %arg15[%swap3A_218, %swap3A_219], %broadcast_in_dim3A_1 {strides = array<i32>} : memref<16x128xf32, #tpu.memory_space<vmem>>, vector<16xf32>,
    %swap3A_221 = arith.constant 6 : i32
    %swap3A_222 = arith.index_cast %swap3A_221 : i32 to index
    %swap3A_223 = arith.constant 112 : index
    %swap3A_224 = tpu.vector_load %arg15[%swap3A_222, %swap3A_223] {strides = array<i32>} : memref<16x128xf32, #tpu.memory_space<vmem>>, vector<16xf32>,
    tpu.vector_store %arg15[%swap3A_222, %swap3A_223], %broadcast_in_dim3A_1 {strides = array<i32>} : memref<16x128xf32, #tpu.memory_space<vmem>>, vector<16xf32>,
    %swap3A_225 = arith.constant 7 : i32
    %swap3A_226 = arith.index_cast %swap3A_225 : i32 to index
    %swap3A_227 = arith.constant 0 : index
    %swap3A_228 = tpu.vector_load %arg15[%swap3A_226, %swap3A_227] {strides = array<i32>} : memref<16x128xf32, #tpu.memory_space<vmem>>, vector<16xf32>,
    tpu.vector_store %arg15[%swap3A_226, %swap3A_227], %broadcast_in_dim3A_1 {strides = array<i32>} : memref<16x128xf32, #tpu.memory_space<vmem>>, vector<16xf32>,
    %swap3A_229 = arith.constant 7 : i32
    %swap3A_230 = arith.index_cast %swap3A_229 : i32 to index
    %swap3A_231 = arith.constant 16 : index
    %swap3A_232 = tpu.vector_load %arg15[%swap3A_230, %swap3A_231] {strides = array<i32>} : memref<16x128xf32, #tpu.memory_space<vmem>>, vector<16xf32>,
    tpu.vector_store %arg15[%swap3A_230, %swap3A_231], %broadcast_in_dim3A_1 {strides = array<i32>} : memref<16x128xf32, #tpu.memory_space<vmem>>, vector<16xf32>,
    %swap3A_233 = arith.constant 7 : i32
    %swap3A_234 = arith.index_cast %swap3A_233 : i32 to index
    %swap3A_235 = arith.constant 32 : index
    %swap3A_236 = tpu.vector_load %arg15[%swap3A_234, %swap3A_235] {strides = array<i32>} : memref<16x128xf32, #tpu.memory_space<vmem>>, vector<16xf32>,
    tpu.vector_store %arg15[%swap3A_234, %swap3A_235], %broadcast_in_dim3A_1 {strides = array<i32>} : memref<16x128xf32, #tpu.memory_space<vmem>>, vector<16xf32>,
    %swap3A_237 = arith.constant 7 : i32
    %swap3A_238 = arith.index_cast %swap3A_237 : i32 to index
    %swap3A_239 = arith.constant 48 : index
    %swap3A_240 = tpu.vector_load %arg15[%swap3A_238, %swap3A_239] {strides = array<i32>} : memref<16x128xf32, #tpu.memory_space<vmem>>, vector<16xf32>,
    tpu.vector_store %arg15[%swap3A_238, %swap3A_239], %broadcast_in_dim3A_1 {strides = array<i32>} : memref<16x128xf32, #tpu.memory_space<vmem>>, vector<16xf32>,
    %swap3A_241 = arith.constant 7 : i32
    %swap3A_242 = arith.index_cast %swap3A_241 : i32 to index
    %swap3A_243 = arith.constant 64 : index
    %swap3A_244 = tpu.vector_load %arg15[%swap3A_242, %swap3A_243] {strides = array<i32>} : memref<16x128xf32, #tpu.memory_space<vmem>>, vector<16xf32>,
    tpu.vector_store %arg15[%swap3A_242, %swap3A_243], %broadcast_in_dim3A_1 {strides = array<i32>} : memref<16x128xf32, #tpu.memory_space<vmem>>, vector<16xf32>,
    %swap3A_245 = arith.constant 7 : i32
    %swap3A_246 = arith.index_cast %swap3A_245 : i32 to index
    %swap3A_247 = arith.constant 80 : index
    %swap3A_248 = tpu.vector_load %arg15[%swap3A_246, %swap3A_247] {strides = array<i32>} : memref<16x128xf32, #tpu.memory_space<vmem>>, vector<16xf32>,
    tpu.vector_store %arg15[%swap3A_246, %swap3A_247], %broadcast_in_dim3A_1 {strides = array<i32>} : memref<16x128xf32, #tpu.memory_space<vmem>>, vector<16xf32>,
    %swap3A_249 = arith.constant 7 : i32
    %swap3A_250 = arith.index_cast %swap3A_249 : i32 to index
    %swap3A_251 = arith.constant 96 : index
    %swap3A_252 = tpu.vector_load %arg15[%swap3A_250, %swap3A_251] {strides = array<i32>} : memref<16x128xf32, #tpu.memory_space<vmem>>, vector<16xf32>,
    tpu.vector_store %arg15[%swap3A_250, %swap3A_251], %broadcast_in_dim3A_1 {strides = array<i32>} : memref<16x128xf32, #tpu.memory_space<vmem>>, vector<16xf32>,
    %swap3A_253 = arith.constant 7 : i32
    %swap3A_254 = arith.index_cast %swap3A_253 : i32 to index
    %swap3A_255 = arith.constant 112 : index
    %swap3A_256 = tpu.vector_load %arg15[%swap3A_254, %swap3A_255] {strides = array<i32>} : memref<16x128xf32, #tpu.memory_space<vmem>>, vector<16xf32>,
    tpu.vector_store %arg15[%swap3A_254, %swap3A_255], %broadcast_in_dim3A_1 {strides = array<i32>} : memref<16x128xf32, #tpu.memory_space<vmem>>, vector<16xf32>,
    %swap3A_257 = arith.constant 8 : i32
    %swap3A_258 = arith.index_cast %swap3A_257 : i32 to index
    %swap3A_259 = arith.constant 0 : index
    %swap3A_260 = tpu.vector_load %arg15[%swap3A_258, %swap3A_259] {strides = array<i32>} : memref<16x128xf32, #tpu.memory_space<vmem>>, vector<16xf32>,
    tpu.vector_store %arg15[%swap3A_258, %swap3A_259], %broadcast_in_dim3A_1 {strides = array<i32>} : memref<16x128xf32, #tpu.memory_space<vmem>>, vector<16xf32>,
    %swap3A_261 = arith.constant 8 : i32
    %swap3A_262 = arith.index_cast %swap3A_261 : i32 to index
    %swap3A_263 = arith.constant 16 : index
    %swap3A_264 = tpu.vector_load %arg15[%swap3A_262, %swap3A_263] {strides = array<i32>} : memref<16x128xf32, #tpu.memory_space<vmem>>, vector<16xf32>,
    tpu.vector_store %arg15[%swap3A_262, %swap3A_263], %broadcast_in_dim3A_1 {strides = array<i32>} : memref<16x128xf32, #tpu.memory_space<vmem>>, vector<16xf32>,
    %swap3A_265 = arith.constant 8 : i32
    %swap3A_266 = arith.index_cast %swap3A_265 : i32 to index
    %swap3A_267 = arith.constant 32 : index
    %swap3A_268 = tpu.vector_load %arg15[%swap3A_266, %swap3A_267] {strides = array<i32>} : memref<16x128xf32, #tpu.memory_space<vmem>>, vector<16xf32>,
    tpu.vector_store %arg15[%swap3A_266, %swap3A_267], %broadcast_in_dim3A_1 {strides = array<i32>} : memref<16x128xf32, #tpu.memory_space<vmem>>, vector<16xf32>,
    %swap3A_269 = arith.constant 8 : i32
    %swap3A_270 = arith.index_cast %swap3A_269 : i32 to index
    %swap3A_271 = arith.constant 48 : index
    %swap3A_272 = tpu.vector_load %arg15[%swap3A_270, %swap3A_271] {strides = array<i32>} : memref<16x128xf32, #tpu.memory_space<vmem>>, vector<16xf32>,
    tpu.vector_store %arg15[%swap3A_270, %swap3A_271], %broadcast_in_dim3A_1 {strides = array<i32>} : memref<16x128xf32, #tpu.memory_space<vmem>>, vector<16xf32>,
    %swap3A_273 = arith.constant 8 : i32
    %swap3A_274 = arith.index_cast %swap3A_273 : i32 to index
    %swap3A_275 = arith.constant 64 : index
    %swap3A_276 = tpu.vector_load %arg15[%swap3A_274, %swap3A_275] {strides = array<i32>} : memref<16x128xf32, #tpu.memory_space<vmem>>, vector<16xf32>,
    tpu.vector_store %arg15[%swap3A_274, %swap3A_275], %broadcast_in_dim3A_1 {strides = array<i32>} : memref<16x128xf32, #tpu.memory_space<vmem>>, vector<16xf32>,
    %swap3A_277 = arith.constant 8 : i32
    %swap3A_278 = arith.index_cast %swap3A_277 : i32 to index
    %swap3A_279 = arith.constant 80 : index
    %swap3A_280 = tpu.vector_load %arg15[%swap3A_278, %swap3A_279] {strides = array<i32>} : memref<16x128xf32, #tpu.memory_space<vmem>>, vector<16xf32>,
    tpu.vector_store %arg15[%swap3A_278, %swap3A_279], %broadcast_in_dim3A_1 {strides = array<i32>} : memref<16x128xf32, #tpu.memory_space<vmem>>, vector<16xf32>,
    %swap3A_281 = arith.constant 8 : i32
    %swap3A_282 = arith.index_cast %swap3A_281 : i32 to index
    %swap3A_283 = arith.constant 96 : index
    %swap3A_284 = tpu.vector_load %arg15[%swap3A_282, %swap3A_283] {strides = array<i32>} : memref<16x128xf32, #tpu.memory_space<vmem>>, vector<16xf32>,
    tpu.vector_store %arg15[%swap3A_282, %swap3A_283], %broadcast_in_dim3A_1 {strides = array<i32>} : memref<16x128xf32, #tpu.memory_space<vmem>>, vector<16xf32>,
    %swap3A_285 = arith.constant 8 : i32
    %swap3A_286 = arith.index_cast %swap3A_285 : i32 to index
    %swap3A_287 = arith.constant 112 : index
    %swap3A_288 = tpu.vector_load %arg15[%swap3A_286, %swap3A_287] {strides = array<i32>} : memref<16x128xf32, #tpu.memory_space<vmem>>, vector<16xf32>,
    tpu.vector_store %arg15[%swap3A_286, %swap3A_287], %broadcast_in_dim3A_1 {strides = array<i32>} : memref<16x128xf32, #tpu.memory_space<vmem>>, vector<16xf32>,
    %swap3A_289 = arith.constant 9 : i32
    %swap3A_290 = arith.index_cast %swap3A_289 : i32 to index
    %swap3A_291 = arith.constant 0 : index
    %swap3A_292 = tpu.vector_load %arg15[%swap3A_290, %swap3A_291] {strides = array<i32>} : memref<16x128xf32, #tpu.memory_space<vmem>>, vector<16xf32>,
    tpu.vector_store %arg15[%swap3A_290, %swap3A_291], %broadcast_in_dim3A_1 {strides = array<i32>} : memref<16x128xf32, #tpu.memory_space<vmem>>, vector<16xf32>,
    %swap3A_293 = arith.constant 9 : i32
    %swap3A_294 = arith.index_cast %swap3A_293 : i32 to index
    %swap3A_295 = arith.constant 16 : index
    %swap3A_296 = tpu.vector_load %arg15[%swap3A_294, %swap3A_295] {strides = array<i32>} : memref<16x128xf32, #tpu.memory_space<vmem>>, vector<16xf32>,
    tpu.vector_store %arg15[%swap3A_294, %swap3A_295], %broadcast_in_dim3A_1 {strides = array<i32>} : memref<16x128xf32, #tpu.memory_space<vmem>>, vector<16xf32>,
    %swap3A_297 = arith.constant 9 : i32
    %swap3A_298 = arith.index_cast %swap3A_297 : i32 to index
    %swap3A_299 = arith.constant 32 : index
    %swap3A_300 = tpu.vector_load %arg15[%swap3A_298, %swap3A_299] {strides = array<i32>} : memref<16x128xf32, #tpu.memory_space<vmem>>, vector<16xf32>,
    tpu.vector_store %arg15[%swap3A_298, %swap3A_299], %broadcast_in_dim3A_1 {strides = array<i32>} : memref<16x128xf32, #tpu.memory_space<vmem>>, vector<16xf32>,
    %swap3A_301 = arith.constant 9 : i32
    %swap3A_302 = arith.index_cast %swap3A_301 : i32 to index
    %swap3A_303 = arith.constant 48 : index
    %swap3A_304 = tpu.vector_load %arg15[%swap3A_302, %swap3A_303] {strides = array<i32>} : memref<16x128xf32, #tpu.memory_space<vmem>>, vector<16xf32>,
    tpu.vector_store %arg15[%swap3A_302, %swap3A_303], %broadcast_in_dim3A_1 {strides = array<i32>} : memref<16x128xf32, #tpu.memory_space<vmem>>, vector<16xf32>,
    %swap3A_305 = arith.constant 9 : i32
    %swap3A_306 = arith.index_cast %swap3A_305 : i32 to index
    %swap3A_307 = arith.constant 64 : index
    %swap3A_308 = tpu.vector_load %arg15[%swap3A_306, %swap3A_307] {strides = array<i32>} : memref<16x128xf32, #tpu.memory_space<vmem>>, vector<16xf32>,
    tpu.vector_store %arg15[%swap3A_306, %swap3A_307], %broadcast_in_dim3A_1 {strides = array<i32>} : memref<16x128xf32, #tpu.memory_space<vmem>>, vector<16xf32>,
    %swap3A_309 = arith.constant 9 : i32
    %swap3A_310 = arith.index_cast %swap3A_309 : i32 to index
    %swap3A_311 = arith.constant 80 : index
    %swap3A_312 = tpu.vector_load %arg15[%swap3A_310, %swap3A_311] {strides = array<i32>} : memref<16x128xf32, #tpu.memory_space<vmem>>, vector<16xf32>,
    tpu.vector_store %arg15[%swap3A_310, %swap3A_311], %broadcast_in_dim3A_1 {strides = array<i32>} : memref<16x128xf32, #tpu.memory_space<vmem>>, vector<16xf32>,
    %swap3A_313 = arith.constant 9 : i32
    %swap3A_314 = arith.index_cast %swap3A_313 : i32 to index
    %swap3A_315 = arith.constant 96 : index
    %swap3A_316 = tpu.vector_load %arg15[%swap3A_314, %swap3A_315] {strides = array<i32>} : memref<16x128xf32, #tpu.memory_space<vmem>>, vector<16xf32>,
    tpu.vector_store %arg15[%swap3A_314, %swap3A_315], %broadcast_in_dim3A_1 {strides = array<i32>} : memref<16x128xf32, #tpu.memory_space<vmem>>, vector<16xf32>,
    %swap3A_317 = arith.constant 9 : i32
    %swap3A_318 = arith.index_cast %swap3A_317 : i32 to index
    %swap3A_319 = arith.constant 112 : index
    %swap3A_320 = tpu.vector_load %arg15[%swap3A_318, %swap3A_319] {strides = array<i32>} : memref<16x128xf32, #tpu.memory_space<vmem>>, vector<16xf32>,
    tpu.vector_store %arg15[%swap3A_318, %swap3A_319], %broadcast_in_dim3A_1 {strides = array<i32>} : memref<16x128xf32, #tpu.memory_space<vmem>>, vector<16xf32>,
    %swap3A_321 = arith.constant 10 : i32
    %swap3A_322 = arith.index_cast %swap3A_321 : i32 to index
    %swap3A_323 = arith.constant 0 : index
    %swap3A_324 = tpu.vector_load %arg15[%swap3A_322, %swap3A_323] {strides = array<i32>} : memref<16x128xf32, #tpu.memory_space<vmem>>, vector<16xf32>,
    tpu.vector_store %arg15[%swap3A_322, %swap3A_323], %broadcast_in_dim3A_1 {strides = array<i32>} : memref<16x128xf32, #tpu.memory_space<vmem>>, vector<16xf32>,
    %swap3A_325 = arith.constant 10 : i32
    %swap3A_326 = arith.index_cast %swap3A_325 : i32 to index
    %swap3A_327 = arith.constant 16 : index
    %swap3A_328 = tpu.vector_load %arg15[%swap3A_326, %swap3A_327] {strides = array<i32>} : memref<16x128xf32, #tpu.memory_space<vmem>>, vector<16xf32>,
    tpu.vector_store %arg15[%swap3A_326, %swap3A_327], %broadcast_in_dim3A_1 {strides = array<i32>} : memref<16x128xf32, #tpu.memory_space<vmem>>, vector<16xf32>,
    %swap3A_329 = arith.constant 10 : i32
    %swap3A_330 = arith.index_cast %swap3A_329 : i32 to index
    %swap3A_331 = arith.constant 32 : index
    %swap3A_332 = tpu.vector_load %arg15[%swap3A_330, %swap3A_331] {strides = array<i32>} : memref<16x128xf32, #tpu.memory_space<vmem>>, vector<16xf32>,
    tpu.vector_store %arg15[%swap3A_330, %swap3A_331], %broadcast_in_dim3A_1 {strides = array<i32>} : memref<16x128xf32, #tpu.memory_space<vmem>>, vector<16xf32>,
    %swap3A_333 = arith.constant 10 : i32
    %swap3A_334 = arith.index_cast %swap3A_333 : i32 to index
    %swap3A_335 = arith.constant 48 : index
    %swap3A_336 = tpu.vector_load %arg15[%swap3A_334, %swap3A_335] {strides = array<i32>} : memref<16x128xf32, #tpu.memory_space<vmem>>, vector<16xf32>,
    tpu.vector_store %arg15[%swap3A_334, %swap3A_335], %broadcast_in_dim3A_1 {strides = array<i32>} : memref<16x128xf32, #tpu.memory_space<vmem>>, vector<16xf32>,
    %swap3A_337 = arith.constant 10 : i32
    %swap3A_338 = arith.index_cast %swap3A_337 : i32 to index
    %swap3A_339 = arith.constant 64 : index
    %swap3A_340 = tpu.vector_load %arg15[%swap3A_338, %swap3A_339] {strides = array<i32>} : memref<16x128xf32, #tpu.memory_space<vmem>>, vector<16xf32>,
    tpu.vector_store %arg15[%swap3A_338, %swap3A_339], %broadcast_in_dim3A_1 {strides = array<i32>} : memref<16x128xf32, #tpu.memory_space<vmem>>, vector<16xf32>,
    %swap3A_341 = arith.constant 10 : i32
    %swap3A_342 = arith.index_cast %swap3A_341 : i32 to index
    %swap3A_343 = arith.constant 80 : index
    %swap3A_344 = tpu.vector_load %arg15[%swap3A_342, %swap3A_343] {strides = array<i32>} : memref<16x128xf32, #tpu.memory_space<vmem>>, vector<16xf32>,
    tpu.vector_store %arg15[%swap3A_342, %swap3A_343], %broadcast_in_dim3A_1 {strides = array<i32>} : memref<16x128xf32, #tpu.memory_space<vmem>>, vector<16xf32>,
    %swap3A_345 = arith.constant 10 : i32
    %swap3A_346 = arith.index_cast %swap3A_345 : i32 to index
    %swap3A_347 = arith.constant 96 : index
    %swap3A_348 = tpu.vector_load %arg15[%swap3A_346, %swap3A_347] {strides = array<i32>} : memref<16x128xf32, #tpu.memory_space<vmem>>, vector<16xf32>,
    tpu.vector_store %arg15[%swap3A_346, %swap3A_347], %broadcast_in_dim3A_1 {strides = array<i32>} : memref<16x128xf32, #tpu.memory_space<vmem>>, vector<16xf32>,
    %swap3A_349 = arith.constant 10 : i32
    %swap3A_350 = arith.index_cast %swap3A_349 : i32 to index
    %swap3A_351 = arith.constant 112 : index
    %swap3A_352 = tpu.vector_load %arg15[%swap3A_350, %swap3A_351] {strides = array<i32>} : memref<16x128xf32, #tpu.memory_space<vmem>>, vector<16xf32>,
    tpu.vector_store %arg15[%swap3A_350, %swap3A_351], %broadcast_in_dim3A_1 {strides = array<i32>} : memref<16x128xf32, #tpu.memory_space<vmem>>, vector<16xf32>,
    %swap3A_353 = arith.constant 11 : i32
    %swap3A_354 = arith.index_cast %swap3A_353 : i32 to index
    %swap3A_355 = arith.constant 0 : index
    %swap3A_356 = tpu.vector_load %arg15[%swap3A_354, %swap3A_355] {strides = array<i32>} : memref<16x128xf32, #tpu.memory_space<vmem>>, vector<16xf32>,
    tpu.vector_store %arg15[%swap3A_354, %swap3A_355], %broadcast_in_dim3A_1 {strides = array<i32>} : memref<16x128xf32, #tpu.memory_space<vmem>>, vector<16xf32>,
    %swap3A_357 = arith.constant 11 : i32
    %swap3A_358 = arith.index_cast %swap3A_357 : i32 to index
    %swap3A_359 = arith.constant 16 : index
    %swap3A_360 = tpu.vector_load %arg15[%swap3A_358, %swap3A_359] {strides = array<i32>} : memref<16x128xf32, #tpu.memory_space<vmem>>, vector<16xf32>,
    tpu.vector_store %arg15[%swap3A_358, %swap3A_359], %broadcast_in_dim3A_1 {strides = array<i32>} : memref<16x128xf32, #tpu.memory_space<vmem>>, vector<16xf32>,
    %swap3A_361 = arith.constant 11 : i32
    %swap3A_362 = arith.index_cast %swap3A_361 : i32 to index
    %swap3A_363 = arith.constant 32 : index
    %swap3A_364 = tpu.vector_load %arg15[%swap3A_362, %swap3A_363] {strides = array<i32>} : memref<16x128xf32, #tpu.memory_space<vmem>>, vector<16xf32>,
    tpu.vector_store %arg15[%swap3A_362, %swap3A_363], %broadcast_in_dim3A_1 {strides = array<i32>} : memref<16x128xf32, #tpu.memory_space<vmem>>, vector<16xf32>,
    %swap3A_365 = arith.constant 11 : i32
    %swap3A_366 = arith.index_cast %swap3A_365 : i32 to index
    %swap3A_367 = arith.constant 48 : index
    %swap3A_368 = tpu.vector_load %arg15[%swap3A_366, %swap3A_367] {strides = array<i32>} : memref<16x128xf32, #tpu.memory_space<vmem>>, vector<16xf32>,
    tpu.vector_store %arg15[%swap3A_366, %swap3A_367], %broadcast_in_dim3A_1 {strides = array<i32>} : memref<16x128xf32, #tpu.memory_space<vmem>>, vector<16xf32>,
    %swap3A_369 = arith.constant 11 : i32
    %swap3A_370 = arith.index_cast %swap3A_369 : i32 to index
    %swap3A_371 = arith.constant 64 : index
    %swap3A_372 = tpu.vector_load %arg15[%swap3A_370, %swap3A_371] {strides = array<i32>} : memref<16x128xf32, #tpu.memory_space<vmem>>, vector<16xf32>,
    tpu.vector_store %arg15[%swap3A_370, %swap3A_371], %broadcast_in_dim3A_1 {strides = array<i32>} : memref<16x128xf32, #tpu.memory_space<vmem>>, vector<16xf32>,
    %swap3A_373 = arith.constant 11 : i32
    %swap3A_374 = arith.index_cast %swap3A_373 : i32 to index
    %swap3A_375 = arith.constant 80 : index
    %swap3A_376 = tpu.vector_load %arg15[%swap3A_374, %swap3A_375] {strides = array<i32>} : memref<16x128xf32, #tpu.memory_space<vmem>>, vector<16xf32>,
    tpu.vector_store %arg15[%swap3A_374, %swap3A_375], %broadcast_in_dim3A_1 {strides = array<i32>} : memref<16x128xf32, #tpu.memory_space<vmem>>, vector<16xf32>,
    %swap3A_377 = arith.constant 11 : i32
    %swap3A_378 = arith.index_cast %swap3A_377 : i32 to index
    %swap3A_379 = arith.constant 96 : index
    %swap3A_380 = tpu.vector_load %arg15[%swap3A_378, %swap3A_379] {strides = array<i32>} : memref<16x128xf32, #tpu.memory_space<vmem>>, vector<16xf32>,
    tpu.vector_store %arg15[%swap3A_378, %swap3A_379], %broadcast_in_dim3A_1 {strides = array<i32>} : memref<16x128xf32, #tpu.memory_space<vmem>>, vector<16xf32>,
    %swap3A_381 = arith.constant 11 : i32
    %swap3A_382 = arith.index_cast %swap3A_381 : i32 to index
    %swap3A_383 = arith.constant 112 : index
    %swap3A_384 = tpu.vector_load %arg15[%swap3A_382, %swap3A_383] {strides = array<i32>} : memref<16x128xf32, #tpu.memory_space<vmem>>, vector<16xf32>,
    tpu.vector_store %arg15[%swap3A_382, %swap3A_383], %broadcast_in_dim3A_1 {strides = array<i32>} : memref<16x128xf32, #tpu.memory_space<vmem>>, vector<16xf32>,
    %swap3A_385 = arith.constant 12 : i32
    %swap3A_386 = arith.index_cast %swap3A_385 : i32 to index
    %swap3A_387 = arith.constant 0 : index
    %swap3A_388 = tpu.vector_load %arg15[%swap3A_386, %swap3A_387] {strides = array<i32>} : memref<16x128xf32, #tpu.memory_space<vmem>>, vector<16xf32>,
    tpu.vector_store %arg15[%swap3A_386, %swap3A_387], %broadcast_in_dim3A_1 {strides = array<i32>} : memref<16x128xf32, #tpu.memory_space<vmem>>, vector<16xf32>,
    %swap3A_389 = arith.constant 12 : i32
    %swap3A_390 = arith.index_cast %swap3A_389 : i32 to index
    %swap3A_391 = arith.constant 16 : index
    %swap3A_392 = tpu.vector_load %arg15[%swap3A_390, %swap3A_391] {strides = array<i32>} : memref<16x128xf32, #tpu.memory_space<vmem>>, vector<16xf32>,
    tpu.vector_store %arg15[%swap3A_390, %swap3A_391], %broadcast_in_dim3A_1 {strides = array<i32>} : memref<16x128xf32, #tpu.memory_space<vmem>>, vector<16xf32>,
    %swap3A_393 = arith.constant 12 : i32
    %swap3A_394 = arith.index_cast %swap3A_393 : i32 to index
    %swap3A_395 = arith.constant 32 : index
    %swap3A_396 = tpu.vector_load %arg15[%swap3A_394, %swap3A_395] {strides = array<i32>} : memref<16x128xf32, #tpu.memory_space<vmem>>, vector<16xf32>,
    tpu.vector_store %arg15[%swap3A_394, %swap3A_395], %broadcast_in_dim3A_1 {strides = array<i32>} : memref<16x128xf32, #tpu.memory_space<vmem>>, vector<16xf32>,
    %swap3A_397 = arith.constant 12 : i32
    %swap3A_398 = arith.index_cast %swap3A_397 : i32 to index
    %swap3A_399 = arith.constant 48 : index
    %swap3A_400 = tpu.vector_load %arg15[%swap3A_398, %swap3A_399] {strides = array<i32>} : memref<16x128xf32, #tpu.memory_space<vmem>>, vector<16xf32>,
    tpu.vector_store %arg15[%swap3A_398, %swap3A_399], %broadcast_in_dim3A_1 {strides = array<i32>} : memref<16x128xf32, #tpu.memory_space<vmem>>, vector<16xf32>,
    %swap3A_401 = arith.constant 12 : i32
    %swap3A_402 = arith.index_cast %swap3A_401 : i32 to index
    %swap3A_403 = arith.constant 64 : index
    %swap3A_404 = tpu.vector_load %arg15[%swap3A_402, %swap3A_403] {strides = array<i32>} : memref<16x128xf32, #tpu.memory_space<vmem>>, vector<16xf32>,
    tpu.vector_store %arg15[%swap3A_402, %swap3A_403], %broadcast_in_dim3A_1 {strides = array<i32>} : memref<16x128xf32, #tpu.memory_space<vmem>>, vector<16xf32>,
    %swap3A_405 = arith.constant 12 : i32
    %swap3A_406 = arith.index_cast %swap3A_405 : i32 to index
    %swap3A_407 = arith.constant 80 : index
    %swap3A_408 = tpu.vector_load %arg15[%swap3A_406, %swap3A_407] {strides = array<i32>} : memref<16x128xf32, #tpu.memory_space<vmem>>, vector<16xf32>,
    tpu.vector_store %arg15[%swap3A_406, %swap3A_407], %broadcast_in_dim3A_1 {strides = array<i32>} : memref<16x128xf32, #tpu.memory_space<vmem>>, vector<16xf32>,
    %swap3A_409 = arith.constant 12 : i32
    %swap3A_410 = arith.index_cast %swap3A_409 : i32 to index
    %swap3A_411 = arith.constant 96 : index
    %swap3A_412 = tpu.vector_load %arg15[%swap3A_410, %swap3A_411] {strides = array<i32>} : memref<16x128xf32, #tpu.memory_space<vmem>>, vector<16xf32>,
    tpu.vector_store %arg15[%swap3A_410, %swap3A_411], %broadcast_in_dim3A_1 {strides = array<i32>} : memref<16x128xf32, #tpu.memory_space<vmem>>, vector<16xf32>,
    %swap3A_413 = arith.constant 12 : i32
    %swap3A_414 = arith.index_cast %swap3A_413 : i32 to index
    %swap3A_415 = arith.constant 112 : index
    %swap3A_416 = tpu.vector_load %arg15[%swap3A_414, %swap3A_415] {strides = array<i32>} : memref<16x128xf32, #tpu.memory_space<vmem>>, vector<16xf32>,
    tpu.vector_store %arg15[%swap3A_414, %swap3A_415], %broadcast_in_dim3A_1 {strides = array<i32>} : memref<16x128xf32, #tpu.memory_space<vmem>>, vector<16xf32>,
    %swap3A_417 = arith.constant 13 : i32
    %swap3A_418 = arith.index_cast %swap3A_417 : i32 to index
    %swap3A_419 = arith.constant 0 : index
    %swap3A_420 = tpu.vector_load %arg15[%swap3A_418, %swap3A_419] {strides = array<i32>} : memref<16x128xf32, #tpu.memory_space<vmem>>, vector<16xf32>,
    tpu.vector_store %arg15[%swap3A_418, %swap3A_419], %broadcast_in_dim3A_1 {strides = array<i32>} : memref<16x128xf32, #tpu.memory_space<vmem>>, vector<16xf32>,
    %swap3A_421 = arith.constant 13 : i32
    %swap3A_422 = arith.index_cast %swap3A_421 : i32 to index
    %swap3A_423 = arith.constant 16 : index
    %swap3A_424 = tpu.vector_load %arg15[%swap3A_422, %swap3A_423] {strides = array<i32>} : memref<16x128xf32, #tpu.memory_space<vmem>>, vector<16xf32>,
    tpu.vector_store %arg15[%swap3A_422, %swap3A_423], %broadcast_in_dim3A_1 {strides = array<i32>} : memref<16x128xf32, #tpu.memory_space<vmem>>, vector<16xf32>,
    %swap3A_425 = arith.constant 13 : i32
    %swap3A_426 = arith.index_cast %swap3A_425 : i32 to index
    %swap3A_427 = arith.constant 32 : index
    %swap3A_428 = tpu.vector_load %arg15[%swap3A_426, %swap3A_427] {strides = array<i32>} : memref<16x128xf32, #tpu.memory_space<vmem>>, vector<16xf32>,
    tpu.vector_store %arg15[%swap3A_426, %swap3A_427], %broadcast_in_dim3A_1 {strides = array<i32>} : memref<16x128xf32, #tpu.memory_space<vmem>>, vector<16xf32>,
    %swap3A_429 = arith.constant 13 : i32
    %swap3A_430 = arith.index_cast %swap3A_429 : i32 to index
    %swap3A_431 = arith.constant 48 : index
    %swap3A_432 = tpu.vector_load %arg15[%swap3A_430, %swap3A_431] {strides = array<i32>} : memref<16x128xf32, #tpu.memory_space<vmem>>, vector<16xf32>,
    tpu.vector_store %arg15[%swap3A_430, %swap3A_431], %broadcast_in_dim3A_1 {strides = array<i32>} : memref<16x128xf32, #tpu.memory_space<vmem>>, vector<16xf32>,
    %swap3A_433 = arith.constant 13 : i32
    %swap3A_434 = arith.index_cast %swap3A_433 : i32 to index
    %swap3A_435 = arith.constant 64 : index
    %swap3A_436 = tpu.vector_load %arg15[%swap3A_434, %swap3A_435] {strides = array<i32>} : memref<16x128xf32, #tpu.memory_space<vmem>>, vector<16xf32>,
    tpu.vector_store %arg15[%swap3A_434, %swap3A_435], %broadcast_in_dim3A_1 {strides = array<i32>} : memref<16x128xf32, #tpu.memory_space<vmem>>, vector<16xf32>,
    %swap3A_437 = arith.constant 13 : i32
    %swap3A_438 = arith.index_cast %swap3A_437 : i32 to index
    %swap3A_439 = arith.constant 80 : index
    %swap3A_440 = tpu.vector_load %arg15[%swap3A_438, %swap3A_439] {strides = array<i32>} : memref<16x128xf32, #tpu.memory_space<vmem>>, vector<16xf32>,
    tpu.vector_store %arg15[%swap3A_438, %swap3A_439], %broadcast_in_dim3A_1 {strides = array<i32>} : memref<16x128xf32, #tpu.memory_space<vmem>>, vector<16xf32>,
    %swap3A_441 = arith.constant 13 : i32
    %swap3A_442 = arith.index_cast %swap3A_441 : i32 to index
    %swap3A_443 = arith.constant 96 : index
    %swap3A_444 = tpu.vector_load %arg15[%swap3A_442, %swap3A_443] {strides = array<i32>} : memref<16x128xf32, #tpu.memory_space<vmem>>, vector<16xf32>,
    tpu.vector_store %arg15[%swap3A_442, %swap3A_443], %broadcast_in_dim3A_1 {strides = array<i32>} : memref<16x128xf32, #tpu.memory_space<vmem>>, vector<16xf32>,
    %swap3A_445 = arith.constant 13 : i32
    %swap3A_446 = arith.index_cast %swap3A_445 : i32 to index
    %swap3A_447 = arith.constant 112 : index
    %swap3A_448 = tpu.vector_load %arg15[%swap3A_446, %swap3A_447] {strides = array<i32>} : memref<16x128xf32, #tpu.memory_space<vmem>>, vector<16xf32>,
    tpu.vector_store %arg15[%swap3A_446, %swap3A_447], %broadcast_in_dim3A_1 {strides = array<i32>} : memref<16x128xf32, #tpu.memory_space<vmem>>, vector<16xf32>,
    %swap3A_449 = arith.constant 14 : i32
    %swap3A_450 = arith.index_cast %swap3A_449 : i32 to index
    %swap3A_451 = arith.constant 0 : index
    %swap3A_452 = tpu.vector_load %arg15[%swap3A_450, %swap3A_451] {strides = array<i32>} : memref<16x128xf32, #tpu.memory_space<vmem>>, vector<16xf32>,
    tpu.vector_store %arg15[%swap3A_450, %swap3A_451], %broadcast_in_dim3A_1 {strides = array<i32>} : memref<16x128xf32, #tpu.memory_space<vmem>>, vector<16xf32>,
    %swap3A_453 = arith.constant 14 : i32
    %swap3A_454 = arith.index_cast %swap3A_453 : i32 to index
    %swap3A_455 = arith.constant 16 : index
    %swap3A_456 = tpu.vector_load %arg15[%swap3A_454, %swap3A_455] {strides = array<i32>} : memref<16x128xf32, #tpu.memory_space<vmem>>, vector<16xf32>,
    tpu.vector_store %arg15[%swap3A_454, %swap3A_455], %broadcast_in_dim3A_1 {strides = array<i32>} : memref<16x128xf32, #tpu.memory_space<vmem>>, vector<16xf32>,
    %swap3A_457 = arith.constant 14 : i32
    %swap3A_458 = arith.index_cast %swap3A_457 : i32 to index
    %swap3A_459 = arith.constant 32 : index
    %swap3A_460 = tpu.vector_load %arg15[%swap3A_458, %swap3A_459] {strides = array<i32>} : memref<16x128xf32, #tpu.memory_space<vmem>>, vector<16xf32>,
    tpu.vector_store %arg15[%swap3A_458, %swap3A_459], %broadcast_in_dim3A_1 {strides = array<i32>} : memref<16x128xf32, #tpu.memory_space<vmem>>, vector<16xf32>,
    %swap3A_461 = arith.constant 14 : i32
    %swap3A_462 = arith.index_cast %swap3A_461 : i32 to index
    %swap3A_463 = arith.constant 48 : index
    %swap3A_464 = tpu.vector_load %arg15[%swap3A_462, %swap3A_463] {strides = array<i32>} : memref<16x128xf32, #tpu.memory_space<vmem>>, vector<16xf32>,
    tpu.vector_store %arg15[%swap3A_462, %swap3A_463], %broadcast_in_dim3A_1 {strides = array<i32>} : memref<16x128xf32, #tpu.memory_space<vmem>>, vector<16xf32>,
    %swap3A_465 = arith.constant 14 : i32
    %swap3A_466 = arith.index_cast %swap3A_465 : i32 to index
    %swap3A_467 = arith.constant 64 : index
    %swap3A_468 = tpu.vector_load %arg15[%swap3A_466, %swap3A_467] {strides = array<i32>} : memref<16x128xf32, #tpu.memory_space<vmem>>, vector<16xf32>,
    tpu.vector_store %arg15[%swap3A_466, %swap3A_467], %broadcast_in_dim3A_1 {strides = array<i32>} : memref<16x128xf32, #tpu.memory_space<vmem>>, vector<16xf32>,
    %swap3A_469 = arith.constant 14 : i32
    %swap3A_470 = arith.index_cast %swap3A_469 : i32 to index
    %swap3A_471 = arith.constant 80 : index
    %swap3A_472 = tpu.vector_load %arg15[%swap3A_470, %swap3A_471] {strides = array<i32>} : memref<16x128xf32, #tpu.memory_space<vmem>>, vector<16xf32>,
    tpu.vector_store %arg15[%swap3A_470, %swap3A_471], %broadcast_in_dim3A_1 {strides = array<i32>} : memref<16x128xf32, #tpu.memory_space<vmem>>, vector<16xf32>,
    %swap3A_473 = arith.constant 14 : i32
    %swap3A_474 = arith.index_cast %swap3A_473 : i32 to index
    %swap3A_475 = arith.constant 96 : index
    %swap3A_476 = tpu.vector_load %arg15[%swap3A_474, %swap3A_475] {strides = array<i32>} : memref<16x128xf32, #tpu.memory_space<vmem>>, vector<16xf32>,
    tpu.vector_store %arg15[%swap3A_474, %swap3A_475], %broadcast_in_dim3A_1 {strides = array<i32>} : memref<16x128xf32, #tpu.memory_space<vmem>>, vector<16xf32>,
    %swap3A_477 = arith.constant 14 : i32
    %swap3A_478 = arith.index_cast %swap3A_477 : i32 to index
    %swap3A_479 = arith.constant 112 : index
    %swap3A_480 = tpu.vector_load %arg15[%swap3A_478, %swap3A_479] {strides = array<i32>} : memref<16x128xf32, #tpu.memory_space<vmem>>, vector<16xf32>,
    tpu.vector_store %arg15[%swap3A_478, %swap3A_479], %broadcast_in_dim3A_1 {strides = array<i32>} : memref<16x128xf32, #tpu.memory_space<vmem>>, vector<16xf32>,
    %swap3A_481 = arith.constant 15 : i32
    %swap3A_482 = arith.index_cast %swap3A_481 : i32 to index
    %swap3A_483 = arith.constant 0 : index
    %swap3A_484 = tpu.vector_load %arg15[%swap3A_482, %swap3A_483] {strides = array<i32>} : memref<16x128xf32, #tpu.memory_space<vmem>>, vector<16xf32>,
    tpu.vector_store %arg15[%swap3A_482, %swap3A_483], %broadcast_in_dim3A_1 {strides = array<i32>} : memref<16x128xf32, #tpu.memory_space<vmem>>, vector<16xf32>,
    %swap3A_485 = arith.constant 15 : i32
    %swap3A_486 = arith.index_cast %swap3A_485 : i32 to index
    %swap3A_487 = arith.constant 16 : index
    %swap3A_488 = tpu.vector_load %arg15[%swap3A_486, %swap3A_487] {strides = array<i32>} : memref<16x128xf32, #tpu.memory_space<vmem>>, vector<16xf32>,
    tpu.vector_store %arg15[%swap3A_486, %swap3A_487], %broadcast_in_dim3A_1 {strides = array<i32>} : memref<16x128xf32, #tpu.memory_space<vmem>>, vector<16xf32>,
    %swap3A_489 = arith.constant 15 : i32
    %swap3A_490 = arith.index_cast %swap3A_489 : i32 to index
    %swap3A_491 = arith.constant 32 : index
    %swap3A_492 = tpu.vector_load %arg15[%swap3A_490, %swap3A_491] {strides = array<i32>} : memref<16x128xf32, #tpu.memory_space<vmem>>, vector<16xf32>,
    tpu.vector_store %arg15[%swap3A_490, %swap3A_491], %broadcast_in_dim3A_1 {strides = array<i32>} : memref<16x128xf32, #tpu.memory_space<vmem>>, vector<16xf32>,
    %swap3A_493 = arith.constant 15 : i32
    %swap3A_494 = arith.index_cast %swap3A_493 : i32 to index
    %swap3A_495 = arith.constant 48 : index
    %swap3A_496 = tpu.vector_load %arg15[%swap3A_494, %swap3A_495] {strides = array<i32>} : memref<16x128xf32, #tpu.memory_space<vmem>>, vector<16xf32>,
    tpu.vector_store %arg15[%swap3A_494, %swap3A_495], %broadcast_in_dim3A_1 {strides = array<i32>} : memref<16x128xf32, #tpu.memory_space<vmem>>, vector<16xf32>,
    %swap3A_497 = arith.constant 15 : i32
    %swap3A_498 = arith.index_cast %swap3A_497 : i32 to index
    %swap3A_499 = arith.constant 64 : index
    %swap3A_500 = tpu.vector_load %arg15[%swap3A_498, %swap3A_499] {strides = array<i32>} : memref<16x128xf32, #tpu.memory_space<vmem>>, vector<16xf32>,
    tpu.vector_store %arg15[%swap3A_498, %swap3A_499], %broadcast_in_dim3A_1 {strides = array<i32>} : memref<16x128xf32, #tpu.memory_space<vmem>>, vector<16xf32>,
    %swap3A_501 = arith.constant 15 : i32
    %swap3A_502 = arith.index_cast %swap3A_501 : i32 to index
    %swap3A_503 = arith.constant 80 : index
    %swap3A_504 = tpu.vector_load %arg15[%swap3A_502, %swap3A_503] {strides = array<i32>} : memref<16x128xf32, #tpu.memory_space<vmem>>, vector<16xf32>,
    tpu.vector_store %arg15[%swap3A_502, %swap3A_503], %broadcast_in_dim3A_1 {strides = array<i32>} : memref<16x128xf32, #tpu.memory_space<vmem>>, vector<16xf32>,
    %swap3A_505 = arith.constant 15 : i32
    %swap3A_506 = arith.index_cast %swap3A_505 : i32 to index
    %swap3A_507 = arith.constant 96 : index
    %swap3A_508 = tpu.vector_load %arg15[%swap3A_506, %swap3A_507] {strides = array<i32>} : memref<16x128xf32, #tpu.memory_space<vmem>>, vector<16xf32>,
    tpu.vector_store %arg15[%swap3A_506, %swap3A_507], %broadcast_in_dim3A_1 {strides = array<i32>} : memref<16x128xf32, #tpu.memory_space<vmem>>, vector<16xf32>,
    %swap3A_509 = arith.constant 15 : i32
    %swap3A_510 = arith.index_cast %swap3A_509 : i32 to index
    %swap3A_511 = arith.constant 112 : index
    %swap3A_512 = tpu.vector_load %arg15[%swap3A_510, %swap3A_511] {strides = array<i32>} : memref<16x128xf32, #tpu.memory_space<vmem>>, vector<16xf32>,
    tpu.vector_store %arg15[%swap3A_510, %swap3A_511], %broadcast_in_dim3A_1 {strides = array<i32>} : memref<16x128xf32, #tpu.memory_space<vmem>>, vector<16xf32>,
    %mul3A_513 = arith.constant 640 : i32
    %mul3A_514 = arith.muli %arg1, %mul3A_513 : i32
    %add3A_515 = arith.constant 0 : i32
    %add3A_516 = arith.addi %mul3A_514, %add3A_515 : i32
    %dma_start3A = arith.constant 0 : i32
    %dma_start3A_517 = tpu.memref_slice %arg16[%add3A_516, %dma_start3A] : memref<10240x128xf32, #tpu.memory_space<vmem_shared>> -> memref<16x128xf32, #tpu.memory_space<vmem_shared>>
    %dma_start3A_518 = arith.constant 0 : i32
    %dma_start3A_519 = tpu.memref_slice %arg16[%add3A_516, %dma_start3A_518] : memref<10240x128xf32, #tpu.memory_space<vmem_shared>> -> memref<16x128xf32, #tpu.memory_space<vmem_shared>>
    tpu.enqueue_dma source(%arg15 : memref<16x128xf32, #tpu.memory_space<vmem>>) target(%dma_start3A_519 : memref<16x128xf32, #tpu.memory_space<vmem_shared>>) target_semaphore(%arg20 : memref<!tpu.dma_semaphore, #tpu.memory_space<semaphore_mem>>)
    %mul3A_520 = arith.constant 640 : i32
    %mul3A_521 = arith.muli %arg1, %mul3A_520 : i32
    %add3A_522 = arith.constant 16 : i32
    %add3A_523 = arith.addi %mul3A_521, %add3A_522 : i32
    %dma_start3A_524 = arith.constant 0 : i32
    %dma_start3A_525 = tpu.memref_slice %arg16[%add3A_523, %dma_start3A_524] : memref<10240x128xf32, #tpu.memory_space<vmem_shared>> -> memref<16x128xf32, #tpu.memory_space<vmem_shared>>
    %dma_start3A_526 = arith.constant 0 : i32
    %dma_start3A_527 = tpu.memref_slice %arg16[%add3A_523, %dma_start3A_526] : memref<10240x128xf32, #tpu.memory_space<vmem_shared>> -> memref<16x128xf32, #tpu.memory_space<vmem_shared>>
    tpu.enqueue_dma source(%arg15 : memref<16x128xf32, #tpu.memory_space<vmem>>) target(%dma_start3A_527 : memref<16x128xf32, #tpu.memory_space<vmem_shared>>) target_semaphore(%arg20 : memref<!tpu.dma_semaphore, #tpu.memory_space<semaphore_mem>>)
    %mul3A_528 = arith.constant 640 : i32
    %mul3A_529 = arith.muli %arg1, %mul3A_528 : i32
    %add3A_530 = arith.constant 32 : i32
    %add3A_531 = arith.addi %mul3A_529, %add3A_530 : i32
    %dma_start3A_532 = arith.constant 0 : i32
    %dma_start3A_533 = tpu.memref_slice %arg16[%add3A_531, %dma_start3A_532] : memref<10240x128xf32, #tpu.memory_space<vmem_shared>> -> memref<16x128xf32, #tpu.memory_space<vmem_shared>>
    %dma_start3A_534 = arith.constant 0 : i32
    %dma_start3A_535 = tpu.memref_slice %arg16[%add3A_531, %dma_start3A_534] : memref<10240x128xf32, #tpu.memory_space<vmem_shared>> -> memref<16x128xf32, #tpu.memory_space<vmem_shared>>
    tpu.enqueue_dma source(%arg15 : memref<16x128xf32, #tpu.memory_space<vmem>>) target(%dma_start3A_535 : memref<16x128xf32, #tpu.memory_space<vmem_shared>>) target_semaphore(%arg20 : memref<!tpu.dma_semaphore, #tpu.memory_space<semaphore_mem>>)
    %mul3A_536 = arith.constant 640 : i32
    %mul3A_537 = arith.muli %arg1, %mul3A_536 : i32
    %add3A_538 = arith.constant 48 : i32
    %add3A_539 = arith.addi %mul3A_537, %add3A_538 : i32
    %dma_start3A_540 = arith.constant 0 : i32
    %dma_start3A_541 = tpu.memref_slice %arg16[%add3A_539, %dma_start3A_540] : memref<10240x128xf32, #tpu.memory_space<vmem_shared>> -> memref<16x128xf32, #tpu.memory_space<vmem_shared>>
    %dma_start3A_542 = arith.constant 0 : i32
    %dma_start3A_543 = tpu.memref_slice %arg16[%add3A_539, %dma_start3A_542] : memref<10240x128xf32, #tpu.memory_space<vmem_shared>> -> memref<16x128xf32, #tpu.memory_space<vmem_shared>>
    tpu.enqueue_dma source(%arg15 : memref<16x128xf32, #tpu.memory_space<vmem>>) target(%dma_start3A_543 : memref<16x128xf32, #tpu.memory_space<vmem_shared>>) target_semaphore(%arg20 : memref<!tpu.dma_semaphore, #tpu.memory_space<semaphore_mem>>)
    %mul3A_544 = arith.constant 640 : i32
    %mul3A_545 = arith.muli %arg1, %mul3A_544 : i32
    %add3A_546 = arith.constant 64 : i32
    %add3A_547 = arith.addi %mul3A_545, %add3A_546 : i32
    %dma_start3A_548 = arith.constant 0 : i32
    %dma_start3A_549 = tpu.memref_slice %arg16[%add3A_547, %dma_start3A_548] : memref<10240x128xf32, #tpu.memory_space<vmem_shared>> -> memref<16x128xf32, #tpu.memory_space<vmem_shared>>
    %dma_start3A_550 = arith.constant 0 : i32
    %dma_start3A_551 = tpu.memref_slice %arg16[%add3A_547, %dma_start3A_550] : memref<10240x128xf32, #tpu.memory_space<vmem_shared>> -> memref<16x128xf32, #tpu.memory_space<vmem_shared>>
    tpu.enqueue_dma source(%arg15 : memref<16x128xf32, #tpu.memory_space<vmem>>) target(%dma_start3A_551 : memref<16x128xf32, #tpu.memory_space<vmem_shared>>) target_semaphore(%arg20 : memref<!tpu.dma_semaphore, #tpu.memory_space<semaphore_mem>>)
    %mul3A_552 = arith.constant 640 : i32
    %mul3A_553 = arith.muli %arg1, %mul3A_552 : i32
    %add3A_554 = arith.constant 80 : i32
    %add3A_555 = arith.addi %mul3A_553, %add3A_554 : i32
    %dma_start3A_556 = arith.constant 0 : i32
    %dma_start3A_557 = tpu.memref_slice %arg16[%add3A_555, %dma_start3A_556] : memref<10240x128xf32, #tpu.memory_space<vmem_shared>> -> memref<16x128xf32, #tpu.memory_space<vmem_shared>>
    %dma_start3A_558 = arith.constant 0 : i32
    %dma_start3A_559 = tpu.memref_slice %arg16[%add3A_555, %dma_start3A_558] : memref<10240x128xf32, #tpu.memory_space<vmem_shared>> -> memref<16x128xf32, #tpu.memory_space<vmem_shared>>
    tpu.enqueue_dma source(%arg15 : memref<16x128xf32, #tpu.memory_space<vmem>>) target(%dma_start3A_559 : memref<16x128xf32, #tpu.memory_space<vmem_shared>>) target_semaphore(%arg20 : memref<!tpu.dma_semaphore, #tpu.memory_space<semaphore_mem>>)
    %mul3A_560 = arith.constant 640 : i32
    %mul3A_561 = arith.muli %arg1, %mul3A_560 : i32
    %add3A_562 = arith.constant 96 : i32
    %add3A_563 = arith.addi %mul3A_561, %add3A_562 : i32
    %dma_start3A_564 = arith.constant 0 : i32
    %dma_start3A_565 = tpu.memref_slice %arg16[%add3A_563, %dma_start3A_564] : memref<10240x128xf32, #tpu.memory_space<vmem_shared>> -> memref<16x128xf32, #tpu.memory_space<vmem_shared>>
    %dma_start3A_566 = arith.constant 0 : i32
    %dma_start3A_567 = tpu.memref_slice %arg16[%add3A_563, %dma_start3A_566] : memref<10240x128xf32, #tpu.memory_space<vmem_shared>> -> memref<16x128xf32, #tpu.memory_space<vmem_shared>>
    tpu.enqueue_dma source(%arg15 : memref<16x128xf32, #tpu.memory_space<vmem>>) target(%dma_start3A_567 : memref<16x128xf32, #tpu.memory_space<vmem_shared>>) target_semaphore(%arg20 : memref<!tpu.dma_semaphore, #tpu.memory_space<semaphore_mem>>)
    %mul3A_568 = arith.constant 640 : i32
    %mul3A_569 = arith.muli %arg1, %mul3A_568 : i32
    %add3A_570 = arith.constant 112 : i32
    %add3A_571 = arith.addi %mul3A_569, %add3A_570 : i32
    %dma_start3A_572 = arith.constant 0 : i32
    %dma_start3A_573 = tpu.memref_slice %arg16[%add3A_571, %dma_start3A_572] : memref<10240x128xf32, #tpu.memory_space<vmem_shared>> -> memref<16x128xf32, #tpu.memory_space<vmem_shared>>
    %dma_start3A_574 = arith.constant 0 : i32
    %dma_start3A_575 = tpu.memref_slice %arg16[%add3A_571, %dma_start3A_574] : memref<10240x128xf32, #tpu.memory_space<vmem_shared>> -> memref<16x128xf32, #tpu.memory_space<vmem_shared>>
    tpu.enqueue_dma source(%arg15 : memref<16x128xf32, #tpu.memory_space<vmem>>) target(%dma_start3A_575 : memref<16x128xf32, #tpu.memory_space<vmem_shared>>) target_semaphore(%arg20 : memref<!tpu.dma_semaphore, #tpu.memory_space<semaphore_mem>>)
    %mul3A_576 = arith.constant 640 : i32
    %mul3A_577 = arith.muli %arg1, %mul3A_576 : i32
    %add3A_578 = arith.constant 128 : i32
    %add3A_579 = arith.addi %mul3A_577, %add3A_578 : i32
    %dma_start3A_580 = arith.constant 0 : i32
    %dma_start3A_581 = tpu.memref_slice %arg16[%add3A_579, %dma_start3A_580] : memref<10240x128xf32, #tpu.memory_space<vmem_shared>> -> memref<16x128xf32, #tpu.memory_space<vmem_shared>>
    %dma_start3A_582 = arith.constant 0 : i32
    %dma_start3A_583 = tpu.memref_slice %arg16[%add3A_579, %dma_start3A_582] : memref<10240x128xf32, #tpu.memory_space<vmem_shared>> -> memref<16x128xf32, #tpu.memory_space<vmem_shared>>
    tpu.enqueue_dma source(%arg15 : memref<16x128xf32, #tpu.memory_space<vmem>>) target(%dma_start3A_583 : memref<16x128xf32, #tpu.memory_space<vmem_shared>>) target_semaphore(%arg20 : memref<!tpu.dma_semaphore, #tpu.memory_space<semaphore_mem>>)
    %mul3A_584 = arith.constant 640 : i32
    %mul3A_585 = arith.muli %arg1, %mul3A_584 : i32
    %add3A_586 = arith.constant 144 : i32
    %add3A_587 = arith.addi %mul3A_585, %add3A_586 : i32
    %dma_start3A_588 = arith.constant 0 : i32
    %dma_start3A_589 = tpu.memref_slice %arg16[%add3A_587, %dma_start3A_588] : memref<10240x128xf32, #tpu.memory_space<vmem_shared>> -> memref<16x128xf32, #tpu.memory_space<vmem_shared>>
    %dma_start3A_590 = arith.constant 0 : i32
    %dma_start3A_591 = tpu.memref_slice %arg16[%add3A_587, %dma_start3A_590] : memref<10240x128xf32, #tpu.memory_space<vmem_shared>> -> memref<16x128xf32, #tpu.memory_space<vmem_shared>>
    tpu.enqueue_dma source(%arg15 : memref<16x128xf32, #tpu.memory_space<vmem>>) target(%dma_start3A_591 : memref<16x128xf32, #tpu.memory_space<vmem_shared>>) target_semaphore(%arg20 : memref<!tpu.dma_semaphore, #tpu.memory_space<semaphore_mem>>)
    %mul3A_592 = arith.constant 640 : i32
    %mul3A_593 = arith.muli %arg1, %mul3A_592 : i32
    %add3A_594 = arith.constant 160 : i32
    %add3A_595 = arith.addi %mul3A_593, %add3A_594 : i32
    %dma_start3A_596 = arith.constant 0 : i32
    %dma_start3A_597 = tpu.memref_slice %arg16[%add3A_595, %dma_start3A_596] : memref<10240x128xf32, #tpu.memory_space<vmem_shared>> -> memref<16x128xf32, #tpu.memory_space<vmem_shared>>
    %dma_start3A_598 = arith.constant 0 : i32
    %dma_start3A_599 = tpu.memref_slice %arg16[%add3A_595, %dma_start3A_598] : memref<10240x128xf32, #tpu.memory_space<vmem_shared>> -> memref<16x128xf32, #tpu.memory_space<vmem_shared>>
    tpu.enqueue_dma source(%arg15 : memref<16x128xf32, #tpu.memory_space<vmem>>) target(%dma_start3A_599 : memref<16x128xf32, #tpu.memory_space<vmem_shared>>) target_semaphore(%arg20 : memref<!tpu.dma_semaphore, #tpu.memory_space<semaphore_mem>>)
    %mul3A_600 = arith.constant 640 : i32
    %mul3A_601 = arith.muli %arg1, %mul3A_600 : i32
    %add3A_602 = arith.constant 176 : i32
    %add3A_603 = arith.addi %mul3A_601, %add3A_602 : i32
    %dma_start3A_604 = arith.constant 0 : i32
    %dma_start3A_605 = tpu.memref_slice %arg16[%add3A_603, %dma_start3A_604] : memref<10240x128xf32, #tpu.memory_space<vmem_shared>> -> memref<16x128xf32, #tpu.memory_space<vmem_shared>>
    %dma_start3A_606 = arith.constant 0 : i32
    %dma_start3A_607 = tpu.memref_slice %arg16[%add3A_603, %dma_start3A_606] : memref<10240x128xf32, #tpu.memory_space<vmem_shared>> -> memref<16x128xf32, #tpu.memory_space<vmem_shared>>
    tpu.enqueue_dma source(%arg15 : memref<16x128xf32, #tpu.memory_space<vmem>>) target(%dma_start3A_607 : memref<16x128xf32, #tpu.memory_space<vmem_shared>>) target_semaphore(%arg20 : memref<!tpu.dma_semaphore, #tpu.memory_space<semaphore_mem>>)
    %mul3A_608 = arith.constant 640 : i32
    %mul3A_609 = arith.muli %arg1, %mul3A_608 : i32
    %add3A_610 = arith.constant 192 : i32
    %add3A_611 = arith.addi %mul3A_609, %add3A_610 : i32
    %dma_start3A_612 = arith.constant 0 : i32
    %dma_start3A_613 = tpu.memref_slice %arg16[%add3A_611, %dma_start3A_612] : memref<10240x128xf32, #tpu.memory_space<vmem_shared>> -> memref<16x128xf32, #tpu.memory_space<vmem_shared>>
    %dma_start3A_614 = arith.constant 0 : i32
    %dma_start3A_615 = tpu.memref_slice %arg16[%add3A_611, %dma_start3A_614] : memref<10240x128xf32, #tpu.memory_space<vmem_shared>> -> memref<16x128xf32, #tpu.memory_space<vmem_shared>>
    tpu.enqueue_dma source(%arg15 : memref<16x128xf32, #tpu.memory_space<vmem>>) target(%dma_start3A_615 : memref<16x128xf32, #tpu.memory_space<vmem_shared>>) target_semaphore(%arg20 : memref<!tpu.dma_semaphore, #tpu.memory_space<semaphore_mem>>)
    %mul3A_616 = arith.constant 640 : i32
    %mul3A_617 = arith.muli %arg1, %mul3A_616 : i32
    %add3A_618 = arith.constant 208 : i32
    %add3A_619 = arith.addi %mul3A_617, %add3A_618 : i32
    %dma_start3A_620 = arith.constant 0 : i32
    %dma_start3A_621 = tpu.memref_slice %arg16[%add3A_619, %dma_start3A_620] : memref<10240x128xf32, #tpu.memory_space<vmem_shared>> -> memref<16x128xf32, #tpu.memory_space<vmem_shared>>
    %dma_start3A_622 = arith.constant 0 : i32
    %dma_start3A_623 = tpu.memref_slice %arg16[%add3A_619, %dma_start3A_622] : memref<10240x128xf32, #tpu.memory_space<vmem_shared>> -> memref<16x128xf32, #tpu.memory_space<vmem_shared>>
    tpu.enqueue_dma source(%arg15 : memref<16x128xf32, #tpu.memory_space<vmem>>) target(%dma_start3A_623 : memref<16x128xf32, #tpu.memory_space<vmem_shared>>) target_semaphore(%arg20 : memref<!tpu.dma_semaphore, #tpu.memory_space<semaphore_mem>>)
    %mul3A_624 = arith.constant 640 : i32
    %mul3A_625 = arith.muli %arg1, %mul3A_624 : i32
    %add3A_626 = arith.constant 224 : i32
    %add3A_627 = arith.addi %mul3A_625, %add3A_626 : i32
    %dma_start3A_628 = arith.constant 0 : i32
    %dma_start3A_629 = tpu.memref_slice %arg16[%add3A_627, %dma_start3A_628] : memref<10240x128xf32, #tpu.memory_space<vmem_shared>> -> memref<16x128xf32, #tpu.memory_space<vmem_shared>>
    %dma_start3A_630 = arith.constant 0 : i32
    %dma_start3A_631 = tpu.memref_slice %arg16[%add3A_627, %dma_start3A_630] : memref<10240x128xf32, #tpu.memory_space<vmem_shared>> -> memref<16x128xf32, #tpu.memory_space<vmem_shared>>
    tpu.enqueue_dma source(%arg15 : memref<16x128xf32, #tpu.memory_space<vmem>>) target(%dma_start3A_631 : memref<16x128xf32, #tpu.memory_space<vmem_shared>>) target_semaphore(%arg20 : memref<!tpu.dma_semaphore, #tpu.memory_space<semaphore_mem>>)
    %mul3A_632 = arith.constant 640 : i32
    %mul3A_633 = arith.muli %arg1, %mul3A_632 : i32
    %add3A_634 = arith.constant 240 : i32
    %add3A_635 = arith.addi %mul3A_633, %add3A_634 : i32
    %dma_start3A_636 = arith.constant 0 : i32
    %dma_start3A_637 = tpu.memref_slice %arg16[%add3A_635, %dma_start3A_636] : memref<10240x128xf32, #tpu.memory_space<vmem_shared>> -> memref<16x128xf32, #tpu.memory_space<vmem_shared>>
    %dma_start3A_638 = arith.constant 0 : i32
    %dma_start3A_639 = tpu.memref_slice %arg16[%add3A_635, %dma_start3A_638] : memref<10240x128xf32, #tpu.memory_space<vmem_shared>> -> memref<16x128xf32, #tpu.memory_space<vmem_shared>>
    tpu.enqueue_dma source(%arg15 : memref<16x128xf32, #tpu.memory_space<vmem>>) target(%dma_start3A_639 : memref<16x128xf32, #tpu.memory_space<vmem_shared>>) target_semaphore(%arg20 : memref<!tpu.dma_semaphore, #tpu.memory_space<semaphore_mem>>)
    %mul3A_640 = arith.constant 640 : i32
    %mul3A_641 = arith.muli %arg1, %mul3A_640 : i32
    %add3A_642 = arith.constant 256 : i32
    %add3A_643 = arith.addi %mul3A_641, %add3A_642 : i32
    %dma_start3A_644 = arith.constant 0 : i32
    %dma_start3A_645 = tpu.memref_slice %arg16[%add3A_643, %dma_start3A_644] : memref<10240x128xf32, #tpu.memory_space<vmem_shared>> -> memref<16x128xf32, #tpu.memory_space<vmem_shared>>
    %dma_start3A_646 = arith.constant 0 : i32
    %dma_start3A_647 = tpu.memref_slice %arg16[%add3A_643, %dma_start3A_646] : memref<10240x128xf32, #tpu.memory_space<vmem_shared>> -> memref<16x128xf32, #tpu.memory_space<vmem_shared>>
    tpu.enqueue_dma source(%arg15 : memref<16x128xf32, #tpu.memory_space<vmem>>) target(%dma_start3A_647 : memref<16x128xf32, #tpu.memory_space<vmem_shared>>) target_semaphore(%arg20 : memref<!tpu.dma_semaphore, #tpu.memory_space<semaphore_mem>>)
    %mul3A_648 = arith.constant 640 : i32
    %mul3A_649 = arith.muli %arg1, %mul3A_648 : i32
    %add3A_650 = arith.constant 272 : i32
    %add3A_651 = arith.addi %mul3A_649, %add3A_650 : i32
    %dma_start3A_652 = arith.constant 0 : i32
    %dma_start3A_653 = tpu.memref_slice %arg16[%add3A_651, %dma_start3A_652] : memref<10240x128xf32, #tpu.memory_space<vmem_shared>> -> memref<16x128xf32, #tpu.memory_space<vmem_shared>>
    %dma_start3A_654 = arith.constant 0 : i32
    %dma_start3A_655 = tpu.memref_slice %arg16[%add3A_651, %dma_start3A_654] : memref<10240x128xf32, #tpu.memory_space<vmem_shared>> -> memref<16x128xf32, #tpu.memory_space<vmem_shared>>
    tpu.enqueue_dma source(%arg15 : memref<16x128xf32, #tpu.memory_space<vmem>>) target(%dma_start3A_655 : memref<16x128xf32, #tpu.memory_space<vmem_shared>>) target_semaphore(%arg20 : memref<!tpu.dma_semaphore, #tpu.memory_space<semaphore_mem>>)
    %mul3A_656 = arith.constant 640 : i32
    %mul3A_657 = arith.muli %arg1, %mul3A_656 : i32
    %add3A_658 = arith.constant 288 : i32
    %add3A_659 = arith.addi %mul3A_657, %add3A_658 : i32
    %dma_start3A_660 = arith.constant 0 : i32
    %dma_start3A_661 = tpu.memref_slice %arg16[%add3A_659, %dma_start3A_660] : memref<10240x128xf32, #tpu.memory_space<vmem_shared>> -> memref<16x128xf32, #tpu.memory_space<vmem_shared>>
    %dma_start3A_662 = arith.constant 0 : i32
    %dma_start3A_663 = tpu.memref_slice %arg16[%add3A_659, %dma_start3A_662] : memref<10240x128xf32, #tpu.memory_space<vmem_shared>> -> memref<16x128xf32, #tpu.memory_space<vmem_shared>>
    tpu.enqueue_dma source(%arg15 : memref<16x128xf32, #tpu.memory_space<vmem>>) target(%dma_start3A_663 : memref<16x128xf32, #tpu.memory_space<vmem_shared>>) target_semaphore(%arg20 : memref<!tpu.dma_semaphore, #tpu.memory_space<semaphore_mem>>)
    %mul3A_664 = arith.constant 640 : i32
    %mul3A_665 = arith.muli %arg1, %mul3A_664 : i32
    %add3A_666 = arith.constant 304 : i32
    %add3A_667 = arith.addi %mul3A_665, %add3A_666 : i32
    %dma_start3A_668 = arith.constant 0 : i32
    %dma_start3A_669 = tpu.memref_slice %arg16[%add3A_667, %dma_start3A_668] : memref<10240x128xf32, #tpu.memory_space<vmem_shared>> -> memref<16x128xf32, #tpu.memory_space<vmem_shared>>
    %dma_start3A_670 = arith.constant 0 : i32
    %dma_start3A_671 = tpu.memref_slice %arg16[%add3A_667, %dma_start3A_670] : memref<10240x128xf32, #tpu.memory_space<vmem_shared>> -> memref<16x128xf32, #tpu.memory_space<vmem_shared>>
    tpu.enqueue_dma source(%arg15 : memref<16x128xf32, #tpu.memory_space<vmem>>) target(%dma_start3A_671 : memref<16x128xf32, #tpu.memory_space<vmem_shared>>) target_semaphore(%arg20 : memref<!tpu.dma_semaphore, #tpu.memory_space<semaphore_mem>>)
    %mul3A_672 = arith.constant 640 : i32
    %mul3A_673 = arith.muli %arg1, %mul3A_672 : i32
    %add3A_674 = arith.constant 320 : i32
    %add3A_675 = arith.addi %mul3A_673, %add3A_674 : i32
    %dma_start3A_676 = arith.constant 0 : i32
    %dma_start3A_677 = tpu.memref_slice %arg16[%add3A_675, %dma_start3A_676] : memref<10240x128xf32, #tpu.memory_space<vmem_shared>> -> memref<16x128xf32, #tpu.memory_space<vmem_shared>>
    %dma_start3A_678 = arith.constant 0 : i32
    %dma_start3A_679 = tpu.memref_slice %arg16[%add3A_675, %dma_start3A_678] : memref<10240x128xf32, #tpu.memory_space<vmem_shared>> -> memref<16x128xf32, #tpu.memory_space<vmem_shared>>
    tpu.enqueue_dma source(%arg15 : memref<16x128xf32, #tpu.memory_space<vmem>>) target(%dma_start3A_679 : memref<16x128xf32, #tpu.memory_space<vmem_shared>>) target_semaphore(%arg20 : memref<!tpu.dma_semaphore, #tpu.memory_space<semaphore_mem>>)
    %mul3A_680 = arith.constant 640 : i32
    %mul3A_681 = arith.muli %arg1, %mul3A_680 : i32
    %add3A_682 = arith.constant 336 : i32
    %add3A_683 = arith.addi %mul3A_681, %add3A_682 : i32
    %dma_start3A_684 = arith.constant 0 : i32
    %dma_start3A_685 = tpu.memref_slice %arg16[%add3A_683, %dma_start3A_684] : memref<10240x128xf32, #tpu.memory_space<vmem_shared>> -> memref<16x128xf32, #tpu.memory_space<vmem_shared>>
    %dma_start3A_686 = arith.constant 0 : i32
    %dma_start3A_687 = tpu.memref_slice %arg16[%add3A_683, %dma_start3A_686] : memref<10240x128xf32, #tpu.memory_space<vmem_shared>> -> memref<16x128xf32, #tpu.memory_space<vmem_shared>>
    tpu.enqueue_dma source(%arg15 : memref<16x128xf32, #tpu.memory_space<vmem>>) target(%dma_start3A_687 : memref<16x128xf32, #tpu.memory_space<vmem_shared>>) target_semaphore(%arg20 : memref<!tpu.dma_semaphore, #tpu.memory_space<semaphore_mem>>)
    %mul3A_688 = arith.constant 640 : i32
    %mul3A_689 = arith.muli %arg1, %mul3A_688 : i32
    %add3A_690 = arith.constant 352 : i32
    %add3A_691 = arith.addi %mul3A_689, %add3A_690 : i32
    %dma_start3A_692 = arith.constant 0 : i32
    %dma_start3A_693 = tpu.memref_slice %arg16[%add3A_691, %dma_start3A_692] : memref<10240x128xf32, #tpu.memory_space<vmem_shared>> -> memref<16x128xf32, #tpu.memory_space<vmem_shared>>
    %dma_start3A_694 = arith.constant 0 : i32
    %dma_start3A_695 = tpu.memref_slice %arg16[%add3A_691, %dma_start3A_694] : memref<10240x128xf32, #tpu.memory_space<vmem_shared>> -> memref<16x128xf32, #tpu.memory_space<vmem_shared>>
    tpu.enqueue_dma source(%arg15 : memref<16x128xf32, #tpu.memory_space<vmem>>) target(%dma_start3A_695 : memref<16x128xf32, #tpu.memory_space<vmem_shared>>) target_semaphore(%arg20 : memref<!tpu.dma_semaphore, #tpu.memory_space<semaphore_mem>>)
    %mul3A_696 = arith.constant 640 : i32
    %mul3A_697 = arith.muli %arg1, %mul3A_696 : i32
    %add3A_698 = arith.constant 368 : i32
    %add3A_699 = arith.addi %mul3A_697, %add3A_698 : i32
    %dma_start3A_700 = arith.constant 0 : i32
    %dma_start3A_701 = tpu.memref_slice %arg16[%add3A_699, %dma_start3A_700] : memref<10240x128xf32, #tpu.memory_space<vmem_shared>> -> memref<16x128xf32, #tpu.memory_space<vmem_shared>>
    %dma_start3A_702 = arith.constant 0 : i32
    %dma_start3A_703 = tpu.memref_slice %arg16[%add3A_699, %dma_start3A_702] : memref<10240x128xf32, #tpu.memory_space<vmem_shared>> -> memref<16x128xf32, #tpu.memory_space<vmem_shared>>
    tpu.enqueue_dma source(%arg15 : memref<16x128xf32, #tpu.memory_space<vmem>>) target(%dma_start3A_703 : memref<16x128xf32, #tpu.memory_space<vmem_shared>>) target_semaphore(%arg20 : memref<!tpu.dma_semaphore, #tpu.memory_space<semaphore_mem>>)
    %mul3A_704 = arith.constant 640 : i32
    %mul3A_705 = arith.muli %arg1, %mul3A_704 : i32
    %add3A_706 = arith.constant 384 : i32
    %add3A_707 = arith.addi %mul3A_705, %add3A_706 : i32
    %dma_start3A_708 = arith.constant 0 : i32
    %dma_start3A_709 = tpu.memref_slice %arg16[%add3A_707, %dma_start3A_708] : memref<10240x128xf32, #tpu.memory_space<vmem_shared>> -> memref<16x128xf32, #tpu.memory_space<vmem_shared>>
    %dma_start3A_710 = arith.constant 0 : i32
    %dma_start3A_711 = tpu.memref_slice %arg16[%add3A_707, %dma_start3A_710] : memref<10240x128xf32, #tpu.memory_space<vmem_shared>> -> memref<16x128xf32, #tpu.memory_space<vmem_shared>>
    tpu.enqueue_dma source(%arg15 : memref<16x128xf32, #tpu.memory_space<vmem>>) target(%dma_start3A_711 : memref<16x128xf32, #tpu.memory_space<vmem_shared>>) target_semaphore(%arg20 : memref<!tpu.dma_semaphore, #tpu.memory_space<semaphore_mem>>)
    %mul3A_712 = arith.constant 640 : i32
    %mul3A_713 = arith.muli %arg1, %mul3A_712 : i32
    %add3A_714 = arith.constant 400 : i32
    %add3A_715 = arith.addi %mul3A_713, %add3A_714 : i32
    %dma_start3A_716 = arith.constant 0 : i32
    %dma_start3A_717 = tpu.memref_slice %arg16[%add3A_715, %dma_start3A_716] : memref<10240x128xf32, #tpu.memory_space<vmem_shared>> -> memref<16x128xf32, #tpu.memory_space<vmem_shared>>
    %dma_start3A_718 = arith.constant 0 : i32
    %dma_start3A_719 = tpu.memref_slice %arg16[%add3A_715, %dma_start3A_718] : memref<10240x128xf32, #tpu.memory_space<vmem_shared>> -> memref<16x128xf32, #tpu.memory_space<vmem_shared>>
    tpu.enqueue_dma source(%arg15 : memref<16x128xf32, #tpu.memory_space<vmem>>) target(%dma_start3A_719 : memref<16x128xf32, #tpu.memory_space<vmem_shared>>) target_semaphore(%arg20 : memref<!tpu.dma_semaphore, #tpu.memory_space<semaphore_mem>>)
    %mul3A_720 = arith.constant 640 : i32
    %mul3A_721 = arith.muli %arg1, %mul3A_720 : i32
    %add3A_722 = arith.constant 416 : i32
    %add3A_723 = arith.addi %mul3A_721, %add3A_722 : i32
    %dma_start3A_724 = arith.constant 0 : i32
    %dma_start3A_725 = tpu.memref_slice %arg16[%add3A_723, %dma_start3A_724] : memref<10240x128xf32, #tpu.memory_space<vmem_shared>> -> memref<16x128xf32, #tpu.memory_space<vmem_shared>>
    %dma_start3A_726 = arith.constant 0 : i32
    %dma_start3A_727 = tpu.memref_slice %arg16[%add3A_723, %dma_start3A_726] : memref<10240x128xf32, #tpu.memory_space<vmem_shared>> -> memref<16x128xf32, #tpu.memory_space<vmem_shared>>
    tpu.enqueue_dma source(%arg15 : memref<16x128xf32, #tpu.memory_space<vmem>>) target(%dma_start3A_727 : memref<16x128xf32, #tpu.memory_space<vmem_shared>>) target_semaphore(%arg20 : memref<!tpu.dma_semaphore, #tpu.memory_space<semaphore_mem>>)
    %mul3A_728 = arith.constant 640 : i32
    %mul3A_729 = arith.muli %arg1, %mul3A_728 : i32
    %add3A_730 = arith.constant 432 : i32
    %add3A_731 = arith.addi %mul3A_729, %add3A_730 : i32
    %dma_start3A_732 = arith.constant 0 : i32
    %dma_start3A_733 = tpu.memref_slice %arg16[%add3A_731, %dma_start3A_732] : memref<10240x128xf32, #tpu.memory_space<vmem_shared>> -> memref<16x128xf32, #tpu.memory_space<vmem_shared>>
    %dma_start3A_734 = arith.constant 0 : i32
    %dma_start3A_735 = tpu.memref_slice %arg16[%add3A_731, %dma_start3A_734] : memref<10240x128xf32, #tpu.memory_space<vmem_shared>> -> memref<16x128xf32, #tpu.memory_space<vmem_shared>>
    tpu.enqueue_dma source(%arg15 : memref<16x128xf32, #tpu.memory_space<vmem>>) target(%dma_start3A_735 : memref<16x128xf32, #tpu.memory_space<vmem_shared>>) target_semaphore(%arg20 : memref<!tpu.dma_semaphore, #tpu.memory_space<semaphore_mem>>)
    %mul3A_736 = arith.constant 640 : i32
    %mul3A_737 = arith.muli %arg1, %mul3A_736 : i32
    %add3A_738 = arith.constant 448 : i32
    %add3A_739 = arith.addi %mul3A_737, %add3A_738 : i32
    %dma_start3A_740 = arith.constant 0 : i32
    %dma_start3A_741 = tpu.memref_slice %arg16[%add3A_739, %dma_start3A_740] : memref<10240x128xf32, #tpu.memory_space<vmem_shared>> -> memref<16x128xf32, #tpu.memory_space<vmem_shared>>
    %dma_start3A_742 = arith.constant 0 : i32
    %dma_start3A_743 = tpu.memref_slice %arg16[%add3A_739, %dma_start3A_742] : memref<10240x128xf32, #tpu.memory_space<vmem_shared>> -> memref<16x128xf32, #tpu.memory_space<vmem_shared>>
    tpu.enqueue_dma source(%arg15 : memref<16x128xf32, #tpu.memory_space<vmem>>) target(%dma_start3A_743 : memref<16x128xf32, #tpu.memory_space<vmem_shared>>) target_semaphore(%arg20 : memref<!tpu.dma_semaphore, #tpu.memory_space<semaphore_mem>>)
    %mul3A_744 = arith.constant 640 : i32
    %mul3A_745 = arith.muli %arg1, %mul3A_744 : i32
    %add3A_746 = arith.constant 464 : i32
    %add3A_747 = arith.addi %mul3A_745, %add3A_746 : i32
    %dma_start3A_748 = arith.constant 0 : i32
    %dma_start3A_749 = tpu.memref_slice %arg16[%add3A_747, %dma_start3A_748] : memref<10240x128xf32, #tpu.memory_space<vmem_shared>> -> memref<16x128xf32, #tpu.memory_space<vmem_shared>>
    %dma_start3A_750 = arith.constant 0 : i32
    %dma_start3A_751 = tpu.memref_slice %arg16[%add3A_747, %dma_start3A_750] : memref<10240x128xf32, #tpu.memory_space<vmem_shared>> -> memref<16x128xf32, #tpu.memory_space<vmem_shared>>
    tpu.enqueue_dma source(%arg15 : memref<16x128xf32, #tpu.memory_space<vmem>>) target(%dma_start3A_751 : memref<16x128xf32, #tpu.memory_space<vmem_shared>>) target_semaphore(%arg20 : memref<!tpu.dma_semaphore, #tpu.memory_space<semaphore_mem>>)
    %mul3A_752 = arith.constant 640 : i32
    %mul3A_753 = arith.muli %arg1, %mul3A_752 : i32
    %add3A_754 = arith.constant 480 : i32
    %add3A_755 = arith.addi %mul3A_753, %add3A_754 : i32
    %dma_start3A_756 = arith.constant 0 : i32
    %dma_start3A_757 = tpu.memref_slice %arg16[%add3A_755, %dma_start3A_756] : memref<10240x128xf32, #tpu.memory_space<vmem_shared>> -> memref<16x128xf32, #tpu.memory_space<vmem_shared>>
    %dma_start3A_758 = arith.constant 0 : i32
    %dma_start3A_759 = tpu.memref_slice %arg16[%add3A_755, %dma_start3A_758] : memref<10240x128xf32, #tpu.memory_space<vmem_shared>> -> memref<16x128xf32, #tpu.memory_space<vmem_shared>>
    tpu.enqueue_dma source(%arg15 : memref<16x128xf32, #tpu.memory_space<vmem>>) target(%dma_start3A_759 : memref<16x128xf32, #tpu.memory_space<vmem_shared>>) target_semaphore(%arg20 : memref<!tpu.dma_semaphore, #tpu.memory_space<semaphore_mem>>)
    %mul3A_760 = arith.constant 640 : i32
    %mul3A_761 = arith.muli %arg1, %mul3A_760 : i32
    %add3A_762 = arith.constant 496 : i32
    %add3A_763 = arith.addi %mul3A_761, %add3A_762 : i32
    %dma_start3A_764 = arith.constant 0 : i32
    %dma_start3A_765 = tpu.memref_slice %arg16[%add3A_763, %dma_start3A_764] : memref<10240x128xf32, #tpu.memory_space<vmem_shared>> -> memref<16x128xf32, #tpu.memory_space<vmem_shared>>
    %dma_start3A_766 = arith.constant 0 : i32
    %dma_start3A_767 = tpu.memref_slice %arg16[%add3A_763, %dma_start3A_766] : memref<10240x128xf32, #tpu.memory_space<vmem_shared>> -> memref<16x128xf32, #tpu.memory_space<vmem_shared>>
    tpu.enqueue_dma source(%arg15 : memref<16x128xf32, #tpu.memory_space<vmem>>) target(%dma_start3A_767 : memref<16x128xf32, #tpu.memory_space<vmem_shared>>) target_semaphore(%arg20 : memref<!tpu.dma_semaphore, #tpu.memory_space<semaphore_mem>>)
    %mul3A_768 = arith.constant 640 : i32
    %mul3A_769 = arith.muli %arg1, %mul3A_768 : i32
    %add3A_770 = arith.constant 512 : i32
    %add3A_771 = arith.addi %mul3A_769, %add3A_770 : i32
    %dma_start3A_772 = arith.constant 0 : i32
    %dma_start3A_773 = tpu.memref_slice %arg16[%add3A_771, %dma_start3A_772] : memref<10240x128xf32, #tpu.memory_space<vmem_shared>> -> memref<16x128xf32, #tpu.memory_space<vmem_shared>>
    %dma_start3A_774 = arith.constant 0 : i32
    %dma_start3A_775 = tpu.memref_slice %arg16[%add3A_771, %dma_start3A_774] : memref<10240x128xf32, #tpu.memory_space<vmem_shared>> -> memref<16x128xf32, #tpu.memory_space<vmem_shared>>
    tpu.enqueue_dma source(%arg15 : memref<16x128xf32, #tpu.memory_space<vmem>>) target(%dma_start3A_775 : memref<16x128xf32, #tpu.memory_space<vmem_shared>>) target_semaphore(%arg20 : memref<!tpu.dma_semaphore, #tpu.memory_space<semaphore_mem>>)
    %mul3A_776 = arith.constant 640 : i32
    %mul3A_777 = arith.muli %arg1, %mul3A_776 : i32
    %add3A_778 = arith.constant 528 : i32
    %add3A_779 = arith.addi %mul3A_777, %add3A_778 : i32
    %dma_start3A_780 = arith.constant 0 : i32
    %dma_start3A_781 = tpu.memref_slice %arg16[%add3A_779, %dma_start3A_780] : memref<10240x128xf32, #tpu.memory_space<vmem_shared>> -> memref<16x128xf32, #tpu.memory_space<vmem_shared>>
    %dma_start3A_782 = arith.constant 0 : i32
    %dma_start3A_783 = tpu.memref_slice %arg16[%add3A_779, %dma_start3A_782] : memref<10240x128xf32, #tpu.memory_space<vmem_shared>> -> memref<16x128xf32, #tpu.memory_space<vmem_shared>>
    tpu.enqueue_dma source(%arg15 : memref<16x128xf32, #tpu.memory_space<vmem>>) target(%dma_start3A_783 : memref<16x128xf32, #tpu.memory_space<vmem_shared>>) target_semaphore(%arg20 : memref<!tpu.dma_semaphore, #tpu.memory_space<semaphore_mem>>)
    %mul3A_784 = arith.constant 640 : i32
    %mul3A_785 = arith.muli %arg1, %mul3A_784 : i32
    %add3A_786 = arith.constant 544 : i32
    %add3A_787 = arith.addi %mul3A_785, %add3A_786 : i32
    %dma_start3A_788 = arith.constant 0 : i32
    %dma_start3A_789 = tpu.memref_slice %arg16[%add3A_787, %dma_start3A_788] : memref<10240x128xf32, #tpu.memory_space<vmem_shared>> -> memref<16x128xf32, #tpu.memory_space<vmem_shared>>
    %dma_start3A_790 = arith.constant 0 : i32
    %dma_start3A_791 = tpu.memref_slice %arg16[%add3A_787, %dma_start3A_790] : memref<10240x128xf32, #tpu.memory_space<vmem_shared>> -> memref<16x128xf32, #tpu.memory_space<vmem_shared>>
    tpu.enqueue_dma source(%arg15 : memref<16x128xf32, #tpu.memory_space<vmem>>) target(%dma_start3A_791 : memref<16x128xf32, #tpu.memory_space<vmem_shared>>) target_semaphore(%arg20 : memref<!tpu.dma_semaphore, #tpu.memory_space<semaphore_mem>>)
    %mul3A_792 = arith.constant 640 : i32
    %mul3A_793 = arith.muli %arg1, %mul3A_792 : i32
    %add3A_794 = arith.constant 560 : i32
    %add3A_795 = arith.addi %mul3A_793, %add3A_794 : i32
    %dma_start3A_796 = arith.constant 0 : i32
    %dma_start3A_797 = tpu.memref_slice %arg16[%add3A_795, %dma_start3A_796] : memref<10240x128xf32, #tpu.memory_space<vmem_shared>> -> memref<16x128xf32, #tpu.memory_space<vmem_shared>>
    %dma_start3A_798 = arith.constant 0 : i32
    %dma_start3A_799 = tpu.memref_slice %arg16[%add3A_795, %dma_start3A_798] : memref<10240x128xf32, #tpu.memory_space<vmem_shared>> -> memref<16x128xf32, #tpu.memory_space<vmem_shared>>
    tpu.enqueue_dma source(%arg15 : memref<16x128xf32, #tpu.memory_space<vmem>>) target(%dma_start3A_799 : memref<16x128xf32, #tpu.memory_space<vmem_shared>>) target_semaphore(%arg20 : memref<!tpu.dma_semaphore, #tpu.memory_space<semaphore_mem>>)
    %mul3A_800 = arith.constant 640 : i32
    %mul3A_801 = arith.muli %arg1, %mul3A_800 : i32
    %add3A_802 = arith.constant 576 : i32
    %add3A_803 = arith.addi %mul3A_801, %add3A_802 : i32
    %dma_start3A_804 = arith.constant 0 : i32
    %dma_start3A_805 = tpu.memref_slice %arg16[%add3A_803, %dma_start3A_804] : memref<10240x128xf32, #tpu.memory_space<vmem_shared>> -> memref<16x128xf32, #tpu.memory_space<vmem_shared>>
    %dma_start3A_806 = arith.constant 0 : i32
    %dma_start3A_807 = tpu.memref_slice %arg16[%add3A_803, %dma_start3A_806] : memref<10240x128xf32, #tpu.memory_space<vmem_shared>> -> memref<16x128xf32, #tpu.memory_space<vmem_shared>>
    tpu.enqueue_dma source(%arg15 : memref<16x128xf32, #tpu.memory_space<vmem>>) target(%dma_start3A_807 : memref<16x128xf32, #tpu.memory_space<vmem_shared>>) target_semaphore(%arg20 : memref<!tpu.dma_semaphore, #tpu.memory_space<semaphore_mem>>)
    %mul3A_808 = arith.constant 640 : i32
    %mul3A_809 = arith.muli %arg1, %mul3A_808 : i32
    %add3A_810 = arith.constant 592 : i32
    %add3A_811 = arith.addi %mul3A_809, %add3A_810 : i32
    %dma_start3A_812 = arith.constant 0 : i32
    %dma_start3A_813 = tpu.memref_slice %arg16[%add3A_811, %dma_start3A_812] : memref<10240x128xf32, #tpu.memory_space<vmem_shared>> -> memref<16x128xf32, #tpu.memory_space<vmem_shared>>
    %dma_start3A_814 = arith.constant 0 : i32
    %dma_start3A_815 = tpu.memref_slice %arg16[%add3A_811, %dma_start3A_814] : memref<10240x128xf32, #tpu.memory_space<vmem_shared>> -> memref<16x128xf32, #tpu.memory_space<vmem_shared>>
    tpu.enqueue_dma source(%arg15 : memref<16x128xf32, #tpu.memory_space<vmem>>) target(%dma_start3A_815 : memref<16x128xf32, #tpu.memory_space<vmem_shared>>) target_semaphore(%arg20 : memref<!tpu.dma_semaphore, #tpu.memory_space<semaphore_mem>>)
    %mul3A_816 = arith.constant 640 : i32
    %mul3A_817 = arith.muli %arg1, %mul3A_816 : i32
    %add3A_818 = arith.constant 608 : i32
    %add3A_819 = arith.addi %mul3A_817, %add3A_818 : i32
    %dma_start3A_820 = arith.constant 0 : i32
    %dma_start3A_821 = tpu.memref_slice %arg16[%add3A_819, %dma_start3A_820] : memref<10240x128xf32, #tpu.memory_space<vmem_shared>> -> memref<16x128xf32, #tpu.memory_space<vmem_shared>>
    %dma_start3A_822 = arith.constant 0 : i32
    %dma_start3A_823 = tpu.memref_slice %arg16[%add3A_819, %dma_start3A_822] : memref<10240x128xf32, #tpu.memory_space<vmem_shared>> -> memref<16x128xf32, #tpu.memory_space<vmem_shared>>
    tpu.enqueue_dma source(%arg15 : memref<16x128xf32, #tpu.memory_space<vmem>>) target(%dma_start3A_823 : memref<16x128xf32, #tpu.memory_space<vmem_shared>>) target_semaphore(%arg20 : memref<!tpu.dma_semaphore, #tpu.memory_space<semaphore_mem>>)
    %mul3A_824 = arith.constant 640 : i32
    %mul3A_825 = arith.muli %arg1, %mul3A_824 : i32
    %add3A_826 = arith.constant 624 : i32
    %add3A_827 = arith.addi %mul3A_825, %add3A_826 : i32
    %dma_start3A_828 = arith.constant 0 : i32
    %dma_start3A_829 = tpu.memref_slice %arg16[%add3A_827, %dma_start3A_828] : memref<10240x128xf32, #tpu.memory_space<vmem_shared>> -> memref<16x128xf32, #tpu.memory_space<vmem_shared>>
    %dma_start3A_830 = arith.constant 0 : i32
    %dma_start3A_831 = tpu.memref_slice %arg16[%add3A_827, %dma_start3A_830] : memref<10240x128xf32, #tpu.memory_space<vmem_shared>> -> memref<16x128xf32, #tpu.memory_space<vmem_shared>>
    tpu.enqueue_dma source(%arg15 : memref<16x128xf32, #tpu.memory_space<vmem>>) target(%dma_start3A_831 : memref<16x128xf32, #tpu.memory_space<vmem_shared>>) target_semaphore(%arg20 : memref<!tpu.dma_semaphore, #tpu.memory_space<semaphore_mem>>)
    %dma_wait3A = arith.constant 0 : i32
    %dma_wait3A_832 = arith.constant 0 : i32
    %dma_wait3A_833 = tpu.memref_slice %arg16[%dma_wait3A, %dma_wait3A_832] : memref<10240x128xf32, #tpu.memory_space<vmem_shared>> -> memref<16x128xf32, #tpu.memory_space<vmem_shared>>
    %dma_wait3A_834 = arith.constant 0 : i32
    %dma_wait3A_835 = arith.constant 0 : i32
    %dma_wait3A_836 = tpu.memref_slice %arg16[%dma_wait3A_834, %dma_wait3A_835] : memref<10240x128xf32, #tpu.memory_space<vmem_shared>> -> memref<16x128xf32, #tpu.memory_space<vmem_shared>>
    tpu.wait_dma2 semaphore(%arg20 : memref<!tpu.dma_semaphore, #tpu.memory_space<semaphore_mem>>) src(%arg15 : memref<16x128xf32, #tpu.memory_space<vmem>>) dst(%dma_wait3A_836 : memref<16x128xf32, #tpu.memory_space<vmem_shared>>)
    %dma_wait3A_837 = arith.constant 0 : i32
    %dma_wait3A_838 = arith.constant 0 : i32
    %dma_wait3A_839 = tpu.memref_slice %arg16[%dma_wait3A_837, %dma_wait3A_838] : memref<10240x128xf32, #tpu.memory_space<vmem_shared>> -> memref<16x128xf32, #tpu.memory_space<vmem_shared>>
    %dma_wait3A_840 = arith.constant 0 : i32
    %dma_wait3A_841 = arith.constant 0 : i32
    %dma_wait3A_842 = tpu.memref_slice %arg16[%dma_wait3A_840, %dma_wait3A_841] : memref<10240x128xf32, #tpu.memory_space<vmem_shared>> -> memref<16x128xf32, #tpu.memory_space<vmem_shared>>
    tpu.wait_dma2 semaphore(%arg20 : memref<!tpu.dma_semaphore, #tpu.memory_space<semaphore_mem>>) src(%arg15 : memref<16x128xf32, #tpu.memory_space<vmem>>) dst(%dma_wait3A_842 : memref<16x128xf32, #tpu.memory_space<vmem_shared>>)
    %dma_wait3A_843 = arith.constant 0 : i32
    %dma_wait3A_844 = arith.constant 0 : i32
    %dma_wait3A_845 = tpu.memref_slice %arg16[%dma_wait3A_843, %dma_wait3A_844] : memref<10240x128xf32, #tpu.memory_space<vmem_shared>> -> memref<16x128xf32, #tpu.memory_space<vmem_shared>>
    %dma_wait3A_846 = arith.constant 0 : i32
    %dma_wait3A_847 = arith.constant 0 : i32
    %dma_wait3A_848 = tpu.memref_slice %arg16[%dma_wait3A_846, %dma_wait3A_847] : memref<10240x128xf32, #tpu.memory_space<vmem_shared>> -> memref<16x128xf32, #tpu.memory_space<vmem_shared>>
    tpu.wait_dma2 semaphore(%arg20 : memref<!tpu.dma_semaphore, #tpu.memory_space<semaphore_mem>>) src(%arg15 : memref<16x128xf32, #tpu.memory_space<vmem>>) dst(%dma_wait3A_848 : memref<16x128xf32, #tpu.memory_space<vmem_shared>>)
    %dma_wait3A_849 = arith.constant 0 : i32
    %dma_wait3A_850 = arith.constant 0 : i32
    %dma_wait3A_851 = tpu.memref_slice %arg16[%dma_wait3A_849, %dma_wait3A_850] : memref<10240x128xf32, #tpu.memory_space<vmem_shared>> -> memref<16x128xf32, #tpu.memory_space<vmem_shared>>
    %dma_wait3A_852 = arith.constant 0 : i32
    %dma_wait3A_853 = arith.constant 0 : i32
    %dma_wait3A_854 = tpu.memref_slice %arg16[%dma_wait3A_852, %dma_wait3A_853] : memref<10240x128xf32, #tpu.memory_space<vmem_shared>> -> memref<16x128xf32, #tpu.memory_space<vmem_shared>>
    tpu.wait_dma2 semaphore(%arg20 : memref<!tpu.dma_semaphore, #tpu.memory_space<semaphore_mem>>) src(%arg15 : memref<16x128xf32, #tpu.memory_space<vmem>>) dst(%dma_wait3A_854 : memref<16x128xf32, #tpu.memory_space<vmem_shared>>)
    %dma_wait3A_855 = arith.constant 0 : i32
    %dma_wait3A_856 = arith.constant 0 : i32
    %dma_wait3A_857 = tpu.memref_slice %arg16[%dma_wait3A_855, %dma_wait3A_856] : memref<10240x128xf32, #tpu.memory_space<vmem_shared>> -> memref<16x128xf32, #tpu.memory_space<vmem_shared>>
    %dma_wait3A_858 = arith.constant 0 : i32
    %dma_wait3A_859 = arith.constant 0 : i32
    %dma_wait3A_860 = tpu.memref_slice %arg16[%dma_wait3A_858, %dma_wait3A_859] : memref<10240x128xf32, #tpu.memory_space<vmem_shared>> -> memref<16x128xf32, #tpu.memory_space<vmem_shared>>
    tpu.wait_dma2 semaphore(%arg20 : memref<!tpu.dma_semaphore, #tpu.memory_space<semaphore_mem>>) src(%arg15 : memref<16x128xf32, #tpu.memory_space<vmem>>) dst(%dma_wait3A_860 : memref<16x128xf32, #tpu.memory_space<vmem_shared>>)
    %dma_wait3A_861 = arith.constant 0 : i32
    %dma_wait3A_862 = arith.constant 0 : i32
    %dma_wait3A_863 = tpu.memref_slice %arg16[%dma_wait3A_861, %dma_wait3A_862] : memref<10240x128xf32, #tpu.memory_space<vmem_shared>> -> memref<16x128xf32, #tpu.memory_space<vmem_shared>>
    %dma_wait3A_864 = arith.constant 0 : i32
    %dma_wait3A_865 = arith.constant 0 : i32
    %dma_wait3A_866 = tpu.memref_slice %arg16[%dma_wait3A_864, %dma_wait3A_865] : memref<10240x128xf32, #tpu.memory_space<vmem_shared>> -> memref<16x128xf32, #tpu.memory_space<vmem_shared>>
    tpu.wait_dma2 semaphore(%arg20 : memref<!tpu.dma_semaphore, #tpu.memory_space<semaphore_mem>>) src(%arg15 : memref<16x128xf32, #tpu.memory_space<vmem>>) dst(%dma_wait3A_866 : memref<16x128xf32, #tpu.memory_space<vmem_shared>>)
    %dma_wait3A_867 = arith.constant 0 : i32
    %dma_wait3A_868 = arith.constant 0 : i32
    %dma_wait3A_869 = tpu.memref_slice %arg16[%dma_wait3A_867, %dma_wait3A_868] : memref<10240x128xf32, #tpu.memory_space<vmem_shared>> -> memref<16x128xf32, #tpu.memory_space<vmem_shared>>
    %dma_wait3A_870 = arith.constant 0 : i32
    %dma_wait3A_871 = arith.constant 0 : i32
    %dma_wait3A_872 = tpu.memref_slice %arg16[%dma_wait3A_870, %dma_wait3A_871] : memref<10240x128xf32, #tpu.memory_space<vmem_shared>> -> memref<16x128xf32, #tpu.memory_space<vmem_shared>>
    tpu.wait_dma2 semaphore(%arg20 : memref<!tpu.dma_semaphore, #tpu.memory_space<semaphore_mem>>) src(%arg15 : memref<16x128xf32, #tpu.memory_space<vmem>>) dst(%dma_wait3A_872 : memref<16x128xf32, #tpu.memory_space<vmem_shared>>)
    %dma_wait3A_873 = arith.constant 0 : i32
    %dma_wait3A_874 = arith.constant 0 : i32
    %dma_wait3A_875 = tpu.memref_slice %arg16[%dma_wait3A_873, %dma_wait3A_874] : memref<10240x128xf32, #tpu.memory_space<vmem_shared>> -> memref<16x128xf32, #tpu.memory_space<vmem_shared>>
    %dma_wait3A_876 = arith.constant 0 : i32
    %dma_wait3A_877 = arith.constant 0 : i32
    %dma_wait3A_878 = tpu.memref_slice %arg16[%dma_wait3A_876, %dma_wait3A_877] : memref<10240x128xf32, #tpu.memory_space<vmem_shared>> -> memref<16x128xf32, #tpu.memory_space<vmem_shared>>
    tpu.wait_dma2 semaphore(%arg20 : memref<!tpu.dma_semaphore, #tpu.memory_space<semaphore_mem>>) src(%arg15 : memref<16x128xf32, #tpu.memory_space<vmem>>) dst(%dma_wait3A_878 : memref<16x128xf32, #tpu.memory_space<vmem_shared>>)
    %dma_wait3A_879 = arith.constant 0 : i32
    %dma_wait3A_880 = arith.constant 0 : i32
    %dma_wait3A_881 = tpu.memref_slice %arg16[%dma_wait3A_879, %dma_wait3A_880] : memref<10240x128xf32, #tpu.memory_space<vmem_shared>> -> memref<16x128xf32, #tpu.memory_space<vmem_shared>>
    %dma_wait3A_882 = arith.constant 0 : i32
    %dma_wait3A_883 = arith.constant 0 : i32
    %dma_wait3A_884 = tpu.memref_slice %arg16[%dma_wait3A_882, %dma_wait3A_883] : memref<10240x128xf32, #tpu.memory_space<vmem_shared>> -> memref<16x128xf32, #tpu.memory_space<vmem_shared>>
    tpu.wait_dma2 semaphore(%arg20 : memref<!tpu.dma_semaphore, #tpu.memory_space<semaphore_mem>>) src(%arg15 : memref<16x128xf32, #tpu.memory_space<vmem>>) dst(%dma_wait3A_884 : memref<16x128xf32, #tpu.memory_space<vmem_shared>>)
    %dma_wait3A_885 = arith.constant 0 : i32
    %dma_wait3A_886 = arith.constant 0 : i32
    %dma_wait3A_887 = tpu.memref_slice %arg16[%dma_wait3A_885, %dma_wait3A_886] : memref<10240x128xf32, #tpu.memory_space<vmem_shared>> -> memref<16x128xf32, #tpu.memory_space<vmem_shared>>
    %dma_wait3A_888 = arith.constant 0 : i32
    %dma_wait3A_889 = arith.constant 0 : i32
    %dma_wait3A_890 = tpu.memref_slice %arg16[%dma_wait3A_888, %dma_wait3A_889] : memref<10240x128xf32, #tpu.memory_space<vmem_shared>> -> memref<16x128xf32, #tpu.memory_space<vmem_shared>>
    tpu.wait_dma2 semaphore(%arg20 : memref<!tpu.dma_semaphore, #tpu.memory_space<semaphore_mem>>) src(%arg15 : memref<16x128xf32, #tpu.memory_space<vmem>>) dst(%dma_wait3A_890 : memref<16x128xf32, #tpu.memory_space<vmem_shared>>)
    %dma_wait3A_891 = arith.constant 0 : i32
    %dma_wait3A_892 = arith.constant 0 : i32
    %dma_wait3A_893 = tpu.memref_slice %arg16[%dma_wait3A_891, %dma_wait3A_892] : memref<10240x128xf32, #tpu.memory_space<vmem_shared>> -> memref<16x128xf32, #tpu.memory_space<vmem_shared>>
    %dma_wait3A_894 = arith.constant 0 : i32
    %dma_wait3A_895 = arith.constant 0 : i32
    %dma_wait3A_896 = tpu.memref_slice %arg16[%dma_wait3A_894, %dma_wait3A_895] : memref<10240x128xf32, #tpu.memory_space<vmem_shared>> -> memref<16x128xf32, #tpu.memory_space<vmem_shared>>
    tpu.wait_dma2 semaphore(%arg20 : memref<!tpu.dma_semaphore, #tpu.memory_space<semaphore_mem>>) src(%arg15 : memref<16x128xf32, #tpu.memory_space<vmem>>) dst(%dma_wait3A_896 : memref<16x128xf32, #tpu.memory_space<vmem_shared>>)
    %dma_wait3A_897 = arith.constant 0 : i32
    %dma_wait3A_898 = arith.constant 0 : i32
    %dma_wait3A_899 = tpu.memref_slice %arg16[%dma_wait3A_897, %dma_wait3A_898] : memref<10240x128xf32, #tpu.memory_space<vmem_shared>> -> memref<16x128xf32, #tpu.memory_space<vmem_shared>>
    %dma_wait3A_900 = arith.constant 0 : i32
    %dma_wait3A_901 = arith.constant 0 : i32
    %dma_wait3A_902 = tpu.memref_slice %arg16[%dma_wait3A_900, %dma_wait3A_901] : memref<10240x128xf32, #tpu.memory_space<vmem_shared>> -> memref<16x128xf32, #tpu.memory_space<vmem_shared>>
    tpu.wait_dma2 semaphore(%arg20 : memref<!tpu.dma_semaphore, #tpu.memory_space<semaphore_mem>>) src(%arg15 : memref<16x128xf32, #tpu.memory_space<vmem>>) dst(%dma_wait3A_902 : memref<16x128xf32, #tpu.memory_space<vmem_shared>>)
    %dma_wait3A_903 = arith.constant 0 : i32
    %dma_wait3A_904 = arith.constant 0 : i32
    %dma_wait3A_905 = tpu.memref_slice %arg16[%dma_wait3A_903, %dma_wait3A_904] : memref<10240x128xf32, #tpu.memory_space<vmem_shared>> -> memref<16x128xf32, #tpu.memory_space<vmem_shared>>
    %dma_wait3A_906 = arith.constant 0 : i32
    %dma_wait3A_907 = arith.constant 0 : i32
    %dma_wait3A_908 = tpu.memref_slice %arg16[%dma_wait3A_906, %dma_wait3A_907] : memref<10240x128xf32, #tpu.memory_space<vmem_shared>> -> memref<16x128xf32, #tpu.memory_space<vmem_shared>>
    tpu.wait_dma2 semaphore(%arg20 : memref<!tpu.dma_semaphore, #tpu.memory_space<semaphore_mem>>) src(%arg15 : memref<16x128xf32, #tpu.memory_space<vmem>>) dst(%dma_wait3A_908 : memref<16x128xf32, #tpu.memory_space<vmem_shared>>)
    %dma_wait3A_909 = arith.constant 0 : i32
    %dma_wait3A_910 = arith.constant 0 : i32
    %dma_wait3A_911 = tpu.memref_slice %arg16[%dma_wait3A_909, %dma_wait3A_910] : memref<10240x128xf32, #tpu.memory_space<vmem_shared>> -> memref<16x128xf32, #tpu.memory_space<vmem_shared>>
    %dma_wait3A_912 = arith.constant 0 : i32
    %dma_wait3A_913 = arith.constant 0 : i32
    %dma_wait3A_914 = tpu.memref_slice %arg16[%dma_wait3A_912, %dma_wait3A_913] : memref<10240x128xf32, #tpu.memory_space<vmem_shared>> -> memref<16x128xf32, #tpu.memory_space<vmem_shared>>
    tpu.wait_dma2 semaphore(%arg20 : memref<!tpu.dma_semaphore, #tpu.memory_space<semaphore_mem>>) src(%arg15 : memref<16x128xf32, #tpu.memory_space<vmem>>) dst(%dma_wait3A_914 : memref<16x128xf32, #tpu.memory_space<vmem_shared>>)
    %dma_wait3A_915 = arith.constant 0 : i32
    %dma_wait3A_916 = arith.constant 0 : i32
    %dma_wait3A_917 = tpu.memref_slice %arg16[%dma_wait3A_915, %dma_wait3A_916] : memref<10240x128xf32, #tpu.memory_space<vmem_shared>> -> memref<16x128xf32, #tpu.memory_space<vmem_shared>>
    %dma_wait3A_918 = arith.constant 0 : i32
    %dma_wait3A_919 = arith.constant 0 : i32
    %dma_wait3A_920 = tpu.memref_slice %arg16[%dma_wait3A_918, %dma_wait3A_919] : memref<10240x128xf32, #tpu.memory_space<vmem_shared>> -> memref<16x128xf32, #tpu.memory_space<vmem_shared>>
    tpu.wait_dma2 semaphore(%arg20 : memref<!tpu.dma_semaphore, #tpu.memory_space<semaphore_mem>>) src(%arg15 : memref<16x128xf32, #tpu.memory_space<vmem>>) dst(%dma_wait3A_920 : memref<16x128xf32, #tpu.memory_space<vmem_shared>>)
    %dma_wait3A_921 = arith.constant 0 : i32
    %dma_wait3A_922 = arith.constant 0 : i32
    %dma_wait3A_923 = tpu.memref_slice %arg16[%dma_wait3A_921, %dma_wait3A_922] : memref<10240x128xf32, #tpu.memory_space<vmem_shared>> -> memref<16x128xf32, #tpu.memory_space<vmem_shared>>
    %dma_wait3A_924 = arith.constant 0 : i32
    %dma_wait3A_925 = arith.constant 0 : i32
    %dma_wait3A_926 = tpu.memref_slice %arg16[%dma_wait3A_924, %dma_wait3A_925] : memref<10240x128xf32, #tpu.memory_space<vmem_shared>> -> memref<16x128xf32, #tpu.memory_space<vmem_shared>>
    tpu.wait_dma2 semaphore(%arg20 : memref<!tpu.dma_semaphore, #tpu.memory_space<semaphore_mem>>) src(%arg15 : memref<16x128xf32, #tpu.memory_space<vmem>>) dst(%dma_wait3A_926 : memref<16x128xf32, #tpu.memory_space<vmem_shared>>)
    %dma_wait3A_927 = arith.constant 0 : i32
    %dma_wait3A_928 = arith.constant 0 : i32
    %dma_wait3A_929 = tpu.memref_slice %arg16[%dma_wait3A_927, %dma_wait3A_928] : memref<10240x128xf32, #tpu.memory_space<vmem_shared>> -> memref<16x128xf32, #tpu.memory_space<vmem_shared>>
    %dma_wait3A_930 = arith.constant 0 : i32
    %dma_wait3A_931 = arith.constant 0 : i32
    %dma_wait3A_932 = tpu.memref_slice %arg16[%dma_wait3A_930, %dma_wait3A_931] : memref<10240x128xf32, #tpu.memory_space<vmem_shared>> -> memref<16x128xf32, #tpu.memory_space<vmem_shared>>
    tpu.wait_dma2 semaphore(%arg20 : memref<!tpu.dma_semaphore, #tpu.memory_space<semaphore_mem>>) src(%arg15 : memref<16x128xf32, #tpu.memory_space<vmem>>) dst(%dma_wait3A_932 : memref<16x128xf32, #tpu.memory_space<vmem_shared>>)
    %dma_wait3A_933 = arith.constant 0 : i32
    %dma_wait3A_934 = arith.constant 0 : i32
    %dma_wait3A_935 = tpu.memref_slice %arg16[%dma_wait3A_933, %dma_wait3A_934] : memref<10240x128xf32, #tpu.memory_space<vmem_shared>> -> memref<16x128xf32, #tpu.memory_space<vmem_shared>>
    %dma_wait3A_936 = arith.constant 0 : i32
    %dma_wait3A_937 = arith.constant 0 : i32
    %dma_wait3A_938 = tpu.memref_slice %arg16[%dma_wait3A_936, %dma_wait3A_937] : memref<10240x128xf32, #tpu.memory_space<vmem_shared>> -> memref<16x128xf32, #tpu.memory_space<vmem_shared>>
    tpu.wait_dma2 semaphore(%arg20 : memref<!tpu.dma_semaphore, #tpu.memory_space<semaphore_mem>>) src(%arg15 : memref<16x128xf32, #tpu.memory_space<vmem>>) dst(%dma_wait3A_938 : memref<16x128xf32, #tpu.memory_space<vmem_shared>>)
    %dma_wait3A_939 = arith.constant 0 : i32
    %dma_wait3A_940 = arith.constant 0 : i32
    %dma_wait3A_941 = tpu.memref_slice %arg16[%dma_wait3A_939, %dma_wait3A_940] : memref<10240x128xf32, #tpu.memory_space<vmem_shared>> -> memref<16x128xf32, #tpu.memory_space<vmem_shared>>
    %dma_wait3A_942 = arith.constant 0 : i32
    %dma_wait3A_943 = arith.constant 0 : i32
    %dma_wait3A_944 = tpu.memref_slice %arg16[%dma_wait3A_942, %dma_wait3A_943] : memref<10240x128xf32, #tpu.memory_space<vmem_shared>> -> memref<16x128xf32, #tpu.memory_space<vmem_shared>>
    tpu.wait_dma2 semaphore(%arg20 : memref<!tpu.dma_semaphore, #tpu.memory_space<semaphore_mem>>) src(%arg15 : memref<16x128xf32, #tpu.memory_space<vmem>>) dst(%dma_wait3A_944 : memref<16x128xf32, #tpu.memory_space<vmem_shared>>)
    %dma_wait3A_945 = arith.constant 0 : i32
    %dma_wait3A_946 = arith.constant 0 : i32
    %dma_wait3A_947 = tpu.memref_slice %arg16[%dma_wait3A_945, %dma_wait3A_946] : memref<10240x128xf32, #tpu.memory_space<vmem_shared>> -> memref<16x128xf32, #tpu.memory_space<vmem_shared>>
    %dma_wait3A_948 = arith.constant 0 : i32
    %dma_wait3A_949 = arith.constant 0 : i32
    %dma_wait3A_950 = tpu.memref_slice %arg16[%dma_wait3A_948, %dma_wait3A_949] : memref<10240x128xf32, #tpu.memory_space<vmem_shared>> -> memref<16x128xf32, #tpu.memory_space<vmem_shared>>
    tpu.wait_dma2 semaphore(%arg20 : memref<!tpu.dma_semaphore, #tpu.memory_space<semaphore_mem>>) src(%arg15 : memref<16x128xf32, #tpu.memory_space<vmem>>) dst(%dma_wait3A_950 : memref<16x128xf32, #tpu.memory_space<vmem_shared>>)
    %dma_wait3A_951 = arith.constant 0 : i32
    %dma_wait3A_952 = arith.constant 0 : i32
    %dma_wait3A_953 = tpu.memref_slice %arg16[%dma_wait3A_951, %dma_wait3A_952] : memref<10240x128xf32, #tpu.memory_space<vmem_shared>> -> memref<16x128xf32, #tpu.memory_space<vmem_shared>>
    %dma_wait3A_954 = arith.constant 0 : i32
    %dma_wait3A_955 = arith.constant 0 : i32
    %dma_wait3A_956 = tpu.memref_slice %arg16[%dma_wait3A_954, %dma_wait3A_955] : memref<10240x128xf32, #tpu.memory_space<vmem_shared>> -> memref<16x128xf32, #tpu.memory_space<vmem_shared>>
    tpu.wait_dma2 semaphore(%arg20 : memref<!tpu.dma_semaphore, #tpu.memory_space<semaphore_mem>>) src(%arg15 : memref<16x128xf32, #tpu.memory_space<vmem>>) dst(%dma_wait3A_956 : memref<16x128xf32, #tpu.memory_space<vmem_shared>>)
    %dma_wait3A_957 = arith.constant 0 : i32
    %dma_wait3A_958 = arith.constant 0 : i32
    %dma_wait3A_959 = tpu.memref_slice %arg16[%dma_wait3A_957, %dma_wait3A_958] : memref<10240x128xf32, #tpu.memory_space<vmem_shared>> -> memref<16x128xf32, #tpu.memory_space<vmem_shared>>
    %dma_wait3A_960 = arith.constant 0 : i32
    %dma_wait3A_961 = arith.constant 0 : i32
    %dma_wait3A_962 = tpu.memref_slice %arg16[%dma_wait3A_960, %dma_wait3A_961] : memref<10240x128xf32, #tpu.memory_space<vmem_shared>> -> memref<16x128xf32, #tpu.memory_space<vmem_shared>>
    tpu.wait_dma2 semaphore(%arg20 : memref<!tpu.dma_semaphore, #tpu.memory_space<semaphore_mem>>) src(%arg15 : memref<16x128xf32, #tpu.memory_space<vmem>>) dst(%dma_wait3A_962 : memref<16x128xf32, #tpu.memory_space<vmem_shared>>)
    %dma_wait3A_963 = arith.constant 0 : i32
    %dma_wait3A_964 = arith.constant 0 : i32
    %dma_wait3A_965 = tpu.memref_slice %arg16[%dma_wait3A_963, %dma_wait3A_964] : memref<10240x128xf32, #tpu.memory_space<vmem_shared>> -> memref<16x128xf32, #tpu.memory_space<vmem_shared>>
    %dma_wait3A_966 = arith.constant 0 : i32
    %dma_wait3A_967 = arith.constant 0 : i32
    %dma_wait3A_968 = tpu.memref_slice %arg16[%dma_wait3A_966, %dma_wait3A_967] : memref<10240x128xf32, #tpu.memory_space<vmem_shared>> -> memref<16x128xf32, #tpu.memory_space<vmem_shared>>
    tpu.wait_dma2 semaphore(%arg20 : memref<!tpu.dma_semaphore, #tpu.memory_space<semaphore_mem>>) src(%arg15 : memref<16x128xf32, #tpu.memory_space<vmem>>) dst(%dma_wait3A_968 : memref<16x128xf32, #tpu.memory_space<vmem_shared>>)
    %dma_wait3A_969 = arith.constant 0 : i32
    %dma_wait3A_970 = arith.constant 0 : i32
    %dma_wait3A_971 = tpu.memref_slice %arg16[%dma_wait3A_969, %dma_wait3A_970] : memref<10240x128xf32, #tpu.memory_space<vmem_shared>> -> memref<16x128xf32, #tpu.memory_space<vmem_shared>>
    %dma_wait3A_972 = arith.constant 0 : i32
    %dma_wait3A_973 = arith.constant 0 : i32
    %dma_wait3A_974 = tpu.memref_slice %arg16[%dma_wait3A_972, %dma_wait3A_973] : memref<10240x128xf32, #tpu.memory_space<vmem_shared>> -> memref<16x128xf32, #tpu.memory_space<vmem_shared>>
    tpu.wait_dma2 semaphore(%arg20 : memref<!tpu.dma_semaphore, #tpu.memory_space<semaphore_mem>>) src(%arg15 : memref<16x128xf32, #tpu.memory_space<vmem>>) dst(%dma_wait3A_974 : memref<16x128xf32, #tpu.memory_space<vmem_shared>>)
    %dma_wait3A_975 = arith.constant 0 : i32
    %dma_wait3A_976 = arith.constant 0 : i32
    %dma_wait3A_977 = tpu.memref_slice %arg16[%dma_wait3A_975, %dma_wait3A_976] : memref<10240x128xf32, #tpu.memory_space<vmem_shared>> -> memref<16x128xf32, #tpu.memory_space<vmem_shared>>
    %dma_wait3A_978 = arith.constant 0 : i32
    %dma_wait3A_979 = arith.constant 0 : i32
    %dma_wait3A_980 = tpu.memref_slice %arg16[%dma_wait3A_978, %dma_wait3A_979] : memref<10240x128xf32, #tpu.memory_space<vmem_shared>> -> memref<16x128xf32, #tpu.memory_space<vmem_shared>>
    tpu.wait_dma2 semaphore(%arg20 : memref<!tpu.dma_semaphore, #tpu.memory_space<semaphore_mem>>) src(%arg15 : memref<16x128xf32, #tpu.memory_space<vmem>>) dst(%dma_wait3A_980 : memref<16x128xf32, #tpu.memory_space<vmem_shared>>)
    %dma_wait3A_981 = arith.constant 0 : i32
    %dma_wait3A_982 = arith.constant 0 : i32
    %dma_wait3A_983 = tpu.memref_slice %arg16[%dma_wait3A_981, %dma_wait3A_982] : memref<10240x128xf32, #tpu.memory_space<vmem_shared>> -> memref<16x128xf32, #tpu.memory_space<vmem_shared>>
    %dma_wait3A_984 = arith.constant 0 : i32
    %dma_wait3A_985 = arith.constant 0 : i32
    %dma_wait3A_986 = tpu.memref_slice %arg16[%dma_wait3A_984, %dma_wait3A_985] : memref<10240x128xf32, #tpu.memory_space<vmem_shared>> -> memref<16x128xf32, #tpu.memory_space<vmem_shared>>
    tpu.wait_dma2 semaphore(%arg20 : memref<!tpu.dma_semaphore, #tpu.memory_space<semaphore_mem>>) src(%arg15 : memref<16x128xf32, #tpu.memory_space<vmem>>) dst(%dma_wait3A_986 : memref<16x128xf32, #tpu.memory_space<vmem_shared>>)
    %dma_wait3A_987 = arith.constant 0 : i32
    %dma_wait3A_988 = arith.constant 0 : i32
    %dma_wait3A_989 = tpu.memref_slice %arg16[%dma_wait3A_987, %dma_wait3A_988] : memref<10240x128xf32, #tpu.memory_space<vmem_shared>> -> memref<16x128xf32, #tpu.memory_space<vmem_shared>>
    %dma_wait3A_990 = arith.constant 0 : i32
    %dma_wait3A_991 = arith.constant 0 : i32
    %dma_wait3A_992 = tpu.memref_slice %arg16[%dma_wait3A_990, %dma_wait3A_991] : memref<10240x128xf32, #tpu.memory_space<vmem_shared>> -> memref<16x128xf32, #tpu.memory_space<vmem_shared>>
    tpu.wait_dma2 semaphore(%arg20 : memref<!tpu.dma_semaphore, #tpu.memory_space<semaphore_mem>>) src(%arg15 : memref<16x128xf32, #tpu.memory_space<vmem>>) dst(%dma_wait3A_992 : memref<16x128xf32, #tpu.memory_space<vmem_shared>>)
    %dma_wait3A_993 = arith.constant 0 : i32
    %dma_wait3A_994 = arith.constant 0 : i32
    %dma_wait3A_995 = tpu.memref_slice %arg16[%dma_wait3A_993, %dma_wait3A_994] : memref<10240x128xf32, #tpu.memory_space<vmem_shared>> -> memref<16x128xf32, #tpu.memory_space<vmem_shared>>
    %dma_wait3A_996 = arith.constant 0 : i32
    %dma_wait3A_997 = arith.constant 0 : i32
    %dma_wait3A_998 = tpu.memref_slice %arg16[%dma_wait3A_996, %dma_wait3A_997] : memref<10240x128xf32, #tpu.memory_space<vmem_shared>> -> memref<16x128xf32, #tpu.memory_space<vmem_shared>>
    tpu.wait_dma2 semaphore(%arg20 : memref<!tpu.dma_semaphore, #tpu.memory_space<semaphore_mem>>) src(%arg15 : memref<16x128xf32, #tpu.memory_space<vmem>>) dst(%dma_wait3A_998 : memref<16x128xf32, #tpu.memory_space<vmem_shared>>)
    %dma_wait3A_999 = arith.constant 0 : i32
    %dma_wait3A_1000 = arith.constant 0 : i32
    %dma_wait3A_1001 = tpu.memref_slice %arg16[%dma_wait3A_999, %dma_wait3A_1000] : memref<10240x128xf32, #tpu.memory_space<vmem_shared>> -> memref<16x128xf32, #tpu.memory_space<vmem_shared>>
    %dma_wait3A_1002 = arith.constant 0 : i32
    %dma_wait3A_1003 = arith.constant 0 : i32
    %dma_wait3A_1004 = tpu.memref_slice %arg16[%dma_wait3A_1002, %dma_wait3A_1003] : memref<10240x128xf32, #tpu.memory_space<vmem_shared>> -> memref<16x128xf32, #tpu.memory_space<vmem_shared>>
    tpu.wait_dma2 semaphore(%arg20 : memref<!tpu.dma_semaphore, #tpu.memory_space<semaphore_mem>>) src(%arg15 : memref<16x128xf32, #tpu.memory_space<vmem>>) dst(%dma_wait3A_1004 : memref<16x128xf32, #tpu.memory_space<vmem_shared>>)
    %dma_wait3A_1005 = arith.constant 0 : i32
    %dma_wait3A_1006 = arith.constant 0 : i32
    %dma_wait3A_1007 = tpu.memref_slice %arg16[%dma_wait3A_1005, %dma_wait3A_1006] : memref<10240x128xf32, #tpu.memory_space<vmem_shared>> -> memref<16x128xf32, #tpu.memory_space<vmem_shared>>
    %dma_wait3A_1008 = arith.constant 0 : i32
    %dma_wait3A_1009 = arith.constant 0 : i32
    %dma_wait3A_1010 = tpu.memref_slice %arg16[%dma_wait3A_1008, %dma_wait3A_1009] : memref<10240x128xf32, #tpu.memory_space<vmem_shared>> -> memref<16x128xf32, #tpu.memory_space<vmem_shared>>
    tpu.wait_dma2 semaphore(%arg20 : memref<!tpu.dma_semaphore, #tpu.memory_space<semaphore_mem>>) src(%arg15 : memref<16x128xf32, #tpu.memory_space<vmem>>) dst(%dma_wait3A_1010 : memref<16x128xf32, #tpu.memory_space<vmem_shared>>)
    %dma_wait3A_1011 = arith.constant 0 : i32
    %dma_wait3A_1012 = arith.constant 0 : i32
    %dma_wait3A_1013 = tpu.memref_slice %arg16[%dma_wait3A_1011, %dma_wait3A_1012] : memref<10240x128xf32, #tpu.memory_space<vmem_shared>> -> memref<16x128xf32, #tpu.memory_space<vmem_shared>>
    %dma_wait3A_1014 = arith.constant 0 : i32
    %dma_wait3A_1015 = arith.constant 0 : i32
    %dma_wait3A_1016 = tpu.memref_slice %arg16[%dma_wait3A_1014, %dma_wait3A_1015] : memref<10240x128xf32, #tpu.memory_space<vmem_shared>> -> memref<16x128xf32, #tpu.memory_space<vmem_shared>>
    tpu.wait_dma2 semaphore(%arg20 : memref<!tpu.dma_semaphore, #tpu.memory_space<semaphore_mem>>) src(%arg15 : memref<16x128xf32, #tpu.memory_space<vmem>>) dst(%dma_wait3A_1016 : memref<16x128xf32, #tpu.memory_space<vmem_shared>>)
    %dma_wait3A_1017 = arith.constant 0 : i32
    %dma_wait3A_1018 = arith.constant 0 : i32
    %dma_wait3A_1019 = tpu.memref_slice %arg16[%dma_wait3A_1017, %dma_wait3A_1018] : memref<10240x128xf32, #tpu.memory_space<vmem_shared>> -> memref<16x128xf32, #tpu.memory_space<vmem_shared>>
    %dma_wait3A_1020 = arith.constant 0 : i32
    %dma_wait3A_1021 = arith.constant 0 : i32
    %dma_wait3A_1022 = tpu.memref_slice %arg16[%dma_wait3A_1020, %dma_wait3A_1021] : memref<10240x128xf32, #tpu.memory_space<vmem_shared>> -> memref<16x128xf32, #tpu.memory_space<vmem_shared>>
    tpu.wait_dma2 semaphore(%arg20 : memref<!tpu.dma_semaphore, #tpu.memory_space<semaphore_mem>>) src(%arg15 : memref<16x128xf32, #tpu.memory_space<vmem>>) dst(%dma_wait3A_1022 : memref<16x128xf32, #tpu.memory_space<vmem_shared>>)
    %dma_wait3A_1023 = arith.constant 0 : i32
    %dma_wait3A_1024 = arith.constant 0 : i32
    %dma_wait3A_1025 = tpu.memref_slice %arg16[%dma_wait3A_1023, %dma_wait3A_1024] : memref<10240x128xf32, #tpu.memory_space<vmem_shared>> -> memref<16x128xf32, #tpu.memory_space<vmem_shared>>
    %dma_wait3A_1026 = arith.constant 0 : i32
    %dma_wait3A_1027 = arith.constant 0 : i32
    %dma_wait3A_1028 = tpu.memref_slice %arg16[%dma_wait3A_1026, %dma_wait3A_1027] : memref<10240x128xf32, #tpu.memory_space<vmem_shared>> -> memref<16x128xf32, #tpu.memory_space<vmem_shared>>
    tpu.wait_dma2 semaphore(%arg20 : memref<!tpu.dma_semaphore, #tpu.memory_space<semaphore_mem>>) src(%arg15 : memref<16x128xf32, #tpu.memory_space<vmem>>) dst(%dma_wait3A_1028 : memref<16x128xf32, #tpu.memory_space<vmem_shared>>)
    %dma_wait3A_1029 = arith.constant 0 : i32
    %dma_wait3A_1030 = arith.constant 0 : i32
    %dma_wait3A_1031 = tpu.memref_slice %arg16[%dma_wait3A_1029, %dma_wait3A_1030] : memref<10240x128xf32, #tpu.memory_space<vmem_shared>> -> memref<16x128xf32, #tpu.memory_space<vmem_shared>>
    %dma_wait3A_1032 = arith.constant 0 : i32
    %dma_wait3A_1033 = arith.constant 0 : i32
    %dma_wait3A_1034 = tpu.memref_slice %arg16[%dma_wait3A_1032, %dma_wait3A_1033] : memref<10240x128xf32, #tpu.memory_space<vmem_shared>> -> memref<16x128xf32, #tpu.memory_space<vmem_shared>>
    tpu.wait_dma2 semaphore(%arg20 : memref<!tpu.dma_semaphore, #tpu.memory_space<semaphore_mem>>) src(%arg15 : memref<16x128xf32, #tpu.memory_space<vmem>>) dst(%dma_wait3A_1034 : memref<16x128xf32, #tpu.memory_space<vmem_shared>>)
    %dma_wait3A_1035 = arith.constant 0 : i32
    %dma_wait3A_1036 = arith.constant 0 : i32
    %dma_wait3A_1037 = tpu.memref_slice %arg16[%dma_wait3A_1035, %dma_wait3A_1036] : memref<10240x128xf32, #tpu.memory_space<vmem_shared>> -> memref<16x128xf32, #tpu.memory_space<vmem_shared>>
    %dma_wait3A_1038 = arith.constant 0 : i32
    %dma_wait3A_1039 = arith.constant 0 : i32
    %dma_wait3A_1040 = tpu.memref_slice %arg16[%dma_wait3A_1038, %dma_wait3A_1039] : memref<10240x128xf32, #tpu.memory_space<vmem_shared>> -> memref<16x128xf32, #tpu.memory_space<vmem_shared>>
    tpu.wait_dma2 semaphore(%arg20 : memref<!tpu.dma_semaphore, #tpu.memory_space<semaphore_mem>>) src(%arg15 : memref<16x128xf32, #tpu.memory_space<vmem>>) dst(%dma_wait3A_1040 : memref<16x128xf32, #tpu.memory_space<vmem_shared>>)
    %dma_wait3A_1041 = arith.constant 0 : i32
    %dma_wait3A_1042 = arith.constant 0 : i32
    %dma_wait3A_1043 = tpu.memref_slice %arg16[%dma_wait3A_1041, %dma_wait3A_1042] : memref<10240x128xf32, #tpu.memory_space<vmem_shared>> -> memref<16x128xf32, #tpu.memory_space<vmem_shared>>
    %dma_wait3A_1044 = arith.constant 0 : i32
    %dma_wait3A_1045 = arith.constant 0 : i32
    %dma_wait3A_1046 = tpu.memref_slice %arg16[%dma_wait3A_1044, %dma_wait3A_1045] : memref<10240x128xf32, #tpu.memory_space<vmem_shared>> -> memref<16x128xf32, #tpu.memory_space<vmem_shared>>
    tpu.wait_dma2 semaphore(%arg20 : memref<!tpu.dma_semaphore, #tpu.memory_space<semaphore_mem>>) src(%arg15 : memref<16x128xf32, #tpu.memory_space<vmem>>) dst(%dma_wait3A_1046 : memref<16x128xf32, #tpu.memory_space<vmem_shared>>)
    %dma_wait3A_1047 = arith.constant 0 : i32
    %dma_wait3A_1048 = arith.constant 0 : i32
    %dma_wait3A_1049 = tpu.memref_slice %arg16[%dma_wait3A_1047, %dma_wait3A_1048] : memref<10240x128xf32, #tpu.memory_space<vmem_shared>> -> memref<16x128xf32, #tpu.memory_space<vmem_shared>>
    %dma_wait3A_1050 = arith.constant 0 : i32
    %dma_wait3A_1051 = arith.constant 0 : i32
    %dma_wait3A_1052 = tpu.memref_slice %arg16[%dma_wait3A_1050, %dma_wait3A_1051] : memref<10240x128xf32, #tpu.memory_space<vmem_shared>> -> memref<16x128xf32, #tpu.memory_space<vmem_shared>>
    tpu.wait_dma2 semaphore(%arg20 : memref<!tpu.dma_semaphore, #tpu.memory_space<semaphore_mem>>) src(%arg15 : memref<16x128xf32, #tpu.memory_space<vmem>>) dst(%dma_wait3A_1052 : memref<16x128xf32, #tpu.memory_space<vmem_shared>>)
    %dma_wait3A_1053 = arith.constant 0 : i32
    %dma_wait3A_1054 = arith.constant 0 : i32
    %dma_wait3A_1055 = tpu.memref_slice %arg16[%dma_wait3A_1053, %dma_wait3A_1054] : memref<10240x128xf32, #tpu.memory_space<vmem_shared>> -> memref<16x128xf32, #tpu.memory_space<vmem_shared>>
    %dma_wait3A_1056 = arith.constant 0 : i32
    %dma_wait3A_1057 = arith.constant 0 : i32
    %dma_wait3A_1058 = tpu.memref_slice %arg16[%dma_wait3A_1056, %dma_wait3A_1057] : memref<10240x128xf32, #tpu.memory_space<vmem_shared>> -> memref<16x128xf32, #tpu.memory_space<vmem_shared>>
    tpu.wait_dma2 semaphore(%arg20 : memref<!tpu.dma_semaphore, #tpu.memory_space<semaphore_mem>>) src(%arg15 : memref<16x128xf32, #tpu.memory_space<vmem>>) dst(%dma_wait3A_1058 : memref<16x128xf32, #tpu.memory_space<vmem_shared>>)
    %dma_wait3A_1059 = arith.constant 0 : i32
    %dma_wait3A_1060 = arith.constant 0 : i32
    %dma_wait3A_1061 = tpu.memref_slice %arg16[%dma_wait3A_1059, %dma_wait3A_1060] : memref<10240x128xf32, #tpu.memory_space<vmem_shared>> -> memref<16x128xf32, #tpu.memory_space<vmem_shared>>
    %dma_wait3A_1062 = arith.constant 0 : i32
    %dma_wait3A_1063 = arith.constant 0 : i32
    %dma_wait3A_1064 = tpu.memref_slice %arg16[%dma_wait3A_1062, %dma_wait3A_1063] : memref<10240x128xf32, #tpu.memory_space<vmem_shared>> -> memref<16x128xf32, #tpu.memory_space<vmem_shared>>
    tpu.wait_dma2 semaphore(%arg20 : memref<!tpu.dma_semaphore, #tpu.memory_space<semaphore_mem>>) src(%arg15 : memref<16x128xf32, #tpu.memory_space<vmem>>) dst(%dma_wait3A_1064 : memref<16x128xf32, #tpu.memory_space<vmem_shared>>)
    %dma_wait3A_1065 = arith.constant 0 : i32
    %dma_wait3A_1066 = arith.constant 0 : i32
    %dma_wait3A_1067 = tpu.memref_slice %arg16[%dma_wait3A_1065, %dma_wait3A_1066] : memref<10240x128xf32, #tpu.memory_space<vmem_shared>> -> memref<16x128xf32, #tpu.memory_space<vmem_shared>>
    %dma_wait3A_1068 = arith.constant 0 : i32
    %dma_wait3A_1069 = arith.constant 0 : i32
    %dma_wait3A_1070 = tpu.memref_slice %arg16[%dma_wait3A_1068, %dma_wait3A_1069] : memref<10240x128xf32, #tpu.memory_space<vmem_shared>> -> memref<16x128xf32, #tpu.memory_space<vmem_shared>>
    tpu.wait_dma2 semaphore(%arg20 : memref<!tpu.dma_semaphore, #tpu.memory_space<semaphore_mem>>) src(%arg15 : memref<16x128xf32, #tpu.memory_space<vmem>>) dst(%dma_wait3A_1070 : memref<16x128xf32, #tpu.memory_space<vmem_shared>>)
    %barrier3A = arith.constant 0 : index
    tpu.barrier barrier_id(%barrier3A)
    %add3A_1071 = arith.constant 0 : i32
    %add3A_1072 = arith.addi %add3A, %add3A_1071 : i32
    %mul3A_1073 = arith.constant 120 : i32
    %mul3A_1074 = arith.muli %add3A_1072, %mul3A_1073 : i32
    %dma_start3A_1075 = tpu.memref_slice %arg3[%mul3A_1074] : memref<337920xi32, #tpu.memory_space<hbm>> -> memref<120xi32, #tpu.memory_space<hbm>>
    %dma_start3A_1076 = tpu.memref_slice %arg3[%mul3A_1074] : memref<337920xi32, #tpu.memory_space<hbm>> -> memref<120xi32, #tpu.memory_space<hbm>>
    tpu.enqueue_dma source(%dma_start3A_1076 : memref<120xi32, #tpu.memory_space<hbm>>) target(%arg6 : memref<120xi32, #tpu.memory_space<vmem>>) target_semaphore(%arg17 : memref<!tpu.dma_semaphore, #tpu.memory_space<semaphore_mem>>)
    %dma_start3A_1077 = tpu.memref_slice %arg4[%mul3A_1074] : memref<337920xi32, #tpu.memory_space<hbm>> -> memref<120xi32, #tpu.memory_space<hbm>>
    %dma_start3A_1078 = tpu.memref_slice %arg4[%mul3A_1074] : memref<337920xi32, #tpu.memory_space<hbm>> -> memref<120xi32, #tpu.memory_space<hbm>>
    tpu.enqueue_dma source(%dma_start3A_1078 : memref<120xi32, #tpu.memory_space<hbm>>) target(%arg9 : memref<120xi32, #tpu.memory_space<vmem>>) target_semaphore(%arg17 : memref<!tpu.dma_semaphore, #tpu.memory_space<semaphore_mem>>)
    %add3A_1079 = arith.constant 32 : i32
    %add3A_1080 = arith.addi %add3A, %add3A_1079 : i32
    %mul3A_1081 = arith.constant 120 : i32
    %mul3A_1082 = arith.muli %add3A_1080, %mul3A_1081 : i32
    %dma_start3A_1083 = tpu.memref_slice %arg3[%mul3A_1082] : memref<337920xi32, #tpu.memory_space<hbm>> -> memref<120xi32, #tpu.memory_space<hbm>>
    %dma_start3A_1084 = tpu.memref_slice %arg3[%mul3A_1082] : memref<337920xi32, #tpu.memory_space<hbm>> -> memref<120xi32, #tpu.memory_space<hbm>>
    tpu.enqueue_dma source(%dma_start3A_1084 : memref<120xi32, #tpu.memory_space<hbm>>) target(%arg7 : memref<120xi32, #tpu.memory_space<vmem>>) target_semaphore(%arg18 : memref<!tpu.dma_semaphore, #tpu.memory_space<semaphore_mem>>)
    %dma_start3A_1085 = tpu.memref_slice %arg4[%mul3A_1082] : memref<337920xi32, #tpu.memory_space<hbm>> -> memref<120xi32, #tpu.memory_space<hbm>>
    %dma_start3A_1086 = tpu.memref_slice %arg4[%mul3A_1082] : memref<337920xi32, #tpu.memory_space<hbm>> -> memref<120xi32, #tpu.memory_space<hbm>>
    tpu.enqueue_dma source(%dma_start3A_1086 : memref<120xi32, #tpu.memory_space<hbm>>) target(%arg10 : memref<120xi32, #tpu.memory_space<vmem>>) target_semaphore(%arg18 : memref<!tpu.dma_semaphore, #tpu.memory_space<semaphore_mem>>)
    %add3A_1087 = arith.constant 64 : i32
    %add3A_1088 = arith.addi %add3A, %add3A_1087 : i32
    %mul3A_1089 = arith.constant 120 : i32
    %mul3A_1090 = arith.muli %add3A_1088, %mul3A_1089 : i32
    %dma_start3A_1091 = tpu.memref_slice %arg3[%mul3A_1090] : memref<337920xi32, #tpu.memory_space<hbm>> -> memref<120xi32, #tpu.memory_space<hbm>>
    %dma_start3A_1092 = tpu.memref_slice %arg3[%mul3A_1090] : memref<337920xi32, #tpu.memory_space<hbm>> -> memref<120xi32, #tpu.memory_space<hbm>>
    tpu.enqueue_dma source(%dma_start3A_1092 : memref<120xi32, #tpu.memory_space<hbm>>) target(%arg8 : memref<120xi32, #tpu.memory_space<vmem>>) target_semaphore(%arg19 : memref<!tpu.dma_semaphore, #tpu.memory_space<semaphore_mem>>)
    %dma_start3A_1093 = tpu.memref_slice %arg4[%mul3A_1090] : memref<337920xi32, #tpu.memory_space<hbm>> -> memref<120xi32, #tpu.memory_space<hbm>>
    %dma_start3A_1094 = tpu.memref_slice %arg4[%mul3A_1090] : memref<337920xi32, #tpu.memory_space<hbm>> -> memref<120xi32, #tpu.memory_space<hbm>>
    tpu.enqueue_dma source(%dma_start3A_1094 : memref<120xi32, #tpu.memory_space<hbm>>) target(%arg11 : memref<120xi32, #tpu.memory_space<vmem>>) target_semaphore(%arg19 : memref<!tpu.dma_semaphore, #tpu.memory_space<semaphore_mem>>)
    %dma_wait3A_1095 = arith.constant 0 : i32
    %dma_wait3A_1096 = tpu.memref_slice %arg3[%dma_wait3A_1095] : memref<337920xi32, #tpu.memory_space<hbm>> -> memref<120xi32, #tpu.memory_space<hbm>>
    %dma_wait3A_1097 = arith.constant 0 : i32
    %dma_wait3A_1098 = tpu.memref_slice %arg3[%dma_wait3A_1097] : memref<337920xi32, #tpu.memory_space<hbm>> -> memref<120xi32, #tpu.memory_space<hbm>>
    tpu.wait_dma2 semaphore(%arg17 : memref<!tpu.dma_semaphore, #tpu.memory_space<semaphore_mem>>) src(%dma_wait3A_1098 : memref<120xi32, #tpu.memory_space<hbm>>) dst(%arg6 : memref<120xi32, #tpu.memory_space<vmem>>)
    %dma_wait3A_1099 = arith.constant 0 : i32
    %dma_wait3A_1100 = tpu.memref_slice %arg4[%dma_wait3A_1099] : memref<337920xi32, #tpu.memory_space<hbm>> -> memref<120xi32, #tpu.memory_space<hbm>>
    %dma_wait3A_1101 = arith.constant 0 : i32
    %dma_wait3A_1102 = tpu.memref_slice %arg4[%dma_wait3A_1101] : memref<337920xi32, #tpu.memory_space<hbm>> -> memref<120xi32, #tpu.memory_space<hbm>>
    tpu.wait_dma2 semaphore(%arg17 : memref<!tpu.dma_semaphore, #tpu.memory_space<semaphore_mem>>) src(%dma_wait3A_1102 : memref<120xi32, #tpu.memory_space<hbm>>) dst(%arg9 : memref<120xi32, #tpu.memory_space<vmem>>)
    %dma_start3A_1103 = arith.constant 0 : i32
    %dma_start3A_1104 = arith.constant 0 : i32
    %dma_start3A_1105 = tpu.memref_slice %arg2[%dma_start3A_1103, %dma_start3A_1104] : memref<10240x128xf32, #tpu.memory_space<hbm>> -> memref<10240x128xf32, #tpu.memory_space<hbm>>
    tpu.enqueue_indirect_dma source(%dma_start3A_1105 : memref<10240x128xf32, #tpu.memory_space<hbm>>) target(%arg12 : memref<120x128xf32, #tpu.memory_space<vmem>>) offsets(%arg6 : memref<120xi32, #tpu.memory_space<vmem>>) semaphore(%arg20 : memref<!tpu.dma_semaphore, #tpu.memory_space<semaphore_mem>>)
    %dma_wait3A_1106 = arith.constant 0 : i32
    %dma_wait3A_1107 = tpu.memref_slice %arg3[%dma_wait3A_1106] : memref<337920xi32, #tpu.memory_space<hbm>> -> memref<120xi32, #tpu.memory_space<hbm>>
    %dma_wait3A_1108 = arith.constant 0 : i32
    %dma_wait3A_1109 = tpu.memref_slice %arg3[%dma_wait3A_1108] : memref<337920xi32, #tpu.memory_space<hbm>> -> memref<120xi32, #tpu.memory_space<hbm>>
    tpu.wait_dma2 semaphore(%arg18 : memref<!tpu.dma_semaphore, #tpu.memory_space<semaphore_mem>>) src(%dma_wait3A_1109 : memref<120xi32, #tpu.memory_space<hbm>>) dst(%arg7 : memref<120xi32, #tpu.memory_space<vmem>>)
    %dma_wait3A_1110 = arith.constant 0 : i32
    %dma_wait3A_1111 = tpu.memref_slice %arg4[%dma_wait3A_1110] : memref<337920xi32, #tpu.memory_space<hbm>> -> memref<120xi32, #tpu.memory_space<hbm>>
    %dma_wait3A_1112 = arith.constant 0 : i32
    %dma_wait3A_1113 = tpu.memref_slice %arg4[%dma_wait3A_1112] : memref<337920xi32, #tpu.memory_space<hbm>> -> memref<120xi32, #tpu.memory_space<hbm>>
    tpu.wait_dma2 semaphore(%arg18 : memref<!tpu.dma_semaphore, #tpu.memory_space<semaphore_mem>>) src(%dma_wait3A_1113 : memref<120xi32, #tpu.memory_space<hbm>>) dst(%arg10 : memref<120xi32, #tpu.memory_space<vmem>>)
    %dma_start3A_1114 = arith.constant 0 : i32
    %dma_start3A_1115 = arith.constant 0 : i32
    %dma_start3A_1116 = tpu.memref_slice %arg2[%dma_start3A_1114, %dma_start3A_1115] : memref<10240x128xf32, #tpu.memory_space<hbm>> -> memref<10240x128xf32, #tpu.memory_space<hbm>>
    tpu.enqueue_indirect_dma source(%dma_start3A_1116 : memref<10240x128xf32, #tpu.memory_space<hbm>>) target(%arg13 : memref<120x128xf32, #tpu.memory_space<vmem>>) offsets(%arg7 : memref<120xi32, #tpu.memory_space<vmem>>) semaphore(%arg21 : memref<!tpu.dma_semaphore, #tpu.memory_space<semaphore_mem>>)
    %scan3A = arith.constant 0 : i32
    %scan3A_1117 = arith.constant 0 : i32
    %scan3A_1118 = arith.constant 28 : i32
    %scan3A_1119 = arith.addi %scan3A_1117, %scan3A_1118 : i32
    %scan3A_1120 = arith.constant 1 : i32
    scf.for %scan3A_1223 = %scan3A_1117 to %scan3A_1119 step %scan3A_1120  : i32 {
      %mul3A_1224 = arith.constant 3 : i32
      %mul3A_1225 = arith.muli %mul3A_1224, %scan3A_1223 : i32
      %dma_wait3A_1226 = arith.constant 0 : i32
      %dma_wait3A_1227 = arith.constant 0 : i32
      %dma_wait3A_1228 = tpu.memref_slice %arg2[%dma_wait3A_1226, %dma_wait3A_1227] : memref<10240x128xf32, #tpu.memory_space<hbm>> -> memref<120x128xf32, #tpu.memory_space<hbm>>
      %dma_wait3A_1229 = arith.constant 0 : i32
      %dma_wait3A_1230 = arith.constant 0 : i32
      %dma_wait3A_1231 = tpu.memref_slice %arg2[%dma_wait3A_1229, %dma_wait3A_1230] : memref<10240x128xf32, #tpu.memory_space<hbm>> -> memref<120x128xf32, #tpu.memory_space<hbm>>
      tpu.wait_dma2 semaphore(%arg20 : memref<!tpu.dma_semaphore, #tpu.memory_space<semaphore_mem>>) src(%dma_wait3A_1231 : memref<120x128xf32, #tpu.memory_space<hbm>>) dst(%arg12 : memref<120x128xf32, #tpu.memory_space<vmem>>)
      %dma_wait3A_1232 = arith.constant 0 : i32
      %dma_wait3A_1233 = tpu.memref_slice %arg3[%dma_wait3A_1232] : memref<337920xi32, #tpu.memory_space<hbm>> -> memref<120xi32, #tpu.memory_space<hbm>>
      %dma_wait3A_1234 = arith.constant 0 : i32
      %dma_wait3A_1235 = tpu.memref_slice %arg3[%dma_wait3A_1234] : memref<337920xi32, #tpu.memory_space<hbm>> -> memref<120xi32, #tpu.memory_space<hbm>>
      tpu.wait_dma2 semaphore(%arg19 : memref<!tpu.dma_semaphore, #tpu.memory_space<semaphore_mem>>) src(%dma_wait3A_1235 : memref<120xi32, #tpu.memory_space<hbm>>) dst(%arg8 : memref<120xi32, #tpu.memory_space<vmem>>)
      %dma_wait3A_1236 = arith.constant 0 : i32
      %dma_wait3A_1237 = tpu.memref_slice %arg4[%dma_wait3A_1236] : memref<337920xi32, #tpu.memory_space<hbm>> -> memref<120xi32, #tpu.memory_space<hbm>>
      %dma_wait3A_1238 = arith.constant 0 : i32
      %dma_wait3A_1239 = tpu.memref_slice %arg4[%dma_wait3A_1238] : memref<337920xi32, #tpu.memory_space<hbm>> -> memref<120xi32, #tpu.memory_space<hbm>>
      tpu.wait_dma2 semaphore(%arg19 : memref<!tpu.dma_semaphore, #tpu.memory_space<semaphore_mem>>) src(%dma_wait3A_1239 : memref<120xi32, #tpu.memory_space<hbm>>) dst(%arg11 : memref<120xi32, #tpu.memory_space<vmem>>)
      %dma_start3A_1240 = arith.constant 0 : i32
      %dma_start3A_1241 = arith.constant 0 : i32
      %dma_start3A_1242 = tpu.memref_slice %arg2[%dma_start3A_1240, %dma_start3A_1241] : memref<10240x128xf32, #tpu.memory_space<hbm>> -> memref<10240x128xf32, #tpu.memory_space<hbm>>
      tpu.enqueue_indirect_dma source(%dma_start3A_1242 : memref<10240x128xf32, #tpu.memory_space<hbm>>) target(%arg14 : memref<120x128xf32, #tpu.memory_space<vmem>>) offsets(%arg8 : memref<120xi32, #tpu.memory_space<vmem>>) semaphore(%arg22 : memref<!tpu.dma_semaphore, #tpu.memory_space<semaphore_mem>>)
      "tpu.region"() ({
        %run_scoped3A = tpu.sem_alloc : memref<!tpu.dma_semaphore, #tpu.memory_space<semaphore_mem>>
        %dma_start3A_1316 = arith.constant 0 : i32
        %dma_start3A_1317 = arith.constant 0 : i32
        %dma_start3A_1318 = tpu.memref_slice %arg16[%dma_start3A_1316, %dma_start3A_1317] : memref<10240x128xf32, #tpu.memory_space<vmem_shared>> -> memref<10240x128xf32, #tpu.memory_space<vmem_shared>>
        tpu.enqueue_indirect_dma source(%arg12 : memref<120x128xf32, #tpu.memory_space<vmem>>) target(%dma_start3A_1318 : memref<10240x128xf32, #tpu.memory_space<vmem_shared>>) offsets(%arg9 : memref<120xi32, #tpu.memory_space<vmem>>) semaphore(%run_scoped3A : memref<!tpu.dma_semaphore, #tpu.memory_space<semaphore_mem>>) {add = true}
        %dma_wait3A_1319 = arith.constant 0 : i32
        %dma_wait3A_1320 = arith.constant 0 : i32
        %dma_wait3A_1321 = tpu.memref_slice %arg16[%dma_wait3A_1319, %dma_wait3A_1320] : memref<10240x128xf32, #tpu.memory_space<vmem_shared>> -> memref<10240x128xf32, #tpu.memory_space<vmem_shared>>
        tpu.wait_indirect_dma semaphore(%run_scoped3A : memref<!tpu.dma_semaphore, #tpu.memory_space<semaphore_mem>>) src(%arg12 : memref<120x128xf32, #tpu.memory_space<vmem>>) dst(%dma_wait3A_1321 : memref<10240x128xf32, #tpu.memory_space<vmem_shared>>)
        tpu.yield
      }) : () -> ()
      %add3A_1243 = arith.constant 0 : i32
      %add3A_1244 = arith.addi %mul3A_1225, %add3A_1243 : i32
      %add3A_1245 = arith.constant 3 : i32
      %add3A_1246 = arith.addi %add3A_1244, %add3A_1245 : i32
      %mul3A_1247 = arith.constant 32 : i32
      %mul3A_1248 = arith.muli %mul3A_1247, %add3A_1246 : i32
      %add3A_1249 = arith.addi %add3A, %mul3A_1248 : i32
      %mul3A_1250 = arith.constant 120 : i32
      %mul3A_1251 = arith.muli %add3A_1249, %mul3A_1250 : i32
      %dma_start3A_1252 = tpu.memref_slice %arg3[%mul3A_1251] : memref<337920xi32, #tpu.memory_space<hbm>> -> memref<120xi32, #tpu.memory_space<hbm>>
      %dma_start3A_1253 = tpu.memref_slice %arg3[%mul3A_1251] : memref<337920xi32, #tpu.memory_space<hbm>> -> memref<120xi32, #tpu.memory_space<hbm>>
      tpu.enqueue_dma source(%dma_start3A_1253 : memref<120xi32, #tpu.memory_space<hbm>>) target(%arg6 : memref<120xi32, #tpu.memory_space<vmem>>) target_semaphore(%arg17 : memref<!tpu.dma_semaphore, #tpu.memory_space<semaphore_mem>>)
      %dma_start3A_1254 = tpu.memref_slice %arg4[%mul3A_1251] : memref<337920xi32, #tpu.memory_space<hbm>> -> memref<120xi32, #tpu.memory_space<hbm>>
      %dma_start3A_1255 = tpu.memref_slice %arg4[%mul3A_1251] : memref<337920xi32, #tpu.memory_space<hbm>> -> memref<120xi32, #tpu.memory_space<hbm>>
      tpu.enqueue_dma source(%dma_start3A_1255 : memref<120xi32, #tpu.memory_space<hbm>>) target(%arg9 : memref<120xi32, #tpu.memory_space<vmem>>) target_semaphore(%arg17 : memref<!tpu.dma_semaphore, #tpu.memory_space<semaphore_mem>>)
      %dma_wait3A_1256 = arith.constant 0 : i32
      %dma_wait3A_1257 = arith.constant 0 : i32
      %dma_wait3A_1258 = tpu.memref_slice %arg2[%dma_wait3A_1256, %dma_wait3A_1257] : memref<10240x128xf32, #tpu.memory_space<hbm>> -> memref<120x128xf32, #tpu.memory_space<hbm>>
      %dma_wait3A_1259 = arith.constant 0 : i32
      %dma_wait3A_1260 = arith.constant 0 : i32
      %dma_wait3A_1261 = tpu.memref_slice %arg2[%dma_wait3A_1259, %dma_wait3A_1260] : memref<10240x128xf32, #tpu.memory_space<hbm>> -> memref<120x128xf32, #tpu.memory_space<hbm>>
      tpu.wait_dma2 semaphore(%arg21 : memref<!tpu.dma_semaphore, #tpu.memory_space<semaphore_mem>>) src(%dma_wait3A_1261 : memref<120x128xf32, #tpu.memory_space<hbm>>) dst(%arg13 : memref<120x128xf32, #tpu.memory_space<vmem>>)
      %dma_wait3A_1262 = arith.constant 0 : i32
      %dma_wait3A_1263 = tpu.memref_slice %arg3[%dma_wait3A_1262] : memref<337920xi32, #tpu.memory_space<hbm>> -> memref<120xi32, #tpu.memory_space<hbm>>
      %dma_wait3A_1264 = arith.constant 0 : i32
      %dma_wait3A_1265 = tpu.memref_slice %arg3[%dma_wait3A_1264] : memref<337920xi32, #tpu.memory_space<hbm>> -> memref<120xi32, #tpu.memory_space<hbm>>
      tpu.wait_dma2 semaphore(%arg17 : memref<!tpu.dma_semaphore, #tpu.memory_space<semaphore_mem>>) src(%dma_wait3A_1265 : memref<120xi32, #tpu.memory_space<hbm>>) dst(%arg6 : memref<120xi32, #tpu.memory_space<vmem>>)
      %dma_wait3A_1266 = arith.constant 0 : i32
      %dma_wait3A_1267 = tpu.memref_slice %arg4[%dma_wait3A_1266] : memref<337920xi32, #tpu.memory_space<hbm>> -> memref<120xi32, #tpu.memory_space<hbm>>
      %dma_wait3A_1268 = arith.constant 0 : i32
      %dma_wait3A_1269 = tpu.memref_slice %arg4[%dma_wait3A_1268] : memref<337920xi32, #tpu.memory_space<hbm>> -> memref<120xi32, #tpu.memory_space<hbm>>
      tpu.wait_dma2 semaphore(%arg17 : memref<!tpu.dma_semaphore, #tpu.memory_space<semaphore_mem>>) src(%dma_wait3A_1269 : memref<120xi32, #tpu.memory_space<hbm>>) dst(%arg9 : memref<120xi32, #tpu.memory_space<vmem>>)
      %dma_start3A_1270 = arith.constant 0 : i32
      %dma_start3A_1271 = arith.constant 0 : i32
      %dma_start3A_1272 = tpu.memref_slice %arg2[%dma_start3A_1270, %dma_start3A_1271] : memref<10240x128xf32, #tpu.memory_space<hbm>> -> memref<10240x128xf32, #tpu.memory_space<hbm>>
      tpu.enqueue_indirect_dma source(%dma_start3A_1272 : memref<10240x128xf32, #tpu.memory_space<hbm>>) target(%arg12 : memref<120x128xf32, #tpu.memory_space<vmem>>) offsets(%arg6 : memref<120xi32, #tpu.memory_space<vmem>>) semaphore(%arg20 : memref<!tpu.dma_semaphore, #tpu.memory_space<semaphore_mem>>)
      "tpu.region"() ({
        %run_scoped3A = tpu.sem_alloc : memref<!tpu.dma_semaphore, #tpu.memory_space<semaphore_mem>>
        %dma_start3A_1316 = arith.constant 0 : i32
        %dma_start3A_1317 = arith.constant 0 : i32
        %dma_start3A_1318 = tpu.memref_slice %arg16[%dma_start3A_1316, %dma_start3A_1317] : memref<10240x128xf32, #tpu.memory_space<vmem_shared>> -> memref<10240x128xf32, #tpu.memory_space<vmem_shared>>
        tpu.enqueue_indirect_dma source(%arg13 : memref<120x128xf32, #tpu.memory_space<vmem>>) target(%dma_start3A_1318 : memref<10240x128xf32, #tpu.memory_space<vmem_shared>>) offsets(%arg10 : memref<120xi32, #tpu.memory_space<vmem>>) semaphore(%run_scoped3A : memref<!tpu.dma_semaphore, #tpu.memory_space<semaphore_mem>>) {add = true}
        %dma_wait3A_1319 = arith.constant 0 : i32
        %dma_wait3A_1320 = arith.constant 0 : i32
        %dma_wait3A_1321 = tpu.memref_slice %arg16[%dma_wait3A_1319, %dma_wait3A_1320] : memref<10240x128xf32, #tpu.memory_space<vmem_shared>> -> memref<10240x128xf32, #tpu.memory_space<vmem_shared>>
        tpu.wait_indirect_dma semaphore(%run_scoped3A : memref<!tpu.dma_semaphore, #tpu.memory_space<semaphore_mem>>) src(%arg13 : memref<120x128xf32, #tpu.memory_space<vmem>>) dst(%dma_wait3A_1321 : memref<10240x128xf32, #tpu.memory_space<vmem_shared>>)
        tpu.yield
      }) : () -> ()
      %add3A_1273 = arith.constant 1 : i32
      %add3A_1274 = arith.addi %mul3A_1225, %add3A_1273 : i32
      %add3A_1275 = arith.constant 3 : i32
      %add3A_1276 = arith.addi %add3A_1274, %add3A_1275 : i32
      %mul3A_1277 = arith.constant 32 : i32
      %mul3A_1278 = arith.muli %mul3A_1277, %add3A_1276 : i32
      %add3A_1279 = arith.addi %add3A, %mul3A_1278 : i32
      %mul3A_1280 = arith.constant 120 : i32
      %mul3A_1281 = arith.muli %add3A_1279, %mul3A_1280 : i32
      %dma_start3A_1282 = tpu.memref_slice %arg3[%mul3A_1281] : memref<337920xi32, #tpu.memory_space<hbm>> -> memref<120xi32, #tpu.memory_space<hbm>>
      %dma_start3A_1283 = tpu.memref_slice %arg3[%mul3A_1281] : memref<337920xi32, #tpu.memory_space<hbm>> -> memref<120xi32, #tpu.memory_space<hbm>>
      tpu.enqueue_dma source(%dma_start3A_1283 : memref<120xi32, #tpu.memory_space<hbm>>) target(%arg7 : memref<120xi32, #tpu.memory_space<vmem>>) target_semaphore(%arg18 : memref<!tpu.dma_semaphore, #tpu.memory_space<semaphore_mem>>)
      %dma_start3A_1284 = tpu.memref_slice %arg4[%mul3A_1281] : memref<337920xi32, #tpu.memory_space<hbm>> -> memref<120xi32, #tpu.memory_space<hbm>>
      %dma_start3A_1285 = tpu.memref_slice %arg4[%mul3A_1281] : memref<337920xi32, #tpu.memory_space<hbm>> -> memref<120xi32, #tpu.memory_space<hbm>>
      tpu.enqueue_dma source(%dma_start3A_1285 : memref<120xi32, #tpu.memory_space<hbm>>) target(%arg10 : memref<120xi32, #tpu.memory_space<vmem>>) target_semaphore(%arg18 : memref<!tpu.dma_semaphore, #tpu.memory_space<semaphore_mem>>)
      %dma_wait3A_1286 = arith.constant 0 : i32
      %dma_wait3A_1287 = arith.constant 0 : i32
      %dma_wait3A_1288 = tpu.memref_slice %arg2[%dma_wait3A_1286, %dma_wait3A_1287] : memref<10240x128xf32, #tpu.memory_space<hbm>> -> memref<120x128xf32, #tpu.memory_space<hbm>>
      %dma_wait3A_1289 = arith.constant 0 : i32
      %dma_wait3A_1290 = arith.constant 0 : i32
      %dma_wait3A_1291 = tpu.memref_slice %arg2[%dma_wait3A_1289, %dma_wait3A_1290] : memref<10240x128xf32, #tpu.memory_space<hbm>> -> memref<120x128xf32, #tpu.memory_space<hbm>>
      tpu.wait_dma2 semaphore(%arg22 : memref<!tpu.dma_semaphore, #tpu.memory_space<semaphore_mem>>) src(%dma_wait3A_1291 : memref<120x128xf32, #tpu.memory_space<hbm>>) dst(%arg14 : memref<120x128xf32, #tpu.memory_space<vmem>>)
      %dma_wait3A_1292 = arith.constant 0 : i32
      %dma_wait3A_1293 = tpu.memref_slice %arg3[%dma_wait3A_1292] : memref<337920xi32, #tpu.memory_space<hbm>> -> memref<120xi32, #tpu.memory_space<hbm>>
      %dma_wait3A_1294 = arith.constant 0 : i32
      %dma_wait3A_1295 = tpu.memref_slice %arg3[%dma_wait3A_1294] : memref<337920xi32, #tpu.memory_space<hbm>> -> memref<120xi32, #tpu.memory_space<hbm>>
      tpu.wait_dma2 semaphore(%arg18 : memref<!tpu.dma_semaphore, #tpu.memory_space<semaphore_mem>>) src(%dma_wait3A_1295 : memref<120xi32, #tpu.memory_space<hbm>>) dst(%arg7 : memref<120xi32, #tpu.memory_space<vmem>>)
      %dma_wait3A_1296 = arith.constant 0 : i32
      %dma_wait3A_1297 = tpu.memref_slice %arg4[%dma_wait3A_1296] : memref<337920xi32, #tpu.memory_space<hbm>> -> memref<120xi32, #tpu.memory_space<hbm>>
      %dma_wait3A_1298 = arith.constant 0 : i32
      %dma_wait3A_1299 = tpu.memref_slice %arg4[%dma_wait3A_1298] : memref<337920xi32, #tpu.memory_space<hbm>> -> memref<120xi32, #tpu.memory_space<hbm>>
      tpu.wait_dma2 semaphore(%arg18 : memref<!tpu.dma_semaphore, #tpu.memory_space<semaphore_mem>>) src(%dma_wait3A_1299 : memref<120xi32, #tpu.memory_space<hbm>>) dst(%arg10 : memref<120xi32, #tpu.memory_space<vmem>>)
      %dma_start3A_1300 = arith.constant 0 : i32
      %dma_start3A_1301 = arith.constant 0 : i32
      %dma_start3A_1302 = tpu.memref_slice %arg2[%dma_start3A_1300, %dma_start3A_1301] : memref<10240x128xf32, #tpu.memory_space<hbm>> -> memref<10240x128xf32, #tpu.memory_space<hbm>>
      tpu.enqueue_indirect_dma source(%dma_start3A_1302 : memref<10240x128xf32, #tpu.memory_space<hbm>>) target(%arg13 : memref<120x128xf32, #tpu.memory_space<vmem>>) offsets(%arg7 : memref<120xi32, #tpu.memory_space<vmem>>) semaphore(%arg21 : memref<!tpu.dma_semaphore, #tpu.memory_space<semaphore_mem>>)
      "tpu.region"() ({
        %run_scoped3A = tpu.sem_alloc : memref<!tpu.dma_semaphore, #tpu.memory_space<semaphore_mem>>
        %dma_start3A_1316 = arith.constant 0 : i32
        %dma_start3A_1317 = arith.constant 0 : i32
        %dma_start3A_1318 = tpu.memref_slice %arg16[%dma_start3A_1316, %dma_start3A_1317] : memref<10240x128xf32, #tpu.memory_space<vmem_shared>> -> memref<10240x128xf32, #tpu.memory_space<vmem_shared>>
        tpu.enqueue_indirect_dma source(%arg14 : memref<120x128xf32, #tpu.memory_space<vmem>>) target(%dma_start3A_1318 : memref<10240x128xf32, #tpu.memory_space<vmem_shared>>) offsets(%arg11 : memref<120xi32, #tpu.memory_space<vmem>>) semaphore(%run_scoped3A : memref<!tpu.dma_semaphore, #tpu.memory_space<semaphore_mem>>) {add = true}
        %dma_wait3A_1319 = arith.constant 0 : i32
        %dma_wait3A_1320 = arith.constant 0 : i32
        %dma_wait3A_1321 = tpu.memref_slice %arg16[%dma_wait3A_1319, %dma_wait3A_1320] : memref<10240x128xf32, #tpu.memory_space<vmem_shared>> -> memref<10240x128xf32, #tpu.memory_space<vmem_shared>>
        tpu.wait_indirect_dma semaphore(%run_scoped3A : memref<!tpu.dma_semaphore, #tpu.memory_space<semaphore_mem>>) src(%arg14 : memref<120x128xf32, #tpu.memory_space<vmem>>) dst(%dma_wait3A_1321 : memref<10240x128xf32, #tpu.memory_space<vmem_shared>>)
        tpu.yield
      }) : () -> ()
      %add3A_1303 = arith.constant 2 : i32
      %add3A_1304 = arith.addi %mul3A_1225, %add3A_1303 : i32
      %add3A_1305 = arith.constant 3 : i32
      %add3A_1306 = arith.addi %add3A_1304, %add3A_1305 : i32
      %mul3A_1307 = arith.constant 32 : i32
      %mul3A_1308 = arith.muli %mul3A_1307, %add3A_1306 : i32
      %add3A_1309 = arith.addi %add3A, %mul3A_1308 : i32
      %mul3A_1310 = arith.constant 120 : i32
      %mul3A_1311 = arith.muli %add3A_1309, %mul3A_1310 : i32
      %dma_start3A_1312 = tpu.memref_slice %arg3[%mul3A_1311] : memref<337920xi32, #tpu.memory_space<hbm>> -> memref<120xi32, #tpu.memory_space<hbm>>
      %dma_start3A_1313 = tpu.memref_slice %arg3[%mul3A_1311] : memref<337920xi32, #tpu.memory_space<hbm>> -> memref<120xi32, #tpu.memory_space<hbm>>
      tpu.enqueue_dma source(%dma_start3A_1313 : memref<120xi32, #tpu.memory_space<hbm>>) target(%arg8 : memref<120xi32, #tpu.memory_space<vmem>>) target_semaphore(%arg19 : memref<!tpu.dma_semaphore, #tpu.memory_space<semaphore_mem>>)
      %dma_start3A_1314 = tpu.memref_slice %arg4[%mul3A_1311] : memref<337920xi32, #tpu.memory_space<hbm>> -> memref<120xi32, #tpu.memory_space<hbm>>
      %dma_start3A_1315 = tpu.memref_slice %arg4[%mul3A_1311] : memref<337920xi32, #tpu.memory_space<hbm>> -> memref<120xi32, #tpu.memory_space<hbm>>
      tpu.enqueue_dma source(%dma_start3A_1315 : memref<120xi32, #tpu.memory_space<hbm>>) target(%arg11 : memref<120xi32, #tpu.memory_space<vmem>>) target_semaphore(%arg19 : memref<!tpu.dma_semaphore, #tpu.memory_space<semaphore_mem>>)
    }
    %scan3A_1121 = arith.constant 28 : i32
    %dma_wait3A_1122 = arith.constant 0 : i32
    %dma_wait3A_1123 = arith.constant 0 : i32
    %dma_wait3A_1124 = tpu.memref_slice %arg2[%dma_wait3A_1122, %dma_wait3A_1123] : memref<10240x128xf32, #tpu.memory_space<hbm>> -> memref<120x128xf32, #tpu.memory_space<hbm>>
    %dma_wait3A_1125 = arith.constant 0 : i32
    %dma_wait3A_1126 = arith.constant 0 : i32
    %dma_wait3A_1127 = tpu.memref_slice %arg2[%dma_wait3A_1125, %dma_wait3A_1126] : memref<10240x128xf32, #tpu.memory_space<hbm>> -> memref<120x128xf32, #tpu.memory_space<hbm>>
    tpu.wait_dma2 semaphore(%arg20 : memref<!tpu.dma_semaphore, #tpu.memory_space<semaphore_mem>>) src(%dma_wait3A_1127 : memref<120x128xf32, #tpu.memory_space<hbm>>) dst(%arg12 : memref<120x128xf32, #tpu.memory_space<vmem>>)
    %dma_wait3A_1128 = arith.constant 0 : i32
    %dma_wait3A_1129 = arith.constant 0 : i32
    %dma_wait3A_1130 = tpu.memref_slice %arg2[%dma_wait3A_1128, %dma_wait3A_1129] : memref<10240x128xf32, #tpu.memory_space<hbm>> -> memref<120x128xf32, #tpu.memory_space<hbm>>
    %dma_wait3A_1131 = arith.constant 0 : i32
    %dma_wait3A_1132 = arith.constant 0 : i32
    %dma_wait3A_1133 = tpu.memref_slice %arg2[%dma_wait3A_1131, %dma_wait3A_1132] : memref<10240x128xf32, #tpu.memory_space<hbm>> -> memref<120x128xf32, #tpu.memory_space<hbm>>
    tpu.wait_dma2 semaphore(%arg21 : memref<!tpu.dma_semaphore, #tpu.memory_space<semaphore_mem>>) src(%dma_wait3A_1133 : memref<120x128xf32, #tpu.memory_space<hbm>>) dst(%arg13 : memref<120x128xf32, #tpu.memory_space<vmem>>)
    %dma_wait3A_1134 = arith.constant 0 : i32
    %dma_wait3A_1135 = tpu.memref_slice %arg3[%dma_wait3A_1134] : memref<337920xi32, #tpu.memory_space<hbm>> -> memref<120xi32, #tpu.memory_space<hbm>>
    %dma_wait3A_1136 = arith.constant 0 : i32
    %dma_wait3A_1137 = tpu.memref_slice %arg3[%dma_wait3A_1136] : memref<337920xi32, #tpu.memory_space<hbm>> -> memref<120xi32, #tpu.memory_space<hbm>>
    tpu.wait_dma2 semaphore(%arg19 : memref<!tpu.dma_semaphore, #tpu.memory_space<semaphore_mem>>) src(%dma_wait3A_1137 : memref<120xi32, #tpu.memory_space<hbm>>) dst(%arg8 : memref<120xi32, #tpu.memory_space<vmem>>)
    %dma_wait3A_1138 = arith.constant 0 : i32
    %dma_wait3A_1139 = tpu.memref_slice %arg4[%dma_wait3A_1138] : memref<337920xi32, #tpu.memory_space<hbm>> -> memref<120xi32, #tpu.memory_space<hbm>>
    %dma_wait3A_1140 = arith.constant 0 : i32
    %dma_wait3A_1141 = tpu.memref_slice %arg4[%dma_wait3A_1140] : memref<337920xi32, #tpu.memory_space<hbm>> -> memref<120xi32, #tpu.memory_space<hbm>>
    tpu.wait_dma2 semaphore(%arg19 : memref<!tpu.dma_semaphore, #tpu.memory_space<semaphore_mem>>) src(%dma_wait3A_1141 : memref<120xi32, #tpu.memory_space<hbm>>) dst(%arg11 : memref<120xi32, #tpu.memory_space<vmem>>)
    %barrier3A_1142 = arith.constant 0 : index
    tpu.barrier barrier_id(%barrier3A_1142)
    %mul3A_1143 = arith.constant 640 : i32
    %mul3A_1144 = arith.muli %arg1, %mul3A_1143 : i32
    %add3A_1145 = arith.constant 0 : i32
    %add3A_1146 = arith.addi %mul3A_1144, %add3A_1145 : i32
    %dma_start3A_1147 = arith.constant 0 : i32
    %dma_start3A_1148 = tpu.memref_slice %arg5[%arg0, %add3A_1146, %dma_start3A_1147] : memref<2x10240x128xf32, #tpu.memory_space<hbm>> -> memref<1x128x128xf32, #tpu.memory_space<hbm>>
    %dma_start3A_1149 = tpu.memref_squeeze %dma_start3A_1148 : memref<1x128x128xf32, #tpu.memory_space<hbm>> -> memref<128x128xf32, #tpu.memory_space<hbm>>
    %dma_start3A_1150 = arith.constant 0 : i32
    %dma_start3A_1151 = tpu.memref_slice %arg16[%add3A_1146, %dma_start3A_1150] : memref<10240x128xf32, #tpu.memory_space<vmem_shared>> -> memref<128x128xf32, #tpu.memory_space<vmem_shared>>
    tpu.enqueue_dma source(%dma_start3A_1151 : memref<128x128xf32, #tpu.memory_space<vmem_shared>>) target(%dma_start3A_1149 : memref<128x128xf32, #tpu.memory_space<hbm>>) target_semaphore(%arg20 : memref<!tpu.dma_semaphore, #tpu.memory_space<semaphore_mem>>)
    %mul3A_1152 = arith.constant 640 : i32
    %mul3A_1153 = arith.muli %arg1, %mul3A_1152 : i32
    %add3A_1154 = arith.constant 128 : i32
    %add3A_1155 = arith.addi %mul3A_1153, %add3A_1154 : i32
    %dma_start3A_1156 = arith.constant 0 : i32
    %dma_start3A_1157 = tpu.memref_slice %arg5[%arg0, %add3A_1155, %dma_start3A_1156] : memref<2x10240x128xf32, #tpu.memory_space<hbm>> -> memref<1x128x128xf32, #tpu.memory_space<hbm>>
    %dma_start3A_1158 = tpu.memref_squeeze %dma_start3A_1157 : memref<1x128x128xf32, #tpu.memory_space<hbm>> -> memref<128x128xf32, #tpu.memory_space<hbm>>
    %dma_start3A_1159 = arith.constant 0 : i32
    %dma_start3A_1160 = tpu.memref_slice %arg16[%add3A_1155, %dma_start3A_1159] : memref<10240x128xf32, #tpu.memory_space<vmem_shared>> -> memref<128x128xf32, #tpu.memory_space<vmem_shared>>
    tpu.enqueue_dma source(%dma_start3A_1160 : memref<128x128xf32, #tpu.memory_space<vmem_shared>>) target(%dma_start3A_1158 : memref<128x128xf32, #tpu.memory_space<hbm>>) target_semaphore(%arg20 : memref<!tpu.dma_semaphore, #tpu.memory_space<semaphore_mem>>)
    %mul3A_1161 = arith.constant 640 : i32
    %mul3A_1162 = arith.muli %arg1, %mul3A_1161 : i32
    %add3A_1163 = arith.constant 256 : i32
    %add3A_1164 = arith.addi %mul3A_1162, %add3A_1163 : i32
    %dma_start3A_1165 = arith.constant 0 : i32
    %dma_start3A_1166 = tpu.memref_slice %arg5[%arg0, %add3A_1164, %dma_start3A_1165] : memref<2x10240x128xf32, #tpu.memory_space<hbm>> -> memref<1x128x128xf32, #tpu.memory_space<hbm>>
    %dma_start3A_1167 = tpu.memref_squeeze %dma_start3A_1166 : memref<1x128x128xf32, #tpu.memory_space<hbm>> -> memref<128x128xf32, #tpu.memory_space<hbm>>
    %dma_start3A_1168 = arith.constant 0 : i32
    %dma_start3A_1169 = tpu.memref_slice %arg16[%add3A_1164, %dma_start3A_1168] : memref<10240x128xf32, #tpu.memory_space<vmem_shared>> -> memref<128x128xf32, #tpu.memory_space<vmem_shared>>
    tpu.enqueue_dma source(%dma_start3A_1169 : memref<128x128xf32, #tpu.memory_space<vmem_shared>>) target(%dma_start3A_1167 : memref<128x128xf32, #tpu.memory_space<hbm>>) target_semaphore(%arg20 : memref<!tpu.dma_semaphore, #tpu.memory_space<semaphore_mem>>)
    %mul3A_1170 = arith.constant 640 : i32
    %mul3A_1171 = arith.muli %arg1, %mul3A_1170 : i32
    %add3A_1172 = arith.constant 384 : i32
    %add3A_1173 = arith.addi %mul3A_1171, %add3A_1172 : i32
    %dma_start3A_1174 = arith.constant 0 : i32
    %dma_start3A_1175 = tpu.memref_slice %arg5[%arg0, %add3A_1173, %dma_start3A_1174] : memref<2x10240x128xf32, #tpu.memory_space<hbm>> -> memref<1x128x128xf32, #tpu.memory_space<hbm>>
    %dma_start3A_1176 = tpu.memref_squeeze %dma_start3A_1175 : memref<1x128x128xf32, #tpu.memory_space<hbm>> -> memref<128x128xf32, #tpu.memory_space<hbm>>
    %dma_start3A_1177 = arith.constant 0 : i32
    %dma_start3A_1178 = tpu.memref_slice %arg16[%add3A_1173, %dma_start3A_1177] : memref<10240x128xf32, #tpu.memory_space<vmem_shared>> -> memref<128x128xf32, #tpu.memory_space<vmem_shared>>
    tpu.enqueue_dma source(%dma_start3A_1178 : memref<128x128xf32, #tpu.memory_space<vmem_shared>>) target(%dma_start3A_1176 : memref<128x128xf32, #tpu.memory_space<hbm>>) target_semaphore(%arg20 : memref<!tpu.dma_semaphore, #tpu.memory_space<semaphore_mem>>)
    %mul3A_1179 = arith.constant 640 : i32
    %mul3A_1180 = arith.muli %arg1, %mul3A_1179 : i32
    %add3A_1181 = arith.constant 512 : i32
    %add3A_1182 = arith.addi %mul3A_1180, %add3A_1181 : i32
    %dma_start3A_1183 = arith.constant 0 : i32
    %dma_start3A_1184 = tpu.memref_slice %arg5[%arg0, %add3A_1182, %dma_start3A_1183] : memref<2x10240x128xf32, #tpu.memory_space<hbm>> -> memref<1x128x128xf32, #tpu.memory_space<hbm>>
    %dma_start3A_1185 = tpu.memref_squeeze %dma_start3A_1184 : memref<1x128x128xf32, #tpu.memory_space<hbm>> -> memref<128x128xf32, #tpu.memory_space<hbm>>
    %dma_start3A_1186 = arith.constant 0 : i32
    %dma_start3A_1187 = tpu.memref_slice %arg16[%add3A_1182, %dma_start3A_1186] : memref<10240x128xf32, #tpu.memory_space<vmem_shared>> -> memref<128x128xf32, #tpu.memory_space<vmem_shared>>
    tpu.enqueue_dma source(%dma_start3A_1187 : memref<128x128xf32, #tpu.memory_space<vmem_shared>>) target(%dma_start3A_1185 : memref<128x128xf32, #tpu.memory_space<hbm>>) target_semaphore(%arg20 : memref<!tpu.dma_semaphore, #tpu.memory_space<semaphore_mem>>)
    %dma_wait3A_1188 = arith.constant 0 : i32
    %dma_wait3A_1189 = arith.constant 0 : i32
    %dma_wait3A_1190 = tpu.memref_slice %arg5[%arg0, %dma_wait3A_1188, %dma_wait3A_1189] : memref<2x10240x128xf32, #tpu.memory_space<hbm>> -> memref<1x128x128xf32, #tpu.memory_space<hbm>>
    %dma_wait3A_1191 = tpu.memref_squeeze %dma_wait3A_1190 : memref<1x128x128xf32, #tpu.memory_space<hbm>> -> memref<128x128xf32, #tpu.memory_space<hbm>>
    %dma_wait3A_1192 = arith.constant 0 : i32
    %dma_wait3A_1193 = arith.constant 0 : i32
    %dma_wait3A_1194 = tpu.memref_slice %arg16[%dma_wait3A_1192, %dma_wait3A_1193] : memref<10240x128xf32, #tpu.memory_space<vmem_shared>> -> memref<128x128xf32, #tpu.memory_space<vmem_shared>>
    tpu.wait_dma2 semaphore(%arg20 : memref<!tpu.dma_semaphore, #tpu.memory_space<semaphore_mem>>) src(%dma_wait3A_1194 : memref<128x128xf32, #tpu.memory_space<vmem_shared>>) dst(%dma_wait3A_1191 : memref<128x128xf32, #tpu.memory_space<hbm>>)
    %dma_wait3A_1195 = arith.constant 0 : i32
    %dma_wait3A_1196 = arith.constant 0 : i32
    %dma_wait3A_1197 = tpu.memref_slice %arg5[%arg0, %dma_wait3A_1195, %dma_wait3A_1196] : memref<2x10240x128xf32, #tpu.memory_space<hbm>> -> memref<1x128x128xf32, #tpu.memory_space<hbm>>
    %dma_wait3A_1198 = tpu.memref_squeeze %dma_wait3A_1197 : memref<1x128x128xf32, #tpu.memory_space<hbm>> -> memref<128x128xf32, #tpu.memory_space<hbm>>
    %dma_wait3A_1199 = arith.constant 0 : i32
    %dma_wait3A_1200 = arith.constant 0 : i32
    %dma_wait3A_1201 = tpu.memref_slice %arg16[%dma_wait3A_1199, %dma_wait3A_1200] : memref<10240x128xf32, #tpu.memory_space<vmem_shared>> -> memref<128x128xf32, #tpu.memory_space<vmem_shared>>
    tpu.wait_dma2 semaphore(%arg20 : memref<!tpu.dma_semaphore, #tpu.memory_space<semaphore_mem>>) src(%dma_wait3A_1201 : memref<128x128xf32, #tpu.memory_space<vmem_shared>>) dst(%dma_wait3A_1198 : memref<128x128xf32, #tpu.memory_space<hbm>>)
    %dma_wait3A_1202 = arith.constant 0 : i32
    %dma_wait3A_1203 = arith.constant 0 : i32
    %dma_wait3A_1204 = tpu.memref_slice %arg5[%arg0, %dma_wait3A_1202, %dma_wait3A_1203] : memref<2x10240x128xf32, #tpu.memory_space<hbm>> -> memref<1x128x128xf32, #tpu.memory_space<hbm>>
    %dma_wait3A_1205 = tpu.memref_squeeze %dma_wait3A_1204 : memref<1x128x128xf32, #tpu.memory_space<hbm>> -> memref<128x128xf32, #tpu.memory_space<hbm>>
    %dma_wait3A_1206 = arith.constant 0 : i32
    %dma_wait3A_1207 = arith.constant 0 : i32
    %dma_wait3A_1208 = tpu.memref_slice %arg16[%dma_wait3A_1206, %dma_wait3A_1207] : memref<10240x128xf32, #tpu.memory_space<vmem_shared>> -> memref<128x128xf32, #tpu.memory_space<vmem_shared>>
    tpu.wait_dma2 semaphore(%arg20 : memref<!tpu.dma_semaphore, #tpu.memory_space<semaphore_mem>>) src(%dma_wait3A_1208 : memref<128x128xf32, #tpu.memory_space<vmem_shared>>) dst(%dma_wait3A_1205 : memref<128x128xf32, #tpu.memory_space<hbm>>)
    %dma_wait3A_1209 = arith.constant 0 : i32
    %dma_wait3A_1210 = arith.constant 0 : i32
    %dma_wait3A_1211 = tpu.memref_slice %arg5[%arg0, %dma_wait3A_1209, %dma_wait3A_1210] : memref<2x10240x128xf32, #tpu.memory_space<hbm>> -> memref<1x128x128xf32, #tpu.memory_space<hbm>>
    %dma_wait3A_1212 = tpu.memref_squeeze %dma_wait3A_1211 : memref<1x128x128xf32, #tpu.memory_space<hbm>> -> memref<128x128xf32, #tpu.memory_space<hbm>>
    %dma_wait3A_1213 = arith.constant 0 : i32
    %dma_wait3A_1214 = arith.constant 0 : i32
    %dma_wait3A_1215 = tpu.memref_slice %arg16[%dma_wait3A_1213, %dma_wait3A_1214] : memref<10240x128xf32, #tpu.memory_space<vmem_shared>> -> memref<128x128xf32, #tpu.memory_space<vmem_shared>>
    tpu.wait_dma2 semaphore(%arg20 : memref<!tpu.dma_semaphore, #tpu.memory_space<semaphore_mem>>) src(%dma_wait3A_1215 : memref<128x128xf32, #tpu.memory_space<vmem_shared>>) dst(%dma_wait3A_1212 : memref<128x128xf32, #tpu.memory_space<hbm>>)
    %dma_wait3A_1216 = arith.constant 0 : i32
    %dma_wait3A_1217 = arith.constant 0 : i32
    %dma_wait3A_1218 = tpu.memref_slice %arg5[%arg0, %dma_wait3A_1216, %dma_wait3A_1217] : memref<2x10240x128xf32, #tpu.memory_space<hbm>> -> memref<1x128x128xf32, #tpu.memory_space<hbm>>
    %dma_wait3A_1219 = tpu.memref_squeeze %dma_wait3A_1218 : memref<1x128x128xf32, #tpu.memory_space<hbm>> -> memref<128x128xf32, #tpu.memory_space<hbm>>
    %dma_wait3A_1220 = arith.constant 0 : i32
    %dma_wait3A_1221 = arith.constant 0 : i32
    %dma_wait3A_1222 = tpu.memref_slice %arg16[%dma_wait3A_1220, %dma_wait3A_1221] : memref<10240x128xf32, #tpu.memory_space<vmem_shared>> -> memref<128x128xf32, #tpu.memory_space<vmem_shared>>
    tpu.wait_dma2 semaphore(%arg20 : memref<!tpu.dma_semaphore, #tpu.memory_space<semaphore_mem>>) src(%dma_wait3A_1222 : memref<128x128xf32, #tpu.memory_space<vmem_shared>>) dst(%dma_wait3A_1219 : memref<128x128xf32, #tpu.memory_space<hbm>>)
    return
  }
}

#map = affine_map<(d0, d1) -> (0)>
#map1 = affine_map<(d0, d1) -> (0, 0)>
#map2 = affine_map<(d0, d1) -> (0, 0, 0)>
module attributes {stable_mosaic.version = 14 : i64} {
  func.func @_sc_prep_body(%arg0: i32, %arg1: i32, %arg2: memref<10240xi32, #tpu.memory_space<hbm>>, %arg3: memref<337920xi32, #tpu.memory_space<hbm>>, %arg4: memref<337920xi32, #tpu.memory_space<hbm>>, %arg5: memref<100000x128xf32, #tpu.memory_space<hbm>>, %arg6: memref<10240x128xf32, #tpu.memory_space<hbm>>, %arg7: memref<32x2x10240xf32, #tpu.memory_space<hbm>>, %arg8: memref<128xi32, #tpu.memory_space<vmem>>, %arg9: memref<128xi32, #tpu.memory_space<vmem>>, %arg10: memref<128xi32, #tpu.memory_space<vmem>>, %arg11: memref<128x128xf32, #tpu.memory_space<vmem>>, %arg12: memref<128x128xf32, #tpu.memory_space<vmem>>, %arg13: memref<10240xf32, #tpu.memory_space<vmem>>, %arg14: memref<10240xf32, #tpu.memory_space<vmem>>, %arg15: memref<10560xi32, #tpu.memory_space<vmem>>, %arg16: memref<10560xi32, #tpu.memory_space<vmem>>, %arg17: memref<!tpu.dma_semaphore, #tpu.memory_space<semaphore_mem>>, %arg18: memref<!tpu.dma_semaphore, #tpu.memory_space<semaphore_mem>>, %arg19: memref<!tpu.dma_semaphore, #tpu.memory_space<semaphore_mem>>, %arg20: memref<!tpu.dma_semaphore, #tpu.memory_space<semaphore_mem>>, %arg21: memref<!tpu.dma_semaphore, #tpu.memory_space<semaphore_mem>>, %arg22: memref<!tpu.dma_semaphore, #tpu.memory_space<semaphore_mem>>, %arg23: memref<!tpu.dma_semaphore, #tpu.memory_space<semaphore_mem>>, %arg24: memref<!tpu.dma_semaphore, #tpu.memory_space<semaphore_mem>>) attributes {dimension_semantics = [#tpu.dimension_semantics<core_parallel>, #tpu.dimension_semantics<subcore_parallel>], iteration_bounds = array<i64: 2, 16>, scalar_prefetch = 0 : i64, scratch_operands = 17 : i64, tpu.core_type = #tpu.core_type<sc_vector_subcore>, window_params = [{transform_indices = #map}, {transform_indices = #map}, {transform_indices = #map}, {transform_indices = #map1}, {transform_indices = #map1}, {transform_indices = #map2}]} {
    %mul3A = arith.constant 2 : i32
    %mul3A_0 = arith.muli %arg1, %mul3A : i32
    %add3A = arith.addi %mul3A_0, %arg0 : i32
    %broadcast_in_dim3A = arith.constant 0.000000e+00 : f32
    %broadcast_in_dim3A_1 = vector.broadcast %broadcast_in_dim3A : f32 to vector<16xf32>
    %mul3A_2 = arith.constant 10560 : i32
    %mul3A_3 = arith.muli %add3A, %mul3A_2 : i32
    %dma_start3A = tpu.memref_slice %arg3[%mul3A_3] : memref<337920xi32, #tpu.memory_space<hbm>> -> memref<10560xi32, #tpu.memory_space<hbm>>
    %dma_start3A_4 = tpu.memref_slice %arg3[%mul3A_3] : memref<337920xi32, #tpu.memory_space<hbm>> -> memref<10560xi32, #tpu.memory_space<hbm>>
    tpu.enqueue_dma source(%dma_start3A_4 : memref<10560xi32, #tpu.memory_space<hbm>>) target(%arg15 : memref<10560xi32, #tpu.memory_space<vmem>>) target_semaphore(%arg19 : memref<!tpu.dma_semaphore, #tpu.memory_space<semaphore_mem>>)
    %dma_start3A_5 = tpu.memref_slice %arg4[%mul3A_3] : memref<337920xi32, #tpu.memory_space<hbm>> -> memref<10560xi32, #tpu.memory_space<hbm>>
    %dma_start3A_6 = tpu.memref_slice %arg4[%mul3A_3] : memref<337920xi32, #tpu.memory_space<hbm>> -> memref<10560xi32, #tpu.memory_space<hbm>>
    tpu.enqueue_dma source(%dma_start3A_6 : memref<10560xi32, #tpu.memory_space<hbm>>) target(%arg16 : memref<10560xi32, #tpu.memory_space<vmem>>) target_semaphore(%arg19 : memref<!tpu.dma_semaphore, #tpu.memory_space<semaphore_mem>>)
    %scan3A = arith.constant 0 : i32
    %scan3A_7 = arith.constant 0 : i32
    %scan3A_8 = arith.constant 160 : i32
    %scan3A_9 = arith.addi %scan3A_7, %scan3A_8 : i32
    %scan3A_10 = arith.constant 1 : i32
    scf.for %scan3A_97 = %scan3A_7 to %scan3A_9 step %scan3A_10  : i32 {
      %mul3A_98 = arith.constant 64 : i32
      %mul3A_99 = arith.muli %scan3A_97, %mul3A_98 : i32
      %add3A_100 = arith.constant 0 : i32
      %add3A_101 = arith.addi %mul3A_99, %add3A_100 : i32
      %swap3A = arith.index_cast %add3A_101 : i32 to index
      %swap3A_102 = tpu.vector_load %arg13[%swap3A] {strides = array<i32>} : memref<10240xf32, #tpu.memory_space<vmem>>, vector<16xf32>,
      tpu.vector_store %arg13[%swap3A], %broadcast_in_dim3A_1 {strides = array<i32>} : memref<10240xf32, #tpu.memory_space<vmem>>, vector<16xf32>,
      %mul3A_103 = arith.constant 64 : i32
      %mul3A_104 = arith.muli %scan3A_97, %mul3A_103 : i32
      %add3A_105 = arith.constant 0 : i32
      %add3A_106 = arith.addi %mul3A_104, %add3A_105 : i32
      %swap3A_107 = arith.index_cast %add3A_106 : i32 to index
      %swap3A_108 = tpu.vector_load %arg14[%swap3A_107] {strides = array<i32>} : memref<10240xf32, #tpu.memory_space<vmem>>, vector<16xf32>,
      tpu.vector_store %arg14[%swap3A_107], %broadcast_in_dim3A_1 {strides = array<i32>} : memref<10240xf32, #tpu.memory_space<vmem>>, vector<16xf32>,
      %mul3A_109 = arith.constant 64 : i32
      %mul3A_110 = arith.muli %scan3A_97, %mul3A_109 : i32
      %add3A_111 = arith.constant 16 : i32
      %add3A_112 = arith.addi %mul3A_110, %add3A_111 : i32
      %swap3A_113 = arith.index_cast %add3A_112 : i32 to index
      %swap3A_114 = tpu.vector_load %arg13[%swap3A_113] {strides = array<i32>} : memref<10240xf32, #tpu.memory_space<vmem>>, vector<16xf32>,
      tpu.vector_store %arg13[%swap3A_113], %broadcast_in_dim3A_1 {strides = array<i32>} : memref<10240xf32, #tpu.memory_space<vmem>>, vector<16xf32>,
      %mul3A_115 = arith.constant 64 : i32
      %mul3A_116 = arith.muli %scan3A_97, %mul3A_115 : i32
      %add3A_117 = arith.constant 16 : i32
      %add3A_118 = arith.addi %mul3A_116, %add3A_117 : i32
      %swap3A_119 = arith.index_cast %add3A_118 : i32 to index
      %swap3A_120 = tpu.vector_load %arg14[%swap3A_119] {strides = array<i32>} : memref<10240xf32, #tpu.memory_space<vmem>>, vector<16xf32>,
      tpu.vector_store %arg14[%swap3A_119], %broadcast_in_dim3A_1 {strides = array<i32>} : memref<10240xf32, #tpu.memory_space<vmem>>, vector<16xf32>,
      %mul3A_121 = arith.constant 64 : i32
      %mul3A_122 = arith.muli %scan3A_97, %mul3A_121 : i32
      %add3A_123 = arith.constant 32 : i32
      %add3A_124 = arith.addi %mul3A_122, %add3A_123 : i32
      %swap3A_125 = arith.index_cast %add3A_124 : i32 to index
      %swap3A_126 = tpu.vector_load %arg13[%swap3A_125] {strides = array<i32>} : memref<10240xf32, #tpu.memory_space<vmem>>, vector<16xf32>,
      tpu.vector_store %arg13[%swap3A_125], %broadcast_in_dim3A_1 {strides = array<i32>} : memref<10240xf32, #tpu.memory_space<vmem>>, vector<16xf32>,
      %mul3A_127 = arith.constant 64 : i32
      %mul3A_128 = arith.muli %scan3A_97, %mul3A_127 : i32
      %add3A_129 = arith.constant 32 : i32
      %add3A_130 = arith.addi %mul3A_128, %add3A_129 : i32
      %swap3A_131 = arith.index_cast %add3A_130 : i32 to index
      %swap3A_132 = tpu.vector_load %arg14[%swap3A_131] {strides = array<i32>} : memref<10240xf32, #tpu.memory_space<vmem>>, vector<16xf32>,
      tpu.vector_store %arg14[%swap3A_131], %broadcast_in_dim3A_1 {strides = array<i32>} : memref<10240xf32, #tpu.memory_space<vmem>>, vector<16xf32>,
      %mul3A_133 = arith.constant 64 : i32
      %mul3A_134 = arith.muli %scan3A_97, %mul3A_133 : i32
      %add3A_135 = arith.constant 48 : i32
      %add3A_136 = arith.addi %mul3A_134, %add3A_135 : i32
      %swap3A_137 = arith.index_cast %add3A_136 : i32 to index
      %swap3A_138 = tpu.vector_load %arg13[%swap3A_137] {strides = array<i32>} : memref<10240xf32, #tpu.memory_space<vmem>>, vector<16xf32>,
      tpu.vector_store %arg13[%swap3A_137], %broadcast_in_dim3A_1 {strides = array<i32>} : memref<10240xf32, #tpu.memory_space<vmem>>, vector<16xf32>,
      %mul3A_139 = arith.constant 64 : i32
      %mul3A_140 = arith.muli %scan3A_97, %mul3A_139 : i32
      %add3A_141 = arith.constant 48 : i32
      %add3A_142 = arith.addi %mul3A_140, %add3A_141 : i32
      %swap3A_143 = arith.index_cast %add3A_142 : i32 to index
      %swap3A_144 = tpu.vector_load %arg14[%swap3A_143] {strides = array<i32>} : memref<10240xf32, #tpu.memory_space<vmem>>, vector<16xf32>,
      tpu.vector_store %arg14[%swap3A_143], %broadcast_in_dim3A_1 {strides = array<i32>} : memref<10240xf32, #tpu.memory_space<vmem>>, vector<16xf32>,
    }
    %scan3A_11 = arith.constant 160 : i32
    %add3A_12 = arith.constant 64 : i32
    %add3A_13 = arith.addi %add3A, %add3A_12 : i32
    %mul3A_14 = arith.constant 128 : i32
    %mul3A_15 = arith.muli %add3A, %mul3A_14 : i32
    %dma_start3A_16 = tpu.memref_slice %arg2[%mul3A_15] : memref<10240xi32, #tpu.memory_space<hbm>> -> memref<128xi32, #tpu.memory_space<hbm>>
    %dma_start3A_17 = tpu.memref_slice %arg2[%mul3A_15] : memref<10240xi32, #tpu.memory_space<hbm>> -> memref<128xi32, #tpu.memory_space<hbm>>
    tpu.enqueue_dma source(%dma_start3A_17 : memref<128xi32, #tpu.memory_space<hbm>>) target(%arg8 : memref<128xi32, #tpu.memory_space<vmem>>) target_semaphore(%arg20 : memref<!tpu.dma_semaphore, #tpu.memory_space<semaphore_mem>>)
    %add3A_18 = arith.constant 32 : i32
    %add3A_19 = arith.addi %add3A, %add3A_18 : i32
    %mul3A_20 = arith.constant 128 : i32
    %mul3A_21 = arith.muli %add3A_19, %mul3A_20 : i32
    %dma_start3A_22 = tpu.memref_slice %arg2[%mul3A_21] : memref<10240xi32, #tpu.memory_space<hbm>> -> memref<128xi32, #tpu.memory_space<hbm>>
    %dma_start3A_23 = tpu.memref_slice %arg2[%mul3A_21] : memref<10240xi32, #tpu.memory_space<hbm>> -> memref<128xi32, #tpu.memory_space<hbm>>
    tpu.enqueue_dma source(%dma_start3A_23 : memref<128xi32, #tpu.memory_space<hbm>>) target(%arg9 : memref<128xi32, #tpu.memory_space<vmem>>) target_semaphore(%arg21 : memref<!tpu.dma_semaphore, #tpu.memory_space<semaphore_mem>>)
    %lt3A = arith.constant 80 : i32
    %lt3A_24 = arith.cmpi slt, %add3A_13, %lt3A : i32
    %convert_element_type3A = arith.extui %lt3A_24 : i1 to i32
    %cond3A = arith.constant 0 : i32
    %cond3A_25 = arith.cmpi ne, %convert_element_type3A, %cond3A : i32
    scf.if %cond3A_25 {
      %mul3A_97 = arith.constant 128 : i32
      %mul3A_98 = arith.muli %add3A_13, %mul3A_97 : i32
      %dma_start3A_99 = tpu.memref_slice %arg2[%mul3A_98] : memref<10240xi32, #tpu.memory_space<hbm>> -> memref<128xi32, #tpu.memory_space<hbm>>
      %dma_start3A_100 = tpu.memref_slice %arg2[%mul3A_98] : memref<10240xi32, #tpu.memory_space<hbm>> -> memref<128xi32, #tpu.memory_space<hbm>>
      tpu.enqueue_dma source(%dma_start3A_100 : memref<128xi32, #tpu.memory_space<hbm>>) target(%arg10 : memref<128xi32, #tpu.memory_space<vmem>>) target_semaphore(%arg22 : memref<!tpu.dma_semaphore, #tpu.memory_space<semaphore_mem>>)
    } else {
    }
    %dma_wait3A = arith.constant 0 : i32
    %dma_wait3A_26 = tpu.memref_slice %arg2[%dma_wait3A] : memref<10240xi32, #tpu.memory_space<hbm>> -> memref<128xi32, #tpu.memory_space<hbm>>
    %dma_wait3A_27 = arith.constant 0 : i32
    %dma_wait3A_28 = tpu.memref_slice %arg2[%dma_wait3A_27] : memref<10240xi32, #tpu.memory_space<hbm>> -> memref<128xi32, #tpu.memory_space<hbm>>
    tpu.wait_dma2 semaphore(%arg20 : memref<!tpu.dma_semaphore, #tpu.memory_space<semaphore_mem>>) src(%dma_wait3A_28 : memref<128xi32, #tpu.memory_space<hbm>>) dst(%arg8 : memref<128xi32, #tpu.memory_space<vmem>>)
    %dma_start3A_29 = arith.constant 0 : i32
    %dma_start3A_30 = arith.constant 0 : i32
    %dma_start3A_31 = tpu.memref_slice %arg5[%dma_start3A_29, %dma_start3A_30] : memref<100000x128xf32, #tpu.memory_space<hbm>> -> memref<100000x128xf32, #tpu.memory_space<hbm>>
    tpu.enqueue_indirect_dma source(%dma_start3A_31 : memref<100000x128xf32, #tpu.memory_space<hbm>>) target(%arg11 : memref<128x128xf32, #tpu.memory_space<vmem>>) offsets(%arg8 : memref<128xi32, #tpu.memory_space<vmem>>) semaphore(%arg17 : memref<!tpu.dma_semaphore, #tpu.memory_space<semaphore_mem>>)
    %dma_wait3A_32 = arith.constant 0 : i32
    %dma_wait3A_33 = tpu.memref_slice %arg2[%dma_wait3A_32] : memref<10240xi32, #tpu.memory_space<hbm>> -> memref<128xi32, #tpu.memory_space<hbm>>
    %dma_wait3A_34 = arith.constant 0 : i32
    %dma_wait3A_35 = tpu.memref_slice %arg2[%dma_wait3A_34] : memref<10240xi32, #tpu.memory_space<hbm>> -> memref<128xi32, #tpu.memory_space<hbm>>
    tpu.wait_dma2 semaphore(%arg21 : memref<!tpu.dma_semaphore, #tpu.memory_space<semaphore_mem>>) src(%dma_wait3A_35 : memref<128xi32, #tpu.memory_space<hbm>>) dst(%arg9 : memref<128xi32, #tpu.memory_space<vmem>>)
    %dma_start3A_36 = arith.constant 0 : i32
    %dma_start3A_37 = arith.constant 0 : i32
    %dma_start3A_38 = tpu.memref_slice %arg5[%dma_start3A_36, %dma_start3A_37] : memref<100000x128xf32, #tpu.memory_space<hbm>> -> memref<100000x128xf32, #tpu.memory_space<hbm>>
    tpu.enqueue_indirect_dma source(%dma_start3A_38 : memref<100000x128xf32, #tpu.memory_space<hbm>>) target(%arg12 : memref<128x128xf32, #tpu.memory_space<vmem>>) offsets(%arg9 : memref<128xi32, #tpu.memory_space<vmem>>) semaphore(%arg18 : memref<!tpu.dma_semaphore, #tpu.memory_space<semaphore_mem>>)
    %dma_wait3A_39 = arith.constant 0 : i32
    %dma_wait3A_40 = arith.constant 0 : i32
    %dma_wait3A_41 = tpu.memref_slice %arg5[%dma_wait3A_39, %dma_wait3A_40] : memref<100000x128xf32, #tpu.memory_space<hbm>> -> memref<128x128xf32, #tpu.memory_space<hbm>>
    %dma_wait3A_42 = arith.constant 0 : i32
    %dma_wait3A_43 = arith.constant 0 : i32
    %dma_wait3A_44 = tpu.memref_slice %arg5[%dma_wait3A_42, %dma_wait3A_43] : memref<100000x128xf32, #tpu.memory_space<hbm>> -> memref<128x128xf32, #tpu.memory_space<hbm>>
    tpu.wait_dma2 semaphore(%arg17 : memref<!tpu.dma_semaphore, #tpu.memory_space<semaphore_mem>>) src(%dma_wait3A_44 : memref<128x128xf32, #tpu.memory_space<hbm>>) dst(%arg11 : memref<128x128xf32, #tpu.memory_space<vmem>>)
    %mul3A_45 = arith.constant 128 : i32
    %mul3A_46 = arith.muli %add3A, %mul3A_45 : i32
    %dma_start3A_47 = arith.constant 0 : i32
    %dma_start3A_48 = tpu.memref_slice %arg6[%mul3A_46, %dma_start3A_47] : memref<10240x128xf32, #tpu.memory_space<hbm>> -> memref<128x128xf32, #tpu.memory_space<hbm>>
    %dma_start3A_49 = arith.constant 0 : i32
    %dma_start3A_50 = tpu.memref_slice %arg6[%mul3A_46, %dma_start3A_49] : memref<10240x128xf32, #tpu.memory_space<hbm>> -> memref<128x128xf32, #tpu.memory_space<hbm>>
    tpu.enqueue_dma source(%arg11 : memref<128x128xf32, #tpu.memory_space<vmem>>) target(%dma_start3A_50 : memref<128x128xf32, #tpu.memory_space<hbm>>) target_semaphore(%arg23 : memref<!tpu.dma_semaphore, #tpu.memory_space<semaphore_mem>>)
    %dma_wait3A_51 = arith.constant 0 : i32
    %dma_wait3A_52 = arith.constant 0 : i32
    %dma_wait3A_53 = tpu.memref_slice %arg5[%dma_wait3A_51, %dma_wait3A_52] : memref<100000x128xf32, #tpu.memory_space<hbm>> -> memref<128x128xf32, #tpu.memory_space<hbm>>
    %dma_wait3A_54 = arith.constant 0 : i32
    %dma_wait3A_55 = arith.constant 0 : i32
    %dma_wait3A_56 = tpu.memref_slice %arg5[%dma_wait3A_54, %dma_wait3A_55] : memref<100000x128xf32, #tpu.memory_space<hbm>> -> memref<128x128xf32, #tpu.memory_space<hbm>>
    tpu.wait_dma2 semaphore(%arg18 : memref<!tpu.dma_semaphore, #tpu.memory_space<semaphore_mem>>) src(%dma_wait3A_56 : memref<128x128xf32, #tpu.memory_space<hbm>>) dst(%arg12 : memref<128x128xf32, #tpu.memory_space<vmem>>)
    %add3A_57 = arith.constant 32 : i32
    %add3A_58 = arith.addi %add3A, %add3A_57 : i32
    %mul3A_59 = arith.constant 128 : i32
    %mul3A_60 = arith.muli %add3A_58, %mul3A_59 : i32
    %dma_start3A_61 = arith.constant 0 : i32
    %dma_start3A_62 = tpu.memref_slice %arg6[%mul3A_60, %dma_start3A_61] : memref<10240x128xf32, #tpu.memory_space<hbm>> -> memref<128x128xf32, #tpu.memory_space<hbm>>
    %dma_start3A_63 = arith.constant 0 : i32
    %dma_start3A_64 = tpu.memref_slice %arg6[%mul3A_60, %dma_start3A_63] : memref<10240x128xf32, #tpu.memory_space<hbm>> -> memref<128x128xf32, #tpu.memory_space<hbm>>
    tpu.enqueue_dma source(%arg12 : memref<128x128xf32, #tpu.memory_space<vmem>>) target(%dma_start3A_64 : memref<128x128xf32, #tpu.memory_space<hbm>>) target_semaphore(%arg24 : memref<!tpu.dma_semaphore, #tpu.memory_space<semaphore_mem>>)
    %lt3A_65 = arith.constant 80 : i32
    %lt3A_66 = arith.cmpi slt, %add3A_13, %lt3A_65 : i32
    %convert_element_type3A_67 = arith.extui %lt3A_66 : i1 to i32
    %cond3A_68 = arith.constant 0 : i32
    %cond3A_69 = arith.cmpi ne, %convert_element_type3A_67, %cond3A_68 : i32
    scf.if %cond3A_69 {
      %dma_wait3A_97 = arith.constant 0 : i32
      %dma_wait3A_98 = tpu.memref_slice %arg2[%dma_wait3A_97] : memref<10240xi32, #tpu.memory_space<hbm>> -> memref<128xi32, #tpu.memory_space<hbm>>
      %dma_wait3A_99 = arith.constant 0 : i32
      %dma_wait3A_100 = tpu.memref_slice %arg2[%dma_wait3A_99] : memref<10240xi32, #tpu.memory_space<hbm>> -> memref<128xi32, #tpu.memory_space<hbm>>
      tpu.wait_dma2 semaphore(%arg22 : memref<!tpu.dma_semaphore, #tpu.memory_space<semaphore_mem>>) src(%dma_wait3A_100 : memref<128xi32, #tpu.memory_space<hbm>>) dst(%arg10 : memref<128xi32, #tpu.memory_space<vmem>>)
      %dma_wait3A_101 = arith.constant 0 : i32
      %dma_wait3A_102 = arith.constant 0 : i32
      %dma_wait3A_103 = tpu.memref_slice %arg6[%dma_wait3A_101, %dma_wait3A_102] : memref<10240x128xf32, #tpu.memory_space<hbm>> -> memref<128x128xf32, #tpu.memory_space<hbm>>
      %dma_wait3A_104 = arith.constant 0 : i32
      %dma_wait3A_105 = arith.constant 0 : i32
      %dma_wait3A_106 = tpu.memref_slice %arg6[%dma_wait3A_104, %dma_wait3A_105] : memref<10240x128xf32, #tpu.memory_space<hbm>> -> memref<128x128xf32, #tpu.memory_space<hbm>>
      tpu.wait_dma2 semaphore(%arg23 : memref<!tpu.dma_semaphore, #tpu.memory_space<semaphore_mem>>) src(%arg11 : memref<128x128xf32, #tpu.memory_space<vmem>>) dst(%dma_wait3A_106 : memref<128x128xf32, #tpu.memory_space<hbm>>)
      %dma_start3A_107 = arith.constant 0 : i32
      %dma_start3A_108 = arith.constant 0 : i32
      %dma_start3A_109 = tpu.memref_slice %arg5[%dma_start3A_107, %dma_start3A_108] : memref<100000x128xf32, #tpu.memory_space<hbm>> -> memref<100000x128xf32, #tpu.memory_space<hbm>>
      tpu.enqueue_indirect_dma source(%dma_start3A_109 : memref<100000x128xf32, #tpu.memory_space<hbm>>) target(%arg11 : memref<128x128xf32, #tpu.memory_space<vmem>>) offsets(%arg10 : memref<128xi32, #tpu.memory_space<vmem>>) semaphore(%arg17 : memref<!tpu.dma_semaphore, #tpu.memory_space<semaphore_mem>>)
      %dma_wait3A_110 = arith.constant 0 : i32
      %dma_wait3A_111 = arith.constant 0 : i32
      %dma_wait3A_112 = tpu.memref_slice %arg5[%dma_wait3A_110, %dma_wait3A_111] : memref<100000x128xf32, #tpu.memory_space<hbm>> -> memref<128x128xf32, #tpu.memory_space<hbm>>
      %dma_wait3A_113 = arith.constant 0 : i32
      %dma_wait3A_114 = arith.constant 0 : i32
      %dma_wait3A_115 = tpu.memref_slice %arg5[%dma_wait3A_113, %dma_wait3A_114] : memref<100000x128xf32, #tpu.memory_space<hbm>> -> memref<128x128xf32, #tpu.memory_space<hbm>>
      tpu.wait_dma2 semaphore(%arg17 : memref<!tpu.dma_semaphore, #tpu.memory_space<semaphore_mem>>) src(%dma_wait3A_115 : memref<128x128xf32, #tpu.memory_space<hbm>>) dst(%arg11 : memref<128x128xf32, #tpu.memory_space<vmem>>)
      %mul3A_116 = arith.constant 128 : i32
      %mul3A_117 = arith.muli %add3A_13, %mul3A_116 : i32
      %dma_start3A_118 = arith.constant 0 : i32
      %dma_start3A_119 = tpu.memref_slice %arg6[%mul3A_117, %dma_start3A_118] : memref<10240x128xf32, #tpu.memory_space<hbm>> -> memref<128x128xf32, #tpu.memory_space<hbm>>
      %dma_start3A_120 = arith.constant 0 : i32
      %dma_start3A_121 = tpu.memref_slice %arg6[%mul3A_117, %dma_start3A_120] : memref<10240x128xf32, #tpu.memory_space<hbm>> -> memref<128x128xf32, #tpu.memory_space<hbm>>
      tpu.enqueue_dma source(%arg11 : memref<128x128xf32, #tpu.memory_space<vmem>>) target(%dma_start3A_121 : memref<128x128xf32, #tpu.memory_space<hbm>>) target_semaphore(%arg23 : memref<!tpu.dma_semaphore, #tpu.memory_space<semaphore_mem>>)
      %dma_wait3A_122 = arith.constant 0 : i32
      %dma_wait3A_123 = arith.constant 0 : i32
      %dma_wait3A_124 = tpu.memref_slice %arg6[%dma_wait3A_122, %dma_wait3A_123] : memref<10240x128xf32, #tpu.memory_space<hbm>> -> memref<128x128xf32, #tpu.memory_space<hbm>>
      %dma_wait3A_125 = arith.constant 0 : i32
      %dma_wait3A_126 = arith.constant 0 : i32
      %dma_wait3A_127 = tpu.memref_slice %arg6[%dma_wait3A_125, %dma_wait3A_126] : memref<10240x128xf32, #tpu.memory_space<hbm>> -> memref<128x128xf32, #tpu.memory_space<hbm>>
      tpu.wait_dma2 semaphore(%arg23 : memref<!tpu.dma_semaphore, #tpu.memory_space<semaphore_mem>>) src(%arg11 : memref<128x128xf32, #tpu.memory_space<vmem>>) dst(%dma_wait3A_127 : memref<128x128xf32, #tpu.memory_space<hbm>>)
    } else {
    }
    %ge3A = arith.constant 80 : i32
    %ge3A_70 = arith.cmpi sge, %add3A_13, %ge3A : i32
    %convert_element_type3A_71 = arith.extui %ge3A_70 : i1 to i32
    %cond3A_72 = arith.constant 0 : i32
    %cond3A_73 = arith.cmpi ne, %convert_element_type3A_71, %cond3A_72 : i32
    scf.if %cond3A_73 {
      %dma_wait3A_97 = arith.constant 0 : i32
      %dma_wait3A_98 = arith.constant 0 : i32
      %dma_wait3A_99 = tpu.memref_slice %arg6[%dma_wait3A_97, %dma_wait3A_98] : memref<10240x128xf32, #tpu.memory_space<hbm>> -> memref<128x128xf32, #tpu.memory_space<hbm>>
      %dma_wait3A_100 = arith.constant 0 : i32
      %dma_wait3A_101 = arith.constant 0 : i32
      %dma_wait3A_102 = tpu.memref_slice %arg6[%dma_wait3A_100, %dma_wait3A_101] : memref<10240x128xf32, #tpu.memory_space<hbm>> -> memref<128x128xf32, #tpu.memory_space<hbm>>
      tpu.wait_dma2 semaphore(%arg23 : memref<!tpu.dma_semaphore, #tpu.memory_space<semaphore_mem>>) src(%arg11 : memref<128x128xf32, #tpu.memory_space<vmem>>) dst(%dma_wait3A_102 : memref<128x128xf32, #tpu.memory_space<hbm>>)
    } else {
    }
    %dma_wait3A_74 = arith.constant 0 : i32
    %dma_wait3A_75 = arith.constant 0 : i32
    %dma_wait3A_76 = tpu.memref_slice %arg6[%dma_wait3A_74, %dma_wait3A_75] : memref<10240x128xf32, #tpu.memory_space<hbm>> -> memref<128x128xf32, #tpu.memory_space<hbm>>
    %dma_wait3A_77 = arith.constant 0 : i32
    %dma_wait3A_78 = arith.constant 0 : i32
    %dma_wait3A_79 = tpu.memref_slice %arg6[%dma_wait3A_77, %dma_wait3A_78] : memref<10240x128xf32, #tpu.memory_space<hbm>> -> memref<128x128xf32, #tpu.memory_space<hbm>>
    tpu.wait_dma2 semaphore(%arg24 : memref<!tpu.dma_semaphore, #tpu.memory_space<semaphore_mem>>) src(%arg12 : memref<128x128xf32, #tpu.memory_space<vmem>>) dst(%dma_wait3A_79 : memref<128x128xf32, #tpu.memory_space<hbm>>)
    %broadcast_in_dim3A_80 = arith.constant 1.000000e+00 : f32
    %broadcast_in_dim3A_81 = vector.broadcast %broadcast_in_dim3A_80 : f32 to vector<16xf32>
    %dma_wait3A_82 = arith.constant 0 : i32
    %dma_wait3A_83 = tpu.memref_slice %arg3[%dma_wait3A_82] : memref<337920xi32, #tpu.memory_space<hbm>> -> memref<10560xi32, #tpu.memory_space<hbm>>
    %dma_wait3A_84 = arith.constant 0 : i32
    %dma_wait3A_85 = tpu.memref_slice %arg3[%dma_wait3A_84] : memref<337920xi32, #tpu.memory_space<hbm>> -> memref<10560xi32, #tpu.memory_space<hbm>>
    tpu.wait_dma2 semaphore(%arg19 : memref<!tpu.dma_semaphore, #tpu.memory_space<semaphore_mem>>) src(%dma_wait3A_85 : memref<10560xi32, #tpu.memory_space<hbm>>) dst(%arg15 : memref<10560xi32, #tpu.memory_space<vmem>>)
    %dma_wait3A_86 = arith.constant 0 : i32
    %dma_wait3A_87 = tpu.memref_slice %arg4[%dma_wait3A_86] : memref<337920xi32, #tpu.memory_space<hbm>> -> memref<10560xi32, #tpu.memory_space<hbm>>
    %dma_wait3A_88 = arith.constant 0 : i32
    %dma_wait3A_89 = tpu.memref_slice %arg4[%dma_wait3A_88] : memref<337920xi32, #tpu.memory_space<hbm>> -> memref<10560xi32, #tpu.memory_space<hbm>>
    tpu.wait_dma2 semaphore(%arg19 : memref<!tpu.dma_semaphore, #tpu.memory_space<semaphore_mem>>) src(%dma_wait3A_89 : memref<10560xi32, #tpu.memory_space<hbm>>) dst(%arg16 : memref<10560xi32, #tpu.memory_space<vmem>>)
    %scan3A_90 = arith.constant 0 : i32
    %scan3A_91 = arith.constant 0 : i32
    %scan3A_92 = arith.constant 220 : i32
    %scan3A_93 = arith.addi %scan3A_91, %scan3A_92 : i32
    %scan3A_94 = arith.constant 1 : i32
    scf.for %scan3A_97 = %scan3A_91 to %scan3A_93 step %scan3A_94  : i32 {
      %mul3A_98 = arith.constant 48 : i32
      %mul3A_99 = arith.muli %scan3A_97, %mul3A_98 : i32
      %add3A_100 = arith.constant 0 : i32
      %add3A_101 = arith.addi %mul3A_99, %add3A_100 : i32
      %get3A = arith.index_cast %add3A_101 : i32 to index
      %get3A_102 = tpu.vector_load %arg15[%get3A] {strides = array<i32>} : memref<10560xi32, #tpu.memory_space<vmem>>, vector<16xi32>,
      tpu.vector_store_idx %arg13[%get3A_102], %broadcast_in_dim3A_81 {add = true} : memref<10240xf32, #tpu.memory_space<vmem>>[vector<16xi32>], vector<16xf32>,
      %mul3A_103 = arith.constant 48 : i32
      %mul3A_104 = arith.muli %scan3A_97, %mul3A_103 : i32
      %add3A_105 = arith.constant 0 : i32
      %add3A_106 = arith.addi %mul3A_104, %add3A_105 : i32
      %get3A_107 = arith.index_cast %add3A_106 : i32 to index
      %get3A_108 = tpu.vector_load %arg16[%get3A_107] {strides = array<i32>} : memref<10560xi32, #tpu.memory_space<vmem>>, vector<16xi32>,
      tpu.vector_store_idx %arg14[%get3A_108], %broadcast_in_dim3A_81 {add = true} : memref<10240xf32, #tpu.memory_space<vmem>>[vector<16xi32>], vector<16xf32>,
      %mul3A_109 = arith.constant 48 : i32
      %mul3A_110 = arith.muli %scan3A_97, %mul3A_109 : i32
      %add3A_111 = arith.constant 16 : i32
      %add3A_112 = arith.addi %mul3A_110, %add3A_111 : i32
      %get3A_113 = arith.index_cast %add3A_112 : i32 to index
      %get3A_114 = tpu.vector_load %arg15[%get3A_113] {strides = array<i32>} : memref<10560xi32, #tpu.memory_space<vmem>>, vector<16xi32>,
      tpu.vector_store_idx %arg13[%get3A_114], %broadcast_in_dim3A_81 {add = true} : memref<10240xf32, #tpu.memory_space<vmem>>[vector<16xi32>], vector<16xf32>,
      %mul3A_115 = arith.constant 48 : i32
      %mul3A_116 = arith.muli %scan3A_97, %mul3A_115 : i32
      %add3A_117 = arith.constant 16 : i32
      %add3A_118 = arith.addi %mul3A_116, %add3A_117 : i32
      %get3A_119 = arith.index_cast %add3A_118 : i32 to index
      %get3A_120 = tpu.vector_load %arg16[%get3A_119] {strides = array<i32>} : memref<10560xi32, #tpu.memory_space<vmem>>, vector<16xi32>,
      tpu.vector_store_idx %arg14[%get3A_120], %broadcast_in_dim3A_81 {add = true} : memref<10240xf32, #tpu.memory_space<vmem>>[vector<16xi32>], vector<16xf32>,
      %mul3A_121 = arith.constant 48 : i32
      %mul3A_122 = arith.muli %scan3A_97, %mul3A_121 : i32
      %add3A_123 = arith.constant 32 : i32
      %add3A_124 = arith.addi %mul3A_122, %add3A_123 : i32
      %get3A_125 = arith.index_cast %add3A_124 : i32 to index
      %get3A_126 = tpu.vector_load %arg15[%get3A_125] {strides = array<i32>} : memref<10560xi32, #tpu.memory_space<vmem>>, vector<16xi32>,
      tpu.vector_store_idx %arg13[%get3A_126], %broadcast_in_dim3A_81 {add = true} : memref<10240xf32, #tpu.memory_space<vmem>>[vector<16xi32>], vector<16xf32>,
      %mul3A_127 = arith.constant 48 : i32
      %mul3A_128 = arith.muli %scan3A_97, %mul3A_127 : i32
      %add3A_129 = arith.constant 32 : i32
      %add3A_130 = arith.addi %mul3A_128, %add3A_129 : i32
      %get3A_131 = arith.index_cast %add3A_130 : i32 to index
      %get3A_132 = tpu.vector_load %arg16[%get3A_131] {strides = array<i32>} : memref<10560xi32, #tpu.memory_space<vmem>>, vector<16xi32>,
      tpu.vector_store_idx %arg14[%get3A_132], %broadcast_in_dim3A_81 {add = true} : memref<10240xf32, #tpu.memory_space<vmem>>[vector<16xi32>], vector<16xf32>,
    }
    %scan3A_95 = arith.constant 220 : i32
    %run_scoped3A = arith.constant 0 : i32
    "tpu.region"() ({
      %run_scoped3A_97 = tpu.sem_alloc : memref<!tpu.dma_semaphore, #tpu.memory_space<semaphore_mem>>
      %dma_start3A_98 = arith.constant 0 : i32
      %dma_start3A_99 = tpu.memref_slice %arg7[%add3A, %run_scoped3A, %dma_start3A_98] : memref<32x2x10240xf32, #tpu.memory_space<hbm>> -> memref<1x1x10240xf32, #tpu.memory_space<hbm>>
      %dma_start3A_100 = tpu.memref_squeeze %dma_start3A_99 : memref<1x1x10240xf32, #tpu.memory_space<hbm>> -> memref<10240xf32, #tpu.memory_space<hbm>>
      %dma_start3A_101 = arith.constant 0 : i32
      %dma_start3A_102 = tpu.memref_slice %arg7[%add3A, %run_scoped3A, %dma_start3A_101] : memref<32x2x10240xf32, #tpu.memory_space<hbm>> -> memref<1x1x10240xf32, #tpu.memory_space<hbm>>
      %dma_start3A_103 = tpu.memref_squeeze %dma_start3A_102 : memref<1x1x10240xf32, #tpu.memory_space<hbm>> -> memref<10240xf32, #tpu.memory_space<hbm>>
      tpu.enqueue_dma source(%arg13 : memref<10240xf32, #tpu.memory_space<vmem>>) target(%dma_start3A_103 : memref<10240xf32, #tpu.memory_space<hbm>>) target_semaphore(%run_scoped3A_97 : memref<!tpu.dma_semaphore, #tpu.memory_space<semaphore_mem>>)
      %dma_wait3A_104 = arith.constant 0 : i32
      %dma_wait3A_105 = tpu.memref_slice %arg7[%add3A, %run_scoped3A, %dma_wait3A_104] : memref<32x2x10240xf32, #tpu.memory_space<hbm>> -> memref<1x1x10240xf32, #tpu.memory_space<hbm>>
      %dma_wait3A_106 = tpu.memref_squeeze %dma_wait3A_105 : memref<1x1x10240xf32, #tpu.memory_space<hbm>> -> memref<10240xf32, #tpu.memory_space<hbm>>
      %dma_wait3A_107 = arith.constant 0 : i32
      %dma_wait3A_108 = tpu.memref_slice %arg7[%add3A, %run_scoped3A, %dma_wait3A_107] : memref<32x2x10240xf32, #tpu.memory_space<hbm>> -> memref<1x1x10240xf32, #tpu.memory_space<hbm>>
      %dma_wait3A_109 = tpu.memref_squeeze %dma_wait3A_108 : memref<1x1x10240xf32, #tpu.memory_space<hbm>> -> memref<10240xf32, #tpu.memory_space<hbm>>
      tpu.wait_dma2 semaphore(%run_scoped3A_97 : memref<!tpu.dma_semaphore, #tpu.memory_space<semaphore_mem>>) src(%arg13 : memref<10240xf32, #tpu.memory_space<vmem>>) dst(%dma_wait3A_109 : memref<10240xf32, #tpu.memory_space<hbm>>)
      tpu.yield
    }) : () -> ()
    %run_scoped3A_96 = arith.constant 1 : i32
    "tpu.region"() ({
      %run_scoped3A_97 = tpu.sem_alloc : memref<!tpu.dma_semaphore, #tpu.memory_space<semaphore_mem>>
      %dma_start3A_98 = arith.constant 0 : i32
      %dma_start3A_99 = tpu.memref_slice %arg7[%add3A, %run_scoped3A_96, %dma_start3A_98] : memref<32x2x10240xf32, #tpu.memory_space<hbm>> -> memref<1x1x10240xf32, #tpu.memory_space<hbm>>
      %dma_start3A_100 = tpu.memref_squeeze %dma_start3A_99 : memref<1x1x10240xf32, #tpu.memory_space<hbm>> -> memref<10240xf32, #tpu.memory_space<hbm>>
      %dma_start3A_101 = arith.constant 0 : i32
      %dma_start3A_102 = tpu.memref_slice %arg7[%add3A, %run_scoped3A_96, %dma_start3A_101] : memref<32x2x10240xf32, #tpu.memory_space<hbm>> -> memref<1x1x10240xf32, #tpu.memory_space<hbm>>
      %dma_start3A_103 = tpu.memref_squeeze %dma_start3A_102 : memref<1x1x10240xf32, #tpu.memory_space<hbm>> -> memref<10240xf32, #tpu.memory_space<hbm>>
      tpu.enqueue_dma source(%arg14 : memref<10240xf32, #tpu.memory_space<vmem>>) target(%dma_start3A_103 : memref<10240xf32, #tpu.memory_space<hbm>>) target_semaphore(%run_scoped3A_97 : memref<!tpu.dma_semaphore, #tpu.memory_space<semaphore_mem>>)
      %dma_wait3A_104 = arith.constant 0 : i32
      %dma_wait3A_105 = tpu.memref_slice %arg7[%add3A, %run_scoped3A_96, %dma_wait3A_104] : memref<32x2x10240xf32, #tpu.memory_space<hbm>> -> memref<1x1x10240xf32, #tpu.memory_space<hbm>>
      %dma_wait3A_106 = tpu.memref_squeeze %dma_wait3A_105 : memref<1x1x10240xf32, #tpu.memory_space<hbm>> -> memref<10240xf32, #tpu.memory_space<hbm>>
      %dma_wait3A_107 = arith.constant 0 : i32
      %dma_wait3A_108 = tpu.memref_slice %arg7[%add3A, %run_scoped3A_96, %dma_wait3A_107] : memref<32x2x10240xf32, #tpu.memory_space<hbm>> -> memref<1x1x10240xf32, #tpu.memory_space<hbm>>
      %dma_wait3A_109 = tpu.memref_squeeze %dma_wait3A_108 : memref<1x1x10240xf32, #tpu.memory_space<hbm>> -> memref<10240xf32, #tpu.memory_space<hbm>>
      tpu.wait_dma2 semaphore(%run_scoped3A_97 : memref<!tpu.dma_semaphore, #tpu.memory_space<semaphore_mem>>) src(%arg14 : memref<10240xf32, #tpu.memory_space<vmem>>) dst(%dma_wait3A_109 : memref<10240xf32, #tpu.memory_space<hbm>>)
      tpu.yield
    }) : () -> ()
    return
  }
}

#map = affine_map<(d0, d1) -> (0, 0)>
#map1 = affine_map<(d0, d1) -> (0)>
#map2 = affine_map<(d0, d1) -> (0, 0, 0)>
module attributes {stable_mosaic.version = 14 : i64} {
  func.func @_sc_msgpass_body(%arg0: i32, %arg1: i32, %arg2: memref<10240x128xf32, #tpu.memory_space<hbm>>, %arg3: memref<337920xi32, #tpu.memory_space<hbm>>, %arg4: memref<337920xi32, #tpu.memory_space<hbm>>, %arg5: memref<2x10240x128xf32, #tpu.memory_space<hbm>>, %arg6: memref<120xi32, #tpu.memory_space<vmem>>, %arg7: memref<120xi32, #tpu.memory_space<vmem>>, %arg8: memref<120xi32, #tpu.memory_space<vmem>>, %arg9: memref<120xi32, #tpu.memory_space<vmem>>, %arg10: memref<120xi32, #tpu.memory_space<vmem>>, %arg11: memref<120xi32, #tpu.memory_space<vmem>>, %arg12: memref<120x128xf32, #tpu.memory_space<vmem>>, %arg13: memref<120x128xf32, #tpu.memory_space<vmem>>, %arg14: memref<120x128xf32, #tpu.memory_space<vmem>>, %arg15: memref<16x128xf32, #tpu.memory_space<vmem>>, %arg16: memref<10240x128xf32, #tpu.memory_space<vmem_shared>>, %arg17: memref<!tpu.dma_semaphore, #tpu.memory_space<semaphore_mem>>, %arg18: memref<!tpu.dma_semaphore, #tpu.memory_space<semaphore_mem>>, %arg19: memref<!tpu.dma_semaphore, #tpu.memory_space<semaphore_mem>>, %arg20: memref<!tpu.dma_semaphore, #tpu.memory_space<semaphore_mem>>, %arg21: memref<!tpu.dma_semaphore, #tpu.memory_space<semaphore_mem>>, %arg22: memref<!tpu.dma_semaphore, #tpu.memory_space<semaphore_mem>>) attributes {dimension_semantics = [#tpu.dimension_semantics<core_parallel>, #tpu.dimension_semantics<subcore_parallel>], iteration_bounds = array<i64: 2, 16>, scalar_prefetch = 0 : i64, scratch_operands = 17 : i64, tpu.core_type = #tpu.core_type<sc_vector_subcore>, window_params = [{transform_indices = #map}, {transform_indices = #map1}, {transform_indices = #map1}, {transform_indices = #map2}]} {
    %mul3A = arith.constant 2 : i32
    %mul3A_0 = arith.muli %arg1, %mul3A : i32
    %add3A = arith.addi %mul3A_0, %arg0 : i32
    %broadcast_in_dim3A = arith.constant 0.000000e+00 : f32
    %broadcast_in_dim3A_1 = vector.broadcast %broadcast_in_dim3A : f32 to vector<16xf32>
    %swap3A = arith.constant 0 : i32
    %swap3A_2 = arith.index_cast %swap3A : i32 to index
    %swap3A_3 = arith.constant 0 : index
    %swap3A_4 = tpu.vector_load %arg15[%swap3A_2, %swap3A_3] {strides = array<i32>} : memref<16x128xf32, #tpu.memory_space<vmem>>, vector<16xf32>,
    tpu.vector_store %arg15[%swap3A_2, %swap3A_3], %broadcast_in_dim3A_1 {strides = array<i32>} : memref<16x128xf32, #tpu.memory_space<vmem>>, vector<16xf32>,
    %swap3A_5 = arith.constant 0 : i32
    %swap3A_6 = arith.index_cast %swap3A_5 : i32 to index
    %swap3A_7 = arith.constant 16 : index
    %swap3A_8 = tpu.vector_load %arg15[%swap3A_6, %swap3A_7] {strides = array<i32>} : memref<16x128xf32, #tpu.memory_space<vmem>>, vector<16xf32>,
    tpu.vector_store %arg15[%swap3A_6, %swap3A_7], %broadcast_in_dim3A_1 {strides = array<i32>} : memref<16x128xf32, #tpu.memory_space<vmem>>, vector<16xf32>,
    %swap3A_9 = arith.constant 0 : i32
    %swap3A_10 = arith.index_cast %swap3A_9 : i32 to index
    %swap3A_11 = arith.constant 32 : index
    %swap3A_12 = tpu.vector_load %arg15[%swap3A_10, %swap3A_11] {strides = array<i32>} : memref<16x128xf32, #tpu.memory_space<vmem>>, vector<16xf32>,
    tpu.vector_store %arg15[%swap3A_10, %swap3A_11], %broadcast_in_dim3A_1 {strides = array<i32>} : memref<16x128xf32, #tpu.memory_space<vmem>>, vector<16xf32>,
    %swap3A_13 = arith.constant 0 : i32
    %swap3A_14 = arith.index_cast %swap3A_13 : i32 to index
    %swap3A_15 = arith.constant 48 : index
    %swap3A_16 = tpu.vector_load %arg15[%swap3A_14, %swap3A_15] {strides = array<i32>} : memref<16x128xf32, #tpu.memory_space<vmem>>, vector<16xf32>,
    tpu.vector_store %arg15[%swap3A_14, %swap3A_15], %broadcast_in_dim3A_1 {strides = array<i32>} : memref<16x128xf32, #tpu.memory_space<vmem>>, vector<16xf32>,
    %swap3A_17 = arith.constant 0 : i32
    %swap3A_18 = arith.index_cast %swap3A_17 : i32 to index
    %swap3A_19 = arith.constant 64 : index
    %swap3A_20 = tpu.vector_load %arg15[%swap3A_18, %swap3A_19] {strides = array<i32>} : memref<16x128xf32, #tpu.memory_space<vmem>>, vector<16xf32>,
    tpu.vector_store %arg15[%swap3A_18, %swap3A_19], %broadcast_in_dim3A_1 {strides = array<i32>} : memref<16x128xf32, #tpu.memory_space<vmem>>, vector<16xf32>,
    %swap3A_21 = arith.constant 0 : i32
    %swap3A_22 = arith.index_cast %swap3A_21 : i32 to index
    %swap3A_23 = arith.constant 80 : index
    %swap3A_24 = tpu.vector_load %arg15[%swap3A_22, %swap3A_23] {strides = array<i32>} : memref<16x128xf32, #tpu.memory_space<vmem>>, vector<16xf32>,
    tpu.vector_store %arg15[%swap3A_22, %swap3A_23], %broadcast_in_dim3A_1 {strides = array<i32>} : memref<16x128xf32, #tpu.memory_space<vmem>>, vector<16xf32>,
    %swap3A_25 = arith.constant 0 : i32
    %swap3A_26 = arith.index_cast %swap3A_25 : i32 to index
    %swap3A_27 = arith.constant 96 : index
    %swap3A_28 = tpu.vector_load %arg15[%swap3A_26, %swap3A_27] {strides = array<i32>} : memref<16x128xf32, #tpu.memory_space<vmem>>, vector<16xf32>,
    tpu.vector_store %arg15[%swap3A_26, %swap3A_27], %broadcast_in_dim3A_1 {strides = array<i32>} : memref<16x128xf32, #tpu.memory_space<vmem>>, vector<16xf32>,
    %swap3A_29 = arith.constant 0 : i32
    %swap3A_30 = arith.index_cast %swap3A_29 : i32 to index
    %swap3A_31 = arith.constant 112 : index
    %swap3A_32 = tpu.vector_load %arg15[%swap3A_30, %swap3A_31] {strides = array<i32>} : memref<16x128xf32, #tpu.memory_space<vmem>>, vector<16xf32>,
    tpu.vector_store %arg15[%swap3A_30, %swap3A_31], %broadcast_in_dim3A_1 {strides = array<i32>} : memref<16x128xf32, #tpu.memory_space<vmem>>, vector<16xf32>,
    %swap3A_33 = arith.constant 1 : i32
    %swap3A_34 = arith.index_cast %swap3A_33 : i32 to index
    %swap3A_35 = arith.constant 0 : index
    %swap3A_36 = tpu.vector_load %arg15[%swap3A_34, %swap3A_35] {strides = array<i32>} : memref<16x128xf32, #tpu.memory_space<vmem>>, vector<16xf32>,
    tpu.vector_store %arg15[%swap3A_34, %swap3A_35], %broadcast_in_dim3A_1 {strides = array<i32>} : memref<16x128xf32, #tpu.memory_space<vmem>>, vector<16xf32>,
    %swap3A_37 = arith.constant 1 : i32
    %swap3A_38 = arith.index_cast %swap3A_37 : i32 to index
    %swap3A_39 = arith.constant 16 : index
    %swap3A_40 = tpu.vector_load %arg15[%swap3A_38, %swap3A_39] {strides = array<i32>} : memref<16x128xf32, #tpu.memory_space<vmem>>, vector<16xf32>,
    tpu.vector_store %arg15[%swap3A_38, %swap3A_39], %broadcast_in_dim3A_1 {strides = array<i32>} : memref<16x128xf32, #tpu.memory_space<vmem>>, vector<16xf32>,
    %swap3A_41 = arith.constant 1 : i32
    %swap3A_42 = arith.index_cast %swap3A_41 : i32 to index
    %swap3A_43 = arith.constant 32 : index
    %swap3A_44 = tpu.vector_load %arg15[%swap3A_42, %swap3A_43] {strides = array<i32>} : memref<16x128xf32, #tpu.memory_space<vmem>>, vector<16xf32>,
    tpu.vector_store %arg15[%swap3A_42, %swap3A_43], %broadcast_in_dim3A_1 {strides = array<i32>} : memref<16x128xf32, #tpu.memory_space<vmem>>, vector<16xf32>,
    %swap3A_45 = arith.constant 1 : i32
    %swap3A_46 = arith.index_cast %swap3A_45 : i32 to index
    %swap3A_47 = arith.constant 48 : index
    %swap3A_48 = tpu.vector_load %arg15[%swap3A_46, %swap3A_47] {strides = array<i32>} : memref<16x128xf32, #tpu.memory_space<vmem>>, vector<16xf32>,
    tpu.vector_store %arg15[%swap3A_46, %swap3A_47], %broadcast_in_dim3A_1 {strides = array<i32>} : memref<16x128xf32, #tpu.memory_space<vmem>>, vector<16xf32>,
    %swap3A_49 = arith.constant 1 : i32
    %swap3A_50 = arith.index_cast %swap3A_49 : i32 to index
    %swap3A_51 = arith.constant 64 : index
    %swap3A_52 = tpu.vector_load %arg15[%swap3A_50, %swap3A_51] {strides = array<i32>} : memref<16x128xf32, #tpu.memory_space<vmem>>, vector<16xf32>,
    tpu.vector_store %arg15[%swap3A_50, %swap3A_51], %broadcast_in_dim3A_1 {strides = array<i32>} : memref<16x128xf32, #tpu.memory_space<vmem>>, vector<16xf32>,
    %swap3A_53 = arith.constant 1 : i32
    %swap3A_54 = arith.index_cast %swap3A_53 : i32 to index
    %swap3A_55 = arith.constant 80 : index
    %swap3A_56 = tpu.vector_load %arg15[%swap3A_54, %swap3A_55] {strides = array<i32>} : memref<16x128xf32, #tpu.memory_space<vmem>>, vector<16xf32>,
    tpu.vector_store %arg15[%swap3A_54, %swap3A_55], %broadcast_in_dim3A_1 {strides = array<i32>} : memref<16x128xf32, #tpu.memory_space<vmem>>, vector<16xf32>,
    %swap3A_57 = arith.constant 1 : i32
    %swap3A_58 = arith.index_cast %swap3A_57 : i32 to index
    %swap3A_59 = arith.constant 96 : index
    %swap3A_60 = tpu.vector_load %arg15[%swap3A_58, %swap3A_59] {strides = array<i32>} : memref<16x128xf32, #tpu.memory_space<vmem>>, vector<16xf32>,
    tpu.vector_store %arg15[%swap3A_58, %swap3A_59], %broadcast_in_dim3A_1 {strides = array<i32>} : memref<16x128xf32, #tpu.memory_space<vmem>>, vector<16xf32>,
    %swap3A_61 = arith.constant 1 : i32
    %swap3A_62 = arith.index_cast %swap3A_61 : i32 to index
    %swap3A_63 = arith.constant 112 : index
    %swap3A_64 = tpu.vector_load %arg15[%swap3A_62, %swap3A_63] {strides = array<i32>} : memref<16x128xf32, #tpu.memory_space<vmem>>, vector<16xf32>,
    tpu.vector_store %arg15[%swap3A_62, %swap3A_63], %broadcast_in_dim3A_1 {strides = array<i32>} : memref<16x128xf32, #tpu.memory_space<vmem>>, vector<16xf32>,
    %swap3A_65 = arith.constant 2 : i32
    %swap3A_66 = arith.index_cast %swap3A_65 : i32 to index
    %swap3A_67 = arith.constant 0 : index
    %swap3A_68 = tpu.vector_load %arg15[%swap3A_66, %swap3A_67] {strides = array<i32>} : memref<16x128xf32, #tpu.memory_space<vmem>>, vector<16xf32>,
    tpu.vector_store %arg15[%swap3A_66, %swap3A_67], %broadcast_in_dim3A_1 {strides = array<i32>} : memref<16x128xf32, #tpu.memory_space<vmem>>, vector<16xf32>,
    %swap3A_69 = arith.constant 2 : i32
    %swap3A_70 = arith.index_cast %swap3A_69 : i32 to index
    %swap3A_71 = arith.constant 16 : index
    %swap3A_72 = tpu.vector_load %arg15[%swap3A_70, %swap3A_71] {strides = array<i32>} : memref<16x128xf32, #tpu.memory_space<vmem>>, vector<16xf32>,
    tpu.vector_store %arg15[%swap3A_70, %swap3A_71], %broadcast_in_dim3A_1 {strides = array<i32>} : memref<16x128xf32, #tpu.memory_space<vmem>>, vector<16xf32>,
    %swap3A_73 = arith.constant 2 : i32
    %swap3A_74 = arith.index_cast %swap3A_73 : i32 to index
    %swap3A_75 = arith.constant 32 : index
    %swap3A_76 = tpu.vector_load %arg15[%swap3A_74, %swap3A_75] {strides = array<i32>} : memref<16x128xf32, #tpu.memory_space<vmem>>, vector<16xf32>,
    tpu.vector_store %arg15[%swap3A_74, %swap3A_75], %broadcast_in_dim3A_1 {strides = array<i32>} : memref<16x128xf32, #tpu.memory_space<vmem>>, vector<16xf32>,
    %swap3A_77 = arith.constant 2 : i32
    %swap3A_78 = arith.index_cast %swap3A_77 : i32 to index
    %swap3A_79 = arith.constant 48 : index
    %swap3A_80 = tpu.vector_load %arg15[%swap3A_78, %swap3A_79] {strides = array<i32>} : memref<16x128xf32, #tpu.memory_space<vmem>>, vector<16xf32>,
    tpu.vector_store %arg15[%swap3A_78, %swap3A_79], %broadcast_in_dim3A_1 {strides = array<i32>} : memref<16x128xf32, #tpu.memory_space<vmem>>, vector<16xf32>,
    %swap3A_81 = arith.constant 2 : i32
    %swap3A_82 = arith.index_cast %swap3A_81 : i32 to index
    %swap3A_83 = arith.constant 64 : index
    %swap3A_84 = tpu.vector_load %arg15[%swap3A_82, %swap3A_83] {strides = array<i32>} : memref<16x128xf32, #tpu.memory_space<vmem>>, vector<16xf32>,
    tpu.vector_store %arg15[%swap3A_82, %swap3A_83], %broadcast_in_dim3A_1 {strides = array<i32>} : memref<16x128xf32, #tpu.memory_space<vmem>>, vector<16xf32>,
    %swap3A_85 = arith.constant 2 : i32
    %swap3A_86 = arith.index_cast %swap3A_85 : i32 to index
    %swap3A_87 = arith.constant 80 : index
    %swap3A_88 = tpu.vector_load %arg15[%swap3A_86, %swap3A_87] {strides = array<i32>} : memref<16x128xf32, #tpu.memory_space<vmem>>, vector<16xf32>,
    tpu.vector_store %arg15[%swap3A_86, %swap3A_87], %broadcast_in_dim3A_1 {strides = array<i32>} : memref<16x128xf32, #tpu.memory_space<vmem>>, vector<16xf32>,
    %swap3A_89 = arith.constant 2 : i32
    %swap3A_90 = arith.index_cast %swap3A_89 : i32 to index
    %swap3A_91 = arith.constant 96 : index
    %swap3A_92 = tpu.vector_load %arg15[%swap3A_90, %swap3A_91] {strides = array<i32>} : memref<16x128xf32, #tpu.memory_space<vmem>>, vector<16xf32>,
    tpu.vector_store %arg15[%swap3A_90, %swap3A_91], %broadcast_in_dim3A_1 {strides = array<i32>} : memref<16x128xf32, #tpu.memory_space<vmem>>, vector<16xf32>,
    %swap3A_93 = arith.constant 2 : i32
    %swap3A_94 = arith.index_cast %swap3A_93 : i32 to index
    %swap3A_95 = arith.constant 112 : index
    %swap3A_96 = tpu.vector_load %arg15[%swap3A_94, %swap3A_95] {strides = array<i32>} : memref<16x128xf32, #tpu.memory_space<vmem>>, vector<16xf32>,
    tpu.vector_store %arg15[%swap3A_94, %swap3A_95], %broadcast_in_dim3A_1 {strides = array<i32>} : memref<16x128xf32, #tpu.memory_space<vmem>>, vector<16xf32>,
    %swap3A_97 = arith.constant 3 : i32
    %swap3A_98 = arith.index_cast %swap3A_97 : i32 to index
    %swap3A_99 = arith.constant 0 : index
    %swap3A_100 = tpu.vector_load %arg15[%swap3A_98, %swap3A_99] {strides = array<i32>} : memref<16x128xf32, #tpu.memory_space<vmem>>, vector<16xf32>,
    tpu.vector_store %arg15[%swap3A_98, %swap3A_99], %broadcast_in_dim3A_1 {strides = array<i32>} : memref<16x128xf32, #tpu.memory_space<vmem>>, vector<16xf32>,
    %swap3A_101 = arith.constant 3 : i32
    %swap3A_102 = arith.index_cast %swap3A_101 : i32 to index
    %swap3A_103 = arith.constant 16 : index
    %swap3A_104 = tpu.vector_load %arg15[%swap3A_102, %swap3A_103] {strides = array<i32>} : memref<16x128xf32, #tpu.memory_space<vmem>>, vector<16xf32>,
    tpu.vector_store %arg15[%swap3A_102, %swap3A_103], %broadcast_in_dim3A_1 {strides = array<i32>} : memref<16x128xf32, #tpu.memory_space<vmem>>, vector<16xf32>,
    %swap3A_105 = arith.constant 3 : i32
    %swap3A_106 = arith.index_cast %swap3A_105 : i32 to index
    %swap3A_107 = arith.constant 32 : index
    %swap3A_108 = tpu.vector_load %arg15[%swap3A_106, %swap3A_107] {strides = array<i32>} : memref<16x128xf32, #tpu.memory_space<vmem>>, vector<16xf32>,
    tpu.vector_store %arg15[%swap3A_106, %swap3A_107], %broadcast_in_dim3A_1 {strides = array<i32>} : memref<16x128xf32, #tpu.memory_space<vmem>>, vector<16xf32>,
    %swap3A_109 = arith.constant 3 : i32
    %swap3A_110 = arith.index_cast %swap3A_109 : i32 to index
    %swap3A_111 = arith.constant 48 : index
    %swap3A_112 = tpu.vector_load %arg15[%swap3A_110, %swap3A_111] {strides = array<i32>} : memref<16x128xf32, #tpu.memory_space<vmem>>, vector<16xf32>,
    tpu.vector_store %arg15[%swap3A_110, %swap3A_111], %broadcast_in_dim3A_1 {strides = array<i32>} : memref<16x128xf32, #tpu.memory_space<vmem>>, vector<16xf32>,
    %swap3A_113 = arith.constant 3 : i32
    %swap3A_114 = arith.index_cast %swap3A_113 : i32 to index
    %swap3A_115 = arith.constant 64 : index
    %swap3A_116 = tpu.vector_load %arg15[%swap3A_114, %swap3A_115] {strides = array<i32>} : memref<16x128xf32, #tpu.memory_space<vmem>>, vector<16xf32>,
    tpu.vector_store %arg15[%swap3A_114, %swap3A_115], %broadcast_in_dim3A_1 {strides = array<i32>} : memref<16x128xf32, #tpu.memory_space<vmem>>, vector<16xf32>,
    %swap3A_117 = arith.constant 3 : i32
    %swap3A_118 = arith.index_cast %swap3A_117 : i32 to index
    %swap3A_119 = arith.constant 80 : index
    %swap3A_120 = tpu.vector_load %arg15[%swap3A_118, %swap3A_119] {strides = array<i32>} : memref<16x128xf32, #tpu.memory_space<vmem>>, vector<16xf32>,
    tpu.vector_store %arg15[%swap3A_118, %swap3A_119], %broadcast_in_dim3A_1 {strides = array<i32>} : memref<16x128xf32, #tpu.memory_space<vmem>>, vector<16xf32>,
    %swap3A_121 = arith.constant 3 : i32
    %swap3A_122 = arith.index_cast %swap3A_121 : i32 to index
    %swap3A_123 = arith.constant 96 : index
    %swap3A_124 = tpu.vector_load %arg15[%swap3A_122, %swap3A_123] {strides = array<i32>} : memref<16x128xf32, #tpu.memory_space<vmem>>, vector<16xf32>,
    tpu.vector_store %arg15[%swap3A_122, %swap3A_123], %broadcast_in_dim3A_1 {strides = array<i32>} : memref<16x128xf32, #tpu.memory_space<vmem>>, vector<16xf32>,
    %swap3A_125 = arith.constant 3 : i32
    %swap3A_126 = arith.index_cast %swap3A_125 : i32 to index
    %swap3A_127 = arith.constant 112 : index
    %swap3A_128 = tpu.vector_load %arg15[%swap3A_126, %swap3A_127] {strides = array<i32>} : memref<16x128xf32, #tpu.memory_space<vmem>>, vector<16xf32>,
    tpu.vector_store %arg15[%swap3A_126, %swap3A_127], %broadcast_in_dim3A_1 {strides = array<i32>} : memref<16x128xf32, #tpu.memory_space<vmem>>, vector<16xf32>,
    %swap3A_129 = arith.constant 4 : i32
    %swap3A_130 = arith.index_cast %swap3A_129 : i32 to index
    %swap3A_131 = arith.constant 0 : index
    %swap3A_132 = tpu.vector_load %arg15[%swap3A_130, %swap3A_131] {strides = array<i32>} : memref<16x128xf32, #tpu.memory_space<vmem>>, vector<16xf32>,
    tpu.vector_store %arg15[%swap3A_130, %swap3A_131], %broadcast_in_dim3A_1 {strides = array<i32>} : memref<16x128xf32, #tpu.memory_space<vmem>>, vector<16xf32>,
    %swap3A_133 = arith.constant 4 : i32
    %swap3A_134 = arith.index_cast %swap3A_133 : i32 to index
    %swap3A_135 = arith.constant 16 : index
    %swap3A_136 = tpu.vector_load %arg15[%swap3A_134, %swap3A_135] {strides = array<i32>} : memref<16x128xf32, #tpu.memory_space<vmem>>, vector<16xf32>,
    tpu.vector_store %arg15[%swap3A_134, %swap3A_135], %broadcast_in_dim3A_1 {strides = array<i32>} : memref<16x128xf32, #tpu.memory_space<vmem>>, vector<16xf32>,
    %swap3A_137 = arith.constant 4 : i32
    %swap3A_138 = arith.index_cast %swap3A_137 : i32 to index
    %swap3A_139 = arith.constant 32 : index
    %swap3A_140 = tpu.vector_load %arg15[%swap3A_138, %swap3A_139] {strides = array<i32>} : memref<16x128xf32, #tpu.memory_space<vmem>>, vector<16xf32>,
    tpu.vector_store %arg15[%swap3A_138, %swap3A_139], %broadcast_in_dim3A_1 {strides = array<i32>} : memref<16x128xf32, #tpu.memory_space<vmem>>, vector<16xf32>,
    %swap3A_141 = arith.constant 4 : i32
    %swap3A_142 = arith.index_cast %swap3A_141 : i32 to index
    %swap3A_143 = arith.constant 48 : index
    %swap3A_144 = tpu.vector_load %arg15[%swap3A_142, %swap3A_143] {strides = array<i32>} : memref<16x128xf32, #tpu.memory_space<vmem>>, vector<16xf32>,
    tpu.vector_store %arg15[%swap3A_142, %swap3A_143], %broadcast_in_dim3A_1 {strides = array<i32>} : memref<16x128xf32, #tpu.memory_space<vmem>>, vector<16xf32>,
    %swap3A_145 = arith.constant 4 : i32
    %swap3A_146 = arith.index_cast %swap3A_145 : i32 to index
    %swap3A_147 = arith.constant 64 : index
    %swap3A_148 = tpu.vector_load %arg15[%swap3A_146, %swap3A_147] {strides = array<i32>} : memref<16x128xf32, #tpu.memory_space<vmem>>, vector<16xf32>,
    tpu.vector_store %arg15[%swap3A_146, %swap3A_147], %broadcast_in_dim3A_1 {strides = array<i32>} : memref<16x128xf32, #tpu.memory_space<vmem>>, vector<16xf32>,
    %swap3A_149 = arith.constant 4 : i32
    %swap3A_150 = arith.index_cast %swap3A_149 : i32 to index
    %swap3A_151 = arith.constant 80 : index
    %swap3A_152 = tpu.vector_load %arg15[%swap3A_150, %swap3A_151] {strides = array<i32>} : memref<16x128xf32, #tpu.memory_space<vmem>>, vector<16xf32>,
    tpu.vector_store %arg15[%swap3A_150, %swap3A_151], %broadcast_in_dim3A_1 {strides = array<i32>} : memref<16x128xf32, #tpu.memory_space<vmem>>, vector<16xf32>,
    %swap3A_153 = arith.constant 4 : i32
    %swap3A_154 = arith.index_cast %swap3A_153 : i32 to index
    %swap3A_155 = arith.constant 96 : index
    %swap3A_156 = tpu.vector_load %arg15[%swap3A_154, %swap3A_155] {strides = array<i32>} : memref<16x128xf32, #tpu.memory_space<vmem>>, vector<16xf32>,
    tpu.vector_store %arg15[%swap3A_154, %swap3A_155], %broadcast_in_dim3A_1 {strides = array<i32>} : memref<16x128xf32, #tpu.memory_space<vmem>>, vector<16xf32>,
    %swap3A_157 = arith.constant 4 : i32
    %swap3A_158 = arith.index_cast %swap3A_157 : i32 to index
    %swap3A_159 = arith.constant 112 : index
    %swap3A_160 = tpu.vector_load %arg15[%swap3A_158, %swap3A_159] {strides = array<i32>} : memref<16x128xf32, #tpu.memory_space<vmem>>, vector<16xf32>,
    tpu.vector_store %arg15[%swap3A_158, %swap3A_159], %broadcast_in_dim3A_1 {strides = array<i32>} : memref<16x128xf32, #tpu.memory_space<vmem>>, vector<16xf32>,
    %swap3A_161 = arith.constant 5 : i32
    %swap3A_162 = arith.index_cast %swap3A_161 : i32 to index
    %swap3A_163 = arith.constant 0 : index
    %swap3A_164 = tpu.vector_load %arg15[%swap3A_162, %swap3A_163] {strides = array<i32>} : memref<16x128xf32, #tpu.memory_space<vmem>>, vector<16xf32>,
    tpu.vector_store %arg15[%swap3A_162, %swap3A_163], %broadcast_in_dim3A_1 {strides = array<i32>} : memref<16x128xf32, #tpu.memory_space<vmem>>, vector<16xf32>,
    %swap3A_165 = arith.constant 5 : i32
    %swap3A_166 = arith.index_cast %swap3A_165 : i32 to index
    %swap3A_167 = arith.constant 16 : index
    %swap3A_168 = tpu.vector_load %arg15[%swap3A_166, %swap3A_167] {strides = array<i32>} : memref<16x128xf32, #tpu.memory_space<vmem>>, vector<16xf32>,
    tpu.vector_store %arg15[%swap3A_166, %swap3A_167], %broadcast_in_dim3A_1 {strides = array<i32>} : memref<16x128xf32, #tpu.memory_space<vmem>>, vector<16xf32>,
    %swap3A_169 = arith.constant 5 : i32
    %swap3A_170 = arith.index_cast %swap3A_169 : i32 to index
    %swap3A_171 = arith.constant 32 : index
    %swap3A_172 = tpu.vector_load %arg15[%swap3A_170, %swap3A_171] {strides = array<i32>} : memref<16x128xf32, #tpu.memory_space<vmem>>, vector<16xf32>,
    tpu.vector_store %arg15[%swap3A_170, %swap3A_171], %broadcast_in_dim3A_1 {strides = array<i32>} : memref<16x128xf32, #tpu.memory_space<vmem>>, vector<16xf32>,
    %swap3A_173 = arith.constant 5 : i32
    %swap3A_174 = arith.index_cast %swap3A_173 : i32 to index
    %swap3A_175 = arith.constant 48 : index
    %swap3A_176 = tpu.vector_load %arg15[%swap3A_174, %swap3A_175] {strides = array<i32>} : memref<16x128xf32, #tpu.memory_space<vmem>>, vector<16xf32>,
    tpu.vector_store %arg15[%swap3A_174, %swap3A_175], %broadcast_in_dim3A_1 {strides = array<i32>} : memref<16x128xf32, #tpu.memory_space<vmem>>, vector<16xf32>,
    %swap3A_177 = arith.constant 5 : i32
    %swap3A_178 = arith.index_cast %swap3A_177 : i32 to index
    %swap3A_179 = arith.constant 64 : index
    %swap3A_180 = tpu.vector_load %arg15[%swap3A_178, %swap3A_179] {strides = array<i32>} : memref<16x128xf32, #tpu.memory_space<vmem>>, vector<16xf32>,
    tpu.vector_store %arg15[%swap3A_178, %swap3A_179], %broadcast_in_dim3A_1 {strides = array<i32>} : memref<16x128xf32, #tpu.memory_space<vmem>>, vector<16xf32>,
    %swap3A_181 = arith.constant 5 : i32
    %swap3A_182 = arith.index_cast %swap3A_181 : i32 to index
    %swap3A_183 = arith.constant 80 : index
    %swap3A_184 = tpu.vector_load %arg15[%swap3A_182, %swap3A_183] {strides = array<i32>} : memref<16x128xf32, #tpu.memory_space<vmem>>, vector<16xf32>,
    tpu.vector_store %arg15[%swap3A_182, %swap3A_183], %broadcast_in_dim3A_1 {strides = array<i32>} : memref<16x128xf32, #tpu.memory_space<vmem>>, vector<16xf32>,
    %swap3A_185 = arith.constant 5 : i32
    %swap3A_186 = arith.index_cast %swap3A_185 : i32 to index
    %swap3A_187 = arith.constant 96 : index
    %swap3A_188 = tpu.vector_load %arg15[%swap3A_186, %swap3A_187] {strides = array<i32>} : memref<16x128xf32, #tpu.memory_space<vmem>>, vector<16xf32>,
    tpu.vector_store %arg15[%swap3A_186, %swap3A_187], %broadcast_in_dim3A_1 {strides = array<i32>} : memref<16x128xf32, #tpu.memory_space<vmem>>, vector<16xf32>,
    %swap3A_189 = arith.constant 5 : i32
    %swap3A_190 = arith.index_cast %swap3A_189 : i32 to index
    %swap3A_191 = arith.constant 112 : index
    %swap3A_192 = tpu.vector_load %arg15[%swap3A_190, %swap3A_191] {strides = array<i32>} : memref<16x128xf32, #tpu.memory_space<vmem>>, vector<16xf32>,
    tpu.vector_store %arg15[%swap3A_190, %swap3A_191], %broadcast_in_dim3A_1 {strides = array<i32>} : memref<16x128xf32, #tpu.memory_space<vmem>>, vector<16xf32>,
    %swap3A_193 = arith.constant 6 : i32
    %swap3A_194 = arith.index_cast %swap3A_193 : i32 to index
    %swap3A_195 = arith.constant 0 : index
    %swap3A_196 = tpu.vector_load %arg15[%swap3A_194, %swap3A_195] {strides = array<i32>} : memref<16x128xf32, #tpu.memory_space<vmem>>, vector<16xf32>,
    tpu.vector_store %arg15[%swap3A_194, %swap3A_195], %broadcast_in_dim3A_1 {strides = array<i32>} : memref<16x128xf32, #tpu.memory_space<vmem>>, vector<16xf32>,
    %swap3A_197 = arith.constant 6 : i32
    %swap3A_198 = arith.index_cast %swap3A_197 : i32 to index
    %swap3A_199 = arith.constant 16 : index
    %swap3A_200 = tpu.vector_load %arg15[%swap3A_198, %swap3A_199] {strides = array<i32>} : memref<16x128xf32, #tpu.memory_space<vmem>>, vector<16xf32>,
    tpu.vector_store %arg15[%swap3A_198, %swap3A_199], %broadcast_in_dim3A_1 {strides = array<i32>} : memref<16x128xf32, #tpu.memory_space<vmem>>, vector<16xf32>,
    %swap3A_201 = arith.constant 6 : i32
    %swap3A_202 = arith.index_cast %swap3A_201 : i32 to index
    %swap3A_203 = arith.constant 32 : index
    %swap3A_204 = tpu.vector_load %arg15[%swap3A_202, %swap3A_203] {strides = array<i32>} : memref<16x128xf32, #tpu.memory_space<vmem>>, vector<16xf32>,
    tpu.vector_store %arg15[%swap3A_202, %swap3A_203], %broadcast_in_dim3A_1 {strides = array<i32>} : memref<16x128xf32, #tpu.memory_space<vmem>>, vector<16xf32>,
    %swap3A_205 = arith.constant 6 : i32
    %swap3A_206 = arith.index_cast %swap3A_205 : i32 to index
    %swap3A_207 = arith.constant 48 : index
    %swap3A_208 = tpu.vector_load %arg15[%swap3A_206, %swap3A_207] {strides = array<i32>} : memref<16x128xf32, #tpu.memory_space<vmem>>, vector<16xf32>,
    tpu.vector_store %arg15[%swap3A_206, %swap3A_207], %broadcast_in_dim3A_1 {strides = array<i32>} : memref<16x128xf32, #tpu.memory_space<vmem>>, vector<16xf32>,
    %swap3A_209 = arith.constant 6 : i32
    %swap3A_210 = arith.index_cast %swap3A_209 : i32 to index
    %swap3A_211 = arith.constant 64 : index
    %swap3A_212 = tpu.vector_load %arg15[%swap3A_210, %swap3A_211] {strides = array<i32>} : memref<16x128xf32, #tpu.memory_space<vmem>>, vector<16xf32>,
    tpu.vector_store %arg15[%swap3A_210, %swap3A_211], %broadcast_in_dim3A_1 {strides = array<i32>} : memref<16x128xf32, #tpu.memory_space<vmem>>, vector<16xf32>,
    %swap3A_213 = arith.constant 6 : i32
    %swap3A_214 = arith.index_cast %swap3A_213 : i32 to index
    %swap3A_215 = arith.constant 80 : index
    %swap3A_216 = tpu.vector_load %arg15[%swap3A_214, %swap3A_215] {strides = array<i32>} : memref<16x128xf32, #tpu.memory_space<vmem>>, vector<16xf32>,
    tpu.vector_store %arg15[%swap3A_214, %swap3A_215], %broadcast_in_dim3A_1 {strides = array<i32>} : memref<16x128xf32, #tpu.memory_space<vmem>>, vector<16xf32>,
    %swap3A_217 = arith.constant 6 : i32
    %swap3A_218 = arith.index_cast %swap3A_217 : i32 to index
    %swap3A_219 = arith.constant 96 : index
    %swap3A_220 = tpu.vector_load %arg15[%swap3A_218, %swap3A_219] {strides = array<i32>} : memref<16x128xf32, #tpu.memory_space<vmem>>, vector<16xf32>,
    tpu.vector_store %arg15[%swap3A_218, %swap3A_219], %broadcast_in_dim3A_1 {strides = array<i32>} : memref<16x128xf32, #tpu.memory_space<vmem>>, vector<16xf32>,
    %swap3A_221 = arith.constant 6 : i32
    %swap3A_222 = arith.index_cast %swap3A_221 : i32 to index
    %swap3A_223 = arith.constant 112 : index
    %swap3A_224 = tpu.vector_load %arg15[%swap3A_222, %swap3A_223] {strides = array<i32>} : memref<16x128xf32, #tpu.memory_space<vmem>>, vector<16xf32>,
    tpu.vector_store %arg15[%swap3A_222, %swap3A_223], %broadcast_in_dim3A_1 {strides = array<i32>} : memref<16x128xf32, #tpu.memory_space<vmem>>, vector<16xf32>,
    %swap3A_225 = arith.constant 7 : i32
    %swap3A_226 = arith.index_cast %swap3A_225 : i32 to index
    %swap3A_227 = arith.constant 0 : index
    %swap3A_228 = tpu.vector_load %arg15[%swap3A_226, %swap3A_227] {strides = array<i32>} : memref<16x128xf32, #tpu.memory_space<vmem>>, vector<16xf32>,
    tpu.vector_store %arg15[%swap3A_226, %swap3A_227], %broadcast_in_dim3A_1 {strides = array<i32>} : memref<16x128xf32, #tpu.memory_space<vmem>>, vector<16xf32>,
    %swap3A_229 = arith.constant 7 : i32
    %swap3A_230 = arith.index_cast %swap3A_229 : i32 to index
    %swap3A_231 = arith.constant 16 : index
    %swap3A_232 = tpu.vector_load %arg15[%swap3A_230, %swap3A_231] {strides = array<i32>} : memref<16x128xf32, #tpu.memory_space<vmem>>, vector<16xf32>,
    tpu.vector_store %arg15[%swap3A_230, %swap3A_231], %broadcast_in_dim3A_1 {strides = array<i32>} : memref<16x128xf32, #tpu.memory_space<vmem>>, vector<16xf32>,
    %swap3A_233 = arith.constant 7 : i32
    %swap3A_234 = arith.index_cast %swap3A_233 : i32 to index
    %swap3A_235 = arith.constant 32 : index
    %swap3A_236 = tpu.vector_load %arg15[%swap3A_234, %swap3A_235] {strides = array<i32>} : memref<16x128xf32, #tpu.memory_space<vmem>>, vector<16xf32>,
    tpu.vector_store %arg15[%swap3A_234, %swap3A_235], %broadcast_in_dim3A_1 {strides = array<i32>} : memref<16x128xf32, #tpu.memory_space<vmem>>, vector<16xf32>,
    %swap3A_237 = arith.constant 7 : i32
    %swap3A_238 = arith.index_cast %swap3A_237 : i32 to index
    %swap3A_239 = arith.constant 48 : index
    %swap3A_240 = tpu.vector_load %arg15[%swap3A_238, %swap3A_239] {strides = array<i32>} : memref<16x128xf32, #tpu.memory_space<vmem>>, vector<16xf32>,
    tpu.vector_store %arg15[%swap3A_238, %swap3A_239], %broadcast_in_dim3A_1 {strides = array<i32>} : memref<16x128xf32, #tpu.memory_space<vmem>>, vector<16xf32>,
    %swap3A_241 = arith.constant 7 : i32
    %swap3A_242 = arith.index_cast %swap3A_241 : i32 to index
    %swap3A_243 = arith.constant 64 : index
    %swap3A_244 = tpu.vector_load %arg15[%swap3A_242, %swap3A_243] {strides = array<i32>} : memref<16x128xf32, #tpu.memory_space<vmem>>, vector<16xf32>,
    tpu.vector_store %arg15[%swap3A_242, %swap3A_243], %broadcast_in_dim3A_1 {strides = array<i32>} : memref<16x128xf32, #tpu.memory_space<vmem>>, vector<16xf32>,
    %swap3A_245 = arith.constant 7 : i32
    %swap3A_246 = arith.index_cast %swap3A_245 : i32 to index
    %swap3A_247 = arith.constant 80 : index
    %swap3A_248 = tpu.vector_load %arg15[%swap3A_246, %swap3A_247] {strides = array<i32>} : memref<16x128xf32, #tpu.memory_space<vmem>>, vector<16xf32>,
    tpu.vector_store %arg15[%swap3A_246, %swap3A_247], %broadcast_in_dim3A_1 {strides = array<i32>} : memref<16x128xf32, #tpu.memory_space<vmem>>, vector<16xf32>,
    %swap3A_249 = arith.constant 7 : i32
    %swap3A_250 = arith.index_cast %swap3A_249 : i32 to index
    %swap3A_251 = arith.constant 96 : index
    %swap3A_252 = tpu.vector_load %arg15[%swap3A_250, %swap3A_251] {strides = array<i32>} : memref<16x128xf32, #tpu.memory_space<vmem>>, vector<16xf32>,
    tpu.vector_store %arg15[%swap3A_250, %swap3A_251], %broadcast_in_dim3A_1 {strides = array<i32>} : memref<16x128xf32, #tpu.memory_space<vmem>>, vector<16xf32>,
    %swap3A_253 = arith.constant 7 : i32
    %swap3A_254 = arith.index_cast %swap3A_253 : i32 to index
    %swap3A_255 = arith.constant 112 : index
    %swap3A_256 = tpu.vector_load %arg15[%swap3A_254, %swap3A_255] {strides = array<i32>} : memref<16x128xf32, #tpu.memory_space<vmem>>, vector<16xf32>,
    tpu.vector_store %arg15[%swap3A_254, %swap3A_255], %broadcast_in_dim3A_1 {strides = array<i32>} : memref<16x128xf32, #tpu.memory_space<vmem>>, vector<16xf32>,
    %swap3A_257 = arith.constant 8 : i32
    %swap3A_258 = arith.index_cast %swap3A_257 : i32 to index
    %swap3A_259 = arith.constant 0 : index
    %swap3A_260 = tpu.vector_load %arg15[%swap3A_258, %swap3A_259] {strides = array<i32>} : memref<16x128xf32, #tpu.memory_space<vmem>>, vector<16xf32>,
    tpu.vector_store %arg15[%swap3A_258, %swap3A_259], %broadcast_in_dim3A_1 {strides = array<i32>} : memref<16x128xf32, #tpu.memory_space<vmem>>, vector<16xf32>,
    %swap3A_261 = arith.constant 8 : i32
    %swap3A_262 = arith.index_cast %swap3A_261 : i32 to index
    %swap3A_263 = arith.constant 16 : index
    %swap3A_264 = tpu.vector_load %arg15[%swap3A_262, %swap3A_263] {strides = array<i32>} : memref<16x128xf32, #tpu.memory_space<vmem>>, vector<16xf32>,
    tpu.vector_store %arg15[%swap3A_262, %swap3A_263], %broadcast_in_dim3A_1 {strides = array<i32>} : memref<16x128xf32, #tpu.memory_space<vmem>>, vector<16xf32>,
    %swap3A_265 = arith.constant 8 : i32
    %swap3A_266 = arith.index_cast %swap3A_265 : i32 to index
    %swap3A_267 = arith.constant 32 : index
    %swap3A_268 = tpu.vector_load %arg15[%swap3A_266, %swap3A_267] {strides = array<i32>} : memref<16x128xf32, #tpu.memory_space<vmem>>, vector<16xf32>,
    tpu.vector_store %arg15[%swap3A_266, %swap3A_267], %broadcast_in_dim3A_1 {strides = array<i32>} : memref<16x128xf32, #tpu.memory_space<vmem>>, vector<16xf32>,
    %swap3A_269 = arith.constant 8 : i32
    %swap3A_270 = arith.index_cast %swap3A_269 : i32 to index
    %swap3A_271 = arith.constant 48 : index
    %swap3A_272 = tpu.vector_load %arg15[%swap3A_270, %swap3A_271] {strides = array<i32>} : memref<16x128xf32, #tpu.memory_space<vmem>>, vector<16xf32>,
    tpu.vector_store %arg15[%swap3A_270, %swap3A_271], %broadcast_in_dim3A_1 {strides = array<i32>} : memref<16x128xf32, #tpu.memory_space<vmem>>, vector<16xf32>,
    %swap3A_273 = arith.constant 8 : i32
    %swap3A_274 = arith.index_cast %swap3A_273 : i32 to index
    %swap3A_275 = arith.constant 64 : index
    %swap3A_276 = tpu.vector_load %arg15[%swap3A_274, %swap3A_275] {strides = array<i32>} : memref<16x128xf32, #tpu.memory_space<vmem>>, vector<16xf32>,
    tpu.vector_store %arg15[%swap3A_274, %swap3A_275], %broadcast_in_dim3A_1 {strides = array<i32>} : memref<16x128xf32, #tpu.memory_space<vmem>>, vector<16xf32>,
    %swap3A_277 = arith.constant 8 : i32
    %swap3A_278 = arith.index_cast %swap3A_277 : i32 to index
    %swap3A_279 = arith.constant 80 : index
    %swap3A_280 = tpu.vector_load %arg15[%swap3A_278, %swap3A_279] {strides = array<i32>} : memref<16x128xf32, #tpu.memory_space<vmem>>, vector<16xf32>,
    tpu.vector_store %arg15[%swap3A_278, %swap3A_279], %broadcast_in_dim3A_1 {strides = array<i32>} : memref<16x128xf32, #tpu.memory_space<vmem>>, vector<16xf32>,
    %swap3A_281 = arith.constant 8 : i32
    %swap3A_282 = arith.index_cast %swap3A_281 : i32 to index
    %swap3A_283 = arith.constant 96 : index
    %swap3A_284 = tpu.vector_load %arg15[%swap3A_282, %swap3A_283] {strides = array<i32>} : memref<16x128xf32, #tpu.memory_space<vmem>>, vector<16xf32>,
    tpu.vector_store %arg15[%swap3A_282, %swap3A_283], %broadcast_in_dim3A_1 {strides = array<i32>} : memref<16x128xf32, #tpu.memory_space<vmem>>, vector<16xf32>,
    %swap3A_285 = arith.constant 8 : i32
    %swap3A_286 = arith.index_cast %swap3A_285 : i32 to index
    %swap3A_287 = arith.constant 112 : index
    %swap3A_288 = tpu.vector_load %arg15[%swap3A_286, %swap3A_287] {strides = array<i32>} : memref<16x128xf32, #tpu.memory_space<vmem>>, vector<16xf32>,
    tpu.vector_store %arg15[%swap3A_286, %swap3A_287], %broadcast_in_dim3A_1 {strides = array<i32>} : memref<16x128xf32, #tpu.memory_space<vmem>>, vector<16xf32>,
    %swap3A_289 = arith.constant 9 : i32
    %swap3A_290 = arith.index_cast %swap3A_289 : i32 to index
    %swap3A_291 = arith.constant 0 : index
    %swap3A_292 = tpu.vector_load %arg15[%swap3A_290, %swap3A_291] {strides = array<i32>} : memref<16x128xf32, #tpu.memory_space<vmem>>, vector<16xf32>,
    tpu.vector_store %arg15[%swap3A_290, %swap3A_291], %broadcast_in_dim3A_1 {strides = array<i32>} : memref<16x128xf32, #tpu.memory_space<vmem>>, vector<16xf32>,
    %swap3A_293 = arith.constant 9 : i32
    %swap3A_294 = arith.index_cast %swap3A_293 : i32 to index
    %swap3A_295 = arith.constant 16 : index
    %swap3A_296 = tpu.vector_load %arg15[%swap3A_294, %swap3A_295] {strides = array<i32>} : memref<16x128xf32, #tpu.memory_space<vmem>>, vector<16xf32>,
    tpu.vector_store %arg15[%swap3A_294, %swap3A_295], %broadcast_in_dim3A_1 {strides = array<i32>} : memref<16x128xf32, #tpu.memory_space<vmem>>, vector<16xf32>,
    %swap3A_297 = arith.constant 9 : i32
    %swap3A_298 = arith.index_cast %swap3A_297 : i32 to index
    %swap3A_299 = arith.constant 32 : index
    %swap3A_300 = tpu.vector_load %arg15[%swap3A_298, %swap3A_299] {strides = array<i32>} : memref<16x128xf32, #tpu.memory_space<vmem>>, vector<16xf32>,
    tpu.vector_store %arg15[%swap3A_298, %swap3A_299], %broadcast_in_dim3A_1 {strides = array<i32>} : memref<16x128xf32, #tpu.memory_space<vmem>>, vector<16xf32>,
    %swap3A_301 = arith.constant 9 : i32
    %swap3A_302 = arith.index_cast %swap3A_301 : i32 to index
    %swap3A_303 = arith.constant 48 : index
    %swap3A_304 = tpu.vector_load %arg15[%swap3A_302, %swap3A_303] {strides = array<i32>} : memref<16x128xf32, #tpu.memory_space<vmem>>, vector<16xf32>,
    tpu.vector_store %arg15[%swap3A_302, %swap3A_303], %broadcast_in_dim3A_1 {strides = array<i32>} : memref<16x128xf32, #tpu.memory_space<vmem>>, vector<16xf32>,
    %swap3A_305 = arith.constant 9 : i32
    %swap3A_306 = arith.index_cast %swap3A_305 : i32 to index
    %swap3A_307 = arith.constant 64 : index
    %swap3A_308 = tpu.vector_load %arg15[%swap3A_306, %swap3A_307] {strides = array<i32>} : memref<16x128xf32, #tpu.memory_space<vmem>>, vector<16xf32>,
    tpu.vector_store %arg15[%swap3A_306, %swap3A_307], %broadcast_in_dim3A_1 {strides = array<i32>} : memref<16x128xf32, #tpu.memory_space<vmem>>, vector<16xf32>,
    %swap3A_309 = arith.constant 9 : i32
    %swap3A_310 = arith.index_cast %swap3A_309 : i32 to index
    %swap3A_311 = arith.constant 80 : index
    %swap3A_312 = tpu.vector_load %arg15[%swap3A_310, %swap3A_311] {strides = array<i32>} : memref<16x128xf32, #tpu.memory_space<vmem>>, vector<16xf32>,
    tpu.vector_store %arg15[%swap3A_310, %swap3A_311], %broadcast_in_dim3A_1 {strides = array<i32>} : memref<16x128xf32, #tpu.memory_space<vmem>>, vector<16xf32>,
    %swap3A_313 = arith.constant 9 : i32
    %swap3A_314 = arith.index_cast %swap3A_313 : i32 to index
    %swap3A_315 = arith.constant 96 : index
    %swap3A_316 = tpu.vector_load %arg15[%swap3A_314, %swap3A_315] {strides = array<i32>} : memref<16x128xf32, #tpu.memory_space<vmem>>, vector<16xf32>,
    tpu.vector_store %arg15[%swap3A_314, %swap3A_315], %broadcast_in_dim3A_1 {strides = array<i32>} : memref<16x128xf32, #tpu.memory_space<vmem>>, vector<16xf32>,
    %swap3A_317 = arith.constant 9 : i32
    %swap3A_318 = arith.index_cast %swap3A_317 : i32 to index
    %swap3A_319 = arith.constant 112 : index
    %swap3A_320 = tpu.vector_load %arg15[%swap3A_318, %swap3A_319] {strides = array<i32>} : memref<16x128xf32, #tpu.memory_space<vmem>>, vector<16xf32>,
    tpu.vector_store %arg15[%swap3A_318, %swap3A_319], %broadcast_in_dim3A_1 {strides = array<i32>} : memref<16x128xf32, #tpu.memory_space<vmem>>, vector<16xf32>,
    %swap3A_321 = arith.constant 10 : i32
    %swap3A_322 = arith.index_cast %swap3A_321 : i32 to index
    %swap3A_323 = arith.constant 0 : index
    %swap3A_324 = tpu.vector_load %arg15[%swap3A_322, %swap3A_323] {strides = array<i32>} : memref<16x128xf32, #tpu.memory_space<vmem>>, vector<16xf32>,
    tpu.vector_store %arg15[%swap3A_322, %swap3A_323], %broadcast_in_dim3A_1 {strides = array<i32>} : memref<16x128xf32, #tpu.memory_space<vmem>>, vector<16xf32>,
    %swap3A_325 = arith.constant 10 : i32
    %swap3A_326 = arith.index_cast %swap3A_325 : i32 to index
    %swap3A_327 = arith.constant 16 : index
    %swap3A_328 = tpu.vector_load %arg15[%swap3A_326, %swap3A_327] {strides = array<i32>} : memref<16x128xf32, #tpu.memory_space<vmem>>, vector<16xf32>,
    tpu.vector_store %arg15[%swap3A_326, %swap3A_327], %broadcast_in_dim3A_1 {strides = array<i32>} : memref<16x128xf32, #tpu.memory_space<vmem>>, vector<16xf32>,
    %swap3A_329 = arith.constant 10 : i32
    %swap3A_330 = arith.index_cast %swap3A_329 : i32 to index
    %swap3A_331 = arith.constant 32 : index
    %swap3A_332 = tpu.vector_load %arg15[%swap3A_330, %swap3A_331] {strides = array<i32>} : memref<16x128xf32, #tpu.memory_space<vmem>>, vector<16xf32>,
    tpu.vector_store %arg15[%swap3A_330, %swap3A_331], %broadcast_in_dim3A_1 {strides = array<i32>} : memref<16x128xf32, #tpu.memory_space<vmem>>, vector<16xf32>,
    %swap3A_333 = arith.constant 10 : i32
    %swap3A_334 = arith.index_cast %swap3A_333 : i32 to index
    %swap3A_335 = arith.constant 48 : index
    %swap3A_336 = tpu.vector_load %arg15[%swap3A_334, %swap3A_335] {strides = array<i32>} : memref<16x128xf32, #tpu.memory_space<vmem>>, vector<16xf32>,
    tpu.vector_store %arg15[%swap3A_334, %swap3A_335], %broadcast_in_dim3A_1 {strides = array<i32>} : memref<16x128xf32, #tpu.memory_space<vmem>>, vector<16xf32>,
    %swap3A_337 = arith.constant 10 : i32
    %swap3A_338 = arith.index_cast %swap3A_337 : i32 to index
    %swap3A_339 = arith.constant 64 : index
    %swap3A_340 = tpu.vector_load %arg15[%swap3A_338, %swap3A_339] {strides = array<i32>} : memref<16x128xf32, #tpu.memory_space<vmem>>, vector<16xf32>,
    tpu.vector_store %arg15[%swap3A_338, %swap3A_339], %broadcast_in_dim3A_1 {strides = array<i32>} : memref<16x128xf32, #tpu.memory_space<vmem>>, vector<16xf32>,
    %swap3A_341 = arith.constant 10 : i32
    %swap3A_342 = arith.index_cast %swap3A_341 : i32 to index
    %swap3A_343 = arith.constant 80 : index
    %swap3A_344 = tpu.vector_load %arg15[%swap3A_342, %swap3A_343] {strides = array<i32>} : memref<16x128xf32, #tpu.memory_space<vmem>>, vector<16xf32>,
    tpu.vector_store %arg15[%swap3A_342, %swap3A_343], %broadcast_in_dim3A_1 {strides = array<i32>} : memref<16x128xf32, #tpu.memory_space<vmem>>, vector<16xf32>,
    %swap3A_345 = arith.constant 10 : i32
    %swap3A_346 = arith.index_cast %swap3A_345 : i32 to index
    %swap3A_347 = arith.constant 96 : index
    %swap3A_348 = tpu.vector_load %arg15[%swap3A_346, %swap3A_347] {strides = array<i32>} : memref<16x128xf32, #tpu.memory_space<vmem>>, vector<16xf32>,
    tpu.vector_store %arg15[%swap3A_346, %swap3A_347], %broadcast_in_dim3A_1 {strides = array<i32>} : memref<16x128xf32, #tpu.memory_space<vmem>>, vector<16xf32>,
    %swap3A_349 = arith.constant 10 : i32
    %swap3A_350 = arith.index_cast %swap3A_349 : i32 to index
    %swap3A_351 = arith.constant 112 : index
    %swap3A_352 = tpu.vector_load %arg15[%swap3A_350, %swap3A_351] {strides = array<i32>} : memref<16x128xf32, #tpu.memory_space<vmem>>, vector<16xf32>,
    tpu.vector_store %arg15[%swap3A_350, %swap3A_351], %broadcast_in_dim3A_1 {strides = array<i32>} : memref<16x128xf32, #tpu.memory_space<vmem>>, vector<16xf32>,
    %swap3A_353 = arith.constant 11 : i32
    %swap3A_354 = arith.index_cast %swap3A_353 : i32 to index
    %swap3A_355 = arith.constant 0 : index
    %swap3A_356 = tpu.vector_load %arg15[%swap3A_354, %swap3A_355] {strides = array<i32>} : memref<16x128xf32, #tpu.memory_space<vmem>>, vector<16xf32>,
    tpu.vector_store %arg15[%swap3A_354, %swap3A_355], %broadcast_in_dim3A_1 {strides = array<i32>} : memref<16x128xf32, #tpu.memory_space<vmem>>, vector<16xf32>,
    %swap3A_357 = arith.constant 11 : i32
    %swap3A_358 = arith.index_cast %swap3A_357 : i32 to index
    %swap3A_359 = arith.constant 16 : index
    %swap3A_360 = tpu.vector_load %arg15[%swap3A_358, %swap3A_359] {strides = array<i32>} : memref<16x128xf32, #tpu.memory_space<vmem>>, vector<16xf32>,
    tpu.vector_store %arg15[%swap3A_358, %swap3A_359], %broadcast_in_dim3A_1 {strides = array<i32>} : memref<16x128xf32, #tpu.memory_space<vmem>>, vector<16xf32>,
    %swap3A_361 = arith.constant 11 : i32
    %swap3A_362 = arith.index_cast %swap3A_361 : i32 to index
    %swap3A_363 = arith.constant 32 : index
    %swap3A_364 = tpu.vector_load %arg15[%swap3A_362, %swap3A_363] {strides = array<i32>} : memref<16x128xf32, #tpu.memory_space<vmem>>, vector<16xf32>,
    tpu.vector_store %arg15[%swap3A_362, %swap3A_363], %broadcast_in_dim3A_1 {strides = array<i32>} : memref<16x128xf32, #tpu.memory_space<vmem>>, vector<16xf32>,
    %swap3A_365 = arith.constant 11 : i32
    %swap3A_366 = arith.index_cast %swap3A_365 : i32 to index
    %swap3A_367 = arith.constant 48 : index
    %swap3A_368 = tpu.vector_load %arg15[%swap3A_366, %swap3A_367] {strides = array<i32>} : memref<16x128xf32, #tpu.memory_space<vmem>>, vector<16xf32>,
    tpu.vector_store %arg15[%swap3A_366, %swap3A_367], %broadcast_in_dim3A_1 {strides = array<i32>} : memref<16x128xf32, #tpu.memory_space<vmem>>, vector<16xf32>,
    %swap3A_369 = arith.constant 11 : i32
    %swap3A_370 = arith.index_cast %swap3A_369 : i32 to index
    %swap3A_371 = arith.constant 64 : index
    %swap3A_372 = tpu.vector_load %arg15[%swap3A_370, %swap3A_371] {strides = array<i32>} : memref<16x128xf32, #tpu.memory_space<vmem>>, vector<16xf32>,
    tpu.vector_store %arg15[%swap3A_370, %swap3A_371], %broadcast_in_dim3A_1 {strides = array<i32>} : memref<16x128xf32, #tpu.memory_space<vmem>>, vector<16xf32>,
    %swap3A_373 = arith.constant 11 : i32
    %swap3A_374 = arith.index_cast %swap3A_373 : i32 to index
    %swap3A_375 = arith.constant 80 : index
    %swap3A_376 = tpu.vector_load %arg15[%swap3A_374, %swap3A_375] {strides = array<i32>} : memref<16x128xf32, #tpu.memory_space<vmem>>, vector<16xf32>,
    tpu.vector_store %arg15[%swap3A_374, %swap3A_375], %broadcast_in_dim3A_1 {strides = array<i32>} : memref<16x128xf32, #tpu.memory_space<vmem>>, vector<16xf32>,
    %swap3A_377 = arith.constant 11 : i32
    %swap3A_378 = arith.index_cast %swap3A_377 : i32 to index
    %swap3A_379 = arith.constant 96 : index
    %swap3A_380 = tpu.vector_load %arg15[%swap3A_378, %swap3A_379] {strides = array<i32>} : memref<16x128xf32, #tpu.memory_space<vmem>>, vector<16xf32>,
    tpu.vector_store %arg15[%swap3A_378, %swap3A_379], %broadcast_in_dim3A_1 {strides = array<i32>} : memref<16x128xf32, #tpu.memory_space<vmem>>, vector<16xf32>,
    %swap3A_381 = arith.constant 11 : i32
    %swap3A_382 = arith.index_cast %swap3A_381 : i32 to index
    %swap3A_383 = arith.constant 112 : index
    %swap3A_384 = tpu.vector_load %arg15[%swap3A_382, %swap3A_383] {strides = array<i32>} : memref<16x128xf32, #tpu.memory_space<vmem>>, vector<16xf32>,
    tpu.vector_store %arg15[%swap3A_382, %swap3A_383], %broadcast_in_dim3A_1 {strides = array<i32>} : memref<16x128xf32, #tpu.memory_space<vmem>>, vector<16xf32>,
    %swap3A_385 = arith.constant 12 : i32
    %swap3A_386 = arith.index_cast %swap3A_385 : i32 to index
    %swap3A_387 = arith.constant 0 : index
    %swap3A_388 = tpu.vector_load %arg15[%swap3A_386, %swap3A_387] {strides = array<i32>} : memref<16x128xf32, #tpu.memory_space<vmem>>, vector<16xf32>,
    tpu.vector_store %arg15[%swap3A_386, %swap3A_387], %broadcast_in_dim3A_1 {strides = array<i32>} : memref<16x128xf32, #tpu.memory_space<vmem>>, vector<16xf32>,
    %swap3A_389 = arith.constant 12 : i32
    %swap3A_390 = arith.index_cast %swap3A_389 : i32 to index
    %swap3A_391 = arith.constant 16 : index
    %swap3A_392 = tpu.vector_load %arg15[%swap3A_390, %swap3A_391] {strides = array<i32>} : memref<16x128xf32, #tpu.memory_space<vmem>>, vector<16xf32>,
    tpu.vector_store %arg15[%swap3A_390, %swap3A_391], %broadcast_in_dim3A_1 {strides = array<i32>} : memref<16x128xf32, #tpu.memory_space<vmem>>, vector<16xf32>,
    %swap3A_393 = arith.constant 12 : i32
    %swap3A_394 = arith.index_cast %swap3A_393 : i32 to index
    %swap3A_395 = arith.constant 32 : index
    %swap3A_396 = tpu.vector_load %arg15[%swap3A_394, %swap3A_395] {strides = array<i32>} : memref<16x128xf32, #tpu.memory_space<vmem>>, vector<16xf32>,
    tpu.vector_store %arg15[%swap3A_394, %swap3A_395], %broadcast_in_dim3A_1 {strides = array<i32>} : memref<16x128xf32, #tpu.memory_space<vmem>>, vector<16xf32>,
    %swap3A_397 = arith.constant 12 : i32
    %swap3A_398 = arith.index_cast %swap3A_397 : i32 to index
    %swap3A_399 = arith.constant 48 : index
    %swap3A_400 = tpu.vector_load %arg15[%swap3A_398, %swap3A_399] {strides = array<i32>} : memref<16x128xf32, #tpu.memory_space<vmem>>, vector<16xf32>,
    tpu.vector_store %arg15[%swap3A_398, %swap3A_399], %broadcast_in_dim3A_1 {strides = array<i32>} : memref<16x128xf32, #tpu.memory_space<vmem>>, vector<16xf32>,
    %swap3A_401 = arith.constant 12 : i32
    %swap3A_402 = arith.index_cast %swap3A_401 : i32 to index
    %swap3A_403 = arith.constant 64 : index
    %swap3A_404 = tpu.vector_load %arg15[%swap3A_402, %swap3A_403] {strides = array<i32>} : memref<16x128xf32, #tpu.memory_space<vmem>>, vector<16xf32>,
    tpu.vector_store %arg15[%swap3A_402, %swap3A_403], %broadcast_in_dim3A_1 {strides = array<i32>} : memref<16x128xf32, #tpu.memory_space<vmem>>, vector<16xf32>,
    %swap3A_405 = arith.constant 12 : i32
    %swap3A_406 = arith.index_cast %swap3A_405 : i32 to index
    %swap3A_407 = arith.constant 80 : index
    %swap3A_408 = tpu.vector_load %arg15[%swap3A_406, %swap3A_407] {strides = array<i32>} : memref<16x128xf32, #tpu.memory_space<vmem>>, vector<16xf32>,
    tpu.vector_store %arg15[%swap3A_406, %swap3A_407], %broadcast_in_dim3A_1 {strides = array<i32>} : memref<16x128xf32, #tpu.memory_space<vmem>>, vector<16xf32>,
    %swap3A_409 = arith.constant 12 : i32
    %swap3A_410 = arith.index_cast %swap3A_409 : i32 to index
    %swap3A_411 = arith.constant 96 : index
    %swap3A_412 = tpu.vector_load %arg15[%swap3A_410, %swap3A_411] {strides = array<i32>} : memref<16x128xf32, #tpu.memory_space<vmem>>, vector<16xf32>,
    tpu.vector_store %arg15[%swap3A_410, %swap3A_411], %broadcast_in_dim3A_1 {strides = array<i32>} : memref<16x128xf32, #tpu.memory_space<vmem>>, vector<16xf32>,
    %swap3A_413 = arith.constant 12 : i32
    %swap3A_414 = arith.index_cast %swap3A_413 : i32 to index
    %swap3A_415 = arith.constant 112 : index
    %swap3A_416 = tpu.vector_load %arg15[%swap3A_414, %swap3A_415] {strides = array<i32>} : memref<16x128xf32, #tpu.memory_space<vmem>>, vector<16xf32>,
    tpu.vector_store %arg15[%swap3A_414, %swap3A_415], %broadcast_in_dim3A_1 {strides = array<i32>} : memref<16x128xf32, #tpu.memory_space<vmem>>, vector<16xf32>,
    %swap3A_417 = arith.constant 13 : i32
    %swap3A_418 = arith.index_cast %swap3A_417 : i32 to index
    %swap3A_419 = arith.constant 0 : index
    %swap3A_420 = tpu.vector_load %arg15[%swap3A_418, %swap3A_419] {strides = array<i32>} : memref<16x128xf32, #tpu.memory_space<vmem>>, vector<16xf32>,
    tpu.vector_store %arg15[%swap3A_418, %swap3A_419], %broadcast_in_dim3A_1 {strides = array<i32>} : memref<16x128xf32, #tpu.memory_space<vmem>>, vector<16xf32>,
    %swap3A_421 = arith.constant 13 : i32
    %swap3A_422 = arith.index_cast %swap3A_421 : i32 to index
    %swap3A_423 = arith.constant 16 : index
    %swap3A_424 = tpu.vector_load %arg15[%swap3A_422, %swap3A_423] {strides = array<i32>} : memref<16x128xf32, #tpu.memory_space<vmem>>, vector<16xf32>,
    tpu.vector_store %arg15[%swap3A_422, %swap3A_423], %broadcast_in_dim3A_1 {strides = array<i32>} : memref<16x128xf32, #tpu.memory_space<vmem>>, vector<16xf32>,
    %swap3A_425 = arith.constant 13 : i32
    %swap3A_426 = arith.index_cast %swap3A_425 : i32 to index
    %swap3A_427 = arith.constant 32 : index
    %swap3A_428 = tpu.vector_load %arg15[%swap3A_426, %swap3A_427] {strides = array<i32>} : memref<16x128xf32, #tpu.memory_space<vmem>>, vector<16xf32>,
    tpu.vector_store %arg15[%swap3A_426, %swap3A_427], %broadcast_in_dim3A_1 {strides = array<i32>} : memref<16x128xf32, #tpu.memory_space<vmem>>, vector<16xf32>,
    %swap3A_429 = arith.constant 13 : i32
    %swap3A_430 = arith.index_cast %swap3A_429 : i32 to index
    %swap3A_431 = arith.constant 48 : index
    %swap3A_432 = tpu.vector_load %arg15[%swap3A_430, %swap3A_431] {strides = array<i32>} : memref<16x128xf32, #tpu.memory_space<vmem>>, vector<16xf32>,
    tpu.vector_store %arg15[%swap3A_430, %swap3A_431], %broadcast_in_dim3A_1 {strides = array<i32>} : memref<16x128xf32, #tpu.memory_space<vmem>>, vector<16xf32>,
    %swap3A_433 = arith.constant 13 : i32
    %swap3A_434 = arith.index_cast %swap3A_433 : i32 to index
    %swap3A_435 = arith.constant 64 : index
    %swap3A_436 = tpu.vector_load %arg15[%swap3A_434, %swap3A_435] {strides = array<i32>} : memref<16x128xf32, #tpu.memory_space<vmem>>, vector<16xf32>,
    tpu.vector_store %arg15[%swap3A_434, %swap3A_435], %broadcast_in_dim3A_1 {strides = array<i32>} : memref<16x128xf32, #tpu.memory_space<vmem>>, vector<16xf32>,
    %swap3A_437 = arith.constant 13 : i32
    %swap3A_438 = arith.index_cast %swap3A_437 : i32 to index
    %swap3A_439 = arith.constant 80 : index
    %swap3A_440 = tpu.vector_load %arg15[%swap3A_438, %swap3A_439] {strides = array<i32>} : memref<16x128xf32, #tpu.memory_space<vmem>>, vector<16xf32>,
    tpu.vector_store %arg15[%swap3A_438, %swap3A_439], %broadcast_in_dim3A_1 {strides = array<i32>} : memref<16x128xf32, #tpu.memory_space<vmem>>, vector<16xf32>,
    %swap3A_441 = arith.constant 13 : i32
    %swap3A_442 = arith.index_cast %swap3A_441 : i32 to index
    %swap3A_443 = arith.constant 96 : index
    %swap3A_444 = tpu.vector_load %arg15[%swap3A_442, %swap3A_443] {strides = array<i32>} : memref<16x128xf32, #tpu.memory_space<vmem>>, vector<16xf32>,
    tpu.vector_store %arg15[%swap3A_442, %swap3A_443], %broadcast_in_dim3A_1 {strides = array<i32>} : memref<16x128xf32, #tpu.memory_space<vmem>>, vector<16xf32>,
    %swap3A_445 = arith.constant 13 : i32
    %swap3A_446 = arith.index_cast %swap3A_445 : i32 to index
    %swap3A_447 = arith.constant 112 : index
    %swap3A_448 = tpu.vector_load %arg15[%swap3A_446, %swap3A_447] {strides = array<i32>} : memref<16x128xf32, #tpu.memory_space<vmem>>, vector<16xf32>,
    tpu.vector_store %arg15[%swap3A_446, %swap3A_447], %broadcast_in_dim3A_1 {strides = array<i32>} : memref<16x128xf32, #tpu.memory_space<vmem>>, vector<16xf32>,
    %swap3A_449 = arith.constant 14 : i32
    %swap3A_450 = arith.index_cast %swap3A_449 : i32 to index
    %swap3A_451 = arith.constant 0 : index
    %swap3A_452 = tpu.vector_load %arg15[%swap3A_450, %swap3A_451] {strides = array<i32>} : memref<16x128xf32, #tpu.memory_space<vmem>>, vector<16xf32>,
    tpu.vector_store %arg15[%swap3A_450, %swap3A_451], %broadcast_in_dim3A_1 {strides = array<i32>} : memref<16x128xf32, #tpu.memory_space<vmem>>, vector<16xf32>,
    %swap3A_453 = arith.constant 14 : i32
    %swap3A_454 = arith.index_cast %swap3A_453 : i32 to index
    %swap3A_455 = arith.constant 16 : index
    %swap3A_456 = tpu.vector_load %arg15[%swap3A_454, %swap3A_455] {strides = array<i32>} : memref<16x128xf32, #tpu.memory_space<vmem>>, vector<16xf32>,
    tpu.vector_store %arg15[%swap3A_454, %swap3A_455], %broadcast_in_dim3A_1 {strides = array<i32>} : memref<16x128xf32, #tpu.memory_space<vmem>>, vector<16xf32>,
    %swap3A_457 = arith.constant 14 : i32
    %swap3A_458 = arith.index_cast %swap3A_457 : i32 to index
    %swap3A_459 = arith.constant 32 : index
    %swap3A_460 = tpu.vector_load %arg15[%swap3A_458, %swap3A_459] {strides = array<i32>} : memref<16x128xf32, #tpu.memory_space<vmem>>, vector<16xf32>,
    tpu.vector_store %arg15[%swap3A_458, %swap3A_459], %broadcast_in_dim3A_1 {strides = array<i32>} : memref<16x128xf32, #tpu.memory_space<vmem>>, vector<16xf32>,
    %swap3A_461 = arith.constant 14 : i32
    %swap3A_462 = arith.index_cast %swap3A_461 : i32 to index
    %swap3A_463 = arith.constant 48 : index
    %swap3A_464 = tpu.vector_load %arg15[%swap3A_462, %swap3A_463] {strides = array<i32>} : memref<16x128xf32, #tpu.memory_space<vmem>>, vector<16xf32>,
    tpu.vector_store %arg15[%swap3A_462, %swap3A_463], %broadcast_in_dim3A_1 {strides = array<i32>} : memref<16x128xf32, #tpu.memory_space<vmem>>, vector<16xf32>,
    %swap3A_465 = arith.constant 14 : i32
    %swap3A_466 = arith.index_cast %swap3A_465 : i32 to index
    %swap3A_467 = arith.constant 64 : index
    %swap3A_468 = tpu.vector_load %arg15[%swap3A_466, %swap3A_467] {strides = array<i32>} : memref<16x128xf32, #tpu.memory_space<vmem>>, vector<16xf32>,
    tpu.vector_store %arg15[%swap3A_466, %swap3A_467], %broadcast_in_dim3A_1 {strides = array<i32>} : memref<16x128xf32, #tpu.memory_space<vmem>>, vector<16xf32>,
    %swap3A_469 = arith.constant 14 : i32
    %swap3A_470 = arith.index_cast %swap3A_469 : i32 to index
    %swap3A_471 = arith.constant 80 : index
    %swap3A_472 = tpu.vector_load %arg15[%swap3A_470, %swap3A_471] {strides = array<i32>} : memref<16x128xf32, #tpu.memory_space<vmem>>, vector<16xf32>,
    tpu.vector_store %arg15[%swap3A_470, %swap3A_471], %broadcast_in_dim3A_1 {strides = array<i32>} : memref<16x128xf32, #tpu.memory_space<vmem>>, vector<16xf32>,
    %swap3A_473 = arith.constant 14 : i32
    %swap3A_474 = arith.index_cast %swap3A_473 : i32 to index
    %swap3A_475 = arith.constant 96 : index
    %swap3A_476 = tpu.vector_load %arg15[%swap3A_474, %swap3A_475] {strides = array<i32>} : memref<16x128xf32, #tpu.memory_space<vmem>>, vector<16xf32>,
    tpu.vector_store %arg15[%swap3A_474, %swap3A_475], %broadcast_in_dim3A_1 {strides = array<i32>} : memref<16x128xf32, #tpu.memory_space<vmem>>, vector<16xf32>,
    %swap3A_477 = arith.constant 14 : i32
    %swap3A_478 = arith.index_cast %swap3A_477 : i32 to index
    %swap3A_479 = arith.constant 112 : index
    %swap3A_480 = tpu.vector_load %arg15[%swap3A_478, %swap3A_479] {strides = array<i32>} : memref<16x128xf32, #tpu.memory_space<vmem>>, vector<16xf32>,
    tpu.vector_store %arg15[%swap3A_478, %swap3A_479], %broadcast_in_dim3A_1 {strides = array<i32>} : memref<16x128xf32, #tpu.memory_space<vmem>>, vector<16xf32>,
    %swap3A_481 = arith.constant 15 : i32
    %swap3A_482 = arith.index_cast %swap3A_481 : i32 to index
    %swap3A_483 = arith.constant 0 : index
    %swap3A_484 = tpu.vector_load %arg15[%swap3A_482, %swap3A_483] {strides = array<i32>} : memref<16x128xf32, #tpu.memory_space<vmem>>, vector<16xf32>,
    tpu.vector_store %arg15[%swap3A_482, %swap3A_483], %broadcast_in_dim3A_1 {strides = array<i32>} : memref<16x128xf32, #tpu.memory_space<vmem>>, vector<16xf32>,
    %swap3A_485 = arith.constant 15 : i32
    %swap3A_486 = arith.index_cast %swap3A_485 : i32 to index
    %swap3A_487 = arith.constant 16 : index
    %swap3A_488 = tpu.vector_load %arg15[%swap3A_486, %swap3A_487] {strides = array<i32>} : memref<16x128xf32, #tpu.memory_space<vmem>>, vector<16xf32>,
    tpu.vector_store %arg15[%swap3A_486, %swap3A_487], %broadcast_in_dim3A_1 {strides = array<i32>} : memref<16x128xf32, #tpu.memory_space<vmem>>, vector<16xf32>,
    %swap3A_489 = arith.constant 15 : i32
    %swap3A_490 = arith.index_cast %swap3A_489 : i32 to index
    %swap3A_491 = arith.constant 32 : index
    %swap3A_492 = tpu.vector_load %arg15[%swap3A_490, %swap3A_491] {strides = array<i32>} : memref<16x128xf32, #tpu.memory_space<vmem>>, vector<16xf32>,
    tpu.vector_store %arg15[%swap3A_490, %swap3A_491], %broadcast_in_dim3A_1 {strides = array<i32>} : memref<16x128xf32, #tpu.memory_space<vmem>>, vector<16xf32>,
    %swap3A_493 = arith.constant 15 : i32
    %swap3A_494 = arith.index_cast %swap3A_493 : i32 to index
    %swap3A_495 = arith.constant 48 : index
    %swap3A_496 = tpu.vector_load %arg15[%swap3A_494, %swap3A_495] {strides = array<i32>} : memref<16x128xf32, #tpu.memory_space<vmem>>, vector<16xf32>,
    tpu.vector_store %arg15[%swap3A_494, %swap3A_495], %broadcast_in_dim3A_1 {strides = array<i32>} : memref<16x128xf32, #tpu.memory_space<vmem>>, vector<16xf32>,
    %swap3A_497 = arith.constant 15 : i32
    %swap3A_498 = arith.index_cast %swap3A_497 : i32 to index
    %swap3A_499 = arith.constant 64 : index
    %swap3A_500 = tpu.vector_load %arg15[%swap3A_498, %swap3A_499] {strides = array<i32>} : memref<16x128xf32, #tpu.memory_space<vmem>>, vector<16xf32>,
    tpu.vector_store %arg15[%swap3A_498, %swap3A_499], %broadcast_in_dim3A_1 {strides = array<i32>} : memref<16x128xf32, #tpu.memory_space<vmem>>, vector<16xf32>,
    %swap3A_501 = arith.constant 15 : i32
    %swap3A_502 = arith.index_cast %swap3A_501 : i32 to index
    %swap3A_503 = arith.constant 80 : index
    %swap3A_504 = tpu.vector_load %arg15[%swap3A_502, %swap3A_503] {strides = array<i32>} : memref<16x128xf32, #tpu.memory_space<vmem>>, vector<16xf32>,
    tpu.vector_store %arg15[%swap3A_502, %swap3A_503], %broadcast_in_dim3A_1 {strides = array<i32>} : memref<16x128xf32, #tpu.memory_space<vmem>>, vector<16xf32>,
    %swap3A_505 = arith.constant 15 : i32
    %swap3A_506 = arith.index_cast %swap3A_505 : i32 to index
    %swap3A_507 = arith.constant 96 : index
    %swap3A_508 = tpu.vector_load %arg15[%swap3A_506, %swap3A_507] {strides = array<i32>} : memref<16x128xf32, #tpu.memory_space<vmem>>, vector<16xf32>,
    tpu.vector_store %arg15[%swap3A_506, %swap3A_507], %broadcast_in_dim3A_1 {strides = array<i32>} : memref<16x128xf32, #tpu.memory_space<vmem>>, vector<16xf32>,
    %swap3A_509 = arith.constant 15 : i32
    %swap3A_510 = arith.index_cast %swap3A_509 : i32 to index
    %swap3A_511 = arith.constant 112 : index
    %swap3A_512 = tpu.vector_load %arg15[%swap3A_510, %swap3A_511] {strides = array<i32>} : memref<16x128xf32, #tpu.memory_space<vmem>>, vector<16xf32>,
    tpu.vector_store %arg15[%swap3A_510, %swap3A_511], %broadcast_in_dim3A_1 {strides = array<i32>} : memref<16x128xf32, #tpu.memory_space<vmem>>, vector<16xf32>,
    %mul3A_513 = arith.constant 640 : i32
    %mul3A_514 = arith.muli %arg1, %mul3A_513 : i32
    %add3A_515 = arith.constant 0 : i32
    %add3A_516 = arith.addi %mul3A_514, %add3A_515 : i32
    %dma_start3A = arith.constant 0 : i32
    %dma_start3A_517 = tpu.memref_slice %arg16[%add3A_516, %dma_start3A] : memref<10240x128xf32, #tpu.memory_space<vmem_shared>> -> memref<16x128xf32, #tpu.memory_space<vmem_shared>>
    %dma_start3A_518 = arith.constant 0 : i32
    %dma_start3A_519 = tpu.memref_slice %arg16[%add3A_516, %dma_start3A_518] : memref<10240x128xf32, #tpu.memory_space<vmem_shared>> -> memref<16x128xf32, #tpu.memory_space<vmem_shared>>
    tpu.enqueue_dma source(%arg15 : memref<16x128xf32, #tpu.memory_space<vmem>>) target(%dma_start3A_519 : memref<16x128xf32, #tpu.memory_space<vmem_shared>>) target_semaphore(%arg20 : memref<!tpu.dma_semaphore, #tpu.memory_space<semaphore_mem>>)
    %mul3A_520 = arith.constant 640 : i32
    %mul3A_521 = arith.muli %arg1, %mul3A_520 : i32
    %add3A_522 = arith.constant 16 : i32
    %add3A_523 = arith.addi %mul3A_521, %add3A_522 : i32
    %dma_start3A_524 = arith.constant 0 : i32
    %dma_start3A_525 = tpu.memref_slice %arg16[%add3A_523, %dma_start3A_524] : memref<10240x128xf32, #tpu.memory_space<vmem_shared>> -> memref<16x128xf32, #tpu.memory_space<vmem_shared>>
    %dma_start3A_526 = arith.constant 0 : i32
    %dma_start3A_527 = tpu.memref_slice %arg16[%add3A_523, %dma_start3A_526] : memref<10240x128xf32, #tpu.memory_space<vmem_shared>> -> memref<16x128xf32, #tpu.memory_space<vmem_shared>>
    tpu.enqueue_dma source(%arg15 : memref<16x128xf32, #tpu.memory_space<vmem>>) target(%dma_start3A_527 : memref<16x128xf32, #tpu.memory_space<vmem_shared>>) target_semaphore(%arg20 : memref<!tpu.dma_semaphore, #tpu.memory_space<semaphore_mem>>)
    %mul3A_528 = arith.constant 640 : i32
    %mul3A_529 = arith.muli %arg1, %mul3A_528 : i32
    %add3A_530 = arith.constant 32 : i32
    %add3A_531 = arith.addi %mul3A_529, %add3A_530 : i32
    %dma_start3A_532 = arith.constant 0 : i32
    %dma_start3A_533 = tpu.memref_slice %arg16[%add3A_531, %dma_start3A_532] : memref<10240x128xf32, #tpu.memory_space<vmem_shared>> -> memref<16x128xf32, #tpu.memory_space<vmem_shared>>
    %dma_start3A_534 = arith.constant 0 : i32
    %dma_start3A_535 = tpu.memref_slice %arg16[%add3A_531, %dma_start3A_534] : memref<10240x128xf32, #tpu.memory_space<vmem_shared>> -> memref<16x128xf32, #tpu.memory_space<vmem_shared>>
    tpu.enqueue_dma source(%arg15 : memref<16x128xf32, #tpu.memory_space<vmem>>) target(%dma_start3A_535 : memref<16x128xf32, #tpu.memory_space<vmem_shared>>) target_semaphore(%arg20 : memref<!tpu.dma_semaphore, #tpu.memory_space<semaphore_mem>>)
    %mul3A_536 = arith.constant 640 : i32
    %mul3A_537 = arith.muli %arg1, %mul3A_536 : i32
    %add3A_538 = arith.constant 48 : i32
    %add3A_539 = arith.addi %mul3A_537, %add3A_538 : i32
    %dma_start3A_540 = arith.constant 0 : i32
    %dma_start3A_541 = tpu.memref_slice %arg16[%add3A_539, %dma_start3A_540] : memref<10240x128xf32, #tpu.memory_space<vmem_shared>> -> memref<16x128xf32, #tpu.memory_space<vmem_shared>>
    %dma_start3A_542 = arith.constant 0 : i32
    %dma_start3A_543 = tpu.memref_slice %arg16[%add3A_539, %dma_start3A_542] : memref<10240x128xf32, #tpu.memory_space<vmem_shared>> -> memref<16x128xf32, #tpu.memory_space<vmem_shared>>
    tpu.enqueue_dma source(%arg15 : memref<16x128xf32, #tpu.memory_space<vmem>>) target(%dma_start3A_543 : memref<16x128xf32, #tpu.memory_space<vmem_shared>>) target_semaphore(%arg20 : memref<!tpu.dma_semaphore, #tpu.memory_space<semaphore_mem>>)
    %mul3A_544 = arith.constant 640 : i32
    %mul3A_545 = arith.muli %arg1, %mul3A_544 : i32
    %add3A_546 = arith.constant 64 : i32
    %add3A_547 = arith.addi %mul3A_545, %add3A_546 : i32
    %dma_start3A_548 = arith.constant 0 : i32
    %dma_start3A_549 = tpu.memref_slice %arg16[%add3A_547, %dma_start3A_548] : memref<10240x128xf32, #tpu.memory_space<vmem_shared>> -> memref<16x128xf32, #tpu.memory_space<vmem_shared>>
    %dma_start3A_550 = arith.constant 0 : i32
    %dma_start3A_551 = tpu.memref_slice %arg16[%add3A_547, %dma_start3A_550] : memref<10240x128xf32, #tpu.memory_space<vmem_shared>> -> memref<16x128xf32, #tpu.memory_space<vmem_shared>>
    tpu.enqueue_dma source(%arg15 : memref<16x128xf32, #tpu.memory_space<vmem>>) target(%dma_start3A_551 : memref<16x128xf32, #tpu.memory_space<vmem_shared>>) target_semaphore(%arg20 : memref<!tpu.dma_semaphore, #tpu.memory_space<semaphore_mem>>)
    %mul3A_552 = arith.constant 640 : i32
    %mul3A_553 = arith.muli %arg1, %mul3A_552 : i32
    %add3A_554 = arith.constant 80 : i32
    %add3A_555 = arith.addi %mul3A_553, %add3A_554 : i32
    %dma_start3A_556 = arith.constant 0 : i32
    %dma_start3A_557 = tpu.memref_slice %arg16[%add3A_555, %dma_start3A_556] : memref<10240x128xf32, #tpu.memory_space<vmem_shared>> -> memref<16x128xf32, #tpu.memory_space<vmem_shared>>
    %dma_start3A_558 = arith.constant 0 : i32
    %dma_start3A_559 = tpu.memref_slice %arg16[%add3A_555, %dma_start3A_558] : memref<10240x128xf32, #tpu.memory_space<vmem_shared>> -> memref<16x128xf32, #tpu.memory_space<vmem_shared>>
    tpu.enqueue_dma source(%arg15 : memref<16x128xf32, #tpu.memory_space<vmem>>) target(%dma_start3A_559 : memref<16x128xf32, #tpu.memory_space<vmem_shared>>) target_semaphore(%arg20 : memref<!tpu.dma_semaphore, #tpu.memory_space<semaphore_mem>>)
    %mul3A_560 = arith.constant 640 : i32
    %mul3A_561 = arith.muli %arg1, %mul3A_560 : i32
    %add3A_562 = arith.constant 96 : i32
    %add3A_563 = arith.addi %mul3A_561, %add3A_562 : i32
    %dma_start3A_564 = arith.constant 0 : i32
    %dma_start3A_565 = tpu.memref_slice %arg16[%add3A_563, %dma_start3A_564] : memref<10240x128xf32, #tpu.memory_space<vmem_shared>> -> memref<16x128xf32, #tpu.memory_space<vmem_shared>>
    %dma_start3A_566 = arith.constant 0 : i32
    %dma_start3A_567 = tpu.memref_slice %arg16[%add3A_563, %dma_start3A_566] : memref<10240x128xf32, #tpu.memory_space<vmem_shared>> -> memref<16x128xf32, #tpu.memory_space<vmem_shared>>
    tpu.enqueue_dma source(%arg15 : memref<16x128xf32, #tpu.memory_space<vmem>>) target(%dma_start3A_567 : memref<16x128xf32, #tpu.memory_space<vmem_shared>>) target_semaphore(%arg20 : memref<!tpu.dma_semaphore, #tpu.memory_space<semaphore_mem>>)
    %mul3A_568 = arith.constant 640 : i32
    %mul3A_569 = arith.muli %arg1, %mul3A_568 : i32
    %add3A_570 = arith.constant 112 : i32
    %add3A_571 = arith.addi %mul3A_569, %add3A_570 : i32
    %dma_start3A_572 = arith.constant 0 : i32
    %dma_start3A_573 = tpu.memref_slice %arg16[%add3A_571, %dma_start3A_572] : memref<10240x128xf32, #tpu.memory_space<vmem_shared>> -> memref<16x128xf32, #tpu.memory_space<vmem_shared>>
    %dma_start3A_574 = arith.constant 0 : i32
    %dma_start3A_575 = tpu.memref_slice %arg16[%add3A_571, %dma_start3A_574] : memref<10240x128xf32, #tpu.memory_space<vmem_shared>> -> memref<16x128xf32, #tpu.memory_space<vmem_shared>>
    tpu.enqueue_dma source(%arg15 : memref<16x128xf32, #tpu.memory_space<vmem>>) target(%dma_start3A_575 : memref<16x128xf32, #tpu.memory_space<vmem_shared>>) target_semaphore(%arg20 : memref<!tpu.dma_semaphore, #tpu.memory_space<semaphore_mem>>)
    %mul3A_576 = arith.constant 640 : i32
    %mul3A_577 = arith.muli %arg1, %mul3A_576 : i32
    %add3A_578 = arith.constant 128 : i32
    %add3A_579 = arith.addi %mul3A_577, %add3A_578 : i32
    %dma_start3A_580 = arith.constant 0 : i32
    %dma_start3A_581 = tpu.memref_slice %arg16[%add3A_579, %dma_start3A_580] : memref<10240x128xf32, #tpu.memory_space<vmem_shared>> -> memref<16x128xf32, #tpu.memory_space<vmem_shared>>
    %dma_start3A_582 = arith.constant 0 : i32
    %dma_start3A_583 = tpu.memref_slice %arg16[%add3A_579, %dma_start3A_582] : memref<10240x128xf32, #tpu.memory_space<vmem_shared>> -> memref<16x128xf32, #tpu.memory_space<vmem_shared>>
    tpu.enqueue_dma source(%arg15 : memref<16x128xf32, #tpu.memory_space<vmem>>) target(%dma_start3A_583 : memref<16x128xf32, #tpu.memory_space<vmem_shared>>) target_semaphore(%arg20 : memref<!tpu.dma_semaphore, #tpu.memory_space<semaphore_mem>>)
    %mul3A_584 = arith.constant 640 : i32
    %mul3A_585 = arith.muli %arg1, %mul3A_584 : i32
    %add3A_586 = arith.constant 144 : i32
    %add3A_587 = arith.addi %mul3A_585, %add3A_586 : i32
    %dma_start3A_588 = arith.constant 0 : i32
    %dma_start3A_589 = tpu.memref_slice %arg16[%add3A_587, %dma_start3A_588] : memref<10240x128xf32, #tpu.memory_space<vmem_shared>> -> memref<16x128xf32, #tpu.memory_space<vmem_shared>>
    %dma_start3A_590 = arith.constant 0 : i32
    %dma_start3A_591 = tpu.memref_slice %arg16[%add3A_587, %dma_start3A_590] : memref<10240x128xf32, #tpu.memory_space<vmem_shared>> -> memref<16x128xf32, #tpu.memory_space<vmem_shared>>
    tpu.enqueue_dma source(%arg15 : memref<16x128xf32, #tpu.memory_space<vmem>>) target(%dma_start3A_591 : memref<16x128xf32, #tpu.memory_space<vmem_shared>>) target_semaphore(%arg20 : memref<!tpu.dma_semaphore, #tpu.memory_space<semaphore_mem>>)
    %mul3A_592 = arith.constant 640 : i32
    %mul3A_593 = arith.muli %arg1, %mul3A_592 : i32
    %add3A_594 = arith.constant 160 : i32
    %add3A_595 = arith.addi %mul3A_593, %add3A_594 : i32
    %dma_start3A_596 = arith.constant 0 : i32
    %dma_start3A_597 = tpu.memref_slice %arg16[%add3A_595, %dma_start3A_596] : memref<10240x128xf32, #tpu.memory_space<vmem_shared>> -> memref<16x128xf32, #tpu.memory_space<vmem_shared>>
    %dma_start3A_598 = arith.constant 0 : i32
    %dma_start3A_599 = tpu.memref_slice %arg16[%add3A_595, %dma_start3A_598] : memref<10240x128xf32, #tpu.memory_space<vmem_shared>> -> memref<16x128xf32, #tpu.memory_space<vmem_shared>>
    tpu.enqueue_dma source(%arg15 : memref<16x128xf32, #tpu.memory_space<vmem>>) target(%dma_start3A_599 : memref<16x128xf32, #tpu.memory_space<vmem_shared>>) target_semaphore(%arg20 : memref<!tpu.dma_semaphore, #tpu.memory_space<semaphore_mem>>)
    %mul3A_600 = arith.constant 640 : i32
    %mul3A_601 = arith.muli %arg1, %mul3A_600 : i32
    %add3A_602 = arith.constant 176 : i32
    %add3A_603 = arith.addi %mul3A_601, %add3A_602 : i32
    %dma_start3A_604 = arith.constant 0 : i32
    %dma_start3A_605 = tpu.memref_slice %arg16[%add3A_603, %dma_start3A_604] : memref<10240x128xf32, #tpu.memory_space<vmem_shared>> -> memref<16x128xf32, #tpu.memory_space<vmem_shared>>
    %dma_start3A_606 = arith.constant 0 : i32
    %dma_start3A_607 = tpu.memref_slice %arg16[%add3A_603, %dma_start3A_606] : memref<10240x128xf32, #tpu.memory_space<vmem_shared>> -> memref<16x128xf32, #tpu.memory_space<vmem_shared>>
    tpu.enqueue_dma source(%arg15 : memref<16x128xf32, #tpu.memory_space<vmem>>) target(%dma_start3A_607 : memref<16x128xf32, #tpu.memory_space<vmem_shared>>) target_semaphore(%arg20 : memref<!tpu.dma_semaphore, #tpu.memory_space<semaphore_mem>>)
    %mul3A_608 = arith.constant 640 : i32
    %mul3A_609 = arith.muli %arg1, %mul3A_608 : i32
    %add3A_610 = arith.constant 192 : i32
    %add3A_611 = arith.addi %mul3A_609, %add3A_610 : i32
    %dma_start3A_612 = arith.constant 0 : i32
    %dma_start3A_613 = tpu.memref_slice %arg16[%add3A_611, %dma_start3A_612] : memref<10240x128xf32, #tpu.memory_space<vmem_shared>> -> memref<16x128xf32, #tpu.memory_space<vmem_shared>>
    %dma_start3A_614 = arith.constant 0 : i32
    %dma_start3A_615 = tpu.memref_slice %arg16[%add3A_611, %dma_start3A_614] : memref<10240x128xf32, #tpu.memory_space<vmem_shared>> -> memref<16x128xf32, #tpu.memory_space<vmem_shared>>
    tpu.enqueue_dma source(%arg15 : memref<16x128xf32, #tpu.memory_space<vmem>>) target(%dma_start3A_615 : memref<16x128xf32, #tpu.memory_space<vmem_shared>>) target_semaphore(%arg20 : memref<!tpu.dma_semaphore, #tpu.memory_space<semaphore_mem>>)
    %mul3A_616 = arith.constant 640 : i32
    %mul3A_617 = arith.muli %arg1, %mul3A_616 : i32
    %add3A_618 = arith.constant 208 : i32
    %add3A_619 = arith.addi %mul3A_617, %add3A_618 : i32
    %dma_start3A_620 = arith.constant 0 : i32
    %dma_start3A_621 = tpu.memref_slice %arg16[%add3A_619, %dma_start3A_620] : memref<10240x128xf32, #tpu.memory_space<vmem_shared>> -> memref<16x128xf32, #tpu.memory_space<vmem_shared>>
    %dma_start3A_622 = arith.constant 0 : i32
    %dma_start3A_623 = tpu.memref_slice %arg16[%add3A_619, %dma_start3A_622] : memref<10240x128xf32, #tpu.memory_space<vmem_shared>> -> memref<16x128xf32, #tpu.memory_space<vmem_shared>>
    tpu.enqueue_dma source(%arg15 : memref<16x128xf32, #tpu.memory_space<vmem>>) target(%dma_start3A_623 : memref<16x128xf32, #tpu.memory_space<vmem_shared>>) target_semaphore(%arg20 : memref<!tpu.dma_semaphore, #tpu.memory_space<semaphore_mem>>)
    %mul3A_624 = arith.constant 640 : i32
    %mul3A_625 = arith.muli %arg1, %mul3A_624 : i32
    %add3A_626 = arith.constant 224 : i32
    %add3A_627 = arith.addi %mul3A_625, %add3A_626 : i32
    %dma_start3A_628 = arith.constant 0 : i32
    %dma_start3A_629 = tpu.memref_slice %arg16[%add3A_627, %dma_start3A_628] : memref<10240x128xf32, #tpu.memory_space<vmem_shared>> -> memref<16x128xf32, #tpu.memory_space<vmem_shared>>
    %dma_start3A_630 = arith.constant 0 : i32
    %dma_start3A_631 = tpu.memref_slice %arg16[%add3A_627, %dma_start3A_630] : memref<10240x128xf32, #tpu.memory_space<vmem_shared>> -> memref<16x128xf32, #tpu.memory_space<vmem_shared>>
    tpu.enqueue_dma source(%arg15 : memref<16x128xf32, #tpu.memory_space<vmem>>) target(%dma_start3A_631 : memref<16x128xf32, #tpu.memory_space<vmem_shared>>) target_semaphore(%arg20 : memref<!tpu.dma_semaphore, #tpu.memory_space<semaphore_mem>>)
    %mul3A_632 = arith.constant 640 : i32
    %mul3A_633 = arith.muli %arg1, %mul3A_632 : i32
    %add3A_634 = arith.constant 240 : i32
    %add3A_635 = arith.addi %mul3A_633, %add3A_634 : i32
    %dma_start3A_636 = arith.constant 0 : i32
    %dma_start3A_637 = tpu.memref_slice %arg16[%add3A_635, %dma_start3A_636] : memref<10240x128xf32, #tpu.memory_space<vmem_shared>> -> memref<16x128xf32, #tpu.memory_space<vmem_shared>>
    %dma_start3A_638 = arith.constant 0 : i32
    %dma_start3A_639 = tpu.memref_slice %arg16[%add3A_635, %dma_start3A_638] : memref<10240x128xf32, #tpu.memory_space<vmem_shared>> -> memref<16x128xf32, #tpu.memory_space<vmem_shared>>
    tpu.enqueue_dma source(%arg15 : memref<16x128xf32, #tpu.memory_space<vmem>>) target(%dma_start3A_639 : memref<16x128xf32, #tpu.memory_space<vmem_shared>>) target_semaphore(%arg20 : memref<!tpu.dma_semaphore, #tpu.memory_space<semaphore_mem>>)
    %mul3A_640 = arith.constant 640 : i32
    %mul3A_641 = arith.muli %arg1, %mul3A_640 : i32
    %add3A_642 = arith.constant 256 : i32
    %add3A_643 = arith.addi %mul3A_641, %add3A_642 : i32
    %dma_start3A_644 = arith.constant 0 : i32
    %dma_start3A_645 = tpu.memref_slice %arg16[%add3A_643, %dma_start3A_644] : memref<10240x128xf32, #tpu.memory_space<vmem_shared>> -> memref<16x128xf32, #tpu.memory_space<vmem_shared>>
    %dma_start3A_646 = arith.constant 0 : i32
    %dma_start3A_647 = tpu.memref_slice %arg16[%add3A_643, %dma_start3A_646] : memref<10240x128xf32, #tpu.memory_space<vmem_shared>> -> memref<16x128xf32, #tpu.memory_space<vmem_shared>>
    tpu.enqueue_dma source(%arg15 : memref<16x128xf32, #tpu.memory_space<vmem>>) target(%dma_start3A_647 : memref<16x128xf32, #tpu.memory_space<vmem_shared>>) target_semaphore(%arg20 : memref<!tpu.dma_semaphore, #tpu.memory_space<semaphore_mem>>)
    %mul3A_648 = arith.constant 640 : i32
    %mul3A_649 = arith.muli %arg1, %mul3A_648 : i32
    %add3A_650 = arith.constant 272 : i32
    %add3A_651 = arith.addi %mul3A_649, %add3A_650 : i32
    %dma_start3A_652 = arith.constant 0 : i32
    %dma_start3A_653 = tpu.memref_slice %arg16[%add3A_651, %dma_start3A_652] : memref<10240x128xf32, #tpu.memory_space<vmem_shared>> -> memref<16x128xf32, #tpu.memory_space<vmem_shared>>
    %dma_start3A_654 = arith.constant 0 : i32
    %dma_start3A_655 = tpu.memref_slice %arg16[%add3A_651, %dma_start3A_654] : memref<10240x128xf32, #tpu.memory_space<vmem_shared>> -> memref<16x128xf32, #tpu.memory_space<vmem_shared>>
    tpu.enqueue_dma source(%arg15 : memref<16x128xf32, #tpu.memory_space<vmem>>) target(%dma_start3A_655 : memref<16x128xf32, #tpu.memory_space<vmem_shared>>) target_semaphore(%arg20 : memref<!tpu.dma_semaphore, #tpu.memory_space<semaphore_mem>>)
    %mul3A_656 = arith.constant 640 : i32
    %mul3A_657 = arith.muli %arg1, %mul3A_656 : i32
    %add3A_658 = arith.constant 288 : i32
    %add3A_659 = arith.addi %mul3A_657, %add3A_658 : i32
    %dma_start3A_660 = arith.constant 0 : i32
    %dma_start3A_661 = tpu.memref_slice %arg16[%add3A_659, %dma_start3A_660] : memref<10240x128xf32, #tpu.memory_space<vmem_shared>> -> memref<16x128xf32, #tpu.memory_space<vmem_shared>>
    %dma_start3A_662 = arith.constant 0 : i32
    %dma_start3A_663 = tpu.memref_slice %arg16[%add3A_659, %dma_start3A_662] : memref<10240x128xf32, #tpu.memory_space<vmem_shared>> -> memref<16x128xf32, #tpu.memory_space<vmem_shared>>
    tpu.enqueue_dma source(%arg15 : memref<16x128xf32, #tpu.memory_space<vmem>>) target(%dma_start3A_663 : memref<16x128xf32, #tpu.memory_space<vmem_shared>>) target_semaphore(%arg20 : memref<!tpu.dma_semaphore, #tpu.memory_space<semaphore_mem>>)
    %mul3A_664 = arith.constant 640 : i32
    %mul3A_665 = arith.muli %arg1, %mul3A_664 : i32
    %add3A_666 = arith.constant 304 : i32
    %add3A_667 = arith.addi %mul3A_665, %add3A_666 : i32
    %dma_start3A_668 = arith.constant 0 : i32
    %dma_start3A_669 = tpu.memref_slice %arg16[%add3A_667, %dma_start3A_668] : memref<10240x128xf32, #tpu.memory_space<vmem_shared>> -> memref<16x128xf32, #tpu.memory_space<vmem_shared>>
    %dma_start3A_670 = arith.constant 0 : i32
    %dma_start3A_671 = tpu.memref_slice %arg16[%add3A_667, %dma_start3A_670] : memref<10240x128xf32, #tpu.memory_space<vmem_shared>> -> memref<16x128xf32, #tpu.memory_space<vmem_shared>>
    tpu.enqueue_dma source(%arg15 : memref<16x128xf32, #tpu.memory_space<vmem>>) target(%dma_start3A_671 : memref<16x128xf32, #tpu.memory_space<vmem_shared>>) target_semaphore(%arg20 : memref<!tpu.dma_semaphore, #tpu.memory_space<semaphore_mem>>)
    %mul3A_672 = arith.constant 640 : i32
    %mul3A_673 = arith.muli %arg1, %mul3A_672 : i32
    %add3A_674 = arith.constant 320 : i32
    %add3A_675 = arith.addi %mul3A_673, %add3A_674 : i32
    %dma_start3A_676 = arith.constant 0 : i32
    %dma_start3A_677 = tpu.memref_slice %arg16[%add3A_675, %dma_start3A_676] : memref<10240x128xf32, #tpu.memory_space<vmem_shared>> -> memref<16x128xf32, #tpu.memory_space<vmem_shared>>
    %dma_start3A_678 = arith.constant 0 : i32
    %dma_start3A_679 = tpu.memref_slice %arg16[%add3A_675, %dma_start3A_678] : memref<10240x128xf32, #tpu.memory_space<vmem_shared>> -> memref<16x128xf32, #tpu.memory_space<vmem_shared>>
    tpu.enqueue_dma source(%arg15 : memref<16x128xf32, #tpu.memory_space<vmem>>) target(%dma_start3A_679 : memref<16x128xf32, #tpu.memory_space<vmem_shared>>) target_semaphore(%arg20 : memref<!tpu.dma_semaphore, #tpu.memory_space<semaphore_mem>>)
    %mul3A_680 = arith.constant 640 : i32
    %mul3A_681 = arith.muli %arg1, %mul3A_680 : i32
    %add3A_682 = arith.constant 336 : i32
    %add3A_683 = arith.addi %mul3A_681, %add3A_682 : i32
    %dma_start3A_684 = arith.constant 0 : i32
    %dma_start3A_685 = tpu.memref_slice %arg16[%add3A_683, %dma_start3A_684] : memref<10240x128xf32, #tpu.memory_space<vmem_shared>> -> memref<16x128xf32, #tpu.memory_space<vmem_shared>>
    %dma_start3A_686 = arith.constant 0 : i32
    %dma_start3A_687 = tpu.memref_slice %arg16[%add3A_683, %dma_start3A_686] : memref<10240x128xf32, #tpu.memory_space<vmem_shared>> -> memref<16x128xf32, #tpu.memory_space<vmem_shared>>
    tpu.enqueue_dma source(%arg15 : memref<16x128xf32, #tpu.memory_space<vmem>>) target(%dma_start3A_687 : memref<16x128xf32, #tpu.memory_space<vmem_shared>>) target_semaphore(%arg20 : memref<!tpu.dma_semaphore, #tpu.memory_space<semaphore_mem>>)
    %mul3A_688 = arith.constant 640 : i32
    %mul3A_689 = arith.muli %arg1, %mul3A_688 : i32
    %add3A_690 = arith.constant 352 : i32
    %add3A_691 = arith.addi %mul3A_689, %add3A_690 : i32
    %dma_start3A_692 = arith.constant 0 : i32
    %dma_start3A_693 = tpu.memref_slice %arg16[%add3A_691, %dma_start3A_692] : memref<10240x128xf32, #tpu.memory_space<vmem_shared>> -> memref<16x128xf32, #tpu.memory_space<vmem_shared>>
    %dma_start3A_694 = arith.constant 0 : i32
    %dma_start3A_695 = tpu.memref_slice %arg16[%add3A_691, %dma_start3A_694] : memref<10240x128xf32, #tpu.memory_space<vmem_shared>> -> memref<16x128xf32, #tpu.memory_space<vmem_shared>>
    tpu.enqueue_dma source(%arg15 : memref<16x128xf32, #tpu.memory_space<vmem>>) target(%dma_start3A_695 : memref<16x128xf32, #tpu.memory_space<vmem_shared>>) target_semaphore(%arg20 : memref<!tpu.dma_semaphore, #tpu.memory_space<semaphore_mem>>)
    %mul3A_696 = arith.constant 640 : i32
    %mul3A_697 = arith.muli %arg1, %mul3A_696 : i32
    %add3A_698 = arith.constant 368 : i32
    %add3A_699 = arith.addi %mul3A_697, %add3A_698 : i32
    %dma_start3A_700 = arith.constant 0 : i32
    %dma_start3A_701 = tpu.memref_slice %arg16[%add3A_699, %dma_start3A_700] : memref<10240x128xf32, #tpu.memory_space<vmem_shared>> -> memref<16x128xf32, #tpu.memory_space<vmem_shared>>
    %dma_start3A_702 = arith.constant 0 : i32
    %dma_start3A_703 = tpu.memref_slice %arg16[%add3A_699, %dma_start3A_702] : memref<10240x128xf32, #tpu.memory_space<vmem_shared>> -> memref<16x128xf32, #tpu.memory_space<vmem_shared>>
    tpu.enqueue_dma source(%arg15 : memref<16x128xf32, #tpu.memory_space<vmem>>) target(%dma_start3A_703 : memref<16x128xf32, #tpu.memory_space<vmem_shared>>) target_semaphore(%arg20 : memref<!tpu.dma_semaphore, #tpu.memory_space<semaphore_mem>>)
    %mul3A_704 = arith.constant 640 : i32
    %mul3A_705 = arith.muli %arg1, %mul3A_704 : i32
    %add3A_706 = arith.constant 384 : i32
    %add3A_707 = arith.addi %mul3A_705, %add3A_706 : i32
    %dma_start3A_708 = arith.constant 0 : i32
    %dma_start3A_709 = tpu.memref_slice %arg16[%add3A_707, %dma_start3A_708] : memref<10240x128xf32, #tpu.memory_space<vmem_shared>> -> memref<16x128xf32, #tpu.memory_space<vmem_shared>>
    %dma_start3A_710 = arith.constant 0 : i32
    %dma_start3A_711 = tpu.memref_slice %arg16[%add3A_707, %dma_start3A_710] : memref<10240x128xf32, #tpu.memory_space<vmem_shared>> -> memref<16x128xf32, #tpu.memory_space<vmem_shared>>
    tpu.enqueue_dma source(%arg15 : memref<16x128xf32, #tpu.memory_space<vmem>>) target(%dma_start3A_711 : memref<16x128xf32, #tpu.memory_space<vmem_shared>>) target_semaphore(%arg20 : memref<!tpu.dma_semaphore, #tpu.memory_space<semaphore_mem>>)
    %mul3A_712 = arith.constant 640 : i32
    %mul3A_713 = arith.muli %arg1, %mul3A_712 : i32
    %add3A_714 = arith.constant 400 : i32
    %add3A_715 = arith.addi %mul3A_713, %add3A_714 : i32
    %dma_start3A_716 = arith.constant 0 : i32
    %dma_start3A_717 = tpu.memref_slice %arg16[%add3A_715, %dma_start3A_716] : memref<10240x128xf32, #tpu.memory_space<vmem_shared>> -> memref<16x128xf32, #tpu.memory_space<vmem_shared>>
    %dma_start3A_718 = arith.constant 0 : i32
    %dma_start3A_719 = tpu.memref_slice %arg16[%add3A_715, %dma_start3A_718] : memref<10240x128xf32, #tpu.memory_space<vmem_shared>> -> memref<16x128xf32, #tpu.memory_space<vmem_shared>>
    tpu.enqueue_dma source(%arg15 : memref<16x128xf32, #tpu.memory_space<vmem>>) target(%dma_start3A_719 : memref<16x128xf32, #tpu.memory_space<vmem_shared>>) target_semaphore(%arg20 : memref<!tpu.dma_semaphore, #tpu.memory_space<semaphore_mem>>)
    %mul3A_720 = arith.constant 640 : i32
    %mul3A_721 = arith.muli %arg1, %mul3A_720 : i32
    %add3A_722 = arith.constant 416 : i32
    %add3A_723 = arith.addi %mul3A_721, %add3A_722 : i32
    %dma_start3A_724 = arith.constant 0 : i32
    %dma_start3A_725 = tpu.memref_slice %arg16[%add3A_723, %dma_start3A_724] : memref<10240x128xf32, #tpu.memory_space<vmem_shared>> -> memref<16x128xf32, #tpu.memory_space<vmem_shared>>
    %dma_start3A_726 = arith.constant 0 : i32
    %dma_start3A_727 = tpu.memref_slice %arg16[%add3A_723, %dma_start3A_726] : memref<10240x128xf32, #tpu.memory_space<vmem_shared>> -> memref<16x128xf32, #tpu.memory_space<vmem_shared>>
    tpu.enqueue_dma source(%arg15 : memref<16x128xf32, #tpu.memory_space<vmem>>) target(%dma_start3A_727 : memref<16x128xf32, #tpu.memory_space<vmem_shared>>) target_semaphore(%arg20 : memref<!tpu.dma_semaphore, #tpu.memory_space<semaphore_mem>>)
    %mul3A_728 = arith.constant 640 : i32
    %mul3A_729 = arith.muli %arg1, %mul3A_728 : i32
    %add3A_730 = arith.constant 432 : i32
    %add3A_731 = arith.addi %mul3A_729, %add3A_730 : i32
    %dma_start3A_732 = arith.constant 0 : i32
    %dma_start3A_733 = tpu.memref_slice %arg16[%add3A_731, %dma_start3A_732] : memref<10240x128xf32, #tpu.memory_space<vmem_shared>> -> memref<16x128xf32, #tpu.memory_space<vmem_shared>>
    %dma_start3A_734 = arith.constant 0 : i32
    %dma_start3A_735 = tpu.memref_slice %arg16[%add3A_731, %dma_start3A_734] : memref<10240x128xf32, #tpu.memory_space<vmem_shared>> -> memref<16x128xf32, #tpu.memory_space<vmem_shared>>
    tpu.enqueue_dma source(%arg15 : memref<16x128xf32, #tpu.memory_space<vmem>>) target(%dma_start3A_735 : memref<16x128xf32, #tpu.memory_space<vmem_shared>>) target_semaphore(%arg20 : memref<!tpu.dma_semaphore, #tpu.memory_space<semaphore_mem>>)
    %mul3A_736 = arith.constant 640 : i32
    %mul3A_737 = arith.muli %arg1, %mul3A_736 : i32
    %add3A_738 = arith.constant 448 : i32
    %add3A_739 = arith.addi %mul3A_737, %add3A_738 : i32
    %dma_start3A_740 = arith.constant 0 : i32
    %dma_start3A_741 = tpu.memref_slice %arg16[%add3A_739, %dma_start3A_740] : memref<10240x128xf32, #tpu.memory_space<vmem_shared>> -> memref<16x128xf32, #tpu.memory_space<vmem_shared>>
    %dma_start3A_742 = arith.constant 0 : i32
    %dma_start3A_743 = tpu.memref_slice %arg16[%add3A_739, %dma_start3A_742] : memref<10240x128xf32, #tpu.memory_space<vmem_shared>> -> memref<16x128xf32, #tpu.memory_space<vmem_shared>>
    tpu.enqueue_dma source(%arg15 : memref<16x128xf32, #tpu.memory_space<vmem>>) target(%dma_start3A_743 : memref<16x128xf32, #tpu.memory_space<vmem_shared>>) target_semaphore(%arg20 : memref<!tpu.dma_semaphore, #tpu.memory_space<semaphore_mem>>)
    %mul3A_744 = arith.constant 640 : i32
    %mul3A_745 = arith.muli %arg1, %mul3A_744 : i32
    %add3A_746 = arith.constant 464 : i32
    %add3A_747 = arith.addi %mul3A_745, %add3A_746 : i32
    %dma_start3A_748 = arith.constant 0 : i32
    %dma_start3A_749 = tpu.memref_slice %arg16[%add3A_747, %dma_start3A_748] : memref<10240x128xf32, #tpu.memory_space<vmem_shared>> -> memref<16x128xf32, #tpu.memory_space<vmem_shared>>
    %dma_start3A_750 = arith.constant 0 : i32
    %dma_start3A_751 = tpu.memref_slice %arg16[%add3A_747, %dma_start3A_750] : memref<10240x128xf32, #tpu.memory_space<vmem_shared>> -> memref<16x128xf32, #tpu.memory_space<vmem_shared>>
    tpu.enqueue_dma source(%arg15 : memref<16x128xf32, #tpu.memory_space<vmem>>) target(%dma_start3A_751 : memref<16x128xf32, #tpu.memory_space<vmem_shared>>) target_semaphore(%arg20 : memref<!tpu.dma_semaphore, #tpu.memory_space<semaphore_mem>>)
    %mul3A_752 = arith.constant 640 : i32
    %mul3A_753 = arith.muli %arg1, %mul3A_752 : i32
    %add3A_754 = arith.constant 480 : i32
    %add3A_755 = arith.addi %mul3A_753, %add3A_754 : i32
    %dma_start3A_756 = arith.constant 0 : i32
    %dma_start3A_757 = tpu.memref_slice %arg16[%add3A_755, %dma_start3A_756] : memref<10240x128xf32, #tpu.memory_space<vmem_shared>> -> memref<16x128xf32, #tpu.memory_space<vmem_shared>>
    %dma_start3A_758 = arith.constant 0 : i32
    %dma_start3A_759 = tpu.memref_slice %arg16[%add3A_755, %dma_start3A_758] : memref<10240x128xf32, #tpu.memory_space<vmem_shared>> -> memref<16x128xf32, #tpu.memory_space<vmem_shared>>
    tpu.enqueue_dma source(%arg15 : memref<16x128xf32, #tpu.memory_space<vmem>>) target(%dma_start3A_759 : memref<16x128xf32, #tpu.memory_space<vmem_shared>>) target_semaphore(%arg20 : memref<!tpu.dma_semaphore, #tpu.memory_space<semaphore_mem>>)
    %mul3A_760 = arith.constant 640 : i32
    %mul3A_761 = arith.muli %arg1, %mul3A_760 : i32
    %add3A_762 = arith.constant 496 : i32
    %add3A_763 = arith.addi %mul3A_761, %add3A_762 : i32
    %dma_start3A_764 = arith.constant 0 : i32
    %dma_start3A_765 = tpu.memref_slice %arg16[%add3A_763, %dma_start3A_764] : memref<10240x128xf32, #tpu.memory_space<vmem_shared>> -> memref<16x128xf32, #tpu.memory_space<vmem_shared>>
    %dma_start3A_766 = arith.constant 0 : i32
    %dma_start3A_767 = tpu.memref_slice %arg16[%add3A_763, %dma_start3A_766] : memref<10240x128xf32, #tpu.memory_space<vmem_shared>> -> memref<16x128xf32, #tpu.memory_space<vmem_shared>>
    tpu.enqueue_dma source(%arg15 : memref<16x128xf32, #tpu.memory_space<vmem>>) target(%dma_start3A_767 : memref<16x128xf32, #tpu.memory_space<vmem_shared>>) target_semaphore(%arg20 : memref<!tpu.dma_semaphore, #tpu.memory_space<semaphore_mem>>)
    %mul3A_768 = arith.constant 640 : i32
    %mul3A_769 = arith.muli %arg1, %mul3A_768 : i32
    %add3A_770 = arith.constant 512 : i32
    %add3A_771 = arith.addi %mul3A_769, %add3A_770 : i32
    %dma_start3A_772 = arith.constant 0 : i32
    %dma_start3A_773 = tpu.memref_slice %arg16[%add3A_771, %dma_start3A_772] : memref<10240x128xf32, #tpu.memory_space<vmem_shared>> -> memref<16x128xf32, #tpu.memory_space<vmem_shared>>
    %dma_start3A_774 = arith.constant 0 : i32
    %dma_start3A_775 = tpu.memref_slice %arg16[%add3A_771, %dma_start3A_774] : memref<10240x128xf32, #tpu.memory_space<vmem_shared>> -> memref<16x128xf32, #tpu.memory_space<vmem_shared>>
    tpu.enqueue_dma source(%arg15 : memref<16x128xf32, #tpu.memory_space<vmem>>) target(%dma_start3A_775 : memref<16x128xf32, #tpu.memory_space<vmem_shared>>) target_semaphore(%arg20 : memref<!tpu.dma_semaphore, #tpu.memory_space<semaphore_mem>>)
    %mul3A_776 = arith.constant 640 : i32
    %mul3A_777 = arith.muli %arg1, %mul3A_776 : i32
    %add3A_778 = arith.constant 528 : i32
    %add3A_779 = arith.addi %mul3A_777, %add3A_778 : i32
    %dma_start3A_780 = arith.constant 0 : i32
    %dma_start3A_781 = tpu.memref_slice %arg16[%add3A_779, %dma_start3A_780] : memref<10240x128xf32, #tpu.memory_space<vmem_shared>> -> memref<16x128xf32, #tpu.memory_space<vmem_shared>>
    %dma_start3A_782 = arith.constant 0 : i32
    %dma_start3A_783 = tpu.memref_slice %arg16[%add3A_779, %dma_start3A_782] : memref<10240x128xf32, #tpu.memory_space<vmem_shared>> -> memref<16x128xf32, #tpu.memory_space<vmem_shared>>
    tpu.enqueue_dma source(%arg15 : memref<16x128xf32, #tpu.memory_space<vmem>>) target(%dma_start3A_783 : memref<16x128xf32, #tpu.memory_space<vmem_shared>>) target_semaphore(%arg20 : memref<!tpu.dma_semaphore, #tpu.memory_space<semaphore_mem>>)
    %mul3A_784 = arith.constant 640 : i32
    %mul3A_785 = arith.muli %arg1, %mul3A_784 : i32
    %add3A_786 = arith.constant 544 : i32
    %add3A_787 = arith.addi %mul3A_785, %add3A_786 : i32
    %dma_start3A_788 = arith.constant 0 : i32
    %dma_start3A_789 = tpu.memref_slice %arg16[%add3A_787, %dma_start3A_788] : memref<10240x128xf32, #tpu.memory_space<vmem_shared>> -> memref<16x128xf32, #tpu.memory_space<vmem_shared>>
    %dma_start3A_790 = arith.constant 0 : i32
    %dma_start3A_791 = tpu.memref_slice %arg16[%add3A_787, %dma_start3A_790] : memref<10240x128xf32, #tpu.memory_space<vmem_shared>> -> memref<16x128xf32, #tpu.memory_space<vmem_shared>>
    tpu.enqueue_dma source(%arg15 : memref<16x128xf32, #tpu.memory_space<vmem>>) target(%dma_start3A_791 : memref<16x128xf32, #tpu.memory_space<vmem_shared>>) target_semaphore(%arg20 : memref<!tpu.dma_semaphore, #tpu.memory_space<semaphore_mem>>)
    %mul3A_792 = arith.constant 640 : i32
    %mul3A_793 = arith.muli %arg1, %mul3A_792 : i32
    %add3A_794 = arith.constant 560 : i32
    %add3A_795 = arith.addi %mul3A_793, %add3A_794 : i32
    %dma_start3A_796 = arith.constant 0 : i32
    %dma_start3A_797 = tpu.memref_slice %arg16[%add3A_795, %dma_start3A_796] : memref<10240x128xf32, #tpu.memory_space<vmem_shared>> -> memref<16x128xf32, #tpu.memory_space<vmem_shared>>
    %dma_start3A_798 = arith.constant 0 : i32
    %dma_start3A_799 = tpu.memref_slice %arg16[%add3A_795, %dma_start3A_798] : memref<10240x128xf32, #tpu.memory_space<vmem_shared>> -> memref<16x128xf32, #tpu.memory_space<vmem_shared>>
    tpu.enqueue_dma source(%arg15 : memref<16x128xf32, #tpu.memory_space<vmem>>) target(%dma_start3A_799 : memref<16x128xf32, #tpu.memory_space<vmem_shared>>) target_semaphore(%arg20 : memref<!tpu.dma_semaphore, #tpu.memory_space<semaphore_mem>>)
    %mul3A_800 = arith.constant 640 : i32
    %mul3A_801 = arith.muli %arg1, %mul3A_800 : i32
    %add3A_802 = arith.constant 576 : i32
    %add3A_803 = arith.addi %mul3A_801, %add3A_802 : i32
    %dma_start3A_804 = arith.constant 0 : i32
    %dma_start3A_805 = tpu.memref_slice %arg16[%add3A_803, %dma_start3A_804] : memref<10240x128xf32, #tpu.memory_space<vmem_shared>> -> memref<16x128xf32, #tpu.memory_space<vmem_shared>>
    %dma_start3A_806 = arith.constant 0 : i32
    %dma_start3A_807 = tpu.memref_slice %arg16[%add3A_803, %dma_start3A_806] : memref<10240x128xf32, #tpu.memory_space<vmem_shared>> -> memref<16x128xf32, #tpu.memory_space<vmem_shared>>
    tpu.enqueue_dma source(%arg15 : memref<16x128xf32, #tpu.memory_space<vmem>>) target(%dma_start3A_807 : memref<16x128xf32, #tpu.memory_space<vmem_shared>>) target_semaphore(%arg20 : memref<!tpu.dma_semaphore, #tpu.memory_space<semaphore_mem>>)
    %mul3A_808 = arith.constant 640 : i32
    %mul3A_809 = arith.muli %arg1, %mul3A_808 : i32
    %add3A_810 = arith.constant 592 : i32
    %add3A_811 = arith.addi %mul3A_809, %add3A_810 : i32
    %dma_start3A_812 = arith.constant 0 : i32
    %dma_start3A_813 = tpu.memref_slice %arg16[%add3A_811, %dma_start3A_812] : memref<10240x128xf32, #tpu.memory_space<vmem_shared>> -> memref<16x128xf32, #tpu.memory_space<vmem_shared>>
    %dma_start3A_814 = arith.constant 0 : i32
    %dma_start3A_815 = tpu.memref_slice %arg16[%add3A_811, %dma_start3A_814] : memref<10240x128xf32, #tpu.memory_space<vmem_shared>> -> memref<16x128xf32, #tpu.memory_space<vmem_shared>>
    tpu.enqueue_dma source(%arg15 : memref<16x128xf32, #tpu.memory_space<vmem>>) target(%dma_start3A_815 : memref<16x128xf32, #tpu.memory_space<vmem_shared>>) target_semaphore(%arg20 : memref<!tpu.dma_semaphore, #tpu.memory_space<semaphore_mem>>)
    %mul3A_816 = arith.constant 640 : i32
    %mul3A_817 = arith.muli %arg1, %mul3A_816 : i32
    %add3A_818 = arith.constant 608 : i32
    %add3A_819 = arith.addi %mul3A_817, %add3A_818 : i32
    %dma_start3A_820 = arith.constant 0 : i32
    %dma_start3A_821 = tpu.memref_slice %arg16[%add3A_819, %dma_start3A_820] : memref<10240x128xf32, #tpu.memory_space<vmem_shared>> -> memref<16x128xf32, #tpu.memory_space<vmem_shared>>
    %dma_start3A_822 = arith.constant 0 : i32
    %dma_start3A_823 = tpu.memref_slice %arg16[%add3A_819, %dma_start3A_822] : memref<10240x128xf32, #tpu.memory_space<vmem_shared>> -> memref<16x128xf32, #tpu.memory_space<vmem_shared>>
    tpu.enqueue_dma source(%arg15 : memref<16x128xf32, #tpu.memory_space<vmem>>) target(%dma_start3A_823 : memref<16x128xf32, #tpu.memory_space<vmem_shared>>) target_semaphore(%arg20 : memref<!tpu.dma_semaphore, #tpu.memory_space<semaphore_mem>>)
    %mul3A_824 = arith.constant 640 : i32
    %mul3A_825 = arith.muli %arg1, %mul3A_824 : i32
    %add3A_826 = arith.constant 624 : i32
    %add3A_827 = arith.addi %mul3A_825, %add3A_826 : i32
    %dma_start3A_828 = arith.constant 0 : i32
    %dma_start3A_829 = tpu.memref_slice %arg16[%add3A_827, %dma_start3A_828] : memref<10240x128xf32, #tpu.memory_space<vmem_shared>> -> memref<16x128xf32, #tpu.memory_space<vmem_shared>>
    %dma_start3A_830 = arith.constant 0 : i32
    %dma_start3A_831 = tpu.memref_slice %arg16[%add3A_827, %dma_start3A_830] : memref<10240x128xf32, #tpu.memory_space<vmem_shared>> -> memref<16x128xf32, #tpu.memory_space<vmem_shared>>
    tpu.enqueue_dma source(%arg15 : memref<16x128xf32, #tpu.memory_space<vmem>>) target(%dma_start3A_831 : memref<16x128xf32, #tpu.memory_space<vmem_shared>>) target_semaphore(%arg20 : memref<!tpu.dma_semaphore, #tpu.memory_space<semaphore_mem>>)
    %dma_wait3A = arith.constant 0 : i32
    %dma_wait3A_832 = arith.constant 0 : i32
    %dma_wait3A_833 = tpu.memref_slice %arg16[%dma_wait3A, %dma_wait3A_832] : memref<10240x128xf32, #tpu.memory_space<vmem_shared>> -> memref<16x128xf32, #tpu.memory_space<vmem_shared>>
    %dma_wait3A_834 = arith.constant 0 : i32
    %dma_wait3A_835 = arith.constant 0 : i32
    %dma_wait3A_836 = tpu.memref_slice %arg16[%dma_wait3A_834, %dma_wait3A_835] : memref<10240x128xf32, #tpu.memory_space<vmem_shared>> -> memref<16x128xf32, #tpu.memory_space<vmem_shared>>
    tpu.wait_dma2 semaphore(%arg20 : memref<!tpu.dma_semaphore, #tpu.memory_space<semaphore_mem>>) src(%arg15 : memref<16x128xf32, #tpu.memory_space<vmem>>) dst(%dma_wait3A_836 : memref<16x128xf32, #tpu.memory_space<vmem_shared>>)
    %dma_wait3A_837 = arith.constant 0 : i32
    %dma_wait3A_838 = arith.constant 0 : i32
    %dma_wait3A_839 = tpu.memref_slice %arg16[%dma_wait3A_837, %dma_wait3A_838] : memref<10240x128xf32, #tpu.memory_space<vmem_shared>> -> memref<16x128xf32, #tpu.memory_space<vmem_shared>>
    %dma_wait3A_840 = arith.constant 0 : i32
    %dma_wait3A_841 = arith.constant 0 : i32
    %dma_wait3A_842 = tpu.memref_slice %arg16[%dma_wait3A_840, %dma_wait3A_841] : memref<10240x128xf32, #tpu.memory_space<vmem_shared>> -> memref<16x128xf32, #tpu.memory_space<vmem_shared>>
    tpu.wait_dma2 semaphore(%arg20 : memref<!tpu.dma_semaphore, #tpu.memory_space<semaphore_mem>>) src(%arg15 : memref<16x128xf32, #tpu.memory_space<vmem>>) dst(%dma_wait3A_842 : memref<16x128xf32, #tpu.memory_space<vmem_shared>>)
    %dma_wait3A_843 = arith.constant 0 : i32
    %dma_wait3A_844 = arith.constant 0 : i32
    %dma_wait3A_845 = tpu.memref_slice %arg16[%dma_wait3A_843, %dma_wait3A_844] : memref<10240x128xf32, #tpu.memory_space<vmem_shared>> -> memref<16x128xf32, #tpu.memory_space<vmem_shared>>
    %dma_wait3A_846 = arith.constant 0 : i32
    %dma_wait3A_847 = arith.constant 0 : i32
    %dma_wait3A_848 = tpu.memref_slice %arg16[%dma_wait3A_846, %dma_wait3A_847] : memref<10240x128xf32, #tpu.memory_space<vmem_shared>> -> memref<16x128xf32, #tpu.memory_space<vmem_shared>>
    tpu.wait_dma2 semaphore(%arg20 : memref<!tpu.dma_semaphore, #tpu.memory_space<semaphore_mem>>) src(%arg15 : memref<16x128xf32, #tpu.memory_space<vmem>>) dst(%dma_wait3A_848 : memref<16x128xf32, #tpu.memory_space<vmem_shared>>)
    %dma_wait3A_849 = arith.constant 0 : i32
    %dma_wait3A_850 = arith.constant 0 : i32
    %dma_wait3A_851 = tpu.memref_slice %arg16[%dma_wait3A_849, %dma_wait3A_850] : memref<10240x128xf32, #tpu.memory_space<vmem_shared>> -> memref<16x128xf32, #tpu.memory_space<vmem_shared>>
    %dma_wait3A_852 = arith.constant 0 : i32
    %dma_wait3A_853 = arith.constant 0 : i32
    %dma_wait3A_854 = tpu.memref_slice %arg16[%dma_wait3A_852, %dma_wait3A_853] : memref<10240x128xf32, #tpu.memory_space<vmem_shared>> -> memref<16x128xf32, #tpu.memory_space<vmem_shared>>
    tpu.wait_dma2 semaphore(%arg20 : memref<!tpu.dma_semaphore, #tpu.memory_space<semaphore_mem>>) src(%arg15 : memref<16x128xf32, #tpu.memory_space<vmem>>) dst(%dma_wait3A_854 : memref<16x128xf32, #tpu.memory_space<vmem_shared>>)
    %dma_wait3A_855 = arith.constant 0 : i32
    %dma_wait3A_856 = arith.constant 0 : i32
    %dma_wait3A_857 = tpu.memref_slice %arg16[%dma_wait3A_855, %dma_wait3A_856] : memref<10240x128xf32, #tpu.memory_space<vmem_shared>> -> memref<16x128xf32, #tpu.memory_space<vmem_shared>>
    %dma_wait3A_858 = arith.constant 0 : i32
    %dma_wait3A_859 = arith.constant 0 : i32
    %dma_wait3A_860 = tpu.memref_slice %arg16[%dma_wait3A_858, %dma_wait3A_859] : memref<10240x128xf32, #tpu.memory_space<vmem_shared>> -> memref<16x128xf32, #tpu.memory_space<vmem_shared>>
    tpu.wait_dma2 semaphore(%arg20 : memref<!tpu.dma_semaphore, #tpu.memory_space<semaphore_mem>>) src(%arg15 : memref<16x128xf32, #tpu.memory_space<vmem>>) dst(%dma_wait3A_860 : memref<16x128xf32, #tpu.memory_space<vmem_shared>>)
    %dma_wait3A_861 = arith.constant 0 : i32
    %dma_wait3A_862 = arith.constant 0 : i32
    %dma_wait3A_863 = tpu.memref_slice %arg16[%dma_wait3A_861, %dma_wait3A_862] : memref<10240x128xf32, #tpu.memory_space<vmem_shared>> -> memref<16x128xf32, #tpu.memory_space<vmem_shared>>
    %dma_wait3A_864 = arith.constant 0 : i32
    %dma_wait3A_865 = arith.constant 0 : i32
    %dma_wait3A_866 = tpu.memref_slice %arg16[%dma_wait3A_864, %dma_wait3A_865] : memref<10240x128xf32, #tpu.memory_space<vmem_shared>> -> memref<16x128xf32, #tpu.memory_space<vmem_shared>>
    tpu.wait_dma2 semaphore(%arg20 : memref<!tpu.dma_semaphore, #tpu.memory_space<semaphore_mem>>) src(%arg15 : memref<16x128xf32, #tpu.memory_space<vmem>>) dst(%dma_wait3A_866 : memref<16x128xf32, #tpu.memory_space<vmem_shared>>)
    %dma_wait3A_867 = arith.constant 0 : i32
    %dma_wait3A_868 = arith.constant 0 : i32
    %dma_wait3A_869 = tpu.memref_slice %arg16[%dma_wait3A_867, %dma_wait3A_868] : memref<10240x128xf32, #tpu.memory_space<vmem_shared>> -> memref<16x128xf32, #tpu.memory_space<vmem_shared>>
    %dma_wait3A_870 = arith.constant 0 : i32
    %dma_wait3A_871 = arith.constant 0 : i32
    %dma_wait3A_872 = tpu.memref_slice %arg16[%dma_wait3A_870, %dma_wait3A_871] : memref<10240x128xf32, #tpu.memory_space<vmem_shared>> -> memref<16x128xf32, #tpu.memory_space<vmem_shared>>
    tpu.wait_dma2 semaphore(%arg20 : memref<!tpu.dma_semaphore, #tpu.memory_space<semaphore_mem>>) src(%arg15 : memref<16x128xf32, #tpu.memory_space<vmem>>) dst(%dma_wait3A_872 : memref<16x128xf32, #tpu.memory_space<vmem_shared>>)
    %dma_wait3A_873 = arith.constant 0 : i32
    %dma_wait3A_874 = arith.constant 0 : i32
    %dma_wait3A_875 = tpu.memref_slice %arg16[%dma_wait3A_873, %dma_wait3A_874] : memref<10240x128xf32, #tpu.memory_space<vmem_shared>> -> memref<16x128xf32, #tpu.memory_space<vmem_shared>>
    %dma_wait3A_876 = arith.constant 0 : i32
    %dma_wait3A_877 = arith.constant 0 : i32
    %dma_wait3A_878 = tpu.memref_slice %arg16[%dma_wait3A_876, %dma_wait3A_877] : memref<10240x128xf32, #tpu.memory_space<vmem_shared>> -> memref<16x128xf32, #tpu.memory_space<vmem_shared>>
    tpu.wait_dma2 semaphore(%arg20 : memref<!tpu.dma_semaphore, #tpu.memory_space<semaphore_mem>>) src(%arg15 : memref<16x128xf32, #tpu.memory_space<vmem>>) dst(%dma_wait3A_878 : memref<16x128xf32, #tpu.memory_space<vmem_shared>>)
    %dma_wait3A_879 = arith.constant 0 : i32
    %dma_wait3A_880 = arith.constant 0 : i32
    %dma_wait3A_881 = tpu.memref_slice %arg16[%dma_wait3A_879, %dma_wait3A_880] : memref<10240x128xf32, #tpu.memory_space<vmem_shared>> -> memref<16x128xf32, #tpu.memory_space<vmem_shared>>
    %dma_wait3A_882 = arith.constant 0 : i32
    %dma_wait3A_883 = arith.constant 0 : i32
    %dma_wait3A_884 = tpu.memref_slice %arg16[%dma_wait3A_882, %dma_wait3A_883] : memref<10240x128xf32, #tpu.memory_space<vmem_shared>> -> memref<16x128xf32, #tpu.memory_space<vmem_shared>>
    tpu.wait_dma2 semaphore(%arg20 : memref<!tpu.dma_semaphore, #tpu.memory_space<semaphore_mem>>) src(%arg15 : memref<16x128xf32, #tpu.memory_space<vmem>>) dst(%dma_wait3A_884 : memref<16x128xf32, #tpu.memory_space<vmem_shared>>)
    %dma_wait3A_885 = arith.constant 0 : i32
    %dma_wait3A_886 = arith.constant 0 : i32
    %dma_wait3A_887 = tpu.memref_slice %arg16[%dma_wait3A_885, %dma_wait3A_886] : memref<10240x128xf32, #tpu.memory_space<vmem_shared>> -> memref<16x128xf32, #tpu.memory_space<vmem_shared>>
    %dma_wait3A_888 = arith.constant 0 : i32
    %dma_wait3A_889 = arith.constant 0 : i32
    %dma_wait3A_890 = tpu.memref_slice %arg16[%dma_wait3A_888, %dma_wait3A_889] : memref<10240x128xf32, #tpu.memory_space<vmem_shared>> -> memref<16x128xf32, #tpu.memory_space<vmem_shared>>
    tpu.wait_dma2 semaphore(%arg20 : memref<!tpu.dma_semaphore, #tpu.memory_space<semaphore_mem>>) src(%arg15 : memref<16x128xf32, #tpu.memory_space<vmem>>) dst(%dma_wait3A_890 : memref<16x128xf32, #tpu.memory_space<vmem_shared>>)
    %dma_wait3A_891 = arith.constant 0 : i32
    %dma_wait3A_892 = arith.constant 0 : i32
    %dma_wait3A_893 = tpu.memref_slice %arg16[%dma_wait3A_891, %dma_wait3A_892] : memref<10240x128xf32, #tpu.memory_space<vmem_shared>> -> memref<16x128xf32, #tpu.memory_space<vmem_shared>>
    %dma_wait3A_894 = arith.constant 0 : i32
    %dma_wait3A_895 = arith.constant 0 : i32
    %dma_wait3A_896 = tpu.memref_slice %arg16[%dma_wait3A_894, %dma_wait3A_895] : memref<10240x128xf32, #tpu.memory_space<vmem_shared>> -> memref<16x128xf32, #tpu.memory_space<vmem_shared>>
    tpu.wait_dma2 semaphore(%arg20 : memref<!tpu.dma_semaphore, #tpu.memory_space<semaphore_mem>>) src(%arg15 : memref<16x128xf32, #tpu.memory_space<vmem>>) dst(%dma_wait3A_896 : memref<16x128xf32, #tpu.memory_space<vmem_shared>>)
    %dma_wait3A_897 = arith.constant 0 : i32
    %dma_wait3A_898 = arith.constant 0 : i32
    %dma_wait3A_899 = tpu.memref_slice %arg16[%dma_wait3A_897, %dma_wait3A_898] : memref<10240x128xf32, #tpu.memory_space<vmem_shared>> -> memref<16x128xf32, #tpu.memory_space<vmem_shared>>
    %dma_wait3A_900 = arith.constant 0 : i32
    %dma_wait3A_901 = arith.constant 0 : i32
    %dma_wait3A_902 = tpu.memref_slice %arg16[%dma_wait3A_900, %dma_wait3A_901] : memref<10240x128xf32, #tpu.memory_space<vmem_shared>> -> memref<16x128xf32, #tpu.memory_space<vmem_shared>>
    tpu.wait_dma2 semaphore(%arg20 : memref<!tpu.dma_semaphore, #tpu.memory_space<semaphore_mem>>) src(%arg15 : memref<16x128xf32, #tpu.memory_space<vmem>>) dst(%dma_wait3A_902 : memref<16x128xf32, #tpu.memory_space<vmem_shared>>)
    %dma_wait3A_903 = arith.constant 0 : i32
    %dma_wait3A_904 = arith.constant 0 : i32
    %dma_wait3A_905 = tpu.memref_slice %arg16[%dma_wait3A_903, %dma_wait3A_904] : memref<10240x128xf32, #tpu.memory_space<vmem_shared>> -> memref<16x128xf32, #tpu.memory_space<vmem_shared>>
    %dma_wait3A_906 = arith.constant 0 : i32
    %dma_wait3A_907 = arith.constant 0 : i32
    %dma_wait3A_908 = tpu.memref_slice %arg16[%dma_wait3A_906, %dma_wait3A_907] : memref<10240x128xf32, #tpu.memory_space<vmem_shared>> -> memref<16x128xf32, #tpu.memory_space<vmem_shared>>
    tpu.wait_dma2 semaphore(%arg20 : memref<!tpu.dma_semaphore, #tpu.memory_space<semaphore_mem>>) src(%arg15 : memref<16x128xf32, #tpu.memory_space<vmem>>) dst(%dma_wait3A_908 : memref<16x128xf32, #tpu.memory_space<vmem_shared>>)
    %dma_wait3A_909 = arith.constant 0 : i32
    %dma_wait3A_910 = arith.constant 0 : i32
    %dma_wait3A_911 = tpu.memref_slice %arg16[%dma_wait3A_909, %dma_wait3A_910] : memref<10240x128xf32, #tpu.memory_space<vmem_shared>> -> memref<16x128xf32, #tpu.memory_space<vmem_shared>>
    %dma_wait3A_912 = arith.constant 0 : i32
    %dma_wait3A_913 = arith.constant 0 : i32
    %dma_wait3A_914 = tpu.memref_slice %arg16[%dma_wait3A_912, %dma_wait3A_913] : memref<10240x128xf32, #tpu.memory_space<vmem_shared>> -> memref<16x128xf32, #tpu.memory_space<vmem_shared>>
    tpu.wait_dma2 semaphore(%arg20 : memref<!tpu.dma_semaphore, #tpu.memory_space<semaphore_mem>>) src(%arg15 : memref<16x128xf32, #tpu.memory_space<vmem>>) dst(%dma_wait3A_914 : memref<16x128xf32, #tpu.memory_space<vmem_shared>>)
    %dma_wait3A_915 = arith.constant 0 : i32
    %dma_wait3A_916 = arith.constant 0 : i32
    %dma_wait3A_917 = tpu.memref_slice %arg16[%dma_wait3A_915, %dma_wait3A_916] : memref<10240x128xf32, #tpu.memory_space<vmem_shared>> -> memref<16x128xf32, #tpu.memory_space<vmem_shared>>
    %dma_wait3A_918 = arith.constant 0 : i32
    %dma_wait3A_919 = arith.constant 0 : i32
    %dma_wait3A_920 = tpu.memref_slice %arg16[%dma_wait3A_918, %dma_wait3A_919] : memref<10240x128xf32, #tpu.memory_space<vmem_shared>> -> memref<16x128xf32, #tpu.memory_space<vmem_shared>>
    tpu.wait_dma2 semaphore(%arg20 : memref<!tpu.dma_semaphore, #tpu.memory_space<semaphore_mem>>) src(%arg15 : memref<16x128xf32, #tpu.memory_space<vmem>>) dst(%dma_wait3A_920 : memref<16x128xf32, #tpu.memory_space<vmem_shared>>)
    %dma_wait3A_921 = arith.constant 0 : i32
    %dma_wait3A_922 = arith.constant 0 : i32
    %dma_wait3A_923 = tpu.memref_slice %arg16[%dma_wait3A_921, %dma_wait3A_922] : memref<10240x128xf32, #tpu.memory_space<vmem_shared>> -> memref<16x128xf32, #tpu.memory_space<vmem_shared>>
    %dma_wait3A_924 = arith.constant 0 : i32
    %dma_wait3A_925 = arith.constant 0 : i32
    %dma_wait3A_926 = tpu.memref_slice %arg16[%dma_wait3A_924, %dma_wait3A_925] : memref<10240x128xf32, #tpu.memory_space<vmem_shared>> -> memref<16x128xf32, #tpu.memory_space<vmem_shared>>
    tpu.wait_dma2 semaphore(%arg20 : memref<!tpu.dma_semaphore, #tpu.memory_space<semaphore_mem>>) src(%arg15 : memref<16x128xf32, #tpu.memory_space<vmem>>) dst(%dma_wait3A_926 : memref<16x128xf32, #tpu.memory_space<vmem_shared>>)
    %dma_wait3A_927 = arith.constant 0 : i32
    %dma_wait3A_928 = arith.constant 0 : i32
    %dma_wait3A_929 = tpu.memref_slice %arg16[%dma_wait3A_927, %dma_wait3A_928] : memref<10240x128xf32, #tpu.memory_space<vmem_shared>> -> memref<16x128xf32, #tpu.memory_space<vmem_shared>>
    %dma_wait3A_930 = arith.constant 0 : i32
    %dma_wait3A_931 = arith.constant 0 : i32
    %dma_wait3A_932 = tpu.memref_slice %arg16[%dma_wait3A_930, %dma_wait3A_931] : memref<10240x128xf32, #tpu.memory_space<vmem_shared>> -> memref<16x128xf32, #tpu.memory_space<vmem_shared>>
    tpu.wait_dma2 semaphore(%arg20 : memref<!tpu.dma_semaphore, #tpu.memory_space<semaphore_mem>>) src(%arg15 : memref<16x128xf32, #tpu.memory_space<vmem>>) dst(%dma_wait3A_932 : memref<16x128xf32, #tpu.memory_space<vmem_shared>>)
    %dma_wait3A_933 = arith.constant 0 : i32
    %dma_wait3A_934 = arith.constant 0 : i32
    %dma_wait3A_935 = tpu.memref_slice %arg16[%dma_wait3A_933, %dma_wait3A_934] : memref<10240x128xf32, #tpu.memory_space<vmem_shared>> -> memref<16x128xf32, #tpu.memory_space<vmem_shared>>
    %dma_wait3A_936 = arith.constant 0 : i32
    %dma_wait3A_937 = arith.constant 0 : i32
    %dma_wait3A_938 = tpu.memref_slice %arg16[%dma_wait3A_936, %dma_wait3A_937] : memref<10240x128xf32, #tpu.memory_space<vmem_shared>> -> memref<16x128xf32, #tpu.memory_space<vmem_shared>>
    tpu.wait_dma2 semaphore(%arg20 : memref<!tpu.dma_semaphore, #tpu.memory_space<semaphore_mem>>) src(%arg15 : memref<16x128xf32, #tpu.memory_space<vmem>>) dst(%dma_wait3A_938 : memref<16x128xf32, #tpu.memory_space<vmem_shared>>)
    %dma_wait3A_939 = arith.constant 0 : i32
    %dma_wait3A_940 = arith.constant 0 : i32
    %dma_wait3A_941 = tpu.memref_slice %arg16[%dma_wait3A_939, %dma_wait3A_940] : memref<10240x128xf32, #tpu.memory_space<vmem_shared>> -> memref<16x128xf32, #tpu.memory_space<vmem_shared>>
    %dma_wait3A_942 = arith.constant 0 : i32
    %dma_wait3A_943 = arith.constant 0 : i32
    %dma_wait3A_944 = tpu.memref_slice %arg16[%dma_wait3A_942, %dma_wait3A_943] : memref<10240x128xf32, #tpu.memory_space<vmem_shared>> -> memref<16x128xf32, #tpu.memory_space<vmem_shared>>
    tpu.wait_dma2 semaphore(%arg20 : memref<!tpu.dma_semaphore, #tpu.memory_space<semaphore_mem>>) src(%arg15 : memref<16x128xf32, #tpu.memory_space<vmem>>) dst(%dma_wait3A_944 : memref<16x128xf32, #tpu.memory_space<vmem_shared>>)
    %dma_wait3A_945 = arith.constant 0 : i32
    %dma_wait3A_946 = arith.constant 0 : i32
    %dma_wait3A_947 = tpu.memref_slice %arg16[%dma_wait3A_945, %dma_wait3A_946] : memref<10240x128xf32, #tpu.memory_space<vmem_shared>> -> memref<16x128xf32, #tpu.memory_space<vmem_shared>>
    %dma_wait3A_948 = arith.constant 0 : i32
    %dma_wait3A_949 = arith.constant 0 : i32
    %dma_wait3A_950 = tpu.memref_slice %arg16[%dma_wait3A_948, %dma_wait3A_949] : memref<10240x128xf32, #tpu.memory_space<vmem_shared>> -> memref<16x128xf32, #tpu.memory_space<vmem_shared>>
    tpu.wait_dma2 semaphore(%arg20 : memref<!tpu.dma_semaphore, #tpu.memory_space<semaphore_mem>>) src(%arg15 : memref<16x128xf32, #tpu.memory_space<vmem>>) dst(%dma_wait3A_950 : memref<16x128xf32, #tpu.memory_space<vmem_shared>>)
    %dma_wait3A_951 = arith.constant 0 : i32
    %dma_wait3A_952 = arith.constant 0 : i32
    %dma_wait3A_953 = tpu.memref_slice %arg16[%dma_wait3A_951, %dma_wait3A_952] : memref<10240x128xf32, #tpu.memory_space<vmem_shared>> -> memref<16x128xf32, #tpu.memory_space<vmem_shared>>
    %dma_wait3A_954 = arith.constant 0 : i32
    %dma_wait3A_955 = arith.constant 0 : i32
    %dma_wait3A_956 = tpu.memref_slice %arg16[%dma_wait3A_954, %dma_wait3A_955] : memref<10240x128xf32, #tpu.memory_space<vmem_shared>> -> memref<16x128xf32, #tpu.memory_space<vmem_shared>>
    tpu.wait_dma2 semaphore(%arg20 : memref<!tpu.dma_semaphore, #tpu.memory_space<semaphore_mem>>) src(%arg15 : memref<16x128xf32, #tpu.memory_space<vmem>>) dst(%dma_wait3A_956 : memref<16x128xf32, #tpu.memory_space<vmem_shared>>)
    %dma_wait3A_957 = arith.constant 0 : i32
    %dma_wait3A_958 = arith.constant 0 : i32
    %dma_wait3A_959 = tpu.memref_slice %arg16[%dma_wait3A_957, %dma_wait3A_958] : memref<10240x128xf32, #tpu.memory_space<vmem_shared>> -> memref<16x128xf32, #tpu.memory_space<vmem_shared>>
    %dma_wait3A_960 = arith.constant 0 : i32
    %dma_wait3A_961 = arith.constant 0 : i32
    %dma_wait3A_962 = tpu.memref_slice %arg16[%dma_wait3A_960, %dma_wait3A_961] : memref<10240x128xf32, #tpu.memory_space<vmem_shared>> -> memref<16x128xf32, #tpu.memory_space<vmem_shared>>
    tpu.wait_dma2 semaphore(%arg20 : memref<!tpu.dma_semaphore, #tpu.memory_space<semaphore_mem>>) src(%arg15 : memref<16x128xf32, #tpu.memory_space<vmem>>) dst(%dma_wait3A_962 : memref<16x128xf32, #tpu.memory_space<vmem_shared>>)
    %dma_wait3A_963 = arith.constant 0 : i32
    %dma_wait3A_964 = arith.constant 0 : i32
    %dma_wait3A_965 = tpu.memref_slice %arg16[%dma_wait3A_963, %dma_wait3A_964] : memref<10240x128xf32, #tpu.memory_space<vmem_shared>> -> memref<16x128xf32, #tpu.memory_space<vmem_shared>>
    %dma_wait3A_966 = arith.constant 0 : i32
    %dma_wait3A_967 = arith.constant 0 : i32
    %dma_wait3A_968 = tpu.memref_slice %arg16[%dma_wait3A_966, %dma_wait3A_967] : memref<10240x128xf32, #tpu.memory_space<vmem_shared>> -> memref<16x128xf32, #tpu.memory_space<vmem_shared>>
    tpu.wait_dma2 semaphore(%arg20 : memref<!tpu.dma_semaphore, #tpu.memory_space<semaphore_mem>>) src(%arg15 : memref<16x128xf32, #tpu.memory_space<vmem>>) dst(%dma_wait3A_968 : memref<16x128xf32, #tpu.memory_space<vmem_shared>>)
    %dma_wait3A_969 = arith.constant 0 : i32
    %dma_wait3A_970 = arith.constant 0 : i32
    %dma_wait3A_971 = tpu.memref_slice %arg16[%dma_wait3A_969, %dma_wait3A_970] : memref<10240x128xf32, #tpu.memory_space<vmem_shared>> -> memref<16x128xf32, #tpu.memory_space<vmem_shared>>
    %dma_wait3A_972 = arith.constant 0 : i32
    %dma_wait3A_973 = arith.constant 0 : i32
    %dma_wait3A_974 = tpu.memref_slice %arg16[%dma_wait3A_972, %dma_wait3A_973] : memref<10240x128xf32, #tpu.memory_space<vmem_shared>> -> memref<16x128xf32, #tpu.memory_space<vmem_shared>>
    tpu.wait_dma2 semaphore(%arg20 : memref<!tpu.dma_semaphore, #tpu.memory_space<semaphore_mem>>) src(%arg15 : memref<16x128xf32, #tpu.memory_space<vmem>>) dst(%dma_wait3A_974 : memref<16x128xf32, #tpu.memory_space<vmem_shared>>)
    %dma_wait3A_975 = arith.constant 0 : i32
    %dma_wait3A_976 = arith.constant 0 : i32
    %dma_wait3A_977 = tpu.memref_slice %arg16[%dma_wait3A_975, %dma_wait3A_976] : memref<10240x128xf32, #tpu.memory_space<vmem_shared>> -> memref<16x128xf32, #tpu.memory_space<vmem_shared>>
    %dma_wait3A_978 = arith.constant 0 : i32
    %dma_wait3A_979 = arith.constant 0 : i32
    %dma_wait3A_980 = tpu.memref_slice %arg16[%dma_wait3A_978, %dma_wait3A_979] : memref<10240x128xf32, #tpu.memory_space<vmem_shared>> -> memref<16x128xf32, #tpu.memory_space<vmem_shared>>
    tpu.wait_dma2 semaphore(%arg20 : memref<!tpu.dma_semaphore, #tpu.memory_space<semaphore_mem>>) src(%arg15 : memref<16x128xf32, #tpu.memory_space<vmem>>) dst(%dma_wait3A_980 : memref<16x128xf32, #tpu.memory_space<vmem_shared>>)
    %dma_wait3A_981 = arith.constant 0 : i32
    %dma_wait3A_982 = arith.constant 0 : i32
    %dma_wait3A_983 = tpu.memref_slice %arg16[%dma_wait3A_981, %dma_wait3A_982] : memref<10240x128xf32, #tpu.memory_space<vmem_shared>> -> memref<16x128xf32, #tpu.memory_space<vmem_shared>>
    %dma_wait3A_984 = arith.constant 0 : i32
    %dma_wait3A_985 = arith.constant 0 : i32
    %dma_wait3A_986 = tpu.memref_slice %arg16[%dma_wait3A_984, %dma_wait3A_985] : memref<10240x128xf32, #tpu.memory_space<vmem_shared>> -> memref<16x128xf32, #tpu.memory_space<vmem_shared>>
    tpu.wait_dma2 semaphore(%arg20 : memref<!tpu.dma_semaphore, #tpu.memory_space<semaphore_mem>>) src(%arg15 : memref<16x128xf32, #tpu.memory_space<vmem>>) dst(%dma_wait3A_986 : memref<16x128xf32, #tpu.memory_space<vmem_shared>>)
    %dma_wait3A_987 = arith.constant 0 : i32
    %dma_wait3A_988 = arith.constant 0 : i32
    %dma_wait3A_989 = tpu.memref_slice %arg16[%dma_wait3A_987, %dma_wait3A_988] : memref<10240x128xf32, #tpu.memory_space<vmem_shared>> -> memref<16x128xf32, #tpu.memory_space<vmem_shared>>
    %dma_wait3A_990 = arith.constant 0 : i32
    %dma_wait3A_991 = arith.constant 0 : i32
    %dma_wait3A_992 = tpu.memref_slice %arg16[%dma_wait3A_990, %dma_wait3A_991] : memref<10240x128xf32, #tpu.memory_space<vmem_shared>> -> memref<16x128xf32, #tpu.memory_space<vmem_shared>>
    tpu.wait_dma2 semaphore(%arg20 : memref<!tpu.dma_semaphore, #tpu.memory_space<semaphore_mem>>) src(%arg15 : memref<16x128xf32, #tpu.memory_space<vmem>>) dst(%dma_wait3A_992 : memref<16x128xf32, #tpu.memory_space<vmem_shared>>)
    %dma_wait3A_993 = arith.constant 0 : i32
    %dma_wait3A_994 = arith.constant 0 : i32
    %dma_wait3A_995 = tpu.memref_slice %arg16[%dma_wait3A_993, %dma_wait3A_994] : memref<10240x128xf32, #tpu.memory_space<vmem_shared>> -> memref<16x128xf32, #tpu.memory_space<vmem_shared>>
    %dma_wait3A_996 = arith.constant 0 : i32
    %dma_wait3A_997 = arith.constant 0 : i32
    %dma_wait3A_998 = tpu.memref_slice %arg16[%dma_wait3A_996, %dma_wait3A_997] : memref<10240x128xf32, #tpu.memory_space<vmem_shared>> -> memref<16x128xf32, #tpu.memory_space<vmem_shared>>
    tpu.wait_dma2 semaphore(%arg20 : memref<!tpu.dma_semaphore, #tpu.memory_space<semaphore_mem>>) src(%arg15 : memref<16x128xf32, #tpu.memory_space<vmem>>) dst(%dma_wait3A_998 : memref<16x128xf32, #tpu.memory_space<vmem_shared>>)
    %dma_wait3A_999 = arith.constant 0 : i32
    %dma_wait3A_1000 = arith.constant 0 : i32
    %dma_wait3A_1001 = tpu.memref_slice %arg16[%dma_wait3A_999, %dma_wait3A_1000] : memref<10240x128xf32, #tpu.memory_space<vmem_shared>> -> memref<16x128xf32, #tpu.memory_space<vmem_shared>>
    %dma_wait3A_1002 = arith.constant 0 : i32
    %dma_wait3A_1003 = arith.constant 0 : i32
    %dma_wait3A_1004 = tpu.memref_slice %arg16[%dma_wait3A_1002, %dma_wait3A_1003] : memref<10240x128xf32, #tpu.memory_space<vmem_shared>> -> memref<16x128xf32, #tpu.memory_space<vmem_shared>>
    tpu.wait_dma2 semaphore(%arg20 : memref<!tpu.dma_semaphore, #tpu.memory_space<semaphore_mem>>) src(%arg15 : memref<16x128xf32, #tpu.memory_space<vmem>>) dst(%dma_wait3A_1004 : memref<16x128xf32, #tpu.memory_space<vmem_shared>>)
    %dma_wait3A_1005 = arith.constant 0 : i32
    %dma_wait3A_1006 = arith.constant 0 : i32
    %dma_wait3A_1007 = tpu.memref_slice %arg16[%dma_wait3A_1005, %dma_wait3A_1006] : memref<10240x128xf32, #tpu.memory_space<vmem_shared>> -> memref<16x128xf32, #tpu.memory_space<vmem_shared>>
    %dma_wait3A_1008 = arith.constant 0 : i32
    %dma_wait3A_1009 = arith.constant 0 : i32
    %dma_wait3A_1010 = tpu.memref_slice %arg16[%dma_wait3A_1008, %dma_wait3A_1009] : memref<10240x128xf32, #tpu.memory_space<vmem_shared>> -> memref<16x128xf32, #tpu.memory_space<vmem_shared>>
    tpu.wait_dma2 semaphore(%arg20 : memref<!tpu.dma_semaphore, #tpu.memory_space<semaphore_mem>>) src(%arg15 : memref<16x128xf32, #tpu.memory_space<vmem>>) dst(%dma_wait3A_1010 : memref<16x128xf32, #tpu.memory_space<vmem_shared>>)
    %dma_wait3A_1011 = arith.constant 0 : i32
    %dma_wait3A_1012 = arith.constant 0 : i32
    %dma_wait3A_1013 = tpu.memref_slice %arg16[%dma_wait3A_1011, %dma_wait3A_1012] : memref<10240x128xf32, #tpu.memory_space<vmem_shared>> -> memref<16x128xf32, #tpu.memory_space<vmem_shared>>
    %dma_wait3A_1014 = arith.constant 0 : i32
    %dma_wait3A_1015 = arith.constant 0 : i32
    %dma_wait3A_1016 = tpu.memref_slice %arg16[%dma_wait3A_1014, %dma_wait3A_1015] : memref<10240x128xf32, #tpu.memory_space<vmem_shared>> -> memref<16x128xf32, #tpu.memory_space<vmem_shared>>
    tpu.wait_dma2 semaphore(%arg20 : memref<!tpu.dma_semaphore, #tpu.memory_space<semaphore_mem>>) src(%arg15 : memref<16x128xf32, #tpu.memory_space<vmem>>) dst(%dma_wait3A_1016 : memref<16x128xf32, #tpu.memory_space<vmem_shared>>)
    %dma_wait3A_1017 = arith.constant 0 : i32
    %dma_wait3A_1018 = arith.constant 0 : i32
    %dma_wait3A_1019 = tpu.memref_slice %arg16[%dma_wait3A_1017, %dma_wait3A_1018] : memref<10240x128xf32, #tpu.memory_space<vmem_shared>> -> memref<16x128xf32, #tpu.memory_space<vmem_shared>>
    %dma_wait3A_1020 = arith.constant 0 : i32
    %dma_wait3A_1021 = arith.constant 0 : i32
    %dma_wait3A_1022 = tpu.memref_slice %arg16[%dma_wait3A_1020, %dma_wait3A_1021] : memref<10240x128xf32, #tpu.memory_space<vmem_shared>> -> memref<16x128xf32, #tpu.memory_space<vmem_shared>>
    tpu.wait_dma2 semaphore(%arg20 : memref<!tpu.dma_semaphore, #tpu.memory_space<semaphore_mem>>) src(%arg15 : memref<16x128xf32, #tpu.memory_space<vmem>>) dst(%dma_wait3A_1022 : memref<16x128xf32, #tpu.memory_space<vmem_shared>>)
    %dma_wait3A_1023 = arith.constant 0 : i32
    %dma_wait3A_1024 = arith.constant 0 : i32
    %dma_wait3A_1025 = tpu.memref_slice %arg16[%dma_wait3A_1023, %dma_wait3A_1024] : memref<10240x128xf32, #tpu.memory_space<vmem_shared>> -> memref<16x128xf32, #tpu.memory_space<vmem_shared>>
    %dma_wait3A_1026 = arith.constant 0 : i32
    %dma_wait3A_1027 = arith.constant 0 : i32
    %dma_wait3A_1028 = tpu.memref_slice %arg16[%dma_wait3A_1026, %dma_wait3A_1027] : memref<10240x128xf32, #tpu.memory_space<vmem_shared>> -> memref<16x128xf32, #tpu.memory_space<vmem_shared>>
    tpu.wait_dma2 semaphore(%arg20 : memref<!tpu.dma_semaphore, #tpu.memory_space<semaphore_mem>>) src(%arg15 : memref<16x128xf32, #tpu.memory_space<vmem>>) dst(%dma_wait3A_1028 : memref<16x128xf32, #tpu.memory_space<vmem_shared>>)
    %dma_wait3A_1029 = arith.constant 0 : i32
    %dma_wait3A_1030 = arith.constant 0 : i32
    %dma_wait3A_1031 = tpu.memref_slice %arg16[%dma_wait3A_1029, %dma_wait3A_1030] : memref<10240x128xf32, #tpu.memory_space<vmem_shared>> -> memref<16x128xf32, #tpu.memory_space<vmem_shared>>
    %dma_wait3A_1032 = arith.constant 0 : i32
    %dma_wait3A_1033 = arith.constant 0 : i32
    %dma_wait3A_1034 = tpu.memref_slice %arg16[%dma_wait3A_1032, %dma_wait3A_1033] : memref<10240x128xf32, #tpu.memory_space<vmem_shared>> -> memref<16x128xf32, #tpu.memory_space<vmem_shared>>
    tpu.wait_dma2 semaphore(%arg20 : memref<!tpu.dma_semaphore, #tpu.memory_space<semaphore_mem>>) src(%arg15 : memref<16x128xf32, #tpu.memory_space<vmem>>) dst(%dma_wait3A_1034 : memref<16x128xf32, #tpu.memory_space<vmem_shared>>)
    %dma_wait3A_1035 = arith.constant 0 : i32
    %dma_wait3A_1036 = arith.constant 0 : i32
    %dma_wait3A_1037 = tpu.memref_slice %arg16[%dma_wait3A_1035, %dma_wait3A_1036] : memref<10240x128xf32, #tpu.memory_space<vmem_shared>> -> memref<16x128xf32, #tpu.memory_space<vmem_shared>>
    %dma_wait3A_1038 = arith.constant 0 : i32
    %dma_wait3A_1039 = arith.constant 0 : i32
    %dma_wait3A_1040 = tpu.memref_slice %arg16[%dma_wait3A_1038, %dma_wait3A_1039] : memref<10240x128xf32, #tpu.memory_space<vmem_shared>> -> memref<16x128xf32, #tpu.memory_space<vmem_shared>>
    tpu.wait_dma2 semaphore(%arg20 : memref<!tpu.dma_semaphore, #tpu.memory_space<semaphore_mem>>) src(%arg15 : memref<16x128xf32, #tpu.memory_space<vmem>>) dst(%dma_wait3A_1040 : memref<16x128xf32, #tpu.memory_space<vmem_shared>>)
    %dma_wait3A_1041 = arith.constant 0 : i32
    %dma_wait3A_1042 = arith.constant 0 : i32
    %dma_wait3A_1043 = tpu.memref_slice %arg16[%dma_wait3A_1041, %dma_wait3A_1042] : memref<10240x128xf32, #tpu.memory_space<vmem_shared>> -> memref<16x128xf32, #tpu.memory_space<vmem_shared>>
    %dma_wait3A_1044 = arith.constant 0 : i32
    %dma_wait3A_1045 = arith.constant 0 : i32
    %dma_wait3A_1046 = tpu.memref_slice %arg16[%dma_wait3A_1044, %dma_wait3A_1045] : memref<10240x128xf32, #tpu.memory_space<vmem_shared>> -> memref<16x128xf32, #tpu.memory_space<vmem_shared>>
    tpu.wait_dma2 semaphore(%arg20 : memref<!tpu.dma_semaphore, #tpu.memory_space<semaphore_mem>>) src(%arg15 : memref<16x128xf32, #tpu.memory_space<vmem>>) dst(%dma_wait3A_1046 : memref<16x128xf32, #tpu.memory_space<vmem_shared>>)
    %dma_wait3A_1047 = arith.constant 0 : i32
    %dma_wait3A_1048 = arith.constant 0 : i32
    %dma_wait3A_1049 = tpu.memref_slice %arg16[%dma_wait3A_1047, %dma_wait3A_1048] : memref<10240x128xf32, #tpu.memory_space<vmem_shared>> -> memref<16x128xf32, #tpu.memory_space<vmem_shared>>
    %dma_wait3A_1050 = arith.constant 0 : i32
    %dma_wait3A_1051 = arith.constant 0 : i32
    %dma_wait3A_1052 = tpu.memref_slice %arg16[%dma_wait3A_1050, %dma_wait3A_1051] : memref<10240x128xf32, #tpu.memory_space<vmem_shared>> -> memref<16x128xf32, #tpu.memory_space<vmem_shared>>
    tpu.wait_dma2 semaphore(%arg20 : memref<!tpu.dma_semaphore, #tpu.memory_space<semaphore_mem>>) src(%arg15 : memref<16x128xf32, #tpu.memory_space<vmem>>) dst(%dma_wait3A_1052 : memref<16x128xf32, #tpu.memory_space<vmem_shared>>)
    %dma_wait3A_1053 = arith.constant 0 : i32
    %dma_wait3A_1054 = arith.constant 0 : i32
    %dma_wait3A_1055 = tpu.memref_slice %arg16[%dma_wait3A_1053, %dma_wait3A_1054] : memref<10240x128xf32, #tpu.memory_space<vmem_shared>> -> memref<16x128xf32, #tpu.memory_space<vmem_shared>>
    %dma_wait3A_1056 = arith.constant 0 : i32
    %dma_wait3A_1057 = arith.constant 0 : i32
    %dma_wait3A_1058 = tpu.memref_slice %arg16[%dma_wait3A_1056, %dma_wait3A_1057] : memref<10240x128xf32, #tpu.memory_space<vmem_shared>> -> memref<16x128xf32, #tpu.memory_space<vmem_shared>>
    tpu.wait_dma2 semaphore(%arg20 : memref<!tpu.dma_semaphore, #tpu.memory_space<semaphore_mem>>) src(%arg15 : memref<16x128xf32, #tpu.memory_space<vmem>>) dst(%dma_wait3A_1058 : memref<16x128xf32, #tpu.memory_space<vmem_shared>>)
    %dma_wait3A_1059 = arith.constant 0 : i32
    %dma_wait3A_1060 = arith.constant 0 : i32
    %dma_wait3A_1061 = tpu.memref_slice %arg16[%dma_wait3A_1059, %dma_wait3A_1060] : memref<10240x128xf32, #tpu.memory_space<vmem_shared>> -> memref<16x128xf32, #tpu.memory_space<vmem_shared>>
    %dma_wait3A_1062 = arith.constant 0 : i32
    %dma_wait3A_1063 = arith.constant 0 : i32
    %dma_wait3A_1064 = tpu.memref_slice %arg16[%dma_wait3A_1062, %dma_wait3A_1063] : memref<10240x128xf32, #tpu.memory_space<vmem_shared>> -> memref<16x128xf32, #tpu.memory_space<vmem_shared>>
    tpu.wait_dma2 semaphore(%arg20 : memref<!tpu.dma_semaphore, #tpu.memory_space<semaphore_mem>>) src(%arg15 : memref<16x128xf32, #tpu.memory_space<vmem>>) dst(%dma_wait3A_1064 : memref<16x128xf32, #tpu.memory_space<vmem_shared>>)
    %dma_wait3A_1065 = arith.constant 0 : i32
    %dma_wait3A_1066 = arith.constant 0 : i32
    %dma_wait3A_1067 = tpu.memref_slice %arg16[%dma_wait3A_1065, %dma_wait3A_1066] : memref<10240x128xf32, #tpu.memory_space<vmem_shared>> -> memref<16x128xf32, #tpu.memory_space<vmem_shared>>
    %dma_wait3A_1068 = arith.constant 0 : i32
    %dma_wait3A_1069 = arith.constant 0 : i32
    %dma_wait3A_1070 = tpu.memref_slice %arg16[%dma_wait3A_1068, %dma_wait3A_1069] : memref<10240x128xf32, #tpu.memory_space<vmem_shared>> -> memref<16x128xf32, #tpu.memory_space<vmem_shared>>
    tpu.wait_dma2 semaphore(%arg20 : memref<!tpu.dma_semaphore, #tpu.memory_space<semaphore_mem>>) src(%arg15 : memref<16x128xf32, #tpu.memory_space<vmem>>) dst(%dma_wait3A_1070 : memref<16x128xf32, #tpu.memory_space<vmem_shared>>)
    %barrier3A = arith.constant 0 : index
    tpu.barrier barrier_id(%barrier3A)
    %add3A_1071 = arith.constant 0 : i32
    %add3A_1072 = arith.addi %add3A, %add3A_1071 : i32
    %mul3A_1073 = arith.constant 120 : i32
    %mul3A_1074 = arith.muli %add3A_1072, %mul3A_1073 : i32
    %dma_start3A_1075 = tpu.memref_slice %arg3[%mul3A_1074] : memref<337920xi32, #tpu.memory_space<hbm>> -> memref<120xi32, #tpu.memory_space<hbm>>
    %dma_start3A_1076 = tpu.memref_slice %arg3[%mul3A_1074] : memref<337920xi32, #tpu.memory_space<hbm>> -> memref<120xi32, #tpu.memory_space<hbm>>
    tpu.enqueue_dma source(%dma_start3A_1076 : memref<120xi32, #tpu.memory_space<hbm>>) target(%arg6 : memref<120xi32, #tpu.memory_space<vmem>>) target_semaphore(%arg17 : memref<!tpu.dma_semaphore, #tpu.memory_space<semaphore_mem>>)
    %dma_start3A_1077 = tpu.memref_slice %arg4[%mul3A_1074] : memref<337920xi32, #tpu.memory_space<hbm>> -> memref<120xi32, #tpu.memory_space<hbm>>
    %dma_start3A_1078 = tpu.memref_slice %arg4[%mul3A_1074] : memref<337920xi32, #tpu.memory_space<hbm>> -> memref<120xi32, #tpu.memory_space<hbm>>
    tpu.enqueue_dma source(%dma_start3A_1078 : memref<120xi32, #tpu.memory_space<hbm>>) target(%arg9 : memref<120xi32, #tpu.memory_space<vmem>>) target_semaphore(%arg17 : memref<!tpu.dma_semaphore, #tpu.memory_space<semaphore_mem>>)
    %add3A_1079 = arith.constant 32 : i32
    %add3A_1080 = arith.addi %add3A, %add3A_1079 : i32
    %mul3A_1081 = arith.constant 120 : i32
    %mul3A_1082 = arith.muli %add3A_1080, %mul3A_1081 : i32
    %dma_start3A_1083 = tpu.memref_slice %arg3[%mul3A_1082] : memref<337920xi32, #tpu.memory_space<hbm>> -> memref<120xi32, #tpu.memory_space<hbm>>
    %dma_start3A_1084 = tpu.memref_slice %arg3[%mul3A_1082] : memref<337920xi32, #tpu.memory_space<hbm>> -> memref<120xi32, #tpu.memory_space<hbm>>
    tpu.enqueue_dma source(%dma_start3A_1084 : memref<120xi32, #tpu.memory_space<hbm>>) target(%arg7 : memref<120xi32, #tpu.memory_space<vmem>>) target_semaphore(%arg18 : memref<!tpu.dma_semaphore, #tpu.memory_space<semaphore_mem>>)
    %dma_start3A_1085 = tpu.memref_slice %arg4[%mul3A_1082] : memref<337920xi32, #tpu.memory_space<hbm>> -> memref<120xi32, #tpu.memory_space<hbm>>
    %dma_start3A_1086 = tpu.memref_slice %arg4[%mul3A_1082] : memref<337920xi32, #tpu.memory_space<hbm>> -> memref<120xi32, #tpu.memory_space<hbm>>
    tpu.enqueue_dma source(%dma_start3A_1086 : memref<120xi32, #tpu.memory_space<hbm>>) target(%arg10 : memref<120xi32, #tpu.memory_space<vmem>>) target_semaphore(%arg18 : memref<!tpu.dma_semaphore, #tpu.memory_space<semaphore_mem>>)
    %add3A_1087 = arith.constant 64 : i32
    %add3A_1088 = arith.addi %add3A, %add3A_1087 : i32
    %mul3A_1089 = arith.constant 120 : i32
    %mul3A_1090 = arith.muli %add3A_1088, %mul3A_1089 : i32
    %dma_start3A_1091 = tpu.memref_slice %arg3[%mul3A_1090] : memref<337920xi32, #tpu.memory_space<hbm>> -> memref<120xi32, #tpu.memory_space<hbm>>
    %dma_start3A_1092 = tpu.memref_slice %arg3[%mul3A_1090] : memref<337920xi32, #tpu.memory_space<hbm>> -> memref<120xi32, #tpu.memory_space<hbm>>
    tpu.enqueue_dma source(%dma_start3A_1092 : memref<120xi32, #tpu.memory_space<hbm>>) target(%arg8 : memref<120xi32, #tpu.memory_space<vmem>>) target_semaphore(%arg19 : memref<!tpu.dma_semaphore, #tpu.memory_space<semaphore_mem>>)
    %dma_start3A_1093 = tpu.memref_slice %arg4[%mul3A_1090] : memref<337920xi32, #tpu.memory_space<hbm>> -> memref<120xi32, #tpu.memory_space<hbm>>
    %dma_start3A_1094 = tpu.memref_slice %arg4[%mul3A_1090] : memref<337920xi32, #tpu.memory_space<hbm>> -> memref<120xi32, #tpu.memory_space<hbm>>
    tpu.enqueue_dma source(%dma_start3A_1094 : memref<120xi32, #tpu.memory_space<hbm>>) target(%arg11 : memref<120xi32, #tpu.memory_space<vmem>>) target_semaphore(%arg19 : memref<!tpu.dma_semaphore, #tpu.memory_space<semaphore_mem>>)
    %dma_wait3A_1095 = arith.constant 0 : i32
    %dma_wait3A_1096 = tpu.memref_slice %arg3[%dma_wait3A_1095] : memref<337920xi32, #tpu.memory_space<hbm>> -> memref<120xi32, #tpu.memory_space<hbm>>
    %dma_wait3A_1097 = arith.constant 0 : i32
    %dma_wait3A_1098 = tpu.memref_slice %arg3[%dma_wait3A_1097] : memref<337920xi32, #tpu.memory_space<hbm>> -> memref<120xi32, #tpu.memory_space<hbm>>
    tpu.wait_dma2 semaphore(%arg17 : memref<!tpu.dma_semaphore, #tpu.memory_space<semaphore_mem>>) src(%dma_wait3A_1098 : memref<120xi32, #tpu.memory_space<hbm>>) dst(%arg6 : memref<120xi32, #tpu.memory_space<vmem>>)
    %dma_wait3A_1099 = arith.constant 0 : i32
    %dma_wait3A_1100 = tpu.memref_slice %arg4[%dma_wait3A_1099] : memref<337920xi32, #tpu.memory_space<hbm>> -> memref<120xi32, #tpu.memory_space<hbm>>
    %dma_wait3A_1101 = arith.constant 0 : i32
    %dma_wait3A_1102 = tpu.memref_slice %arg4[%dma_wait3A_1101] : memref<337920xi32, #tpu.memory_space<hbm>> -> memref<120xi32, #tpu.memory_space<hbm>>
    tpu.wait_dma2 semaphore(%arg17 : memref<!tpu.dma_semaphore, #tpu.memory_space<semaphore_mem>>) src(%dma_wait3A_1102 : memref<120xi32, #tpu.memory_space<hbm>>) dst(%arg9 : memref<120xi32, #tpu.memory_space<vmem>>)
    %dma_start3A_1103 = arith.constant 0 : i32
    %dma_start3A_1104 = arith.constant 0 : i32
    %dma_start3A_1105 = tpu.memref_slice %arg2[%dma_start3A_1103, %dma_start3A_1104] : memref<10240x128xf32, #tpu.memory_space<hbm>> -> memref<10240x128xf32, #tpu.memory_space<hbm>>
    tpu.enqueue_indirect_dma source(%dma_start3A_1105 : memref<10240x128xf32, #tpu.memory_space<hbm>>) target(%arg12 : memref<120x128xf32, #tpu.memory_space<vmem>>) offsets(%arg6 : memref<120xi32, #tpu.memory_space<vmem>>) semaphore(%arg20 : memref<!tpu.dma_semaphore, #tpu.memory_space<semaphore_mem>>)
    %dma_wait3A_1106 = arith.constant 0 : i32
    %dma_wait3A_1107 = tpu.memref_slice %arg3[%dma_wait3A_1106] : memref<337920xi32, #tpu.memory_space<hbm>> -> memref<120xi32, #tpu.memory_space<hbm>>
    %dma_wait3A_1108 = arith.constant 0 : i32
    %dma_wait3A_1109 = tpu.memref_slice %arg3[%dma_wait3A_1108] : memref<337920xi32, #tpu.memory_space<hbm>> -> memref<120xi32, #tpu.memory_space<hbm>>
    tpu.wait_dma2 semaphore(%arg18 : memref<!tpu.dma_semaphore, #tpu.memory_space<semaphore_mem>>) src(%dma_wait3A_1109 : memref<120xi32, #tpu.memory_space<hbm>>) dst(%arg7 : memref<120xi32, #tpu.memory_space<vmem>>)
    %dma_wait3A_1110 = arith.constant 0 : i32
    %dma_wait3A_1111 = tpu.memref_slice %arg4[%dma_wait3A_1110] : memref<337920xi32, #tpu.memory_space<hbm>> -> memref<120xi32, #tpu.memory_space<hbm>>
    %dma_wait3A_1112 = arith.constant 0 : i32
    %dma_wait3A_1113 = tpu.memref_slice %arg4[%dma_wait3A_1112] : memref<337920xi32, #tpu.memory_space<hbm>> -> memref<120xi32, #tpu.memory_space<hbm>>
    tpu.wait_dma2 semaphore(%arg18 : memref<!tpu.dma_semaphore, #tpu.memory_space<semaphore_mem>>) src(%dma_wait3A_1113 : memref<120xi32, #tpu.memory_space<hbm>>) dst(%arg10 : memref<120xi32, #tpu.memory_space<vmem>>)
    %dma_start3A_1114 = arith.constant 0 : i32
    %dma_start3A_1115 = arith.constant 0 : i32
    %dma_start3A_1116 = tpu.memref_slice %arg2[%dma_start3A_1114, %dma_start3A_1115] : memref<10240x128xf32, #tpu.memory_space<hbm>> -> memref<10240x128xf32, #tpu.memory_space<hbm>>
    tpu.enqueue_indirect_dma source(%dma_start3A_1116 : memref<10240x128xf32, #tpu.memory_space<hbm>>) target(%arg13 : memref<120x128xf32, #tpu.memory_space<vmem>>) offsets(%arg7 : memref<120xi32, #tpu.memory_space<vmem>>) semaphore(%arg21 : memref<!tpu.dma_semaphore, #tpu.memory_space<semaphore_mem>>)
    %scan3A = arith.constant 0 : i32
    %scan3A_1117 = arith.constant 0 : i32
    %scan3A_1118 = arith.constant 28 : i32
    %scan3A_1119 = arith.addi %scan3A_1117, %scan3A_1118 : i32
    %scan3A_1120 = arith.constant 1 : i32
    scf.for %scan3A_1223 = %scan3A_1117 to %scan3A_1119 step %scan3A_1120  : i32 {
      %mul3A_1224 = arith.constant 3 : i32
      %mul3A_1225 = arith.muli %mul3A_1224, %scan3A_1223 : i32
      %dma_wait3A_1226 = arith.constant 0 : i32
      %dma_wait3A_1227 = arith.constant 0 : i32
      %dma_wait3A_1228 = tpu.memref_slice %arg2[%dma_wait3A_1226, %dma_wait3A_1227] : memref<10240x128xf32, #tpu.memory_space<hbm>> -> memref<120x128xf32, #tpu.memory_space<hbm>>
      %dma_wait3A_1229 = arith.constant 0 : i32
      %dma_wait3A_1230 = arith.constant 0 : i32
      %dma_wait3A_1231 = tpu.memref_slice %arg2[%dma_wait3A_1229, %dma_wait3A_1230] : memref<10240x128xf32, #tpu.memory_space<hbm>> -> memref<120x128xf32, #tpu.memory_space<hbm>>
      tpu.wait_dma2 semaphore(%arg20 : memref<!tpu.dma_semaphore, #tpu.memory_space<semaphore_mem>>) src(%dma_wait3A_1231 : memref<120x128xf32, #tpu.memory_space<hbm>>) dst(%arg12 : memref<120x128xf32, #tpu.memory_space<vmem>>)
      %dma_wait3A_1232 = arith.constant 0 : i32
      %dma_wait3A_1233 = tpu.memref_slice %arg3[%dma_wait3A_1232] : memref<337920xi32, #tpu.memory_space<hbm>> -> memref<120xi32, #tpu.memory_space<hbm>>
      %dma_wait3A_1234 = arith.constant 0 : i32
      %dma_wait3A_1235 = tpu.memref_slice %arg3[%dma_wait3A_1234] : memref<337920xi32, #tpu.memory_space<hbm>> -> memref<120xi32, #tpu.memory_space<hbm>>
      tpu.wait_dma2 semaphore(%arg19 : memref<!tpu.dma_semaphore, #tpu.memory_space<semaphore_mem>>) src(%dma_wait3A_1235 : memref<120xi32, #tpu.memory_space<hbm>>) dst(%arg8 : memref<120xi32, #tpu.memory_space<vmem>>)
      %dma_wait3A_1236 = arith.constant 0 : i32
      %dma_wait3A_1237 = tpu.memref_slice %arg4[%dma_wait3A_1236] : memref<337920xi32, #tpu.memory_space<hbm>> -> memref<120xi32, #tpu.memory_space<hbm>>
      %dma_wait3A_1238 = arith.constant 0 : i32
      %dma_wait3A_1239 = tpu.memref_slice %arg4[%dma_wait3A_1238] : memref<337920xi32, #tpu.memory_space<hbm>> -> memref<120xi32, #tpu.memory_space<hbm>>
      tpu.wait_dma2 semaphore(%arg19 : memref<!tpu.dma_semaphore, #tpu.memory_space<semaphore_mem>>) src(%dma_wait3A_1239 : memref<120xi32, #tpu.memory_space<hbm>>) dst(%arg11 : memref<120xi32, #tpu.memory_space<vmem>>)
      %dma_start3A_1240 = arith.constant 0 : i32
      %dma_start3A_1241 = arith.constant 0 : i32
      %dma_start3A_1242 = tpu.memref_slice %arg2[%dma_start3A_1240, %dma_start3A_1241] : memref<10240x128xf32, #tpu.memory_space<hbm>> -> memref<10240x128xf32, #tpu.memory_space<hbm>>
      tpu.enqueue_indirect_dma source(%dma_start3A_1242 : memref<10240x128xf32, #tpu.memory_space<hbm>>) target(%arg14 : memref<120x128xf32, #tpu.memory_space<vmem>>) offsets(%arg8 : memref<120xi32, #tpu.memory_space<vmem>>) semaphore(%arg22 : memref<!tpu.dma_semaphore, #tpu.memory_space<semaphore_mem>>)
      "tpu.region"() ({
        %run_scoped3A = tpu.sem_alloc : memref<!tpu.dma_semaphore, #tpu.memory_space<semaphore_mem>>
        %dma_start3A_1316 = arith.constant 0 : i32
        %dma_start3A_1317 = arith.constant 0 : i32
        %dma_start3A_1318 = tpu.memref_slice %arg16[%dma_start3A_1316, %dma_start3A_1317] : memref<10240x128xf32, #tpu.memory_space<vmem_shared>> -> memref<10240x128xf32, #tpu.memory_space<vmem_shared>>
        tpu.enqueue_indirect_dma source(%arg12 : memref<120x128xf32, #tpu.memory_space<vmem>>) target(%dma_start3A_1318 : memref<10240x128xf32, #tpu.memory_space<vmem_shared>>) offsets(%arg9 : memref<120xi32, #tpu.memory_space<vmem>>) semaphore(%run_scoped3A : memref<!tpu.dma_semaphore, #tpu.memory_space<semaphore_mem>>) {add = true}
        %dma_wait3A_1319 = arith.constant 0 : i32
        %dma_wait3A_1320 = arith.constant 0 : i32
        %dma_wait3A_1321 = tpu.memref_slice %arg16[%dma_wait3A_1319, %dma_wait3A_1320] : memref<10240x128xf32, #tpu.memory_space<vmem_shared>> -> memref<10240x128xf32, #tpu.memory_space<vmem_shared>>
        tpu.wait_indirect_dma semaphore(%run_scoped3A : memref<!tpu.dma_semaphore, #tpu.memory_space<semaphore_mem>>) src(%arg12 : memref<120x128xf32, #tpu.memory_space<vmem>>) dst(%dma_wait3A_1321 : memref<10240x128xf32, #tpu.memory_space<vmem_shared>>)
        tpu.yield
      }) : () -> ()
      %add3A_1243 = arith.constant 0 : i32
      %add3A_1244 = arith.addi %mul3A_1225, %add3A_1243 : i32
      %add3A_1245 = arith.constant 3 : i32
      %add3A_1246 = arith.addi %add3A_1244, %add3A_1245 : i32
      %mul3A_1247 = arith.constant 32 : i32
      %mul3A_1248 = arith.muli %mul3A_1247, %add3A_1246 : i32
      %add3A_1249 = arith.addi %add3A, %mul3A_1248 : i32
      %mul3A_1250 = arith.constant 120 : i32
      %mul3A_1251 = arith.muli %add3A_1249, %mul3A_1250 : i32
      %dma_start3A_1252 = tpu.memref_slice %arg3[%mul3A_1251] : memref<337920xi32, #tpu.memory_space<hbm>> -> memref<120xi32, #tpu.memory_space<hbm>>
      %dma_start3A_1253 = tpu.memref_slice %arg3[%mul3A_1251] : memref<337920xi32, #tpu.memory_space<hbm>> -> memref<120xi32, #tpu.memory_space<hbm>>
      tpu.enqueue_dma source(%dma_start3A_1253 : memref<120xi32, #tpu.memory_space<hbm>>) target(%arg6 : memref<120xi32, #tpu.memory_space<vmem>>) target_semaphore(%arg17 : memref<!tpu.dma_semaphore, #tpu.memory_space<semaphore_mem>>)
      %dma_start3A_1254 = tpu.memref_slice %arg4[%mul3A_1251] : memref<337920xi32, #tpu.memory_space<hbm>> -> memref<120xi32, #tpu.memory_space<hbm>>
      %dma_start3A_1255 = tpu.memref_slice %arg4[%mul3A_1251] : memref<337920xi32, #tpu.memory_space<hbm>> -> memref<120xi32, #tpu.memory_space<hbm>>
      tpu.enqueue_dma source(%dma_start3A_1255 : memref<120xi32, #tpu.memory_space<hbm>>) target(%arg9 : memref<120xi32, #tpu.memory_space<vmem>>) target_semaphore(%arg17 : memref<!tpu.dma_semaphore, #tpu.memory_space<semaphore_mem>>)
      %dma_wait3A_1256 = arith.constant 0 : i32
      %dma_wait3A_1257 = arith.constant 0 : i32
      %dma_wait3A_1258 = tpu.memref_slice %arg2[%dma_wait3A_1256, %dma_wait3A_1257] : memref<10240x128xf32, #tpu.memory_space<hbm>> -> memref<120x128xf32, #tpu.memory_space<hbm>>
      %dma_wait3A_1259 = arith.constant 0 : i32
      %dma_wait3A_1260 = arith.constant 0 : i32
      %dma_wait3A_1261 = tpu.memref_slice %arg2[%dma_wait3A_1259, %dma_wait3A_1260] : memref<10240x128xf32, #tpu.memory_space<hbm>> -> memref<120x128xf32, #tpu.memory_space<hbm>>
      tpu.wait_dma2 semaphore(%arg21 : memref<!tpu.dma_semaphore, #tpu.memory_space<semaphore_mem>>) src(%dma_wait3A_1261 : memref<120x128xf32, #tpu.memory_space<hbm>>) dst(%arg13 : memref<120x128xf32, #tpu.memory_space<vmem>>)
      %dma_wait3A_1262 = arith.constant 0 : i32
      %dma_wait3A_1263 = tpu.memref_slice %arg3[%dma_wait3A_1262] : memref<337920xi32, #tpu.memory_space<hbm>> -> memref<120xi32, #tpu.memory_space<hbm>>
      %dma_wait3A_1264 = arith.constant 0 : i32
      %dma_wait3A_1265 = tpu.memref_slice %arg3[%dma_wait3A_1264] : memref<337920xi32, #tpu.memory_space<hbm>> -> memref<120xi32, #tpu.memory_space<hbm>>
      tpu.wait_dma2 semaphore(%arg17 : memref<!tpu.dma_semaphore, #tpu.memory_space<semaphore_mem>>) src(%dma_wait3A_1265 : memref<120xi32, #tpu.memory_space<hbm>>) dst(%arg6 : memref<120xi32, #tpu.memory_space<vmem>>)
      %dma_wait3A_1266 = arith.constant 0 : i32
      %dma_wait3A_1267 = tpu.memref_slice %arg4[%dma_wait3A_1266] : memref<337920xi32, #tpu.memory_space<hbm>> -> memref<120xi32, #tpu.memory_space<hbm>>
      %dma_wait3A_1268 = arith.constant 0 : i32
      %dma_wait3A_1269 = tpu.memref_slice %arg4[%dma_wait3A_1268] : memref<337920xi32, #tpu.memory_space<hbm>> -> memref<120xi32, #tpu.memory_space<hbm>>
      tpu.wait_dma2 semaphore(%arg17 : memref<!tpu.dma_semaphore, #tpu.memory_space<semaphore_mem>>) src(%dma_wait3A_1269 : memref<120xi32, #tpu.memory_space<hbm>>) dst(%arg9 : memref<120xi32, #tpu.memory_space<vmem>>)
      %dma_start3A_1270 = arith.constant 0 : i32
      %dma_start3A_1271 = arith.constant 0 : i32
      %dma_start3A_1272 = tpu.memref_slice %arg2[%dma_start3A_1270, %dma_start3A_1271] : memref<10240x128xf32, #tpu.memory_space<hbm>> -> memref<10240x128xf32, #tpu.memory_space<hbm>>
      tpu.enqueue_indirect_dma source(%dma_start3A_1272 : memref<10240x128xf32, #tpu.memory_space<hbm>>) target(%arg12 : memref<120x128xf32, #tpu.memory_space<vmem>>) offsets(%arg6 : memref<120xi32, #tpu.memory_space<vmem>>) semaphore(%arg20 : memref<!tpu.dma_semaphore, #tpu.memory_space<semaphore_mem>>)
      "tpu.region"() ({
        %run_scoped3A = tpu.sem_alloc : memref<!tpu.dma_semaphore, #tpu.memory_space<semaphore_mem>>
        %dma_start3A_1316 = arith.constant 0 : i32
        %dma_start3A_1317 = arith.constant 0 : i32
        %dma_start3A_1318 = tpu.memref_slice %arg16[%dma_start3A_1316, %dma_start3A_1317] : memref<10240x128xf32, #tpu.memory_space<vmem_shared>> -> memref<10240x128xf32, #tpu.memory_space<vmem_shared>>
        tpu.enqueue_indirect_dma source(%arg13 : memref<120x128xf32, #tpu.memory_space<vmem>>) target(%dma_start3A_1318 : memref<10240x128xf32, #tpu.memory_space<vmem_shared>>) offsets(%arg10 : memref<120xi32, #tpu.memory_space<vmem>>) semaphore(%run_scoped3A : memref<!tpu.dma_semaphore, #tpu.memory_space<semaphore_mem>>) {add = true}
        %dma_wait3A_1319 = arith.constant 0 : i32
        %dma_wait3A_1320 = arith.constant 0 : i32
        %dma_wait3A_1321 = tpu.memref_slice %arg16[%dma_wait3A_1319, %dma_wait3A_1320] : memref<10240x128xf32, #tpu.memory_space<vmem_shared>> -> memref<10240x128xf32, #tpu.memory_space<vmem_shared>>
        tpu.wait_indirect_dma semaphore(%run_scoped3A : memref<!tpu.dma_semaphore, #tpu.memory_space<semaphore_mem>>) src(%arg13 : memref<120x128xf32, #tpu.memory_space<vmem>>) dst(%dma_wait3A_1321 : memref<10240x128xf32, #tpu.memory_space<vmem_shared>>)
        tpu.yield
      }) : () -> ()
      %add3A_1273 = arith.constant 1 : i32
      %add3A_1274 = arith.addi %mul3A_1225, %add3A_1273 : i32
      %add3A_1275 = arith.constant 3 : i32
      %add3A_1276 = arith.addi %add3A_1274, %add3A_1275 : i32
      %mul3A_1277 = arith.constant 32 : i32
      %mul3A_1278 = arith.muli %mul3A_1277, %add3A_1276 : i32
      %add3A_1279 = arith.addi %add3A, %mul3A_1278 : i32
      %mul3A_1280 = arith.constant 120 : i32
      %mul3A_1281 = arith.muli %add3A_1279, %mul3A_1280 : i32
      %dma_start3A_1282 = tpu.memref_slice %arg3[%mul3A_1281] : memref<337920xi32, #tpu.memory_space<hbm>> -> memref<120xi32, #tpu.memory_space<hbm>>
      %dma_start3A_1283 = tpu.memref_slice %arg3[%mul3A_1281] : memref<337920xi32, #tpu.memory_space<hbm>> -> memref<120xi32, #tpu.memory_space<hbm>>
      tpu.enqueue_dma source(%dma_start3A_1283 : memref<120xi32, #tpu.memory_space<hbm>>) target(%arg7 : memref<120xi32, #tpu.memory_space<vmem>>) target_semaphore(%arg18 : memref<!tpu.dma_semaphore, #tpu.memory_space<semaphore_mem>>)
      %dma_start3A_1284 = tpu.memref_slice %arg4[%mul3A_1281] : memref<337920xi32, #tpu.memory_space<hbm>> -> memref<120xi32, #tpu.memory_space<hbm>>
      %dma_start3A_1285 = tpu.memref_slice %arg4[%mul3A_1281] : memref<337920xi32, #tpu.memory_space<hbm>> -> memref<120xi32, #tpu.memory_space<hbm>>
      tpu.enqueue_dma source(%dma_start3A_1285 : memref<120xi32, #tpu.memory_space<hbm>>) target(%arg10 : memref<120xi32, #tpu.memory_space<vmem>>) target_semaphore(%arg18 : memref<!tpu.dma_semaphore, #tpu.memory_space<semaphore_mem>>)
      %dma_wait3A_1286 = arith.constant 0 : i32
      %dma_wait3A_1287 = arith.constant 0 : i32
      %dma_wait3A_1288 = tpu.memref_slice %arg2[%dma_wait3A_1286, %dma_wait3A_1287] : memref<10240x128xf32, #tpu.memory_space<hbm>> -> memref<120x128xf32, #tpu.memory_space<hbm>>
      %dma_wait3A_1289 = arith.constant 0 : i32
      %dma_wait3A_1290 = arith.constant 0 : i32
      %dma_wait3A_1291 = tpu.memref_slice %arg2[%dma_wait3A_1289, %dma_wait3A_1290] : memref<10240x128xf32, #tpu.memory_space<hbm>> -> memref<120x128xf32, #tpu.memory_space<hbm>>
      tpu.wait_dma2 semaphore(%arg22 : memref<!tpu.dma_semaphore, #tpu.memory_space<semaphore_mem>>) src(%dma_wait3A_1291 : memref<120x128xf32, #tpu.memory_space<hbm>>) dst(%arg14 : memref<120x128xf32, #tpu.memory_space<vmem>>)
      %dma_wait3A_1292 = arith.constant 0 : i32
      %dma_wait3A_1293 = tpu.memref_slice %arg3[%dma_wait3A_1292] : memref<337920xi32, #tpu.memory_space<hbm>> -> memref<120xi32, #tpu.memory_space<hbm>>
      %dma_wait3A_1294 = arith.constant 0 : i32
      %dma_wait3A_1295 = tpu.memref_slice %arg3[%dma_wait3A_1294] : memref<337920xi32, #tpu.memory_space<hbm>> -> memref<120xi32, #tpu.memory_space<hbm>>
      tpu.wait_dma2 semaphore(%arg18 : memref<!tpu.dma_semaphore, #tpu.memory_space<semaphore_mem>>) src(%dma_wait3A_1295 : memref<120xi32, #tpu.memory_space<hbm>>) dst(%arg7 : memref<120xi32, #tpu.memory_space<vmem>>)
      %dma_wait3A_1296 = arith.constant 0 : i32
      %dma_wait3A_1297 = tpu.memref_slice %arg4[%dma_wait3A_1296] : memref<337920xi32, #tpu.memory_space<hbm>> -> memref<120xi32, #tpu.memory_space<hbm>>
      %dma_wait3A_1298 = arith.constant 0 : i32
      %dma_wait3A_1299 = tpu.memref_slice %arg4[%dma_wait3A_1298] : memref<337920xi32, #tpu.memory_space<hbm>> -> memref<120xi32, #tpu.memory_space<hbm>>
      tpu.wait_dma2 semaphore(%arg18 : memref<!tpu.dma_semaphore, #tpu.memory_space<semaphore_mem>>) src(%dma_wait3A_1299 : memref<120xi32, #tpu.memory_space<hbm>>) dst(%arg10 : memref<120xi32, #tpu.memory_space<vmem>>)
      %dma_start3A_1300 = arith.constant 0 : i32
      %dma_start3A_1301 = arith.constant 0 : i32
      %dma_start3A_1302 = tpu.memref_slice %arg2[%dma_start3A_1300, %dma_start3A_1301] : memref<10240x128xf32, #tpu.memory_space<hbm>> -> memref<10240x128xf32, #tpu.memory_space<hbm>>
      tpu.enqueue_indirect_dma source(%dma_start3A_1302 : memref<10240x128xf32, #tpu.memory_space<hbm>>) target(%arg13 : memref<120x128xf32, #tpu.memory_space<vmem>>) offsets(%arg7 : memref<120xi32, #tpu.memory_space<vmem>>) semaphore(%arg21 : memref<!tpu.dma_semaphore, #tpu.memory_space<semaphore_mem>>)
      "tpu.region"() ({
        %run_scoped3A = tpu.sem_alloc : memref<!tpu.dma_semaphore, #tpu.memory_space<semaphore_mem>>
        %dma_start3A_1316 = arith.constant 0 : i32
        %dma_start3A_1317 = arith.constant 0 : i32
        %dma_start3A_1318 = tpu.memref_slice %arg16[%dma_start3A_1316, %dma_start3A_1317] : memref<10240x128xf32, #tpu.memory_space<vmem_shared>> -> memref<10240x128xf32, #tpu.memory_space<vmem_shared>>
        tpu.enqueue_indirect_dma source(%arg14 : memref<120x128xf32, #tpu.memory_space<vmem>>) target(%dma_start3A_1318 : memref<10240x128xf32, #tpu.memory_space<vmem_shared>>) offsets(%arg11 : memref<120xi32, #tpu.memory_space<vmem>>) semaphore(%run_scoped3A : memref<!tpu.dma_semaphore, #tpu.memory_space<semaphore_mem>>) {add = true}
        %dma_wait3A_1319 = arith.constant 0 : i32
        %dma_wait3A_1320 = arith.constant 0 : i32
        %dma_wait3A_1321 = tpu.memref_slice %arg16[%dma_wait3A_1319, %dma_wait3A_1320] : memref<10240x128xf32, #tpu.memory_space<vmem_shared>> -> memref<10240x128xf32, #tpu.memory_space<vmem_shared>>
        tpu.wait_indirect_dma semaphore(%run_scoped3A : memref<!tpu.dma_semaphore, #tpu.memory_space<semaphore_mem>>) src(%arg14 : memref<120x128xf32, #tpu.memory_space<vmem>>) dst(%dma_wait3A_1321 : memref<10240x128xf32, #tpu.memory_space<vmem_shared>>)
        tpu.yield
      }) : () -> ()
      %add3A_1303 = arith.constant 2 : i32
      %add3A_1304 = arith.addi %mul3A_1225, %add3A_1303 : i32
      %add3A_1305 = arith.constant 3 : i32
      %add3A_1306 = arith.addi %add3A_1304, %add3A_1305 : i32
      %mul3A_1307 = arith.constant 32 : i32
      %mul3A_1308 = arith.muli %mul3A_1307, %add3A_1306 : i32
      %add3A_1309 = arith.addi %add3A, %mul3A_1308 : i32
      %mul3A_1310 = arith.constant 120 : i32
      %mul3A_1311 = arith.muli %add3A_1309, %mul3A_1310 : i32
      %dma_start3A_1312 = tpu.memref_slice %arg3[%mul3A_1311] : memref<337920xi32, #tpu.memory_space<hbm>> -> memref<120xi32, #tpu.memory_space<hbm>>
      %dma_start3A_1313 = tpu.memref_slice %arg3[%mul3A_1311] : memref<337920xi32, #tpu.memory_space<hbm>> -> memref<120xi32, #tpu.memory_space<hbm>>
      tpu.enqueue_dma source(%dma_start3A_1313 : memref<120xi32, #tpu.memory_space<hbm>>) target(%arg8 : memref<120xi32, #tpu.memory_space<vmem>>) target_semaphore(%arg19 : memref<!tpu.dma_semaphore, #tpu.memory_space<semaphore_mem>>)
      %dma_start3A_1314 = tpu.memref_slice %arg4[%mul3A_1311] : memref<337920xi32, #tpu.memory_space<hbm>> -> memref<120xi32, #tpu.memory_space<hbm>>
      %dma_start3A_1315 = tpu.memref_slice %arg4[%mul3A_1311] : memref<337920xi32, #tpu.memory_space<hbm>> -> memref<120xi32, #tpu.memory_space<hbm>>
      tpu.enqueue_dma source(%dma_start3A_1315 : memref<120xi32, #tpu.memory_space<hbm>>) target(%arg11 : memref<120xi32, #tpu.memory_space<vmem>>) target_semaphore(%arg19 : memref<!tpu.dma_semaphore, #tpu.memory_space<semaphore_mem>>)
    }
    %scan3A_1121 = arith.constant 28 : i32
    %dma_wait3A_1122 = arith.constant 0 : i32
    %dma_wait3A_1123 = arith.constant 0 : i32
    %dma_wait3A_1124 = tpu.memref_slice %arg2[%dma_wait3A_1122, %dma_wait3A_1123] : memref<10240x128xf32, #tpu.memory_space<hbm>> -> memref<120x128xf32, #tpu.memory_space<hbm>>
    %dma_wait3A_1125 = arith.constant 0 : i32
    %dma_wait3A_1126 = arith.constant 0 : i32
    %dma_wait3A_1127 = tpu.memref_slice %arg2[%dma_wait3A_1125, %dma_wait3A_1126] : memref<10240x128xf32, #tpu.memory_space<hbm>> -> memref<120x128xf32, #tpu.memory_space<hbm>>
    tpu.wait_dma2 semaphore(%arg20 : memref<!tpu.dma_semaphore, #tpu.memory_space<semaphore_mem>>) src(%dma_wait3A_1127 : memref<120x128xf32, #tpu.memory_space<hbm>>) dst(%arg12 : memref<120x128xf32, #tpu.memory_space<vmem>>)
    %dma_wait3A_1128 = arith.constant 0 : i32
    %dma_wait3A_1129 = arith.constant 0 : i32
    %dma_wait3A_1130 = tpu.memref_slice %arg2[%dma_wait3A_1128, %dma_wait3A_1129] : memref<10240x128xf32, #tpu.memory_space<hbm>> -> memref<120x128xf32, #tpu.memory_space<hbm>>
    %dma_wait3A_1131 = arith.constant 0 : i32
    %dma_wait3A_1132 = arith.constant 0 : i32
    %dma_wait3A_1133 = tpu.memref_slice %arg2[%dma_wait3A_1131, %dma_wait3A_1132] : memref<10240x128xf32, #tpu.memory_space<hbm>> -> memref<120x128xf32, #tpu.memory_space<hbm>>
    tpu.wait_dma2 semaphore(%arg21 : memref<!tpu.dma_semaphore, #tpu.memory_space<semaphore_mem>>) src(%dma_wait3A_1133 : memref<120x128xf32, #tpu.memory_space<hbm>>) dst(%arg13 : memref<120x128xf32, #tpu.memory_space<vmem>>)
    %dma_wait3A_1134 = arith.constant 0 : i32
    %dma_wait3A_1135 = tpu.memref_slice %arg3[%dma_wait3A_1134] : memref<337920xi32, #tpu.memory_space<hbm>> -> memref<120xi32, #tpu.memory_space<hbm>>
    %dma_wait3A_1136 = arith.constant 0 : i32
    %dma_wait3A_1137 = tpu.memref_slice %arg3[%dma_wait3A_1136] : memref<337920xi32, #tpu.memory_space<hbm>> -> memref<120xi32, #tpu.memory_space<hbm>>
    tpu.wait_dma2 semaphore(%arg19 : memref<!tpu.dma_semaphore, #tpu.memory_space<semaphore_mem>>) src(%dma_wait3A_1137 : memref<120xi32, #tpu.memory_space<hbm>>) dst(%arg8 : memref<120xi32, #tpu.memory_space<vmem>>)
    %dma_wait3A_1138 = arith.constant 0 : i32
    %dma_wait3A_1139 = tpu.memref_slice %arg4[%dma_wait3A_1138] : memref<337920xi32, #tpu.memory_space<hbm>> -> memref<120xi32, #tpu.memory_space<hbm>>
    %dma_wait3A_1140 = arith.constant 0 : i32
    %dma_wait3A_1141 = tpu.memref_slice %arg4[%dma_wait3A_1140] : memref<337920xi32, #tpu.memory_space<hbm>> -> memref<120xi32, #tpu.memory_space<hbm>>
    tpu.wait_dma2 semaphore(%arg19 : memref<!tpu.dma_semaphore, #tpu.memory_space<semaphore_mem>>) src(%dma_wait3A_1141 : memref<120xi32, #tpu.memory_space<hbm>>) dst(%arg11 : memref<120xi32, #tpu.memory_space<vmem>>)
    %barrier3A_1142 = arith.constant 0 : index
    tpu.barrier barrier_id(%barrier3A_1142)
    %mul3A_1143 = arith.constant 640 : i32
    %mul3A_1144 = arith.muli %arg1, %mul3A_1143 : i32
    %add3A_1145 = arith.constant 0 : i32
    %add3A_1146 = arith.addi %mul3A_1144, %add3A_1145 : i32
    %dma_start3A_1147 = arith.constant 0 : i32
    %dma_start3A_1148 = tpu.memref_slice %arg5[%arg0, %add3A_1146, %dma_start3A_1147] : memref<2x10240x128xf32, #tpu.memory_space<hbm>> -> memref<1x128x128xf32, #tpu.memory_space<hbm>>
    %dma_start3A_1149 = tpu.memref_squeeze %dma_start3A_1148 : memref<1x128x128xf32, #tpu.memory_space<hbm>> -> memref<128x128xf32, #tpu.memory_space<hbm>>
    %dma_start3A_1150 = arith.constant 0 : i32
    %dma_start3A_1151 = tpu.memref_slice %arg16[%add3A_1146, %dma_start3A_1150] : memref<10240x128xf32, #tpu.memory_space<vmem_shared>> -> memref<128x128xf32, #tpu.memory_space<vmem_shared>>
    tpu.enqueue_dma source(%dma_start3A_1151 : memref<128x128xf32, #tpu.memory_space<vmem_shared>>) target(%dma_start3A_1149 : memref<128x128xf32, #tpu.memory_space<hbm>>) target_semaphore(%arg20 : memref<!tpu.dma_semaphore, #tpu.memory_space<semaphore_mem>>)
    %mul3A_1152 = arith.constant 640 : i32
    %mul3A_1153 = arith.muli %arg1, %mul3A_1152 : i32
    %add3A_1154 = arith.constant 128 : i32
    %add3A_1155 = arith.addi %mul3A_1153, %add3A_1154 : i32
    %dma_start3A_1156 = arith.constant 0 : i32
    %dma_start3A_1157 = tpu.memref_slice %arg5[%arg0, %add3A_1155, %dma_start3A_1156] : memref<2x10240x128xf32, #tpu.memory_space<hbm>> -> memref<1x128x128xf32, #tpu.memory_space<hbm>>
    %dma_start3A_1158 = tpu.memref_squeeze %dma_start3A_1157 : memref<1x128x128xf32, #tpu.memory_space<hbm>> -> memref<128x128xf32, #tpu.memory_space<hbm>>
    %dma_start3A_1159 = arith.constant 0 : i32
    %dma_start3A_1160 = tpu.memref_slice %arg16[%add3A_1155, %dma_start3A_1159] : memref<10240x128xf32, #tpu.memory_space<vmem_shared>> -> memref<128x128xf32, #tpu.memory_space<vmem_shared>>
    tpu.enqueue_dma source(%dma_start3A_1160 : memref<128x128xf32, #tpu.memory_space<vmem_shared>>) target(%dma_start3A_1158 : memref<128x128xf32, #tpu.memory_space<hbm>>) target_semaphore(%arg20 : memref<!tpu.dma_semaphore, #tpu.memory_space<semaphore_mem>>)
    %mul3A_1161 = arith.constant 640 : i32
    %mul3A_1162 = arith.muli %arg1, %mul3A_1161 : i32
    %add3A_1163 = arith.constant 256 : i32
    %add3A_1164 = arith.addi %mul3A_1162, %add3A_1163 : i32
    %dma_start3A_1165 = arith.constant 0 : i32
    %dma_start3A_1166 = tpu.memref_slice %arg5[%arg0, %add3A_1164, %dma_start3A_1165] : memref<2x10240x128xf32, #tpu.memory_space<hbm>> -> memref<1x128x128xf32, #tpu.memory_space<hbm>>
    %dma_start3A_1167 = tpu.memref_squeeze %dma_start3A_1166 : memref<1x128x128xf32, #tpu.memory_space<hbm>> -> memref<128x128xf32, #tpu.memory_space<hbm>>
    %dma_start3A_1168 = arith.constant 0 : i32
    %dma_start3A_1169 = tpu.memref_slice %arg16[%add3A_1164, %dma_start3A_1168] : memref<10240x128xf32, #tpu.memory_space<vmem_shared>> -> memref<128x128xf32, #tpu.memory_space<vmem_shared>>
    tpu.enqueue_dma source(%dma_start3A_1169 : memref<128x128xf32, #tpu.memory_space<vmem_shared>>) target(%dma_start3A_1167 : memref<128x128xf32, #tpu.memory_space<hbm>>) target_semaphore(%arg20 : memref<!tpu.dma_semaphore, #tpu.memory_space<semaphore_mem>>)
    %mul3A_1170 = arith.constant 640 : i32
    %mul3A_1171 = arith.muli %arg1, %mul3A_1170 : i32
    %add3A_1172 = arith.constant 384 : i32
    %add3A_1173 = arith.addi %mul3A_1171, %add3A_1172 : i32
    %dma_start3A_1174 = arith.constant 0 : i32
    %dma_start3A_1175 = tpu.memref_slice %arg5[%arg0, %add3A_1173, %dma_start3A_1174] : memref<2x10240x128xf32, #tpu.memory_space<hbm>> -> memref<1x128x128xf32, #tpu.memory_space<hbm>>
    %dma_start3A_1176 = tpu.memref_squeeze %dma_start3A_1175 : memref<1x128x128xf32, #tpu.memory_space<hbm>> -> memref<128x128xf32, #tpu.memory_space<hbm>>
    %dma_start3A_1177 = arith.constant 0 : i32
    %dma_start3A_1178 = tpu.memref_slice %arg16[%add3A_1173, %dma_start3A_1177] : memref<10240x128xf32, #tpu.memory_space<vmem_shared>> -> memref<128x128xf32, #tpu.memory_space<vmem_shared>>
    tpu.enqueue_dma source(%dma_start3A_1178 : memref<128x128xf32, #tpu.memory_space<vmem_shared>>) target(%dma_start3A_1176 : memref<128x128xf32, #tpu.memory_space<hbm>>) target_semaphore(%arg20 : memref<!tpu.dma_semaphore, #tpu.memory_space<semaphore_mem>>)
    %mul3A_1179 = arith.constant 640 : i32
    %mul3A_1180 = arith.muli %arg1, %mul3A_1179 : i32
    %add3A_1181 = arith.constant 512 : i32
    %add3A_1182 = arith.addi %mul3A_1180, %add3A_1181 : i32
    %dma_start3A_1183 = arith.constant 0 : i32
    %dma_start3A_1184 = tpu.memref_slice %arg5[%arg0, %add3A_1182, %dma_start3A_1183] : memref<2x10240x128xf32, #tpu.memory_space<hbm>> -> memref<1x128x128xf32, #tpu.memory_space<hbm>>
    %dma_start3A_1185 = tpu.memref_squeeze %dma_start3A_1184 : memref<1x128x128xf32, #tpu.memory_space<hbm>> -> memref<128x128xf32, #tpu.memory_space<hbm>>
    %dma_start3A_1186 = arith.constant 0 : i32
    %dma_start3A_1187 = tpu.memref_slice %arg16[%add3A_1182, %dma_start3A_1186] : memref<10240x128xf32, #tpu.memory_space<vmem_shared>> -> memref<128x128xf32, #tpu.memory_space<vmem_shared>>
    tpu.enqueue_dma source(%dma_start3A_1187 : memref<128x128xf32, #tpu.memory_space<vmem_shared>>) target(%dma_start3A_1185 : memref<128x128xf32, #tpu.memory_space<hbm>>) target_semaphore(%arg20 : memref<!tpu.dma_semaphore, #tpu.memory_space<semaphore_mem>>)
    %dma_wait3A_1188 = arith.constant 0 : i32
    %dma_wait3A_1189 = arith.constant 0 : i32
    %dma_wait3A_1190 = tpu.memref_slice %arg5[%arg0, %dma_wait3A_1188, %dma_wait3A_1189] : memref<2x10240x128xf32, #tpu.memory_space<hbm>> -> memref<1x128x128xf32, #tpu.memory_space<hbm>>
    %dma_wait3A_1191 = tpu.memref_squeeze %dma_wait3A_1190 : memref<1x128x128xf32, #tpu.memory_space<hbm>> -> memref<128x128xf32, #tpu.memory_space<hbm>>
    %dma_wait3A_1192 = arith.constant 0 : i32
    %dma_wait3A_1193 = arith.constant 0 : i32
    %dma_wait3A_1194 = tpu.memref_slice %arg16[%dma_wait3A_1192, %dma_wait3A_1193] : memref<10240x128xf32, #tpu.memory_space<vmem_shared>> -> memref<128x128xf32, #tpu.memory_space<vmem_shared>>
    tpu.wait_dma2 semaphore(%arg20 : memref<!tpu.dma_semaphore, #tpu.memory_space<semaphore_mem>>) src(%dma_wait3A_1194 : memref<128x128xf32, #tpu.memory_space<vmem_shared>>) dst(%dma_wait3A_1191 : memref<128x128xf32, #tpu.memory_space<hbm>>)
    %dma_wait3A_1195 = arith.constant 0 : i32
    %dma_wait3A_1196 = arith.constant 0 : i32
    %dma_wait3A_1197 = tpu.memref_slice %arg5[%arg0, %dma_wait3A_1195, %dma_wait3A_1196] : memref<2x10240x128xf32, #tpu.memory_space<hbm>> -> memref<1x128x128xf32, #tpu.memory_space<hbm>>
    %dma_wait3A_1198 = tpu.memref_squeeze %dma_wait3A_1197 : memref<1x128x128xf32, #tpu.memory_space<hbm>> -> memref<128x128xf32, #tpu.memory_space<hbm>>
    %dma_wait3A_1199 = arith.constant 0 : i32
    %dma_wait3A_1200 = arith.constant 0 : i32
    %dma_wait3A_1201 = tpu.memref_slice %arg16[%dma_wait3A_1199, %dma_wait3A_1200] : memref<10240x128xf32, #tpu.memory_space<vmem_shared>> -> memref<128x128xf32, #tpu.memory_space<vmem_shared>>
    tpu.wait_dma2 semaphore(%arg20 : memref<!tpu.dma_semaphore, #tpu.memory_space<semaphore_mem>>) src(%dma_wait3A_1201 : memref<128x128xf32, #tpu.memory_space<vmem_shared>>) dst(%dma_wait3A_1198 : memref<128x128xf32, #tpu.memory_space<hbm>>)
    %dma_wait3A_1202 = arith.constant 0 : i32
    %dma_wait3A_1203 = arith.constant 0 : i32
    %dma_wait3A_1204 = tpu.memref_slice %arg5[%arg0, %dma_wait3A_1202, %dma_wait3A_1203] : memref<2x10240x128xf32, #tpu.memory_space<hbm>> -> memref<1x128x128xf32, #tpu.memory_space<hbm>>
    %dma_wait3A_1205 = tpu.memref_squeeze %dma_wait3A_1204 : memref<1x128x128xf32, #tpu.memory_space<hbm>> -> memref<128x128xf32, #tpu.memory_space<hbm>>
    %dma_wait3A_1206 = arith.constant 0 : i32
    %dma_wait3A_1207 = arith.constant 0 : i32
    %dma_wait3A_1208 = tpu.memref_slice %arg16[%dma_wait3A_1206, %dma_wait3A_1207] : memref<10240x128xf32, #tpu.memory_space<vmem_shared>> -> memref<128x128xf32, #tpu.memory_space<vmem_shared>>
    tpu.wait_dma2 semaphore(%arg20 : memref<!tpu.dma_semaphore, #tpu.memory_space<semaphore_mem>>) src(%dma_wait3A_1208 : memref<128x128xf32, #tpu.memory_space<vmem_shared>>) dst(%dma_wait3A_1205 : memref<128x128xf32, #tpu.memory_space<hbm>>)
    %dma_wait3A_1209 = arith.constant 0 : i32
    %dma_wait3A_1210 = arith.constant 0 : i32
    %dma_wait3A_1211 = tpu.memref_slice %arg5[%arg0, %dma_wait3A_1209, %dma_wait3A_1210] : memref<2x10240x128xf32, #tpu.memory_space<hbm>> -> memref<1x128x128xf32, #tpu.memory_space<hbm>>
    %dma_wait3A_1212 = tpu.memref_squeeze %dma_wait3A_1211 : memref<1x128x128xf32, #tpu.memory_space<hbm>> -> memref<128x128xf32, #tpu.memory_space<hbm>>
    %dma_wait3A_1213 = arith.constant 0 : i32
    %dma_wait3A_1214 = arith.constant 0 : i32
    %dma_wait3A_1215 = tpu.memref_slice %arg16[%dma_wait3A_1213, %dma_wait3A_1214] : memref<10240x128xf32, #tpu.memory_space<vmem_shared>> -> memref<128x128xf32, #tpu.memory_space<vmem_shared>>
    tpu.wait_dma2 semaphore(%arg20 : memref<!tpu.dma_semaphore, #tpu.memory_space<semaphore_mem>>) src(%dma_wait3A_1215 : memref<128x128xf32, #tpu.memory_space<vmem_shared>>) dst(%dma_wait3A_1212 : memref<128x128xf32, #tpu.memory_space<hbm>>)
    %dma_wait3A_1216 = arith.constant 0 : i32
    %dma_wait3A_1217 = arith.constant 0 : i32
    %dma_wait3A_1218 = tpu.memref_slice %arg5[%arg0, %dma_wait3A_1216, %dma_wait3A_1217] : memref<2x10240x128xf32, #tpu.memory_space<hbm>> -> memref<1x128x128xf32, #tpu.memory_space<hbm>>
    %dma_wait3A_1219 = tpu.memref_squeeze %dma_wait3A_1218 : memref<1x128x128xf32, #tpu.memory_space<hbm>> -> memref<128x128xf32, #tpu.memory_space<hbm>>
    %dma_wait3A_1220 = arith.constant 0 : i32
    %dma_wait3A_1221 = arith.constant 0 : i32
    %dma_wait3A_1222 = tpu.memref_slice %arg16[%dma_wait3A_1220, %dma_wait3A_1221] : memref<10240x128xf32, #tpu.memory_space<vmem_shared>> -> memref<128x128xf32, #tpu.memory_space<vmem_shared>>
    tpu.wait_dma2 semaphore(%arg20 : memref<!tpu.dma_semaphore, #tpu.memory_space<semaphore_mem>>) src(%dma_wait3A_1222 : memref<128x128xf32, #tpu.memory_space<vmem_shared>>) dst(%dma_wait3A_1219 : memref<128x128xf32, #tpu.memory_space<hbm>>)
    return
  }
}

module attributes {stable_mosaic.version = 14 : i64} {
  func.func @_tc_l1_body(%arg0: i32, %arg1: memref<1024x128xf32, #tpu.memory_space<vmem>>, %arg2: memref<128x128xf32, #tpu.memory_space<vmem>>, %arg3: memref<64x1024xf32, #tpu.memory_space<vmem>>, %arg4: memref<1024x128xf32, #tpu.memory_space<vmem>>) attributes {dimension_semantics = [#tpu.dimension_semantics<arbitrary>], iteration_bounds = array<i64: 10>, scalar_prefetch = 0 : i64, scratch_operands = 0 : i64, tpu.core_type = #tpu.core_type<tc>, window_params = [{transform_indices = @transform_0, window_bounds = array<i64: 1024, 128>}, {pipeline_mode = #tpu.pipeline_mode<synchronous>, transform_indices = @transform_1, window_bounds = array<i64: 128, 128>}, {transform_indices = @transform_2, window_bounds = array<i64: 64, 1024>}, {transform_indices = @transform_3, window_bounds = array<i64: 1024, 128>}]} {
    %get3A = arith.constant 0 : index
    %get3A_0 = arith.constant 0 : index
    %get3A_1 = vector.load %arg3[%get3A, %get3A_0] : memref<64x1024xf32, #tpu.memory_space<vmem>>, vector<64x1024xf32>
    %iota3A = tpu.iota {dimensions = array<i32: 0>} : vector<64x1xi32>
    %jit3A = arith.constant 2 : i32
    %eq3A = arith.constant 0 : i32
    %eq3A_2 = arith.cmpi eq, %jit3A, %eq3A : i32
    %jit3A_3 = arith.constant 1 : i32
    %select_n3A = arith.select %eq3A_2, %jit3A_3, %jit3A : i32
    %rem3A = vector.broadcast %select_n3A : i32 to vector<64x1xi32>
    %rem3A_4 = arith.remsi %iota3A, %rem3A : vector<64x1xi32>
    %ne3A = arith.constant 0 : i32
    %ne3A_5 = vector.broadcast %ne3A : i32 to vector<64x1xi32>
    %ne3A_6 = arith.cmpi ne, %rem3A_4, %ne3A_5 : vector<64x1xi32>
    %lt3A = arith.constant 0 : i32
    %lt3A_7 = vector.broadcast %lt3A : i32 to vector<64x1xi32>
    %lt3A_8 = arith.cmpi slt, %rem3A_4, %lt3A_7 : vector<64x1xi32>
    %lt3A_9 = arith.constant 0 : i32
    %lt3A_10 = arith.cmpi slt, %select_n3A, %lt3A_9 : i32
    %ne3A_11 = vector.broadcast %lt3A_10 : i1 to vector<64x1xi1>
    %ne3A_12 = vector.broadcast %ne3A_11 : vector<64x1xi1> to vector<64x1xi1>
    %ne3A_13 = arith.xori %lt3A_8, %ne3A_12 : vector<64x1xi1>
    %and3A = arith.andi %ne3A_13, %ne3A_6 : vector<64x1xi1>
    %add3A = vector.broadcast %select_n3A : i32 to vector<64x1xi32>
    %add3A_14 = arith.addi %rem3A_4, %add3A : vector<64x1xi32>
    %select_n3A_15 = arith.select %and3A, %add3A_14, %rem3A_4 : vector<64x1xi1>, vector<64x1xi32>
    %eq3A_16 = arith.constant 0 : i32
    %eq3A_17 = vector.broadcast %eq3A_16 : i32 to vector<64x1xi32>
    %eq3A_18 = arith.cmpi eq, %select_n3A_15, %eq3A_17 : vector<64x1xi32>
    %jit3A_19 = arith.constant 1.000000e+00 : f32
    %jit3A_20 = arith.constant 0.000000e+00 : f32
    %broadcast_in_dim3A = vector.broadcast %jit3A_19 : f32 to vector<64x1xf32>
    %broadcast_in_dim3A_21 = vector.broadcast %jit3A_20 : f32 to vector<64x1xf32>
    %select_n3A_22 = arith.select %eq3A_18, %broadcast_in_dim3A, %broadcast_in_dim3A_21 : vector<64x1xi1>, vector<64x1xf32>
    %dot_general3A = arith.constant dense<0.000000e+00> : vector<1024x1xf32>
    %dot_general3A_23 = tpu.matmul %get3A_1, %select_n3A_22, %dot_general3A {dimension_numbers = #tpu.dot_dimension_numbers<[0], [0], [1], [1], [0, 1, 1, 1], [], []>, transpose_lhs_hint = false} : vector<64x1024xf32>, vector<64x1xf32>, vector<1024x1xf32> -> vector<1024x1xf32>
    %gt3A = arith.constant 0.000000e+00 : f32
    %gt3A_24 = vector.broadcast %gt3A : f32 to vector<1024x1xf32>
    %gt3A_25 = arith.cmpf ogt, %dot_general3A_23, %gt3A_24 : vector<1024x1xf32>
    %max3A = arith.constant 1.000000e+00 : f32
    %max3A_26 = vector.broadcast %max3A : f32 to vector<1024x1xf32>
    %max3A_27 = arith.maximumf %dot_general3A_23, %max3A_26 : vector<1024x1xf32>
    %rsqrt3A = math.rsqrt %max3A_27 : vector<1024x1xf32>
    %jit3A_28 = arith.constant 0.000000e+00 : f32
    %broadcast_in_dim3A_29 = vector.broadcast %jit3A_28 : f32 to vector<1024x1xf32>
    %select_n3A_30 = arith.select %gt3A_25, %rsqrt3A, %broadcast_in_dim3A_29 : vector<1024x1xi1>, vector<1024x1xf32>
    %get3A_31 = arith.constant 0 : index
    %get3A_32 = arith.constant 0 : index
    %get3A_33 = vector.load %arg1[%get3A_31, %get3A_32] : memref<1024x128xf32, #tpu.memory_space<vmem>>, vector<1024x128xf32>
    %get3A_34 = arith.constant 0 : index
    %get3A_35 = arith.constant 0 : index
    %get3A_36 = vector.load %arg2[%get3A_34, %get3A_35] : memref<128x128xf32, #tpu.memory_space<vmem>>, vector<128x128xf32>
    %dot_general3A_37 = arith.constant dense<0.000000e+00> : vector<1024x128xf32>
    %dot_general3A_38 = tpu.matmul %get3A_33, %get3A_36, %dot_general3A_37 {dimension_numbers = #tpu.dot_dimension_numbers<[1], [0], [0], [1], [0, 0, 1, 1], [], []>, transpose_lhs_hint = false} : vector<1024x128xf32>, vector<128x128xf32>, vector<1024x128xf32> -> vector<1024x128xf32>
    %mul3A = vector.broadcast %select_n3A_30 : vector<1024x1xf32> to vector<1024x128xf32>
    %mul3A_39 = arith.mulf %dot_general3A_38, %mul3A : vector<1024x128xf32>
    %swap3A = arith.constant 0 : index
    %swap3A_40 = arith.constant 0 : index
    %swap3A_41 = vector.load %arg4[%swap3A, %swap3A_40] : memref<1024x128xf32, #tpu.memory_space<vmem>>, vector<1024x128xf32>
    tpu.vector_store %arg4[%swap3A, %swap3A_40], %mul3A_39 {strides = array<i32>} : memref<1024x128xf32, #tpu.memory_space<vmem>>, vector<1024x128xf32>,
    return
  }
  func.func @transform_0(%arg0: i32) -> (i32, i32) {
    %c0_i32 = arith.constant 0 : i32
    %c0_i32_0 = arith.constant 0 : i32
    return %arg0, %c0_i32 : i32, i32
  }
  func.func @transform_1(%arg0: i32) -> (i32, i32) {
    %c0_i32 = arith.constant 0 : i32
    %c0_i32_0 = arith.constant 0 : i32
    %c0_i32_1 = arith.constant 0 : i32
    return %c0_i32, %c0_i32_0 : i32, i32
  }
  func.func @transform_2(%arg0: i32) -> (i32, i32) {
    %c0_i32 = arith.constant 0 : i32
    %c0_i32_0 = arith.constant 0 : i32
    return %c0_i32, %arg0 : i32, i32
  }
  func.func @transform_3(%arg0: i32) -> (i32, i32) {
    %c0_i32 = arith.constant 0 : i32
    %c0_i32_0 = arith.constant 0 : i32
    return %arg0, %c0_i32 : i32, i32
  }
}

module attributes {stable_mosaic.version = 14 : i64} {
  func.func @_tc_mid_body(%arg0: i32, %arg1: memref<2x1024x128xf32, #tpu.memory_space<vmem>>, %arg2: memref<1x128xf32, #tpu.memory_space<vmem>>, %arg3: memref<128x128xf32, #tpu.memory_space<vmem>>, %arg4: memref<64x1024xf32, #tpu.memory_space<vmem>>, %arg5: memref<1024x128xf32, #tpu.memory_space<vmem>>) attributes {dimension_semantics = [#tpu.dimension_semantics<arbitrary>], iteration_bounds = array<i64: 10>, scalar_prefetch = 0 : i64, scratch_operands = 0 : i64, tpu.core_type = #tpu.core_type<tc>, window_params = [{transform_indices = @transform_0, window_bounds = array<i64: 2, 1024, 128>}, {pipeline_mode = #tpu.pipeline_mode<synchronous>, transform_indices = @transform_1, window_bounds = array<i64: 1, 128>}, {pipeline_mode = #tpu.pipeline_mode<synchronous>, transform_indices = @transform_2, window_bounds = array<i64: 128, 128>}, {transform_indices = @transform_3, window_bounds = array<i64: 64, 1024>}, {transform_indices = @transform_4, window_bounds = array<i64: 1024, 128>}]} {
    %get3A = arith.constant 0 : index
    %get3A_0 = arith.constant 0 : index
    %get3A_1 = vector.load %arg4[%get3A, %get3A_0] : memref<64x1024xf32, #tpu.memory_space<vmem>>, vector<64x1024xf32>
    %iota3A = tpu.iota {dimensions = array<i32: 0>} : vector<64x1xi32>
    %jit3A = arith.constant 2 : i32
    %eq3A = arith.constant 0 : i32
    %eq3A_2 = arith.cmpi eq, %jit3A, %eq3A : i32
    %jit3A_3 = arith.constant 1 : i32
    %select_n3A = arith.select %eq3A_2, %jit3A_3, %jit3A : i32
    %rem3A = vector.broadcast %select_n3A : i32 to vector<64x1xi32>
    %rem3A_4 = arith.remsi %iota3A, %rem3A : vector<64x1xi32>
    %ne3A = arith.constant 0 : i32
    %ne3A_5 = vector.broadcast %ne3A : i32 to vector<64x1xi32>
    %ne3A_6 = arith.cmpi ne, %rem3A_4, %ne3A_5 : vector<64x1xi32>
    %lt3A = arith.constant 0 : i32
    %lt3A_7 = vector.broadcast %lt3A : i32 to vector<64x1xi32>
    %lt3A_8 = arith.cmpi slt, %rem3A_4, %lt3A_7 : vector<64x1xi32>
    %lt3A_9 = arith.constant 0 : i32
    %lt3A_10 = arith.cmpi slt, %select_n3A, %lt3A_9 : i32
    %ne3A_11 = vector.broadcast %lt3A_10 : i1 to vector<64x1xi1>
    %ne3A_12 = vector.broadcast %ne3A_11 : vector<64x1xi1> to vector<64x1xi1>
    %ne3A_13 = arith.xori %lt3A_8, %ne3A_12 : vector<64x1xi1>
    %and3A = arith.andi %ne3A_13, %ne3A_6 : vector<64x1xi1>
    %add3A = vector.broadcast %select_n3A : i32 to vector<64x1xi32>
    %add3A_14 = arith.addi %rem3A_4, %add3A : vector<64x1xi32>
    %select_n3A_15 = arith.select %and3A, %add3A_14, %rem3A_4 : vector<64x1xi1>, vector<64x1xi32>
    %eq3A_16 = arith.constant 0 : i32
    %eq3A_17 = vector.broadcast %eq3A_16 : i32 to vector<64x1xi32>
    %eq3A_18 = arith.cmpi eq, %select_n3A_15, %eq3A_17 : vector<64x1xi32>
    %jit3A_19 = arith.constant 1.000000e+00 : f32
    %jit3A_20 = arith.constant 0.000000e+00 : f32
    %broadcast_in_dim3A = vector.broadcast %jit3A_19 : f32 to vector<64x1xf32>
    %broadcast_in_dim3A_21 = vector.broadcast %jit3A_20 : f32 to vector<64x1xf32>
    %select_n3A_22 = arith.select %eq3A_18, %broadcast_in_dim3A, %broadcast_in_dim3A_21 : vector<64x1xi1>, vector<64x1xf32>
    %dot_general3A = arith.constant dense<0.000000e+00> : vector<1024x1xf32>
    %dot_general3A_23 = tpu.matmul %get3A_1, %select_n3A_22, %dot_general3A {dimension_numbers = #tpu.dot_dimension_numbers<[0], [0], [1], [1], [0, 1, 1, 1], [], []>, transpose_lhs_hint = false} : vector<64x1024xf32>, vector<64x1xf32>, vector<1024x1xf32> -> vector<1024x1xf32>
    %sub3A = arith.constant 1.000000e+00 : f32
    %sub3A_24 = vector.broadcast %sub3A : f32 to vector<64x1xf32>
    %sub3A_25 = arith.subf %sub3A_24, %select_n3A_22 : vector<64x1xf32>
    %dot_general3A_26 = arith.constant dense<0.000000e+00> : vector<1024x1xf32>
    %dot_general3A_27 = tpu.matmul %get3A_1, %sub3A_25, %dot_general3A_26 {dimension_numbers = #tpu.dot_dimension_numbers<[0], [0], [1], [1], [0, 1, 1, 1], [], []>, transpose_lhs_hint = false} : vector<64x1024xf32>, vector<64x1xf32>, vector<1024x1xf32> -> vector<1024x1xf32>
    %gt3A = arith.constant 0.000000e+00 : f32
    %gt3A_28 = vector.broadcast %gt3A : f32 to vector<1024x1xf32>
    %gt3A_29 = arith.cmpf ogt, %dot_general3A_23, %gt3A_28 : vector<1024x1xf32>
    %max3A = arith.constant 1.000000e+00 : f32
    %max3A_30 = vector.broadcast %max3A : f32 to vector<1024x1xf32>
    %max3A_31 = arith.maximumf %dot_general3A_23, %max3A_30 : vector<1024x1xf32>
    %rsqrt3A = math.rsqrt %max3A_31 : vector<1024x1xf32>
    %jit3A_32 = arith.constant 0.000000e+00 : f32
    %broadcast_in_dim3A_33 = vector.broadcast %jit3A_32 : f32 to vector<1024x1xf32>
    %select_n3A_34 = arith.select %gt3A_29, %rsqrt3A, %broadcast_in_dim3A_33 : vector<1024x1xi1>, vector<1024x1xf32>
    %gt3A_35 = arith.constant 0.000000e+00 : f32
    %gt3A_36 = vector.broadcast %gt3A_35 : f32 to vector<1024x1xf32>
    %gt3A_37 = arith.cmpf ogt, %dot_general3A_27, %gt3A_36 : vector<1024x1xf32>
    %max3A_38 = arith.constant 1.000000e+00 : f32
    %max3A_39 = vector.broadcast %max3A_38 : f32 to vector<1024x1xf32>
    %max3A_40 = arith.maximumf %dot_general3A_27, %max3A_39 : vector<1024x1xf32>
    %rsqrt3A_41 = math.rsqrt %max3A_40 : vector<1024x1xf32>
    %jit3A_42 = arith.constant 0.000000e+00 : f32
    %broadcast_in_dim3A_43 = vector.broadcast %jit3A_42 : f32 to vector<1024x1xf32>
    %select_n3A_44 = arith.select %gt3A_37, %rsqrt3A_41, %broadcast_in_dim3A_43 : vector<1024x1xi1>, vector<1024x1xf32>
    %get3A_45 = arith.constant 0 : index
    %get3A_46 = arith.constant 0 : index
    %get3A_47 = arith.constant 0 : index
    %get3A_48 = vector.load %arg1[%get3A_45, %get3A_46, %get3A_47] : memref<2x1024x128xf32, #tpu.memory_space<vmem>>, vector<1x1024x128xf32>
    %get3A_49 = vector.shape_cast %get3A_48 : vector<1x1024x128xf32> to vector<1024x128xf32>
    %get3A_50 = arith.constant 1 : index
    %get3A_51 = arith.constant 0 : index
    %get3A_52 = arith.constant 0 : index
    %get3A_53 = vector.load %arg1[%get3A_50, %get3A_51, %get3A_52] : memref<2x1024x128xf32, #tpu.memory_space<vmem>>, vector<1x1024x128xf32>
    %get3A_54 = vector.shape_cast %get3A_53 : vector<1x1024x128xf32> to vector<1024x128xf32>
    %add3A_55 = arith.addf %get3A_49, %get3A_54 : vector<1024x128xf32>
    %mul3A = vector.broadcast %select_n3A_44 : vector<1024x1xf32> to vector<1024x128xf32>
    %mul3A_56 = arith.mulf %add3A_55, %mul3A : vector<1024x128xf32>
    %get3A_57 = arith.constant 0 : index
    %get3A_58 = arith.constant 0 : index
    %get3A_59 = vector.load %arg2[%get3A_57, %get3A_58] : memref<1x128xf32, #tpu.memory_space<vmem>>, vector<1x128xf32>
    %add3A_60 = vector.broadcast %get3A_59 : vector<1x128xf32> to vector<1024x128xf32>
    %add3A_61 = arith.addf %mul3A_56, %add3A_60 : vector<1024x128xf32>
    %max3A_62 = arith.constant 0.000000e+00 : f32
    %max3A_63 = vector.broadcast %max3A_62 : f32 to vector<1024x128xf32>
    %max3A_64 = arith.maximumf %add3A_61, %max3A_63 : vector<1024x128xf32>
    %get3A_65 = arith.constant 0 : index
    %get3A_66 = arith.constant 0 : index
    %get3A_67 = vector.load %arg3[%get3A_65, %get3A_66] : memref<128x128xf32, #tpu.memory_space<vmem>>, vector<128x128xf32>
    %dot_general3A_68 = arith.constant dense<0.000000e+00> : vector<1024x128xf32>
    %dot_general3A_69 = tpu.matmul %max3A_64, %get3A_67, %dot_general3A_68 {dimension_numbers = #tpu.dot_dimension_numbers<[1], [0], [0], [1], [0, 0, 1, 1], [], []>, transpose_lhs_hint = false} : vector<1024x128xf32>, vector<128x128xf32>, vector<1024x128xf32> -> vector<1024x128xf32>
    %mul3A_70 = vector.broadcast %select_n3A_34 : vector<1024x1xf32> to vector<1024x128xf32>
    %mul3A_71 = arith.mulf %dot_general3A_69, %mul3A_70 : vector<1024x128xf32>
    %swap3A = arith.constant 0 : index
    %swap3A_72 = arith.constant 0 : index
    %swap3A_73 = vector.load %arg5[%swap3A, %swap3A_72] : memref<1024x128xf32, #tpu.memory_space<vmem>>, vector<1024x128xf32>
    tpu.vector_store %arg5[%swap3A, %swap3A_72], %mul3A_71 {strides = array<i32>} : memref<1024x128xf32, #tpu.memory_space<vmem>>, vector<1024x128xf32>,
    return
  }
  func.func @transform_0(%arg0: i32) -> (i32, i32, i32) {
    %c0_i32 = arith.constant 0 : i32
    %c0_i32_0 = arith.constant 0 : i32
    %c0_i32_1 = arith.constant 0 : i32
    return %c0_i32, %arg0, %c0_i32_0 : i32, i32, i32
  }
  func.func @transform_1(%arg0: i32) -> (i32, i32) {
    %c0_i32 = arith.constant 0 : i32
    %c0_i32_0 = arith.constant 0 : i32
    %c0_i32_1 = arith.constant 0 : i32
    return %c0_i32, %c0_i32_0 : i32, i32
  }
  func.func @transform_2(%arg0: i32) -> (i32, i32) {
    %c0_i32 = arith.constant 0 : i32
    %c0_i32_0 = arith.constant 0 : i32
    %c0_i32_1 = arith.constant 0 : i32
    return %c0_i32, %c0_i32_0 : i32, i32
  }
  func.func @transform_3(%arg0: i32) -> (i32, i32) {
    %c0_i32 = arith.constant 0 : i32
    %c0_i32_0 = arith.constant 0 : i32
    return %c0_i32, %arg0 : i32, i32
  }
  func.func @transform_4(%arg0: i32) -> (i32, i32) {
    %c0_i32 = arith.constant 0 : i32
    %c0_i32_0 = arith.constant 0 : i32
    return %arg0, %c0_i32 : i32, i32
  }
}

module attributes {stable_mosaic.version = 14 : i64} {
  func.func @_tc_fin_body(%arg0: i32, %arg1: memref<2x1024x128xf32, #tpu.memory_space<vmem>>, %arg2: memref<1x128xf32, #tpu.memory_space<vmem>>, %arg3: memref<64x1024xf32, #tpu.memory_space<vmem>>, %arg4: memref<1024x128xf32, #tpu.memory_space<vmem>>) attributes {dimension_semantics = [#tpu.dimension_semantics<arbitrary>], iteration_bounds = array<i64: 10>, scalar_prefetch = 0 : i64, scratch_operands = 0 : i64, tpu.core_type = #tpu.core_type<tc>, window_params = [{transform_indices = @transform_0, window_bounds = array<i64: 2, 1024, 128>}, {pipeline_mode = #tpu.pipeline_mode<synchronous>, transform_indices = @transform_1, window_bounds = array<i64: 1, 128>}, {transform_indices = @transform_2, window_bounds = array<i64: 64, 1024>}, {transform_indices = @transform_3, window_bounds = array<i64: 1024, 128>}]} {
    %get3A = arith.constant 0 : index
    %get3A_0 = arith.constant 0 : index
    %get3A_1 = vector.load %arg3[%get3A, %get3A_0] : memref<64x1024xf32, #tpu.memory_space<vmem>>, vector<64x1024xf32>
    %iota3A = tpu.iota {dimensions = array<i32: 0>} : vector<64x1xi32>
    %jit3A = arith.constant 2 : i32
    %eq3A = arith.constant 0 : i32
    %eq3A_2 = arith.cmpi eq, %jit3A, %eq3A : i32
    %jit3A_3 = arith.constant 1 : i32
    %select_n3A = arith.select %eq3A_2, %jit3A_3, %jit3A : i32
    %rem3A = vector.broadcast %select_n3A : i32 to vector<64x1xi32>
    %rem3A_4 = arith.remsi %iota3A, %rem3A : vector<64x1xi32>
    %ne3A = arith.constant 0 : i32
    %ne3A_5 = vector.broadcast %ne3A : i32 to vector<64x1xi32>
    %ne3A_6 = arith.cmpi ne, %rem3A_4, %ne3A_5 : vector<64x1xi32>
    %lt3A = arith.constant 0 : i32
    %lt3A_7 = vector.broadcast %lt3A : i32 to vector<64x1xi32>
    %lt3A_8 = arith.cmpi slt, %rem3A_4, %lt3A_7 : vector<64x1xi32>
    %lt3A_9 = arith.constant 0 : i32
    %lt3A_10 = arith.cmpi slt, %select_n3A, %lt3A_9 : i32
    %ne3A_11 = vector.broadcast %lt3A_10 : i1 to vector<64x1xi1>
    %ne3A_12 = vector.broadcast %ne3A_11 : vector<64x1xi1> to vector<64x1xi1>
    %ne3A_13 = arith.xori %lt3A_8, %ne3A_12 : vector<64x1xi1>
    %and3A = arith.andi %ne3A_13, %ne3A_6 : vector<64x1xi1>
    %add3A = vector.broadcast %select_n3A : i32 to vector<64x1xi32>
    %add3A_14 = arith.addi %rem3A_4, %add3A : vector<64x1xi32>
    %select_n3A_15 = arith.select %and3A, %add3A_14, %rem3A_4 : vector<64x1xi1>, vector<64x1xi32>
    %eq3A_16 = arith.constant 0 : i32
    %eq3A_17 = vector.broadcast %eq3A_16 : i32 to vector<64x1xi32>
    %eq3A_18 = arith.cmpi eq, %select_n3A_15, %eq3A_17 : vector<64x1xi32>
    %jit3A_19 = arith.constant 1.000000e+00 : f32
    %jit3A_20 = arith.constant 0.000000e+00 : f32
    %broadcast_in_dim3A = vector.broadcast %jit3A_19 : f32 to vector<64x1xf32>
    %broadcast_in_dim3A_21 = vector.broadcast %jit3A_20 : f32 to vector<64x1xf32>
    %select_n3A_22 = arith.select %eq3A_18, %broadcast_in_dim3A, %broadcast_in_dim3A_21 : vector<64x1xi1>, vector<64x1xf32>
    %sub3A = arith.constant 1.000000e+00 : f32
    %sub3A_23 = vector.broadcast %sub3A : f32 to vector<64x1xf32>
    %sub3A_24 = arith.subf %sub3A_23, %select_n3A_22 : vector<64x1xf32>
    %dot_general3A = arith.constant dense<0.000000e+00> : vector<1024x1xf32>
    %dot_general3A_25 = tpu.matmul %get3A_1, %sub3A_24, %dot_general3A {dimension_numbers = #tpu.dot_dimension_numbers<[0], [0], [1], [1], [0, 1, 1, 1], [], []>, transpose_lhs_hint = false} : vector<64x1024xf32>, vector<64x1xf32>, vector<1024x1xf32> -> vector<1024x1xf32>
    %gt3A = arith.constant 0.000000e+00 : f32
    %gt3A_26 = vector.broadcast %gt3A : f32 to vector<1024x1xf32>
    %gt3A_27 = arith.cmpf ogt, %dot_general3A_25, %gt3A_26 : vector<1024x1xf32>
    %max3A = arith.constant 1.000000e+00 : f32
    %max3A_28 = vector.broadcast %max3A : f32 to vector<1024x1xf32>
    %max3A_29 = arith.maximumf %dot_general3A_25, %max3A_28 : vector<1024x1xf32>
    %rsqrt3A = math.rsqrt %max3A_29 : vector<1024x1xf32>
    %jit3A_30 = arith.constant 0.000000e+00 : f32
    %broadcast_in_dim3A_31 = vector.broadcast %jit3A_30 : f32 to vector<1024x1xf32>
    %select_n3A_32 = arith.select %gt3A_27, %rsqrt3A, %broadcast_in_dim3A_31 : vector<1024x1xi1>, vector<1024x1xf32>
    %get3A_33 = arith.constant 0 : index
    %get3A_34 = arith.constant 0 : index
    %get3A_35 = arith.constant 0 : index
    %get3A_36 = vector.load %arg1[%get3A_33, %get3A_34, %get3A_35] : memref<2x1024x128xf32, #tpu.memory_space<vmem>>, vector<1x1024x128xf32>
    %get3A_37 = vector.shape_cast %get3A_36 : vector<1x1024x128xf32> to vector<1024x128xf32>
    %get3A_38 = arith.constant 1 : index
    %get3A_39 = arith.constant 0 : index
    %get3A_40 = arith.constant 0 : index
    %get3A_41 = vector.load %arg1[%get3A_38, %get3A_39, %get3A_40] : memref<2x1024x128xf32, #tpu.memory_space<vmem>>, vector<1x1024x128xf32>
    %get3A_42 = vector.shape_cast %get3A_41 : vector<1x1024x128xf32> to vector<1024x128xf32>
    %add3A_43 = arith.addf %get3A_37, %get3A_42 : vector<1024x128xf32>
    %mul3A = vector.broadcast %select_n3A_32 : vector<1024x1xf32> to vector<1024x128xf32>
    %mul3A_44 = arith.mulf %add3A_43, %mul3A : vector<1024x128xf32>
    %get3A_45 = arith.constant 0 : index
    %get3A_46 = arith.constant 0 : index
    %get3A_47 = vector.load %arg2[%get3A_45, %get3A_46] : memref<1x128xf32, #tpu.memory_space<vmem>>, vector<1x128xf32>
    %add3A_48 = vector.broadcast %get3A_47 : vector<1x128xf32> to vector<1024x128xf32>
    %add3A_49 = arith.addf %mul3A_44, %add3A_48 : vector<1024x128xf32>
    %max3A_50 = arith.constant 0.000000e+00 : f32
    %max3A_51 = vector.broadcast %max3A_50 : f32 to vector<1024x128xf32>
    %max3A_52 = arith.maximumf %add3A_49, %max3A_51 : vector<1024x128xf32>
    %swap3A = arith.constant 0 : index
    %swap3A_53 = arith.constant 0 : index
    %swap3A_54 = vector.load %arg4[%swap3A, %swap3A_53] : memref<1024x128xf32, #tpu.memory_space<vmem>>, vector<1024x128xf32>
    tpu.vector_store %arg4[%swap3A, %swap3A_53], %max3A_52 {strides = array<i32>} : memref<1024x128xf32, #tpu.memory_space<vmem>>, vector<1024x128xf32>,
    return
  }
  func.func @transform_0(%arg0: i32) -> (i32, i32, i32) {
    %c0_i32 = arith.constant 0 : i32
    %c0_i32_0 = arith.constant 0 : i32
    %c0_i32_1 = arith.constant 0 : i32
    return %c0_i32, %arg0, %c0_i32_0 : i32, i32, i32
  }
  func.func @transform_1(%arg0: i32) -> (i32, i32) {
    %c0_i32 = arith.constant 0 : i32
    %c0_i32_0 = arith.constant 0 : i32
    %c0_i32_1 = arith.constant 0 : i32
    return %c0_i32, %c0_i32_0 : i32, i32
  }
  func.func @transform_2(%arg0: i32) -> (i32, i32) {
    %c0_i32 = arith.constant 0 : i32
    %c0_i32_0 = arith.constant 0 : i32
    return %c0_i32, %arg0 : i32, i32
  }
  func.func @transform_3(%arg0: i32) -> (i32, i32) {
    %c0_i32 = arith.constant 0 : i32
    %c0_i32_0 = arith.constant 0 : i32
    return %arg0, %c0_i32 : i32, i32
  }
}

</mosaic_0001>

<sc_bundles>
// kernel: kernel.11.cloned.1.call-start
scs
__scs_entry_jumppad:
0x0: {  	(pc) =	sbr.rel $0x88, $3  }
0x1: {  	(tag) =	ssettag $0x0;
	lr =	simm.s32 $0x1  }
0x2: {  	[smem:$0x3F9A] =	sst lr;
	_ =	strace $0xD0000000  }
0x3: {  	_ = 	snop  }
0x4: {  	_ = 	snop  }
0x5: {  	_ = 	snop  }
0x6: {  	_ = 	snop  }
0x7: {  	_ = 	snop  }
__scs_overlays_trampoline_lowered:
0x8: {  	[smem:$0x3FA9] =	sst s0  }
0x9: {  	[smem:$0x3FAA] =	sst s1  }
0xa: {  	[smem:$0x3FAB] =	sst s2  }
0xb: {  	[smem:$0x3FAC] =	sst s3  }
0xc: {  	[smem:$0x3FAD] =	sst s4  }
0xd: {  	[smem:$0x3FAE] =	sst s5  }
0xe: {  	[smem:$0x3FAF] =	sst s6  }
0xf: {  	[smem:$0x3FB0] =	sst s7  }
0x10: {  	[smem:$0x3FB1] =	sst s8  }
0x11: {  	[smem:$0x3FB2] =	sst s9;
	s0 =	simm.s32 @!p0 $0x0  }
0x12: {  	s1 =	sld [smem:$0x3F98];
	s0 =	simm.s32 @p0 $0x1  }
0x13: {  	[smem:$0x3FB3] =	sst s0;
	s0 =	simm.s32 @!p1 $0x0  }
0x14: {  	s2 =	sld [smem:$0x3F97];
	s0 =	simm.s32 @p1 $0x1  }
0x15: {  	[smem:$0x3FB4] =	sst s0;
	s0 =	simm.s32 @!p2 $0x0  }
0x16: {  	s3 =	sld [smem:$0x3FDB];
	s0 =	simm.s32 @p2 $0x1  }
0x17: {  	s4 =	simm.s32 $0x1BF5;
	[smem:$0x3FB6] =	sst s0  }
0x18: {  	s0 =	sld [smem:$0x3F99];
	_ =	swait.ge [sflag:s4], $0x0  }
0x19: {  	s7 =	sld [smem:$0x3F9A]  }
0x1a: {  	s8 =	sadd.s32 $0xFFFFE003, lr  }
0x1b: {  	s9 =	sadd.s32 $0xFFFFFEF7, lr;
	s5 =	simm.s32 $0xFFFFFFFF;
	p2 =	slt.u32 s8, $0xFFFFF086  }
0x1c: {  	p1 =	slt.u32 s9, $0xF7A;
	s5 =	simm.s32 @!p2 $0x0  }
0x1d: {  	s5 =	simm.s32 @p1 $0x1;
	p0 =	seq.s32 s7, s2  }
0x1e: {  	s7 =	smul.u32 @!p0 $0xF7A, s2;
	p2 =	seq.s32 @!p0 s5, $0x0  }
0x1f: {  	s9 =	smul.u32 $0xF7A, s1;
	s8 =	simm.s32 @!p0 $0x1BF5;
	p2 =	por !p2, p0  }
0x20: {  	[sflag:s8] =	ssyncset.s32 @!p0 $0xFFFFF086;
	s6 =	sadd.s32 @!p0 s3, s7;
	s7 =	simm.s32 @!p0 $0x108  }
0x21: {  	s3 =	sadd.s32 s3, s9;
	s6 =	sadd.s32 @!p0 $0x88, s6;
	s7 =	simm.s32 @p2 $0x1082  }
0x22: {  	[simem:s7], [sflag:s8] =	dma.local @!p0 [hbm:s6], $0xF7A  }
0x23: {  	s9 =	sor.u32 $0xD0000000, s2;
	s6 =	simm.s32 $0x108;
	_ =	swait.ge @!p0 [sflag:s8], $0x0  }
0x24: {  	s3 =	sadd.s32 $0x88, s3;
	s6 =	simm.s32 @!p1 $0x1082;
	[sflag:s4] =	ssyncset.s32 $0xFFFFF086  }
0x25: {  	[simem:s6], [sflag:s4] =	dma.local [hbm:s3], $0xF7A  }
0x26: {  	[smem:$0x3F9A] =	sst s1;
	(tag) =	ssettag s2;
	_ =	strace s9  }
0x27: {  	s1 =	sld [smem:$0x3FAA]  }
0x28: {  	s2 =	sld [smem:$0x3FAB]  }
0x29: {  	s4 =	sld [smem:$0x3FAD]  }
0x2a: {  	p0 =	seq.s32 s5, $0x0;
	s5 =	sld [smem:$0x3FAE]  }
0x2b: {  	s6 =	sld [smem:$0x3FAF]  }
0x2c: {  	s7 =	sld [smem:$0x3FB0]  }
0x2d: {  	s3 =	simm.s32 $0x108;
	s8 =	sld [smem:$0x3FB1]  }
0x2e: {  	s3 =	simm.s32 @!p0 $0x1082;
	s9 =	sld [smem:$0x3FB2]  }
0x2f: {  	lr =	sadd.s32 s0, s3;
	s0 =	sld [smem:$0x3FA9]  }
0x30: {  	s3 =	sld [smem:$0x3FAC]  }
0x31: {  	[smem:$0x3FB5] =	sst s10  }
0x32: {  	s10 =	sld [smem:$0x3FB3];
	_ =	sdelay $0x3  }
0x33: {  	p0 =	seq.s32 s10, $0x1;
	s10 =	sld [smem:$0x3FB5];
	_ =	sdelay $0x3  }
0x34: {  	[smem:$0x3FB5] =	sst s10  }
0x35: {  	s10 =	sld [smem:$0x3FB4];
	_ =	sdelay $0x3  }
0x36: {  	p1 =	seq.s32 s10, $0x1;
	s10 =	sld [smem:$0x3FB5];
	_ =	sdelay $0x3  }
0x37: {  	[smem:$0x3FB5] =	sst s10  }
0x38: {  	s10 =	sld [smem:$0x3FB6]  }
0x39: {  	_ = 	snop;
	(pc) =	sbr.ind lr, $3  }
0x3a: {  	_ = 	snop  }
0x3b: {  	_ = 	snop  }
0x3c: {  	p2 =	seq.s32 s10, $0x1;
	s10 =	sld [smem:$0x3FB5]  }
0x3d: {  	_ =	shalt  }
0x3e: {  	_ =	shalt  }
0x3f: {  	_ =	shalt  }
0x40: {  	_ =	shalt  }
0x41: {  	_ =	shalt  }
0x42: {  	_ =	shalt  }
0x43: {  	_ =	shalt  }
0x44: {  	_ =	shalt  }
0x45: {  	_ =	shalt  }
0x46: {  	_ =	shalt  }
0x47: {  	_ =	shalt  }
0x48: {  	_ =	shalt  }
0x49: {  	_ =	shalt  }
0x4a: {  	_ =	shalt  }
0x4b: {  	_ =	shalt  }
0x4c: {  	_ =	shalt  }
0x4d: {  	_ =	shalt  }
0x4e: {  	_ =	shalt  }
0x4f: {  	_ =	shalt  }
0x50: {  	_ =	shalt  }
0x51: {  	_ =	shalt  }
0x52: {  	_ =	shalt  }
0x53: {  	_ =	shalt  }
0x54: {  	_ =	shalt  }
0x55: {  	_ =	shalt  }
0x56: {  	_ =	shalt  }
0x57: {  	_ =	shalt  }
0x58: {  	_ =	shalt  }
0x59: {  	_ =	shalt  }
0x5a: {  	_ =	shalt  }
0x5b: {  	_ =	shalt  }
0x5c: {  	_ =	shalt  }
0x5d: {  	_ =	shalt  }
0x5e: {  	_ =	shalt  }
0x5f: {  	_ =	shalt  }
0x60: {  	_ =	shalt  }
0x61: {  	_ =	shalt  }
0x62: {  	_ =	shalt  }
0x63: {  	_ =	shalt  }
0x64: {  	_ =	shalt  }
0x65: {  	_ =	shalt  }
0x66: {  	_ =	shalt  }
0x67: {  	_ =	shalt  }
0x68: {  	_ =	shalt  }
0x69: {  	_ =	shalt  }
0x6a: {  	_ =	shalt  }
0x6b: {  	_ =	shalt  }
0x6c: {  	_ =	shalt  }
0x6d: {  	_ =	shalt  }
0x6e: {  	_ =	shalt  }
0x6f: {  	_ =	shalt  }
0x70: {  	_ =	shalt  }
0x71: {  	_ =	shalt  }
0x72: {  	_ =	shalt  }
0x73: {  	_ =	shalt  }
0x74: {  	_ =	shalt  }
0x75: {  	_ =	shalt  }
0x76: {  	_ =	shalt  }
0x77: {  	_ =	shalt  }
0x78: {  	_ =	shalt  }
0x79: {  	_ =	shalt  }
0x7a: {  	_ =	shalt  }
0x7b: {  	_ =	shalt  }
0x7c: {  	_ =	shalt  }
0x7d: {  	_ =	shalt  }
0x7e: {  	_ =	shalt  }
0x7f: {  	_ =	shalt  }
0x80: {  	_ =	shalt  }
0x81: {  	_ =	shalt  }
0x82: {  	_ =	shalt  }
0x83: {  	_ =	shalt  }
0x84: {  	_ =	shalt  }
0x85: {  	_ =	shalt  }
0x86: {  	_ =	shalt  }
0x87: {  	_ =	shalt  }
.Lfunc_end0:
.L_simem_size_0:
called_computation.1_lowered:
.L_overlay_start_0:
0x88: {  	s2 =	sld [smem:$0x3FD9]  }
0x89: {  	s3 =	sld [smem:$0x3FFE];
	_ =	sdelay $0x1  }
0x8a: {  	s1 =	srdreg.scid  }
0x8b: {  	s0 =	sand.u32 $0x1, s1  }
0x8c: {  	s16 =	sshll.u32 s0, $0xA;
	s2 =	sadd.s32 s3, s2  }
0x8d: {  	s2 =	sadd.s32 s2, s16  }
0x8e: {  	[smem:$0x3FC1] =	sst s2  }
0x8f: {  	_ = 	snop  }
0x90: {  	(tm) =	ssettm $0x1  }
0x91: {  	s17 =	sld [smem:$0x3FFB];
	_ =	sdelay $0x3  }
0x92: {  	_ =	strace s17  }
0x93: {  	s2 =	sld [smem:$0x3FFC];
	_ =	sdelay $0x3  }
0x94: {  	_ =	strace s2  }
0x95: {  	s2 =	sld [smem:$0x3FFD];
	_ =	sdelay $0x3  }
0x96: {  	_ =	strace s2  }
0x97: {  	_ =	strace $0x8FFFFFFF  }
0x98: {  	s18 =	sld [smem:$0x3FDB];
	_ =	sdelay $0x1  }
0x99: {  	s19 =	simm.s32 $_scs_section_size  }
0x9a: {  	s4 =	simm.s32 $_size__tile_overlayer_lowered;
	s5 =	simm.s32 $_tile_overlayer_lowered  }
0x9b: {  	s22 =	simm.s32 $0x1BFF;
	s21 =	sshll.u32 s5, $0x1;
	s2 =	sadd.s32 s19, s18  }
0x9c: {  	s6 =	simm.s32 $0x0;
	s20 =	sshll.u32 s4, $0x1;
	s4 =	sadd.s32 s21, s2  }
0x9d: {  	[timem:s6], [sflag:s22] =	dma.local [hbm:s4], s20  }
0x9e: {  	_ =	swait.ge [sflag:s22], s20  }
0x9f: {  	s3 =	ssub.s32 $0x0, s20;
	[sflag:s22] =	ssyncset.done $0x0  }
0xa0: {  	[sflag:s22] =	ssyncadd.s32 s3;
	_ =	sdelay $0x1  }
0xa1: {  	s23 =	simm.s32 $0x1B8B  }
0xa2: {  	_ =	swait.ge [sflag:s23], $0x1  }
0xa3: {  	[sflag:s23] =	ssyncset.done $0x0  }
0xa4: {  	s25 =	simm.s32 $0x1B8E;
	s24 =	sld [smem:$0x3FFE];
	[sflag:s23] =	ssyncadd.s32 $0xFFFFFFFF  }
0xa5: {  	s26 =	simm.s32 $execute0_lowered;
	[smem:$0x3FD2] =	sst s25  }
0xa6: {  	s4 =	sshll.u32 s26, $0x1;
	_ =	strace $0x80000049;
	[dreg:$0x1] =	wrdreg $0xFFFFFFFF  }
0xa7: {  	s28 =	simm.s32 $_size_execute0_lowered;
	s2 =	sadd.s32 s2, s4;
	[dreg:$0x0] =	wrdreg $0x0  }
0xa8: {  	s4 =	sshll.u32 s28, $0x1;
	[dreg:$0x2] =	wrdreg s2  }
0xa9: {  	[dreg:$0x3] =	wrdreg s4  }
0xaa: {  	[dreg:$0x4] =	wrdreg $0xC0  }
0xab: {  	_ =	task [dreg:s6], $0x5FFFF  }
0xac: {  	[dreg:$0x1] =	wrdreg $0xFFFFFFFF  }
0xad: {  	[dreg:$0x0] =	wrdreg $0x60  }
0xae: {  	[dreg:$0x2] =	wrdreg s24  }
0xaf: {  	[dreg:$0x3] =	wrdreg $0xBF000  }
0xb0: {  	[dreg:$0x4] =	wrdreg $0x9  }
0xb1: {  	_ =	task.clear_ibuf [dreg:s6], $0x5FFFF;
	_ =	strace $0x90000049  }
0xb2: {  	s29 =	simm.s32 $0x9;
	_ =	strace $0x8000004B  }
0xb3: {  	_ =	swait.ge [sflag:s29], $0x1  }
0xb4: {  	[sflag:s29] =	ssyncadd.s32 $0xFFFFFFFF  }
0xb5: {  	_ =	strace $0x9000004B  }
0xb6: {  	_ =	sfence  }
0xb7: {  	s30 =	sld [smem:$0x0];
	_ =	sdelay $0x2  }
0xb8: {  	s31 =	sshll.u32 s1, $0xD;
	s1 =	sshrl.u32 s1, $0x2  }
0xb9: {  	s3 =	sand.u32 $0x4000, s31;
	s1 =	sadd.s32 s1, s30  }
0xba: {  	s0 =	sor.u32 s3, s0;
	s1 =	sshll.u32 s1, $0x11  }
0xbb: {  	s0 =	sor.u32 s1, s0  }
0xbc: {  	s0 =	sadd.s32 $0x8F2B, s0  }
0xbd: {  	[sflag:s0] =	ssyncadd.remote.s32 $0x1  }
0xbe: {  	_ =	sfence.sel $0xFFFF  }
0xbf: {  	[dreg:$0x0] =	wrdreg $0xFFFFFFFF;
	(pc) =	sbr.abs _section_cstart, $3  }
0xc0: {  	[dreg:$0x1] =	wrdreg $0xFFFFFFFF  }
0xc1: {  	_ =	task.clear_ibuf [dreg:s6], $0x2FFFF;
	_ =	strace $0x9FFFFFFF  }
0xc2: {  	(tm) =	ssettm $0x7FFFFFFF  }
0xc3: {  	_ =	shalt  }
tec
execute0_lowered:
.L_overlay_start_1:
0x0: {  	(tag) =	ssettag $0x1  }
0x1: {  	s0 =	rddreg [dreg:$0x0]  }
0x2: {  	s1 =	rddreg [dreg:$0x1];
	s2 =	simm.s32 $0x0;
	s5 =	srdreg.scid  }
0x3: {  	s17 =	stileid.u32;
	[smem:$0x7FF] =	sst s2;
	s3 =	sadd.s32 $0xCA00, s0  }
0x4: {  	s6 =	sadd.s32 $0x2400, s0;
	s7 =	sand.u32 $0x1, s5;
	s8 =	smul.u32 $0x50000, s17  }
0x5: {  	s10 =	sshll.u32 s17, $0x1;
	s11 =	smul.u32 $0x14000, s17;
	_ =	strace $0x8000004A  }
0x6: {  	s5 =	ssub.s32 $0x2, s7;
	s10 =	sor.u32 s7, s10;
	s16 =	smul.u32 $0x140000, s7  }
0x7: {  	s25 =	sshrl.u32 s8, $0x2;
	s8 =	sadd.s32 $0x4000, s11;
	s12 =	smul.u32 $0x78, s10  }
0x8: {  	s13 =	sadd.s32 $0x8000, s11;
	s14 =	sadd.s32 $0xC000, s11;
	s10 =	smul.u32 $0xF, s10  }
0x9: {  	s15 =	sadd.s32 $0x10000, s11;
	s22 =	sadd.s32 s25, s1;
	s19 =	sadd.s32 s11, s16  }
0xa: {  	s20 =	sadd.s32 s16, s8;
	s23 =	sadd.s32 s16, s13;
	s12 =	sshrl.u32 s12, $0x3  }
0xb: {  	s18 =	sadd.s32 s3, s10;
	s10 =	sadd.s32 s6, s10;
	[dreg:$0x10] =	wrdreg s22  }
0xc: {  	s21 =	sshrl.u32 s20, $0x3;
	s24 =	sshrl.u32 s23, $0x3;
	[dreg:$0x3] =	wrdreg s18  }
0xd: {  	s20 =	smul.u32 $0xF, s7;
	s23 =	sadd.s32 $0x800, s22;
	[dreg:$0x4] =	wrdreg s10  }
0xe: {  	s7 =	sadd.s32 $0x3000, s22;
	s26 =	sadd.s32 $0x1E0, s12;
	[dreg:$0xe] =	wrdreg s23  }
0xf: {  	s11 =	sadd.s32 $0x3C0, s12;
	[dreg:$0x16] =	wrdreg s7;
	s12 =	sadd.s32 $0x5800, s22  }
0x10: {  	s18 =	smul.u32 $0x1E, s17;
	s17 =	sadd.s32 $0x8800, s22;
	[dreg:$0x1a] =	wrdreg s12  }
0x11: {  	s23 =	sadd.s32 $0x9800, s22;
	[dreg:$0x1f] =	wrdreg s17  }
0x12: {  	s9 =	sshrl.u32 s5, $0x1;
	s7 =	sadd.s32 $0xC800, s22;
	[smem:$0x7EB] =	sst s23  }
0x13: {  	s9 =	ssub.s32 s5, s9;
	s5 =	sadd.s32 s3, s26;
	[smem:$0x7F0] =	sst s7  }
0x14: {  	s25 =	sadd.s32 s16, s14;
	s10 =	sadd.s32 s6, s26;
	[dreg:$0x5] =	wrdreg s5  }
0x15: {  	s26 =	sshrl.u32 s25, $0x3;
	s25 =	smax.u32 s9, $0x1;
	[dreg:$0x6] =	wrdreg s10  }
0x16: {  	s9 =	sadd.s32 $0x4800, s22;
	[dreg:$0x12] =	wrdreg s25  }
0x17: {  	s12 =	sadd.s32 $0xE800, s22;
	[dreg:$0x18] =	wrdreg s9  }
0x18: {  	s17 =	sadd.s32 $0x11800, s22;
	[smem:$0x7F4] =	sst s12  }
0x19: {  	s4 =	sadd.s32 $0x17000, s0;
	s23 =	sadd.s32 $0x12800, s22;
	[smem:$0x7F9] =	sst s17  }
0x1a: {  	s10 =	sshrl.u32 s19, $0x3;
	s19 =	sadd.s32 s3, s11;
	[smem:$0x7FB] =	sst s23  }
0x1b: {  	s0 =	sadd.s32 $0x3F000, s0;
	s25 =	sadd.s32 $0xA000, s22;
	[dreg:$0xc] =	wrdreg s19  }
0x1c: {  	s5 =	sadd.s32 s16, s15;
	s9 =	sadd.s32 $0xD800, s22;
	[smem:$0x7EC] =	sst s25  }
0x1d: {  	s10 =	sadd.s32 s0, s10;
	s16 =	sshrl.u32 s5, $0x3;
	[smem:$0x7F2] =	sst s9  }
0x1e: {  	s5 =	sadd.s32 s15, s1;
	s15 =	sadd.s32 $0x7000, s22;
	[dreg:$0x7] =	wrdreg s10  }
0x1f: {  	s25 =	sadd.s32 $0x13000, s22;
	[dreg:$0x1d] =	wrdreg s15  }
0x20: {  	s3 =	sadd.s32 s18, s3;
	s10 =	sadd.s32 s0, s21;
	[smem:$0x7FC] =	sst s25  }
0x21: {  	s21 =	sadd.s32 s6, s11;
	s6 =	sadd.s32 s18, s6;
	[dreg:$0x8] =	wrdreg s10  }
0x22: {  	s18 =	sadd.s32 s20, s3;
	s3 =	sadd.s32 $0x2000, s22;
	[dreg:$0xd] =	wrdreg s21  }
0x23: {  	s11 =	sadd.s32 $0x5000, s22;
	[dreg:$0x14] =	wrdreg s3  }
0x24: {  	s15 =	sadd.s32 $0x10800, s22;
	[dreg:$0x19] =	wrdreg s11  }
0x25: {  	s10 =	sadd.s32 s0, s24;
	[smem:$0x7F7] =	sst s15  }
0x26: {  	s24 =	sadd.s32 $0x1000, s22;
	[dreg:$0x9] =	wrdreg s10  }
0x27: {  	s19 =	sadd.s32 s20, s6;
	s6 =	sadd.s32 $0x2800, s22;
	[dreg:$0xf] =	wrdreg s24  }
0x28: {  	s21 =	sadd.s32 s8, s1;
	s8 =	sadd.s32 $0x3800, s22;
	[dreg:$0x15] =	wrdreg s6  }
0x29: {  	s20 =	sadd.s32 $0x9000, s22;
	[dreg:$0x17] =	wrdreg s8  }
0x2a: {  	s28 =	simm.s32 $0x2;
	s3 =	sadd.s32 $0xB000, s22;
	[smem:$0x7EA] =	sst s20  }
0x2b: {  	s29 =	simm.s32 $0x3F00;
	s11 =	sadd.s32 $0xE000, s22;
	[smem:$0x7EE] =	sst s3  }
0x2c: {  	s30 =	simm.s32 $0x3;
	s31 =	simm.s32 $0x7B00;
	[smem:$0x7F3] =	sst s11  }
0x2d: {  	s7 =	simm.s32 $0x0;
	s10 =	sadd.s32 s0, s26;
	[dreg:$0x11] =	wrdreg s21  }
0x2e: {  	s12 =	simm.s32 $0x4;
	s0 =	sadd.s32 s0, s16;
	[dreg:$0xa] =	wrdreg s10  }
0x2f: {  	s17 =	simm.s32 $0x280;
	s26 =	sadd.s32 $0x1800, s22;
	[dreg:$0xb] =	wrdreg s0  }
0x30: {  	s24 =	sadd.s32 s14, s1;
	s14 =	sadd.s32 $0x6800, s22;
	[dreg:$0x13] =	wrdreg s26  }
0x31: {  	s25 =	simm.s32 $0x78;
	s16 =	sadd.s32 $0x7800, s22;
	[dreg:$0x1c] =	wrdreg s14  }
0x32: {  	s15 =	simm.s32 $0x200;
	s6 =	sadd.s32 $0xB800, s22;
	[dreg:$0x1e] =	wrdreg s16  }
0x33: {  	s8 =	sadd.s32 $0xD000, s22;
	s20 =	sadd.s32 $0x12000, s22;
	[smem:$0x7EF] =	sst s6  }
0x34: {  	s11 =	simm.s32 $0xB700;
	s3 =	simm.s32 $0x5;
	[smem:$0x7F1] =	sst s8  }
0x35: {  	s10 =	sadd.s32 s13, s1;
	s13 =	sadd.s32 $0x6000, s22;
	[smem:$0x7FA] =	sst s20  }
0x36: {  	s26 =	sadd.s32 $0xA800, s22;
	s14 =	sadd.s32 $0xF800, s22;
	[dreg:$0x1b] =	wrdreg s13  }
0x37: {  	s16 =	sadd.s32 $0x11000, s22;
	s20 =	simm.s32 $0x1;
	[smem:$0x7ED] =	sst s26  }
0x38: {  	s0 =	simm.s32 $0x7;
	s6 =	simm.s32 $0x6;
	[smem:$0x7F6] =	sst s14  }
0x39: {  	s13 =	sadd.s32 $0xF000, s22;
	[smem:$0x7F8] =	sst s16;
	s26 =	sadd.s32 $0x13800, s22  }
0x3a: {  	s14 =	simm.s32 $0x80;
	s16 =	simm.s32 $0x100;
	[smem:$0x7F5] =	sst s13  }
0x3b: {  	v0 =	vimm.f32 $0.0e+00;
	[smem:$0x7FD] =	sst s26;
	s13 =	simm.s32 $0x180;
	s26 =	simm.s32 $0x300  }
.LBB2_1:
0x3c: {  	[tilespmem:$0xB700] =	vst v0  }
0x3d: {  	[tilespmem:$0xB710] =	vst v0  }
0x3e: {  	[tilespmem:$0xB720] =	vst v0  }
0x3f: {  	[tilespmem:$0xB730] =	vst v0  }
0x40: {  	[tilespmem:$0xB740] =	vst v0  }
0x41: {  	[tilespmem:$0xB750] =	vst v0  }
0x42: {  	[tilespmem:$0xB760] =	vst v0  }
0x43: {  	[tilespmem:$0xB770] =	vst v0  }
0x44: {  	[tilespmem:$0xB780] =	vst v0  }
0x45: {  	[tilespmem:$0xB790] =	vst v0  }
0x46: {  	[tilespmem:$0xB7A0] =	vst v0  }
0x47: {  	[tilespmem:$0xB7B0] =	vst v0  }
0x48: {  	[tilespmem:$0xB7C0] =	vst v0  }
0x49: {  	[tilespmem:$0xB7D0] =	vst v0  }
0x4a: {  	[tilespmem:$0xB7E0] =	vst v0  }
0x4b: {  	[tilespmem:$0xB7F0] =	vst v0  }
0x4c: {  	[tilespmem:$0xB800] =	vst v0  }
0x4d: {  	[tilespmem:$0xB810] =	vst v0  }
0x4e: {  	[tilespmem:$0xB820] =	vst v0  }
0x4f: {  	[tilespmem:$0xB830] =	vst v0  }
0x50: {  	[tilespmem:$0xB840] =	vst v0  }
0x51: {  	[tilespmem:$0xB850] =	vst v0  }
0x52: {  	[tilespmem:$0xB860] =	vst v0  }
0x53: {  	[tilespmem:$0xB870] =	vst v0  }
0x54: {  	[tilespmem:$0xB880] =	vst v0  }
0x55: {  	[tilespmem:$0xB890] =	vst v0  }
0x56: {  	[tilespmem:$0xB8A0] =	vst v0  }
0x57: {  	[tilespmem:$0xB8B0] =	vst v0  }
0x58: {  	[tilespmem:$0xB8C0] =	vst v0  }
0x59: {  	[tilespmem:$0xB8D0] =	vst v0  }
0x5a: {  	[tilespmem:$0xB8E0] =	vst v0  }
0x5b: {  	[tilespmem:$0xB8F0] =	vst v0  }
0x5c: {  	[tilespmem:$0xB900] =	vst v0  }
0x5d: {  	[tilespmem:$0xB910] =	vst v0  }
0x5e: {  	[tilespmem:$0xB920] =	vst v0  }
0x5f: {  	[tilespmem:$0xB930] =	vst v0  }
0x60: {  	[tilespmem:$0xB940] =	vst v0  }
0x61: {  	[tilespmem:$0xB950] =	vst v0  }
0x62: {  	[tilespmem:$0xB960] =	vst v0  }
0x63: {  	[tilespmem:$0xB970] =	vst v0  }
0x64: {  	[tilespmem:$0xB980] =	vst v0  }
0x65: {  	[tilespmem:$0xB990] =	vst v0  }
0x66: {  	[tilespmem:$0xB9A0] =	vst v0  }
0x67: {  	[tilespmem:$0xB9B0] =	vst v0  }
0x68: {  	[tilespmem:$0xB9C0] =	vst v0  }
0x69: {  	[tilespmem:$0xB9D0] =	vst v0  }
0x6a: {  	[tilespmem:$0xB9E0] =	vst v0  }
0x6b: {  	[tilespmem:$0xB9F0] =	vst v0  }
0x6c: {  	[tilespmem:$0xBA00] =	vst v0  }
0x6d: {  	[tilespmem:$0xBA10] =	vst v0  }
0x6e: {  	[tilespmem:$0xBA20] =	vst v0  }
0x6f: {  	[tilespmem:$0xBA30] =	vst v0  }
0x70: {  	[tilespmem:$0xBA40] =	vst v0  }
0x71: {  	[tilespmem:$0xBA50] =	vst v0  }
0x72: {  	[tilespmem:$0xBA60] =	vst v0  }
0x73: {  	[tilespmem:$0xBA70] =	vst v0  }
0x74: {  	[tilespmem:$0xBA80] =	vst v0  }
0x75: {  	[tilespmem:$0xBA90] =	vst v0  }
0x76: {  	[tilespmem:$0xBAA0] =	vst v0  }
0x77: {  	[tilespmem:$0xBAB0] =	vst v0  }
0x78: {  	[tilespmem:$0xBAC0] =	vst v0  }
0x79: {  	[tilespmem:$0xBAD0] =	vst v0  }
0x7a: {  	[tilespmem:$0xBAE0] =	vst v0  }
0x7b: {  	[tilespmem:$0xBAF0] =	vst v0  }
0x7c: {  	[tilespmem:$0xBB00] =	vst v0  }
0x7d: {  	[tilespmem:$0xBB10] =	vst v0  }
0x7e: {  	[tilespmem:$0xBB20] =	vst v0  }
0x7f: {  	[tilespmem:$0xBB30] =	vst v0  }
0x80: {  	[tilespmem:$0xBB40] =	vst v0  }
0x81: {  	[tilespmem:$0xBB50] =	vst v0  }
0x82: {  	[tilespmem:$0xBB60] =	vst v0  }
0x83: {  	[tilespmem:$0xBB70] =	vst v0  }
0x84: {  	[tilespmem:$0xBB80] =	vst v0  }
0x85: {  	[tilespmem:$0xBB90] =	vst v0  }
0x86: {  	[tilespmem:$0xBBA0] =	vst v0  }
0x87: {  	[tilespmem:$0xBBB0] =	vst v0  }
0x88: {  	[tilespmem:$0xBBC0] =	vst v0  }
0x89: {  	[tilespmem:$0xBBD0] =	vst v0  }
0x8a: {  	[tilespmem:$0xBBE0] =	vst v0  }
0x8b: {  	[tilespmem:$0xBBF0] =	vst v0  }
0x8c: {  	[tilespmem:$0xBC00] =	vst v0  }
0x8d: {  	[tilespmem:$0xBC10] =	vst v0  }
0x8e: {  	[tilespmem:$0xBC20] =	vst v0  }
0x8f: {  	[tilespmem:$0xBC30] =	vst v0  }
0x90: {  	[tilespmem:$0xBC40] =	vst v0  }
0x91: {  	[tilespmem:$0xBC50] =	vst v0  }
0x92: {  	[tilespmem:$0xBC60] =	vst v0  }
0x93: {  	[tilespmem:$0xBC70] =	vst v0  }
0x94: {  	[tilespmem:$0xBC80] =	vst v0  }
0x95: {  	[tilespmem:$0xBC90] =	vst v0  }
0x96: {  	[tilespmem:$0xBCA0] =	vst v0  }
0x97: {  	[tilespmem:$0xBCB0] =	vst v0  }
0x98: {  	[tilespmem:$0xBCC0] =	vst v0  }
0x99: {  	[tilespmem:$0xBCD0] =	vst v0  }
0x9a: {  	[tilespmem:$0xBCE0] =	vst v0  }
0x9b: {  	[tilespmem:$0xBCF0] =	vst v0  }
0x9c: {  	[tilespmem:$0xBD00] =	vst v0  }
0x9d: {  	[tilespmem:$0xBD10] =	vst v0  }
0x9e: {  	[tilespmem:$0xBD20] =	vst v0  }
0x9f: {  	[tilespmem:$0xBD30] =	vst v0  }
0xa0: {  	[tilespmem:$0xBD40] =	vst v0  }
0xa1: {  	[tilespmem:$0xBD50] =	vst v0  }
0xa2: {  	[tilespmem:$0xBD60] =	vst v0  }
0xa3: {  	[tilespmem:$0xBD70] =	vst v0  }
0xa4: {  	[tilespmem:$0xBD80] =	vst v0  }
0xa5: {  	[tilespmem:$0xBD90] =	vst v0  }
0xa6: {  	[tilespmem:$0xBDA0] =	vst v0  }
0xa7: {  	[tilespmem:$0xBDB0] =	vst v0  }
0xa8: {  	[tilespmem:$0xBDC0] =	vst v0  }
0xa9: {  	[tilespmem:$0xBDD0] =	vst v0  }
0xaa: {  	[tilespmem:$0xBDE0] =	vst v0  }
0xab: {  	[tilespmem:$0xBDF0] =	vst v0  }
0xac: {  	[tilespmem:$0xBE00] =	vst v0  }
0xad: {  	[tilespmem:$0xBE10] =	vst v0  }
0xae: {  	[tilespmem:$0xBE20] =	vst v0  }
0xaf: {  	[tilespmem:$0xBE30] =	vst v0  }
0xb0: {  	[tilespmem:$0xBE40] =	vst v0  }
0xb1: {  	[tilespmem:$0xBE50] =	vst v0  }
0xb2: {  	[tilespmem:$0xBE60] =	vst v0  }
0xb3: {  	[tilespmem:$0xBE70] =	vst v0  }
0xb4: {  	[tilespmem:$0xBE80] =	vst v0  }
0xb5: {  	[tilespmem:$0xBE90] =	vst v0  }
0xb6: {  	[tilespmem:$0xBEA0] =	vst v0  }
0xb7: {  	[tilespmem:$0xBEB0] =	vst v0  }
0xb8: {  	[tilespmem:$0xBEC0] =	vst v0  }
0xb9: {  	[tilespmem:$0xBED0] =	vst v0  }
0xba: {  	[tilespmem:$0xBEE0] =	vst v0  }
0xbb: {  	[tilespmem:$0xBEF0] =	vst v0  }
0xbc: {  	[spmem:s22] =	stream.linear.scatter [tilespmem:s11], [sflag:$0x4], $0x800, $0x38;
	[tilespmem:$0x1FF00] =	vst v63  }
0xbd: {  	s8 =	rddreg [dreg:$0xe]  }
0xbe: {  	[spmem:s8] =	stream.linear.scatter [tilespmem:s11], [sflag:$0x4], $0x800, $0x38;
	[tilespmem:$0x1FF00] =	vst v63  }
0xbf: {  	s23 =	rddreg [dreg:$0xf]  }
0xc0: {  	[spmem:s23] =	stream.linear.scatter [tilespmem:s11], [sflag:$0x4], $0x800, $0x38;
	[tilespmem:$0x1FF00] =	vst v63  }
0xc1: {  	s9 =	rddreg [dreg:$0x13]  }
0xc2: {  	[spmem:s9] =	stream.linear.scatter [tilespmem:s11], [sflag:$0x4], $0x800, $0x38;
	[tilespmem:$0x1FF00] =	vst v63  }
0xc3: {  	s22 =	rddreg [dreg:$0x14]  }
0xc4: {  	[spmem:s22] =	stream.linear.scatter [tilespmem:s11], [sflag:$0x4], $0x800, $0x38;
	[tilespmem:$0x1FF00] =	vst v63  }
0xc5: {  	s23 =	rddreg [dreg:$0x15]  }
0xc6: {  	[spmem:s23] =	stream.linear.scatter [tilespmem:s11], [sflag:$0x4], $0x800, $0x38;
	[tilespmem:$0x1FF00] =	vst v63  }
0xc7: {  	s9 =	rddreg [dreg:$0x16]  }
0xc8: {  	[spmem:s9] =	stream.linear.scatter [tilespmem:s11], [sflag:$0x4], $0x800, $0x38;
	[tilespmem:$0x1FF00] =	vst v63  }
0xc9: {  	s22 =	rddreg [dreg:$0x17]  }
0xca: {  	[spmem:s22] =	stream.linear.scatter [tilespmem:s11], [sflag:$0x4], $0x800, $0x38;
	[tilespmem:$0x1FF00] =	vst v63  }
0xcb: {  	_ = 	snop  }
0xcc: {  	[spmem:s21] =	stream.linear.scatter [tilespmem:s11], [sflag:$0x4], $0x800, $0x38;
	[tilespmem:$0x1FF00] =	vst v63  }
0xcd: {  	s23 =	rddreg [dreg:$0x18]  }
0xce: {  	[spmem:s23] =	stream.linear.scatter [tilespmem:s11], [sflag:$0x4], $0x800, $0x38;
	[tilespmem:$0x1FF00] =	vst v63  }
0xcf: {  	s8 =	rddreg [dreg:$0x19]  }
0xd0: {  	[spmem:s8] =	stream.linear.scatter [tilespmem:s11], [sflag:$0x4], $0x800, $0x38;
	[tilespmem:$0x1FF00] =	vst v63  }
0xd1: {  	s21 =	rddreg [dreg:$0x1a]  }
0xd2: {  	[spmem:s21] =	stream.linear.scatter [tilespmem:s11], [sflag:$0x4], $0x800, $0x38;
	[tilespmem:$0x1FF00] =	vst v63  }
0xd3: {  	s22 =	rddreg [dreg:$0x1b]  }
0xd4: {  	[spmem:s22] =	stream.linear.scatter [tilespmem:s11], [sflag:$0x4], $0x800, $0x38;
	[tilespmem:$0x1FF00] =	vst v63  }
0xd5: {  	s23 =	rddreg [dreg:$0x1c]  }
0xd6: {  	[spmem:s23] =	stream.linear.scatter [tilespmem:s11], [sflag:$0x4], $0x800, $0x38;
	[tilespmem:$0x1FF00] =	vst v63  }
0xd7: {  	s8 =	rddreg [dreg:$0x1d]  }
0xd8: {  	[spmem:s8] =	stream.linear.scatter [tilespmem:s11], [sflag:$0x4], $0x800, $0x38;
	[tilespmem:$0x1FF00] =	vst v63  }
0xd9: {  	s21 =	rddreg [dreg:$0x1e]  }
0xda: {  	[spmem:s21] =	stream.linear.scatter [tilespmem:s11], [sflag:$0x4], $0x800, $0x38;
	[tilespmem:$0x1FF00] =	vst v63  }
0xdb: {  	s22 =	rddreg [dreg:$0x1f]  }
0xdc: {  	[spmem:s10] =	stream.linear.scatter [tilespmem:s11], [sflag:$0x4], $0x800, $0x38;
	[tilespmem:$0x1FF00] =	vst v63  }
0xdd: {  	s8 =	sld [smem:$0x7EA]  }
0xde: {  	[spmem:s22] =	stream.linear.scatter [tilespmem:s11], [sflag:$0x4], $0x800, $0x38;
	[tilespmem:$0x1FF00] =	vst v63  }
0xdf: {  	s23 =	smov.u32 s10;
	s10 =	sld [smem:$0x7EB]  }
0xe0: {  	[spmem:s8] =	stream.linear.scatter [tilespmem:s11], [sflag:$0x4], $0x800, $0x38;
	[tilespmem:$0x1FF00] =	vst v63  }
0xe1: {  	s21 =	sld [smem:$0x7EC]  }
0xe2: {  	[spmem:s10] =	stream.linear.scatter [tilespmem:s11], [sflag:$0x4], $0x800, $0x38;
	[tilespmem:$0x1FF00] =	vst v63  }
0xe3: {  	s22 =	sld [smem:$0x7ED]  }
0xe4: {  	[spmem:s21] =	stream.linear.scatter [tilespmem:s11], [sflag:$0x4], $0x800, $0x38;
	[tilespmem:$0x1FF00] =	vst v63  }
0xe5: {  	s8 =	sld [smem:$0x7EE]  }
0xe6: {  	[spmem:s22] =	stream.linear.scatter [tilespmem:s11], [sflag:$0x4], $0x800, $0x38;
	[tilespmem:$0x1FF00] =	vst v63  }
0xe7: {  	s10 =	sld [smem:$0x7EF]  }
0xe8: {  	[spmem:s8] =	stream.linear.scatter [tilespmem:s11], [sflag:$0x4], $0x800, $0x38;
	[tilespmem:$0x1FF00] =	vst v63  }
0xe9: {  	_ = 	snop  }
0xea: {  	[spmem:s10] =	stream.linear.scatter [tilespmem:s11], [sflag:$0x4], $0x800, $0x38;
	[tilespmem:$0x1FF00] =	vst v63  }
0xeb: {  	s21 =	sld [smem:$0x7F0]  }
0xec: {  	[spmem:s24] =	stream.linear.scatter [tilespmem:s11], [sflag:$0x4], $0x800, $0x38;
	[tilespmem:$0x1FF00] =	vst v63  }
0xed: {  	s22 =	sld [smem:$0x7F1]  }
0xee: {  	[spmem:s21] =	stream.linear.scatter [tilespmem:s11], [sflag:$0x4], $0x800, $0x38;
	[tilespmem:$0x1FF00] =	vst v63  }
0xef: {  	s8 =	sld [smem:$0x7F2]  }
0xf0: {  	[spmem:s22] =	stream.linear.scatter [tilespmem:s11], [sflag:$0x4], $0x800, $0x38;
	[tilespmem:$0x1FF00] =	vst v63  }
0xf1: {  	s10 =	sld [smem:$0x7F3]  }
0xf2: {  	[spmem:s8] =	stream.linear.scatter [tilespmem:s11], [sflag:$0x4], $0x800, $0x38;
	[tilespmem:$0x1FF00] =	vst v63  }
0xf3: {  	s21 =	sld [smem:$0x7F4]  }
0xf4: {  	[spmem:s10] =	stream.linear.scatter [tilespmem:s11], [sflag:$0x4], $0x800, $0x38;
	[tilespmem:$0x1FF00] =	vst v63  }
0xf5: {  	s22 =	sld [smem:$0x7F5]  }
0xf6: {  	[spmem:s21] =	stream.linear.scatter [tilespmem:s11], [sflag:$0x4], $0x800, $0x38;
	[tilespmem:$0x1FF00] =	vst v63  }
0xf7: {  	s8 =	sld [smem:$0x7F6]  }
0xf8: {  	[spmem:s22] =	stream.linear.scatter [tilespmem:s11], [sflag:$0x4], $0x800, $0x38;
	[tilespmem:$0x1FF00] =	vst v63  }
0xf9: {  	_ = 	snop  }
0xfa: {  	[spmem:s8] =	stream.linear.scatter [tilespmem:s11], [sflag:$0x4], $0x800, $0x38;
	[tilespmem:$0x1FF00] =	vst v63  }
0xfb: {  	s9 =	smov.u32 s5;
	s10 =	sld [smem:$0x7F7]  }
0xfc: {  	[spmem:s9] =	stream.linear.scatter [tilespmem:s11], [sflag:$0x4], $0x800, $0x38;
	[tilespmem:$0x1FF00] =	vst v63  }
0xfd: {  	s21 =	sld [smem:$0x7F8]  }
0xfe: {  	[spmem:s10] =	stream.linear.scatter [tilespmem:s11], [sflag:$0x4], $0x800, $0x38;
	[tilespmem:$0x1FF00] =	vst v63  }
0xff: {  	s22 =	sld [smem:$0x7F9]  }
0x100: {  	[spmem:s21] =	stream.linear.scatter [tilespmem:s11], [sflag:$0x4], $0x800, $0x38;
	[tilespmem:$0x1FF00] =	vst v63  }
0x101: {  	s5 =	smov.u32 s9;
	s9 =	sld [smem:$0x7FA]  }
0x102: {  	[spmem:s22] =	stream.linear.scatter [tilespmem:s11], [sflag:$0x4], $0x800, $0x38;
	[tilespmem:$0x1FF00] =	vst v63  }
0x103: {  	s10 =	sld [smem:$0x7FB]  }
0x104: {  	[spmem:s9] =	stream.linear.scatter [tilespmem:s11], [sflag:$0x4], $0x800, $0x38;
	[tilespmem:$0x1FF00] =	vst v63  }
0x105: {  	s21 =	sld [smem:$0x7FC]  }
0x106: {  	[spmem:s10] =	stream.linear.scatter [tilespmem:s11], [sflag:$0x4], $0x800, $0x38;
	[tilespmem:$0x1FF00] =	vst v63  }
0x107: {  	s22 =	sld [smem:$0x7FD]  }
0x108: {  	[spmem:s21] =	stream.linear.scatter [tilespmem:s11], [sflag:$0x4], $0x800, $0x38;
	[tilespmem:$0x1FF00] =	vst v63  }
0x109: {  	_ = 	snop  }
0x10a: {  	[spmem:s22] =	stream.linear.scatter [tilespmem:s11], [sflag:$0x4], $0x800, $0x38;
	[tilespmem:$0x1FF00] =	vst v63  }
0x10b: {  	_ =	swait.ge [sflag:s12], $0x800  }
0x10c: {  	[sflag:s12] =	ssyncset.done $0x0  }
0x10d: {  	[sflag:s12] =	ssyncadd.s32 $0xFFFFF800  }
0x10e: {  	_ =	swait.ge [sflag:s12], $0x800  }
0x10f: {  	[sflag:s12] =	ssyncset.done $0x0  }
0x110: {  	[sflag:s12] =	ssyncadd.s32 $0xFFFFF800  }
0x111: {  	_ =	swait.ge [sflag:s12], $0x800  }
0x112: {  	[sflag:s12] =	ssyncset.done $0x0  }
0x113: {  	[sflag:s12] =	ssyncadd.s32 $0xFFFFF800  }
0x114: {  	_ =	swait.ge [sflag:s12], $0x800  }
0x115: {  	[sflag:s12] =	ssyncset.done $0x0  }
0x116: {  	[sflag:s12] =	ssyncadd.s32 $0xFFFFF800  }
0x117: {  	_ =	swait.ge [sflag:s12], $0x800  }
0x118: {  	[sflag:s12] =	ssyncset.done $0x0  }
0x119: {  	[sflag:s12] =	ssyncadd.s32 $0xFFFFF800  }
0x11a: {  	_ =	swait.ge [sflag:s12], $0x800  }
0x11b: {  	[sflag:s12] =	ssyncset.done $0x0  }
0x11c: {  	[sflag:s12] =	ssyncadd.s32 $0xFFFFF800  }
0x11d: {  	_ =	swait.ge [sflag:s12], $0x800  }
0x11e: {  	[sflag:s12] =	ssyncset.done $0x0  }
0x11f: {  	[sflag:s12] =	ssyncadd.s32 $0xFFFFF800  }
0x120: {  	_ =	swait.ge [sflag:s12], $0x800  }
0x121: {  	[sflag:s12] =	ssyncset.done $0x0  }
0x122: {  	[sflag:s12] =	ssyncadd.s32 $0xFFFFF800  }
0x123: {  	_ =	swait.ge [sflag:s12], $0x800  }
0x124: {  	[sflag:s12] =	ssyncset.done $0x0  }
0x125: {  	[sflag:s12] =	ssyncadd.s32 $0xFFFFF800  }
0x126: {  	_ =	swait.ge [sflag:s12], $0x800  }
0x127: {  	[sflag:s12] =	ssyncset.done $0x0  }
0x128: {  	[sflag:s12] =	ssyncadd.s32 $0xFFFFF800  }
0x129: {  	_ =	swait.ge [sflag:s12], $0x800  }
0x12a: {  	[sflag:s12] =	ssyncset.done $0x0  }
0x12b: {  	[sflag:s12] =	ssyncadd.s32 $0xFFFFF800  }
0x12c: {  	_ =	swait.ge [sflag:s12], $0x800  }
0x12d: {  	[sflag:s12] =	ssyncset.done $0x0  }
0x12e: {  	[sflag:s12] =	ssyncadd.s32 $0xFFFFF800  }
0x12f: {  	_ =	swait.ge [sflag:s12], $0x800  }
0x130: {  	[sflag:s12] =	ssyncset.done $0x0  }
0x131: {  	[sflag:s12] =	ssyncadd.s32 $0xFFFFF800  }
0x132: {  	_ =	swait.ge [sflag:s12], $0x800  }
0x133: {  	[sflag:s12] =	ssyncset.done $0x0  }
0x134: {  	[sflag:s12] =	ssyncadd.s32 $0xFFFFF800  }
0x135: {  	_ =	swait.ge [sflag:s12], $0x800  }
0x136: {  	[sflag:s12] =	ssyncset.done $0x0  }
0x137: {  	[sflag:s12] =	ssyncadd.s32 $0xFFFFF800  }
0x138: {  	_ =	swait.ge [sflag:s12], $0x800  }
0x139: {  	[sflag:s12] =	ssyncset.done $0x0  }
0x13a: {  	[sflag:s12] =	ssyncadd.s32 $0xFFFFF800  }
0x13b: {  	_ =	swait.ge [sflag:s12], $0x800  }
0x13c: {  	[sflag:s12] =	ssyncset.done $0x0  }
0x13d: {  	[sflag:s12] =	ssyncadd.s32 $0xFFFFF800  }
0x13e: {  	_ =	swait.ge [sflag:s12], $0x800  }
0x13f: {  	[sflag:s12] =	ssyncset.done $0x0  }
0x140: {  	[sflag:s12] =	ssyncadd.s32 $0xFFFFF800  }
0x141: {  	_ =	swait.ge [sflag:s12], $0x800  }
0x142: {  	[sflag:s12] =	ssyncset.done $0x0  }
0x143: {  	[sflag:s12] =	ssyncadd.s32 $0xFFFFF800  }
0x144: {  	_ =	swait.ge [sflag:s12], $0x800  }
0x145: {  	[sflag:s12] =	ssyncset.done $0x0  }
0x146: {  	[sflag:s12] =	ssyncadd.s32 $0xFFFFF800  }
0x147: {  	_ =	swait.ge [sflag:s12], $0x800  }
0x148: {  	[sflag:s12] =	ssyncset.done $0x0  }
0x149: {  	[sflag:s12] =	ssyncadd.s32 $0xFFFFF800  }
0x14a: {  	_ =	swait.ge [sflag:s12], $0x800  }
0x14b: {  	[sflag:s12] =	ssyncset.done $0x0  }
0x14c: {  	[sflag:s12] =	ssyncadd.s32 $0xFFFFF800  }
0x14d: {  	_ =	swait.ge [sflag:s12], $0x800  }
0x14e: {  	[sflag:s12] =	ssyncset.done $0x0  }
0x14f: {  	[sflag:s12] =	ssyncadd.s32 $0xFFFFF800  }
0x150: {  	_ =	swait.ge [sflag:s12], $0x800  }
0x151: {  	[sflag:s12] =	ssyncset.done $0x0  }
0x152: {  	[sflag:s12] =	ssyncadd.s32 $0xFFFFF800  }
0x153: {  	_ =	swait.ge [sflag:s12], $0x800  }
0x154: {  	[sflag:s12] =	ssyncset.done $0x0  }
0x155: {  	[sflag:s12] =	ssyncadd.s32 $0xFFFFF800  }
0x156: {  	_ =	swait.ge [sflag:s12], $0x800  }
0x157: {  	[sflag:s12] =	ssyncset.done $0x0  }
0x158: {  	[sflag:s12] =	ssyncadd.s32 $0xFFFFF800  }
0x159: {  	_ =	swait.ge [sflag:s12], $0x800  }
0x15a: {  	[sflag:s12] =	ssyncset.done $0x0  }
0x15b: {  	[sflag:s12] =	ssyncadd.s32 $0xFFFFF800  }
0x15c: {  	_ =	swait.ge [sflag:s12], $0x800  }
0x15d: {  	[sflag:s12] =	ssyncset.done $0x0  }
0x15e: {  	[sflag:s12] =	ssyncadd.s32 $0xFFFFF800  }
0x15f: {  	_ =	swait.ge [sflag:s12], $0x800  }
0x160: {  	[sflag:s12] =	ssyncset.done $0x0  }
0x161: {  	[sflag:s12] =	ssyncadd.s32 $0xFFFFF800  }
0x162: {  	_ =	swait.ge [sflag:s12], $0x800  }
0x163: {  	[sflag:s12] =	ssyncset.done $0x0  }
0x164: {  	[sflag:s12] =	ssyncadd.s32 $0xFFFFF800  }
0x165: {  	_ =	swait.ge [sflag:s12], $0x800  }
0x166: {  	[sflag:s12] =	ssyncset.done $0x0  }
0x167: {  	[sflag:s12] =	ssyncadd.s32 $0xFFFFF800  }
0x168: {  	_ =	swait.ge [sflag:s12], $0x800  }
0x169: {  	[sflag:s12] =	ssyncset.done $0x0  }
0x16a: {  	[sflag:s12] =	ssyncadd.s32 $0xFFFFF800  }
0x16b: {  	_ =	swait.ge [sflag:s12], $0x800  }
0x16c: {  	[sflag:s12] =	ssyncset.done $0x0  }
0x16d: {  	[sflag:s12] =	ssyncadd.s32 $0xFFFFF800  }
0x16e: {  	_ =	swait.ge [sflag:s12], $0x800  }
0x16f: {  	[sflag:s12] =	ssyncset.done $0x0  }
0x170: {  	[sflag:s12] =	ssyncadd.s32 $0xFFFFF800  }
0x171: {  	_ =	swait.ge [sflag:s12], $0x800  }
0x172: {  	[sflag:s12] =	ssyncset.done $0x0  }
0x173: {  	[sflag:s12] =	ssyncadd.s32 $0xFFFFF800  }
0x174: {  	_ =	swait.ge [sflag:s12], $0x800  }
0x175: {  	[sflag:s12] =	ssyncset.done $0x0  }
0x176: {  	[sflag:s12] =	ssyncadd.s32 $0xFFFFF800  }
0x177: {  	_ =	swait.ge [sflag:s12], $0x800  }
0x178: {  	[sflag:s12] =	ssyncset.done $0x0  }
0x179: {  	[sflag:s12] =	ssyncadd.s32 $0xFFFFF800  }
0x17a: {  	_ =	swait.ge [sflag:s12], $0x800  }
0x17b: {  	[sflag:s12] =	ssyncset.done $0x0  }
0x17c: {  	[sflag:s12] =	ssyncadd.s32 $0xFFFFF800  }
0x17d: {  	_ =	swait.ge [sflag:s12], $0x800  }
0x17e: {  	[sflag:s12] =	ssyncset.done $0x0  }
0x17f: {  	[sflag:s12] =	ssyncadd.s32 $0xFFFFF800  }
0x180: {  	_ =	swait.ge [sflag:s12], $0x800  }
0x181: {  	[sflag:s12] =	ssyncset.done $0x0  }
0x182: {  	[sflag:s12] =	ssyncadd.s32 $0xFFFFF800  }
0x183: {  	[bflag:$0x0] =	sbarrier.arrive $0xFFFF  }
0x184: {  	s9 =	rddreg [dreg:$0x3]  }
0x185: {  	[tilespmem:s2], [sflag:$0x1] =	stream.linear.gather [hbm4b:s9+s2], $0x78, $0x38;
	[tilespmem:$0x1FF00] =	vst v63  }
0x186: {  	s10 =	rddreg [dreg:$0x4]  }
0x187: {  	[tilespmem:s13], [sflag:$0x1] =	stream.linear.gather [hbm4b:s10+s2], $0x78, $0x38;
	[tilespmem:$0x1FF00] =	vst v63  }
0x188: {  	s21 =	rddreg [dreg:$0x5]  }
0x189: {  	[tilespmem:s14], [sflag:$0x2] =	stream.linear.gather [hbm4b:s21+s2], $0x78, $0x38;
	[tilespmem:$0x1FF00] =	vst v63  }
0x18a: {  	s22 =	rddreg [dreg:$0x6]  }
0x18b: {  	[tilespmem:s15], [sflag:$0x2] =	stream.linear.gather [hbm4b:s22+s2], $0x78, $0x38;
	[tilespmem:$0x1FF00] =	vst v63  }
0x18c: {  	s9 =	rddreg [dreg:$0xc]  }
0x18d: {  	[tilespmem:s16], [sflag:$0x3] =	stream.linear.gather [hbm4b:s9+s2], $0x78, $0x38;
	[tilespmem:$0x1FF00] =	vst v63  }
0x18e: {  	s10 =	rddreg [dreg:$0xd]  }
0x18f: {  	[tilespmem:s17], [sflag:$0x3] =	stream.linear.gather [hbm4b:s10+s2], $0x78, $0x38;
	[tilespmem:$0x1FF00] =	vst v63  }
0x190: {  	_ =	swait.ge [sflag:s20], $0x78  }
0x191: {  	[sflag:s20] =	ssyncset.done $0x0  }
0x192: {  	[sflag:s20] =	ssyncadd.s32 $0xFFFFFF88  }
0x193: {  	_ =	swait.ge [sflag:s20], $0x78  }
0x194: {  	[sflag:s20] =	ssyncset.done $0x0  }
0x195: {  	[sflag:s20] =	ssyncadd.s32 $0xFFFFFF88  }
0x196: {  	[tilespmem:s26], [sflag:$0x4] =	stream.indirect.gather [hbm4b:s4+s25], $0x80, s2, s25, $0xb8;
	[tilespmem:$0x1FF00] =	vst v63  }
0x197: {  	_ =	swait.ge [sflag:s28], $0x78  }
0x198: {  	[sflag:s28] =	ssyncset.done $0x0  }
0x199: {  	[sflag:s28] =	ssyncadd.s32 $0xFFFFFF88  }
0x19a: {  	_ =	swait.ge [sflag:s28], $0x78  }
0x19b: {  	[sflag:s28] =	ssyncset.done $0x0  }
0x19c: {  	[sflag:s28] =	ssyncadd.s32 $0xFFFFFF88  }
0x19d: {  	[tilespmem:s29], [sflag:$0x5] =	stream.indirect.gather [hbm4b:s4+s25], $0x80, s14, s25, $0xb8;
	[tilespmem:$0x1FF00] =	vst v63  }
0x19e: {  	_ =	swait.ge [sflag:s12], $0x3C00  }
0x19f: {  	[sflag:s12] =	ssyncset.done $0x0  }
0x1a0: {  	[sflag:s12] =	ssyncadd.s32 $0xFFFFC400  }
0x1a1: {  	_ =	swait.ge [sflag:s30], $0x78  }
0x1a2: {  	[sflag:s30] =	ssyncset.done $0x0  }
0x1a3: {  	[sflag:s30] =	ssyncadd.s32 $0xFFFFFF88  }
0x1a4: {  	_ =	swait.ge [sflag:s30], $0x78  }
0x1a5: {  	[sflag:s30] =	ssyncset.done $0x0  }
0x1a6: {  	[sflag:s30] =	ssyncadd.s32 $0xFFFFFF88  }
0x1a7: {  	[tilespmem:s31], [sflag:$0x6] =	stream.indirect.gather [hbm4b:s4+s25], $0x80, s16, s25, $0xb8;
	[tilespmem:$0x1FF00] =	vst v63  }
0x1a8: {  	_ = 	snop  }
0x1a9: {  	[spmem:s1] =	stream.indirect.scatter.add.f32 [tilespmem:s26], [sflag:$0x7], $0x80, s13, s25, $0xb8;
	[tilespmem:$0x1FF00] =	vst v63  }
0x1aa: {  	_ =	swait.ge [sflag:s0], $0x3C00  }
0x1ab: {  	s8 =	sadd.s32 $0x0, s18;
	[sflag:s0] =	ssyncset.done $0x0  }
0x1ac: {  	s21 =	sadd.s32 $0x5A0, s8;
	s10 =	sadd.s32 $0x0, s19;
	[sflag:s0] =	ssyncadd.s32 $0xFFFFC400  }
0x1ad: {  	[tilespmem:s2], [sflag:$0x1] =	stream.linear.gather [hbm4b:s21+s2], $0x78, $0x38;
	[tilespmem:$0x1FF00] =	vst v63  }
0x1ae: {  	s22 =	sadd.s32 $0x5A0, s10  }
0x1af: {  	[tilespmem:s13], [sflag:$0x1] =	stream.linear.gather [hbm4b:s22+s2], $0x78, $0x38;
	[tilespmem:$0x1FF00] =	vst v63  }
0x1b0: {  	_ =	swait.ge [sflag:s3], $0x3C00  }
0x1b1: {  	[sflag:s3] =	ssyncset.done $0x0  }
0x1b2: {  	[sflag:s3] =	ssyncadd.s32 $0xFFFFC400  }
0x1b3: {  	_ =	swait.ge [sflag:s20], $0x78  }
0x1b4: {  	[sflag:s20] =	ssyncset.done $0x0  }
0x1b5: {  	[sflag:s20] =	ssyncadd.s32 $0xFFFFFF88  }
0x1b6: {  	_ =	swait.ge [sflag:s20], $0x78  }
0x1b7: {  	[sflag:s20] =	ssyncset.done $0x0  }
0x1b8: {  	[sflag:s20] =	ssyncadd.s32 $0xFFFFFF88  }
0x1b9: {  	[tilespmem:s26], [sflag:$0x4] =	stream.indirect.gather [hbm4b:s4+s25], $0x80, s2, s25, $0xb8;
	[tilespmem:$0x1FF00] =	vst v63  }
0x1ba: {  	_ = 	snop  }
0x1bb: {  	[spmem:s1] =	stream.indirect.scatter.add.f32 [tilespmem:s29], [sflag:$0x7], $0x80, s15, s25, $0xb8;
	[tilespmem:$0x1FF00] =	vst v63  }
0x1bc: {  	_ =	swait.ge [sflag:s0], $0x3C00  }
0x1bd: {  	[sflag:s0] =	ssyncset.done $0x0  }
0x1be: {  	s21 =	sadd.s32 $0x780, s8;
	[sflag:s0] =	ssyncadd.s32 $0xFFFFC400  }
0x1bf: {  	[tilespmem:s14], [sflag:$0x2] =	stream.linear.gather [hbm4b:s21+s2], $0x78, $0x38;
	[tilespmem:$0x1FF00] =	vst v63  }
0x1c0: {  	s22 =	sadd.s32 $0x780, s10  }
0x1c1: {  	[tilespmem:s15], [sflag:$0x2] =	stream.linear.gather [hbm4b:s22+s2], $0x78, $0x38;
	[tilespmem:$0x1FF00] =	vst v63  }
0x1c2: {  	_ =	swait.ge [sflag:s6], $0x3C00  }
0x1c3: {  	[sflag:s6] =	ssyncset.done $0x0  }
0x1c4: {  	[sflag:s6] =	ssyncadd.s32 $0xFFFFC400  }
0x1c5: {  	_ =	swait.ge [sflag:s28], $0x78  }
0x1c6: {  	[sflag:s28] =	ssyncset.done $0x0  }
0x1c7: {  	[sflag:s28] =	ssyncadd.s32 $0xFFFFFF88  }
0x1c8: {  	_ =	swait.ge [sflag:s28], $0x78  }
0x1c9: {  	[sflag:s28] =	ssyncset.done $0x0  }
0x1ca: {  	[sflag:s28] =	ssyncadd.s32 $0xFFFFFF88  }
0x1cb: {  	[tilespmem:s29], [sflag:$0x5] =	stream.indirect.gather [hbm4b:s4+s25], $0x80, s14, s25, $0xb8;
	[tilespmem:$0x1FF00] =	vst v63  }
0x1cc: {  	_ = 	snop  }
0x1cd: {  	[spmem:s1] =	stream.indirect.scatter.add.f32 [tilespmem:s31], [sflag:$0x7], $0x80, s17, s25, $0xb8;
	[tilespmem:$0x1FF00] =	vst v63  }
0x1ce: {  	_ =	swait.ge [sflag:s0], $0x3C00  }
0x1cf: {  	[sflag:s0] =	ssyncset.done $0x0  }
0x1d0: {  	s8 =	sadd.s32 $0x960, s8;
	[sflag:s0] =	ssyncadd.s32 $0xFFFFC400  }
0x1d1: {  	[tilespmem:s16], [sflag:$0x3] =	stream.linear.gather [hbm4b:s8+s2], $0x78, $0x38;
	[tilespmem:$0x1FF00] =	vst v63  }
0x1d2: {  	s9 =	sadd.s32 $0x960, s10;
	s8 =	simm.s32 $0x5A0  }
.LBB2_2:
0x1d3: {  	[tilespmem:s17], [sflag:$0x3] =	stream.linear.gather [hbm4b:s9+s2], $0x78, $0x38;
	[tilespmem:$0x1FF00] =	vst v63  }
0x1d4: {  	s10 =	smov.u32 s8  }
0x1d5: {  	p0 =	sne.s32 s8, $0x97E0;
	s8 =	sadd.s32 $0x5A0, s8;
	_ =	swait.ge [sflag:s12], $0x3C00  }
0x1d6: {  	[sflag:s12] =	ssyncset.done $0x0  }
0x1d7: {  	[sflag:s12] =	ssyncadd.s32 $0xFFFFC400  }
0x1d8: {  	_ =	swait.ge [sflag:s30], $0x78  }
0x1d9: {  	[sflag:s30] =	ssyncset.done $0x0  }
0x1da: {  	[sflag:s30] =	ssyncadd.s32 $0xFFFFFF88  }
0x1db: {  	_ =	swait.ge [sflag:s30], $0x78  }
0x1dc: {  	[sflag:s30] =	ssyncset.done $0x0  }
0x1dd: {  	[sflag:s30] =	ssyncadd.s32 $0xFFFFFF88  }
0x1de: {  	[tilespmem:s31], [sflag:$0x6] =	stream.indirect.gather [hbm4b:s4+s25], $0x80, s16, s25, $0xb8;
	[tilespmem:$0x1FF00] =	vst v63  }
0x1df: {  	_ = 	snop  }
0x1e0: {  	[spmem:s1] =	stream.indirect.scatter.add.f32 [tilespmem:s26], [sflag:$0x7], $0x80, s13, s25, $0xb8;
	[tilespmem:$0x1FF00] =	vst v63  }
0x1e1: {  	_ =	swait.ge [sflag:s0], $0x3C00  }
0x1e2: {  	s9 =	sadd.s32 s10, s18;
	[sflag:s0] =	ssyncset.done $0x0  }
0x1e3: {  	s10 =	sadd.s32 s10, s19;
	s21 =	sadd.s32 $0x5A0, s9;
	[sflag:s0] =	ssyncadd.s32 $0xFFFFC400  }
0x1e4: {  	[tilespmem:s2], [sflag:$0x1] =	stream.linear.gather [hbm4b:s21+s2], $0x78, $0x38;
	[tilespmem:$0x1FF00] =	vst v63  }
0x1e5: {  	s21 =	sadd.s32 $0x5A0, s10  }
0x1e6: {  	[tilespmem:s13], [sflag:$0x1] =	stream.linear.gather [hbm4b:s21+s2], $0x78, $0x38;
	[tilespmem:$0x1FF00] =	vst v63  }
0x1e7: {  	_ =	swait.ge [sflag:s3], $0x3C00  }
0x1e8: {  	[sflag:s3] =	ssyncset.done $0x0  }
0x1e9: {  	[sflag:s3] =	ssyncadd.s32 $0xFFFFC400  }
0x1ea: {  	_ =	swait.ge [sflag:s20], $0x78  }
0x1eb: {  	[sflag:s20] =	ssyncset.done $0x0  }
0x1ec: {  	[sflag:s20] =	ssyncadd.s32 $0xFFFFFF88  }
0x1ed: {  	_ =	swait.ge [sflag:s20], $0x78  }
0x1ee: {  	[sflag:s20] =	ssyncset.done $0x0  }
0x1ef: {  	[sflag:s20] =	ssyncadd.s32 $0xFFFFFF88  }
0x1f0: {  	[tilespmem:s26], [sflag:$0x4] =	stream.indirect.gather [hbm4b:s4+s25], $0x80, s2, s25, $0xb8;
	[tilespmem:$0x1FF00] =	vst v63  }
0x1f1: {  	_ = 	snop  }
0x1f2: {  	[spmem:s1] =	stream.indirect.scatter.add.f32 [tilespmem:s29], [sflag:$0x7], $0x80, s15, s25, $0xb8;
	[tilespmem:$0x1FF00] =	vst v63  }
0x1f3: {  	_ =	swait.ge [sflag:s0], $0x3C00  }
0x1f4: {  	[sflag:s0] =	ssyncset.done $0x0  }
0x1f5: {  	s21 =	sadd.s32 $0x780, s9;
	[sflag:s0] =	ssyncadd.s32 $0xFFFFC400  }
0x1f6: {  	[tilespmem:s14], [sflag:$0x2] =	stream.linear.gather [hbm4b:s21+s2], $0x78, $0x38;
	[tilespmem:$0x1FF00] =	vst v63  }
0x1f7: {  	s21 =	sadd.s32 $0x780, s10  }
0x1f8: {  	[tilespmem:s15], [sflag:$0x2] =	stream.linear.gather [hbm4b:s21+s2], $0x78, $0x38;
	[tilespmem:$0x1FF00] =	vst v63  }
0x1f9: {  	_ =	swait.ge [sflag:s6], $0x3C00  }
0x1fa: {  	[sflag:s6] =	ssyncset.done $0x0  }
0x1fb: {  	[sflag:s6] =	ssyncadd.s32 $0xFFFFC400  }
0x1fc: {  	_ =	swait.ge [sflag:s28], $0x78  }
0x1fd: {  	[sflag:s28] =	ssyncset.done $0x0  }
0x1fe: {  	[sflag:s28] =	ssyncadd.s32 $0xFFFFFF88  }
0x1ff: {  	_ =	swait.ge [sflag:s28], $0x78  }
0x200: {  	[sflag:s28] =	ssyncset.done $0x0  }
0x201: {  	[sflag:s28] =	ssyncadd.s32 $0xFFFFFF88  }
0x202: {  	[tilespmem:s29], [sflag:$0x5] =	stream.indirect.gather [hbm4b:s4+s25], $0x80, s14, s25, $0xb8;
	[tilespmem:$0x1FF00] =	vst v63  }
0x203: {  	_ = 	snop  }
0x204: {  	[spmem:s1] =	stream.indirect.scatter.add.f32 [tilespmem:s31], [sflag:$0x7], $0x80, s17, s25, $0xb8;
	[tilespmem:$0x1FF00] =	vst v63  }
.Ltmp0:
0x205: {  	_ =	swait.ge [sflag:s0], $0x3C00;
	(pc) =	sbr.rel @p0 .LBB2_2-.Ltmp0, $4  }
0x206: {  	[sflag:s0] =	ssyncset.done $0x0  }
0x207: {  	s9 =	sadd.s32 $0x960, s9;
	[sflag:s0] =	ssyncadd.s32 $0xFFFFC400  }
0x208: {  	[tilespmem:s16], [sflag:$0x3] =	stream.linear.gather [hbm4b:s9+s2], $0x78, $0x38;
	[tilespmem:$0x1FF00] =	vst v63  }
0x209: {  	s9 =	sadd.s32 $0x960, s10  }
0x20a: {  	[tilespmem:s17], [sflag:$0x3] =	stream.linear.gather [hbm4b:s9+s2], $0x78, $0x38;
	[tilespmem:$0x1FF00] =	vst v63  }
0x20b: {  	_ =	swait.ge [sflag:s12], $0x3C00  }
0x20c: {  	[sflag:s12] =	ssyncset.done $0x0  }
0x20d: {  	[sflag:s12] =	ssyncadd.s32 $0xFFFFC400  }
0x20e: {  	_ =	swait.ge [sflag:s3], $0x3C00  }
0x20f: {  	[sflag:s3] =	ssyncset.done $0x0  }
0x210: {  	[sflag:s3] =	ssyncadd.s32 $0xFFFFC400  }
0x211: {  	_ =	swait.ge [sflag:s30], $0x78  }
0x212: {  	[sflag:s30] =	ssyncset.done $0x0  }
0x213: {  	[sflag:s30] =	ssyncadd.s32 $0xFFFFFF88  }
0x214: {  	_ =	swait.ge [sflag:s30], $0x78  }
0x215: {  	[sflag:s30] =	ssyncset.done $0x0  }
0x216: {  	[sflag:s30] =	ssyncadd.s32 $0xFFFFFF88  }
0x217: {  	s8 =	stileid.u32;
	[bflag:$0x0] =	sbarrier.arrive $0xFFFF  }
0x218: {  	s8 =	sshll.u32 s8, $0x6;
	s22 =	rddreg [dreg:$0x10]  }
0x219: {  	s8 =	sor.u32 $0x1C04, s8;
	s10 =	rddreg [dreg:$0x7];
	s21 =	sshrl.u32 s22, $0x3  }
0x21a: {  	[hbm:s10], [sflag:s8] =	dma.local [spmem:s21], $0x800  }
0x21b: {  	s21 =	rddreg [dreg:$0x11]  }
0x21c: {  	s10 =	rddreg [dreg:$0x8];
	s9 =	sshrl.u32 s21, $0x3  }
0x21d: {  	[hbm:s10], [sflag:s8] =	dma.local [spmem:s9], $0x800  }
0x21e: {  	s9 =	sshrl.u32 s23, $0x3;
	s10 =	rddreg [dreg:$0x9]  }
0x21f: {  	[hbm:s10], [sflag:s8] =	dma.local [spmem:s9], $0x800  }
0x220: {  	s9 =	sshrl.u32 s24, $0x3;
	s10 =	rddreg [dreg:$0xa]  }
0x221: {  	[hbm:s10], [sflag:s8] =	dma.local [spmem:s9], $0x800  }
0x222: {  	s9 =	sshrl.u32 s5, $0x3;
	s10 =	rddreg [dreg:$0xb]  }
0x223: {  	[hbm:s10], [sflag:s8] =	dma.local [spmem:s9], $0x800  }
0x224: {  	_ =	swait.ge [sflag:s12], $0x800  }
0x225: {  	[sflag:s12] =	ssyncset.done $0x0  }
0x226: {  	[sflag:s12] =	ssyncadd.s32 $0xFFFFF800  }
0x227: {  	_ =	swait.ge [sflag:s12], $0x800  }
0x228: {  	[sflag:s12] =	ssyncset.done $0x0  }
0x229: {  	[sflag:s12] =	ssyncadd.s32 $0xFFFFF800  }
0x22a: {  	_ =	swait.ge [sflag:s12], $0x800  }
0x22b: {  	[sflag:s12] =	ssyncset.done $0x0  }
0x22c: {  	[sflag:s12] =	ssyncadd.s32 $0xFFFFF800  }
0x22d: {  	_ =	swait.ge [sflag:s12], $0x800  }
0x22e: {  	[sflag:s12] =	ssyncset.done $0x0  }
0x22f: {  	[sflag:s12] =	ssyncadd.s32 $0xFFFFF800  }
0x230: {  	_ =	swait.ge [sflag:s12], $0x800  }
0x231: {  	s7 =	sadd.s32 $0x1, s7;
	s10 =	smov.u32 s23;
	s23 =	rddreg [dreg:$0x12]  }
0x232: {  	p0 =	sne.s32 s7, s23  }
.Ltmp1:
0x233: {  	_ = 	snop;
	(pc) =	sbr.rel @p0 .LBB2_1-.Ltmp1, $3  }
0x234: {  	_ =	sdelay $0x1  }
0x235: {  	[sflag:s12] =	ssyncset.done $0x0  }
0x236: {  	[sflag:s12] =	ssyncadd.s32 $0xFFFFF800  }
0x237: {  	_ =	sfence.sel $0x180000  }
0x238: {  	[bflag:$0x0] =	sbarrier.arrive $0xFFFF  }
0x239: {  	_ =	strace $0x9000004A  }
0x23a: {  	s0 =	stileid.u32;
	[bflag:$0x2] =	sbarrier.arrive $0xFFFF  }
0x23b: {  	p0 =	sne.s32 s0, $0x0;
	s0 =	rddreg [dreg:$0x2]  }
0x23c: {  	s0 =	sadd.s32 @!p0 $0x100000, s0  }
0x23d: {  	[sflag:s0] =	ssyncadd.tile.s32 @!p0 $0x1;
	_ =	shalt  }
.Lfunc_end2:
_tile_overlayer_lowered:
.L_overlay_start_2:
0x23e: {  	(tag) =	ssettag $0x2  }
0x23f: {  	s0 =	rddreg [dreg:$0x0];
	s2 =	stileid.u32  }
0x240: {  	s1 =	rddreg [dreg:$0x1];
	p0 =	sne.s32 s2, $0x0  }
0x241: {  	s3 =	rddreg [dreg:$0x2];
	[bflag:$0x3] =	sbarrier.arrive $0xFFFF;
	s2 =	simm.s32 @!p0 $0x1C07  }
0x242: {  	[timem:s3], [sflag:s2] =	dma.local @!p0 [hbm:s0], s1  }
0x243: {  	s0 =	simm.s32 @!p0 $0x7  }
0x244: {  	_ =	swait.ge @!p0 [sflag:s0], s1  }
0x245: {  	s1 =	ssub.s32 @!p0 $0x0, s1;
	[sflag:s0] =	ssyncset.done @!p0 $0x0  }
0x246: {  	[sflag:s0] =	ssyncadd.s32 @!p0 s1  }
0x247: {  	[bflag:$0x3] =	sbarrier.arrive $0xFFFF  }
0x248: {  	_ =	shalt  }

// kernel: kernel.14.cloned.1.call-start
scs
__scs_entry_jumppad:
0x0: {  	(pc) =	sbr.rel $0x88, $3  }
0x1: {  	(tag) =	ssettag $0x0;
	lr =	simm.s32 $0x1  }
0x2: {  	[smem:$0x3F9A] =	sst lr;
	_ =	strace $0xD0000000  }
0x3: {  	_ = 	snop  }
0x4: {  	_ = 	snop  }
0x5: {  	_ = 	snop  }
0x6: {  	_ = 	snop  }
0x7: {  	_ = 	snop  }
__scs_overlays_trampoline_lowered:
0x8: {  	[smem:$0x3FA9] =	sst s0  }
0x9: {  	[smem:$0x3FAA] =	sst s1  }
0xa: {  	[smem:$0x3FAB] =	sst s2  }
0xb: {  	[smem:$0x3FAC] =	sst s3  }
0xc: {  	[smem:$0x3FAD] =	sst s4  }
0xd: {  	[smem:$0x3FAE] =	sst s5  }
0xe: {  	[smem:$0x3FAF] =	sst s6  }
0xf: {  	[smem:$0x3FB0] =	sst s7  }
0x10: {  	[smem:$0x3FB1] =	sst s8  }
0x11: {  	[smem:$0x3FB2] =	sst s9;
	s0 =	simm.s32 @!p0 $0x0  }
0x12: {  	s1 =	sld [smem:$0x3F98];
	s0 =	simm.s32 @p0 $0x1  }
0x13: {  	[smem:$0x3FB3] =	sst s0;
	s0 =	simm.s32 @!p1 $0x0  }
0x14: {  	s2 =	sld [smem:$0x3F97];
	s0 =	simm.s32 @p1 $0x1  }
0x15: {  	[smem:$0x3FB4] =	sst s0;
	s0 =	simm.s32 @!p2 $0x0  }
0x16: {  	s3 =	sld [smem:$0x3FDB];
	s0 =	simm.s32 @p2 $0x1  }
0x17: {  	s4 =	simm.s32 $0x1BF5;
	[smem:$0x3FB6] =	sst s0  }
0x18: {  	s0 =	sld [smem:$0x3F99];
	_ =	swait.ge [sflag:s4], $0x0  }
0x19: {  	s7 =	sld [smem:$0x3F9A]  }
0x1a: {  	s8 =	sadd.s32 $0xFFFFE003, lr  }
0x1b: {  	s9 =	sadd.s32 $0xFFFFFEF7, lr;
	s5 =	simm.s32 $0xFFFFFFFF;
	p2 =	slt.u32 s8, $0xFFFFF086  }
0x1c: {  	p1 =	slt.u32 s9, $0xF7A;
	s5 =	simm.s32 @!p2 $0x0  }
0x1d: {  	s5 =	simm.s32 @p1 $0x1;
	p0 =	seq.s32 s7, s2  }
0x1e: {  	s7 =	smul.u32 @!p0 $0xF7A, s2;
	p2 =	seq.s32 @!p0 s5, $0x0  }
0x1f: {  	s9 =	smul.u32 $0xF7A, s1;
	s8 =	simm.s32 @!p0 $0x1BF5;
	p2 =	por !p2, p0  }
0x20: {  	[sflag:s8] =	ssyncset.s32 @!p0 $0xFFFFF086;
	s6 =	sadd.s32 @!p0 s3, s7;
	s7 =	simm.s32 @!p0 $0x108  }
0x21: {  	s3 =	sadd.s32 s3, s9;
	s6 =	sadd.s32 @!p0 $0x88, s6;
	s7 =	simm.s32 @p2 $0x1082  }
0x22: {  	[simem:s7], [sflag:s8] =	dma.local @!p0 [hbm:s6], $0xF7A  }
0x23: {  	s9 =	sor.u32 $0xD0000000, s2;
	s6 =	simm.s32 $0x108;
	_ =	swait.ge @!p0 [sflag:s8], $0x0  }
0x24: {  	s3 =	sadd.s32 $0x88, s3;
	s6 =	simm.s32 @!p1 $0x1082;
	[sflag:s4] =	ssyncset.s32 $0xFFFFF086  }
0x25: {  	[simem:s6], [sflag:s4] =	dma.local [hbm:s3], $0xF7A  }
0x26: {  	[smem:$0x3F9A] =	sst s1;
	(tag) =	ssettag s2;
	_ =	strace s9  }
0x27: {  	s1 =	sld [smem:$0x3FAA]  }
0x28: {  	s2 =	sld [smem:$0x3FAB]  }
0x29: {  	s4 =	sld [smem:$0x3FAD]  }
0x2a: {  	p0 =	seq.s32 s5, $0x0;
	s5 =	sld [smem:$0x3FAE]  }
0x2b: {  	s6 =	sld [smem:$0x3FAF]  }
0x2c: {  	s7 =	sld [smem:$0x3FB0]  }
0x2d: {  	s3 =	simm.s32 $0x108;
	s8 =	sld [smem:$0x3FB1]  }
0x2e: {  	s3 =	simm.s32 @!p0 $0x1082;
	s9 =	sld [smem:$0x3FB2]  }
0x2f: {  	lr =	sadd.s32 s0, s3;
	s0 =	sld [smem:$0x3FA9]  }
0x30: {  	s3 =	sld [smem:$0x3FAC]  }
0x31: {  	[smem:$0x3FB5] =	sst s10  }
0x32: {  	s10 =	sld [smem:$0x3FB3];
	_ =	sdelay $0x3  }
0x33: {  	p0 =	seq.s32 s10, $0x1;
	s10 =	sld [smem:$0x3FB5];
	_ =	sdelay $0x3  }
0x34: {  	[smem:$0x3FB5] =	sst s10  }
0x35: {  	s10 =	sld [smem:$0x3FB4];
	_ =	sdelay $0x3  }
0x36: {  	p1 =	seq.s32 s10, $0x1;
	s10 =	sld [smem:$0x3FB5];
	_ =	sdelay $0x3  }
0x37: {  	[smem:$0x3FB5] =	sst s10  }
0x38: {  	s10 =	sld [smem:$0x3FB6]  }
0x39: {  	_ = 	snop;
	(pc) =	sbr.ind lr, $3  }
0x3a: {  	_ = 	snop  }
0x3b: {  	_ = 	snop  }
0x3c: {  	p2 =	seq.s32 s10, $0x1;
	s10 =	sld [smem:$0x3FB5]  }
0x3d: {  	_ =	shalt  }
0x3e: {  	_ =	shalt  }
0x3f: {  	_ =	shalt  }
0x40: {  	_ =	shalt  }
0x41: {  	_ =	shalt  }
0x42: {  	_ =	shalt  }
0x43: {  	_ =	shalt  }
0x44: {  	_ =	shalt  }
0x45: {  	_ =	shalt  }
0x46: {  	_ =	shalt  }
0x47: {  	_ =	shalt  }
0x48: {  	_ =	shalt  }
0x49: {  	_ =	shalt  }
0x4a: {  	_ =	shalt  }
0x4b: {  	_ =	shalt  }
0x4c: {  	_ =	shalt  }
0x4d: {  	_ =	shalt  }
0x4e: {  	_ =	shalt  }
0x4f: {  	_ =	shalt  }
0x50: {  	_ =	shalt  }
0x51: {  	_ =	shalt  }
0x52: {  	_ =	shalt  }
0x53: {  	_ =	shalt  }
0x54: {  	_ =	shalt  }
0x55: {  	_ =	shalt  }
0x56: {  	_ =	shalt  }
0x57: {  	_ =	shalt  }
0x58: {  	_ =	shalt  }
0x59: {  	_ =	shalt  }
0x5a: {  	_ =	shalt  }
0x5b: {  	_ =	shalt  }
0x5c: {  	_ =	shalt  }
0x5d: {  	_ =	shalt  }
0x5e: {  	_ =	shalt  }
0x5f: {  	_ =	shalt  }
0x60: {  	_ =	shalt  }
0x61: {  	_ =	shalt  }
0x62: {  	_ =	shalt  }
0x63: {  	_ =	shalt  }
0x64: {  	_ =	shalt  }
0x65: {  	_ =	shalt  }
0x66: {  	_ =	shalt  }
0x67: {  	_ =	shalt  }
0x68: {  	_ =	shalt  }
0x69: {  	_ =	shalt  }
0x6a: {  	_ =	shalt  }
0x6b: {  	_ =	shalt  }
0x6c: {  	_ =	shalt  }
0x6d: {  	_ =	shalt  }
0x6e: {  	_ =	shalt  }
0x6f: {  	_ =	shalt  }
0x70: {  	_ =	shalt  }
0x71: {  	_ =	shalt  }
0x72: {  	_ =	shalt  }
0x73: {  	_ =	shalt  }
0x74: {  	_ =	shalt  }
0x75: {  	_ =	shalt  }
0x76: {  	_ =	shalt  }
0x77: {  	_ =	shalt  }
0x78: {  	_ =	shalt  }
0x79: {  	_ =	shalt  }
0x7a: {  	_ =	shalt  }
0x7b: {  	_ =	shalt  }
0x7c: {  	_ =	shalt  }
0x7d: {  	_ =	shalt  }
0x7e: {  	_ =	shalt  }
0x7f: {  	_ =	shalt  }
0x80: {  	_ =	shalt  }
0x81: {  	_ =	shalt  }
0x82: {  	_ =	shalt  }
0x83: {  	_ =	shalt  }
0x84: {  	_ =	shalt  }
0x85: {  	_ =	shalt  }
0x86: {  	_ =	shalt  }
0x87: {  	_ =	shalt  }
.Lfunc_end0:
.L_simem_size_0:
called_computation.2_lowered:
.L_overlay_start_0:
0x88: {  	s2 =	sld [smem:$0x3FD9]  }
0x89: {  	s3 =	sld [smem:$0x3FFE];
	_ =	sdelay $0x1  }
0x8a: {  	s1 =	srdreg.scid  }
0x8b: {  	s0 =	sand.u32 $0x1, s1  }
0x8c: {  	s16 =	sshll.u32 s0, $0xA;
	s2 =	sadd.s32 s3, s2  }
0x8d: {  	s2 =	sadd.s32 s2, s16  }
0x8e: {  	[smem:$0x3FC1] =	sst s2  }
0x8f: {  	_ = 	snop  }
0x90: {  	(tm) =	ssettm $0x1  }
0x91: {  	s17 =	sld [smem:$0x3FFB];
	_ =	sdelay $0x3  }
0x92: {  	_ =	strace s17  }
0x93: {  	s2 =	sld [smem:$0x3FFC];
	_ =	sdelay $0x3  }
0x94: {  	_ =	strace s2  }
0x95: {  	s2 =	sld [smem:$0x3FFD];
	_ =	sdelay $0x3  }
0x96: {  	_ =	strace s2  }
0x97: {  	_ =	strace $0x8FFFFFFF  }
0x98: {  	s18 =	sld [smem:$0x3FDB];
	_ =	sdelay $0x1  }
0x99: {  	s19 =	simm.s32 $_scs_section_size  }
0x9a: {  	s4 =	simm.s32 $_size__tile_overlayer_lowered;
	s5 =	simm.s32 $_tile_overlayer_lowered  }
0x9b: {  	s22 =	simm.s32 $0x1BFF;
	s21 =	sshll.u32 s5, $0x1;
	s2 =	sadd.s32 s19, s18  }
0x9c: {  	s6 =	simm.s32 $0x0;
	s20 =	sshll.u32 s4, $0x1;
	s4 =	sadd.s32 s21, s2  }
0x9d: {  	[timem:s6], [sflag:s22] =	dma.local [hbm:s4], s20  }
0x9e: {  	_ =	swait.ge [sflag:s22], s20  }
0x9f: {  	s3 =	ssub.s32 $0x0, s20;
	[sflag:s22] =	ssyncset.done $0x0  }
0xa0: {  	[sflag:s22] =	ssyncadd.s32 s3;
	_ =	sdelay $0x1  }
0xa1: {  	s23 =	simm.s32 $0x1B8B  }
0xa2: {  	_ =	swait.ge [sflag:s23], $0x1  }
0xa3: {  	[sflag:s23] =	ssyncset.done $0x0  }
0xa4: {  	s25 =	simm.s32 $0x1B8E;
	s24 =	sld [smem:$0x3FFE];
	[sflag:s23] =	ssyncadd.s32 $0xFFFFFFFF  }
0xa5: {  	s26 =	simm.s32 $execute0_lowered;
	[smem:$0x3FD2] =	sst s25  }
0xa6: {  	s4 =	sshll.u32 s26, $0x1;
	_ =	strace $0x8000004C;
	[dreg:$0x1] =	wrdreg $0xFFFFFFFF  }
0xa7: {  	s28 =	simm.s32 $_size_execute0_lowered;
	s2 =	sadd.s32 s2, s4;
	[dreg:$0x0] =	wrdreg $0x0  }
0xa8: {  	s4 =	sshll.u32 s28, $0x1;
	[dreg:$0x2] =	wrdreg s2  }
0xa9: {  	[dreg:$0x3] =	wrdreg s4  }
0xaa: {  	[dreg:$0x4] =	wrdreg $0xC0  }
0xab: {  	_ =	task [dreg:s6], $0x5FFFF  }
0xac: {  	[dreg:$0x1] =	wrdreg $0xFFFFFFFF  }
0xad: {  	[dreg:$0x0] =	wrdreg $0x60  }
0xae: {  	[dreg:$0x2] =	wrdreg s24  }
0xaf: {  	[dreg:$0x3] =	wrdreg $0xBF000  }
0xb0: {  	[dreg:$0x4] =	wrdreg $0x9  }
0xb1: {  	_ =	task.clear_ibuf [dreg:s6], $0x5FFFF;
	_ =	strace $0x9000004C  }
0xb2: {  	s29 =	simm.s32 $0x9;
	_ =	strace $0x8000004E  }
0xb3: {  	_ =	swait.ge [sflag:s29], $0x1  }
0xb4: {  	[sflag:s29] =	ssyncadd.s32 $0xFFFFFFFF  }
0xb5: {  	_ =	strace $0x9000004E  }
0xb6: {  	_ =	sfence  }
0xb7: {  	s30 =	sld [smem:$0x0];
	_ =	sdelay $0x2  }
0xb8: {  	s31 =	sshll.u32 s1, $0xD;
	s1 =	sshrl.u32 s1, $0x2  }
0xb9: {  	s3 =	sand.u32 $0x4000, s31;
	s1 =	sadd.s32 s1, s30  }
0xba: {  	s0 =	sor.u32 s3, s0;
	s1 =	sshll.u32 s1, $0x11  }
0xbb: {  	s0 =	sor.u32 s1, s0  }
0xbc: {  	s0 =	sadd.s32 $0x8F2B, s0  }
0xbd: {  	[sflag:s0] =	ssyncadd.remote.s32 $0x1  }
0xbe: {  	_ =	sfence.sel $0xFFFF  }
0xbf: {  	[dreg:$0x0] =	wrdreg $0xFFFFFFFF;
	(pc) =	sbr.abs _section_cstart, $3  }
0xc0: {  	[dreg:$0x1] =	wrdreg $0xFFFFFFFF  }
0xc1: {  	_ =	task.clear_ibuf [dreg:s6], $0x2FFFF;
	_ =	strace $0x9FFFFFFF  }
0xc2: {  	(tm) =	ssettm $0x7FFFFFFF  }
0xc3: {  	_ =	shalt  }
tec
execute0_lowered:
.L_overlay_start_1:
0x0: {  	(tag) =	ssettag $0x1  }
0x1: {  	s0 =	rddreg [dreg:$0x0]  }
0x2: {  	s1 =	rddreg [dreg:$0x1];
	s2 =	simm.s32 $0x0;
	s5 =	srdreg.scid  }
0x3: {  	s17 =	stileid.u32;
	[smem:$0x7FF] =	sst s2;
	s3 =	sadd.s32 $0xCA00, s0  }
0x4: {  	s6 =	sadd.s32 $0x2400, s0;
	s7 =	sand.u32 $0x1, s5;
	s8 =	smul.u32 $0x50000, s17  }
0x5: {  	s10 =	sshll.u32 s17, $0x1;
	s11 =	smul.u32 $0x14000, s17;
	_ =	strace $0x8000004D  }
0x6: {  	s5 =	ssub.s32 $0x2, s7;
	s10 =	sor.u32 s7, s10;
	s16 =	smul.u32 $0x140000, s7  }
0x7: {  	s25 =	sshrl.u32 s8, $0x2;
	s8 =	sadd.s32 $0x4000, s11;
	s12 =	smul.u32 $0x78, s10  }
0x8: {  	s13 =	sadd.s32 $0x8000, s11;
	s14 =	sadd.s32 $0xC000, s11;
	s10 =	smul.u32 $0xF, s10  }
0x9: {  	s15 =	sadd.s32 $0x10000, s11;
	s22 =	sadd.s32 s25, s1;
	s19 =	sadd.s32 s11, s16  }
0xa: {  	s20 =	sadd.s32 s16, s8;
	s23 =	sadd.s32 s16, s13;
	s12 =	sshrl.u32 s12, $0x3  }
0xb: {  	s18 =	sadd.s32 s3, s10;
	s10 =	sadd.s32 s6, s10;
	[dreg:$0x10] =	wrdreg s22  }
0xc: {  	s21 =	sshrl.u32 s20, $0x3;
	s24 =	sshrl.u32 s23, $0x3;
	[dreg:$0x3] =	wrdreg s18  }
0xd: {  	s20 =	smul.u32 $0xF, s7;
	s23 =	sadd.s32 $0x800, s22;
	[dreg:$0x4] =	wrdreg s10  }
0xe: {  	s7 =	sadd.s32 $0x3000, s22;
	s26 =	sadd.s32 $0x1E0, s12;
	[dreg:$0xe] =	wrdreg s23  }
0xf: {  	s11 =	sadd.s32 $0x3C0, s12;
	[dreg:$0x16] =	wrdreg s7;
	s12 =	sadd.s32 $0x5800, s22  }
0x10: {  	s18 =	smul.u32 $0x1E, s17;
	s17 =	sadd.s32 $0x8800, s22;
	[dreg:$0x1a] =	wrdreg s12  }
0x11: {  	s23 =	sadd.s32 $0x9800, s22;
	[dreg:$0x1f] =	wrdreg s17  }
0x12: {  	s9 =	sshrl.u32 s5, $0x1;
	s7 =	sadd.s32 $0xC800, s22;
	[smem:$0x7EB] =	sst s23  }
0x13: {  	s9 =	ssub.s32 s5, s9;
	s5 =	sadd.s32 s3, s26;
	[smem:$0x7F0] =	sst s7  }
0x14: {  	s25 =	sadd.s32 s16, s14;
	s10 =	sadd.s32 s6, s26;
	[dreg:$0x5] =	wrdreg s5  }
0x15: {  	s26 =	sshrl.u32 s25, $0x3;
	s25 =	smax.u32 s9, $0x1;
	[dreg:$0x6] =	wrdreg s10  }
0x16: {  	s9 =	sadd.s32 $0x4800, s22;
	[dreg:$0x12] =	wrdreg s25  }
0x17: {  	s12 =	sadd.s32 $0xE800, s22;
	[dreg:$0x18] =	wrdreg s9  }
0x18: {  	s17 =	sadd.s32 $0x11800, s22;
	[smem:$0x7F4] =	sst s12  }
0x19: {  	s4 =	sadd.s32 $0x17000, s0;
	s23 =	sadd.s32 $0x12800, s22;
	[smem:$0x7F9] =	sst s17  }
0x1a: {  	s10 =	sshrl.u32 s19, $0x3;
	s19 =	sadd.s32 s3, s11;
	[smem:$0x7FB] =	sst s23  }
0x1b: {  	s0 =	sadd.s32 $0x3F000, s0;
	s25 =	sadd.s32 $0xA000, s22;
	[dreg:$0xc] =	wrdreg s19  }
0x1c: {  	s5 =	sadd.s32 s16, s15;
	s9 =	sadd.s32 $0xD800, s22;
	[smem:$0x7EC] =	sst s25  }
0x1d: {  	s10 =	sadd.s32 s0, s10;
	s16 =	sshrl.u32 s5, $0x3;
	[smem:$0x7F2] =	sst s9  }
0x1e: {  	s5 =	sadd.s32 s15, s1;
	s15 =	sadd.s32 $0x7000, s22;
	[dreg:$0x7] =	wrdreg s10  }
0x1f: {  	s25 =	sadd.s32 $0x13000, s22;
	[dreg:$0x1d] =	wrdreg s15  }
0x20: {  	s3 =	sadd.s32 s18, s3;
	s10 =	sadd.s32 s0, s21;
	[smem:$0x7FC] =	sst s25  }
0x21: {  	s21 =	sadd.s32 s6, s11;
	s6 =	sadd.s32 s18, s6;
	[dreg:$0x8] =	wrdreg s10  }
0x22: {  	s18 =	sadd.s32 s20, s3;
	s3 =	sadd.s32 $0x2000, s22;
	[dreg:$0xd] =	wrdreg s21  }
0x23: {  	s11 =	sadd.s32 $0x5000, s22;
	[dreg:$0x14] =	wrdreg s3  }
0x24: {  	s15 =	sadd.s32 $0x10800, s22;
	[dreg:$0x19] =	wrdreg s11  }
0x25: {  	s10 =	sadd.s32 s0, s24;
	[smem:$0x7F7] =	sst s15  }
0x26: {  	s24 =	sadd.s32 $0x1000, s22;
	[dreg:$0x9] =	wrdreg s10  }
0x27: {  	s19 =	sadd.s32 s20, s6;
	s6 =	sadd.s32 $0x2800, s22;
	[dreg:$0xf] =	wrdreg s24  }
0x28: {  	s21 =	sadd.s32 s8, s1;
	s8 =	sadd.s32 $0x3800, s22;
	[dreg:$0x15] =	wrdreg s6  }
0x29: {  	s20 =	sadd.s32 $0x9000, s22;
	[dreg:$0x17] =	wrdreg s8  }
0x2a: {  	s28 =	simm.s32 $0x2;
	s3 =	sadd.s32 $0xB000, s22;
	[smem:$0x7EA] =	sst s20  }
0x2b: {  	s29 =	simm.s32 $0x3F00;
	s11 =	sadd.s32 $0xE000, s22;
	[smem:$0x7EE] =	sst s3  }
0x2c: {  	s30 =	simm.s32 $0x3;
	s31 =	simm.s32 $0x7B00;
	[smem:$0x7F3] =	sst s11  }
0x2d: {  	s7 =	simm.s32 $0x0;
	s10 =	sadd.s32 s0, s26;
	[dreg:$0x11] =	wrdreg s21  }
0x2e: {  	s12 =	simm.s32 $0x4;
	s0 =	sadd.s32 s0, s16;
	[dreg:$0xa] =	wrdreg s10  }
0x2f: {  	s17 =	simm.s32 $0x280;
	s26 =	sadd.s32 $0x1800, s22;
	[dreg:$0xb] =	wrdreg s0  }
0x30: {  	s24 =	sadd.s32 s14, s1;
	s14 =	sadd.s32 $0x6800, s22;
	[dreg:$0x13] =	wrdreg s26  }
0x31: {  	s25 =	simm.s32 $0x78;
	s16 =	sadd.s32 $0x7800, s22;
	[dreg:$0x1c] =	wrdreg s14  }
0x32: {  	s15 =	simm.s32 $0x200;
	s6 =	sadd.s32 $0xB800, s22;
	[dreg:$0x1e] =	wrdreg s16  }
0x33: {  	s8 =	sadd.s32 $0xD000, s22;
	s20 =	sadd.s32 $0x12000, s22;
	[smem:$0x7EF] =	sst s6  }
0x34: {  	s11 =	simm.s32 $0xB700;
	s3 =	simm.s32 $0x5;
	[smem:$0x7F1] =	sst s8  }
0x35: {  	s10 =	sadd.s32 s13, s1;
	s13 =	sadd.s32 $0x6000, s22;
	[smem:$0x7FA] =	sst s20  }
0x36: {  	s26 =	sadd.s32 $0xA800, s22;
	s14 =	sadd.s32 $0xF800, s22;
	[dreg:$0x1b] =	wrdreg s13  }
0x37: {  	s16 =	sadd.s32 $0x11000, s22;
	s20 =	simm.s32 $0x1;
	[smem:$0x7ED] =	sst s26  }
0x38: {  	s0 =	simm.s32 $0x7;
	s6 =	simm.s32 $0x6;
	[smem:$0x7F6] =	sst s14  }
0x39: {  	s13 =	sadd.s32 $0xF000, s22;
	[smem:$0x7F8] =	sst s16;
	s26 =	sadd.s32 $0x13800, s22  }
0x3a: {  	s14 =	simm.s32 $0x80;
	s16 =	simm.s32 $0x100;
	[smem:$0x7F5] =	sst s13  }
0x3b: {  	v0 =	vimm.f32 $0.0e+00;
	[smem:$0x7FD] =	sst s26;
	s13 =	simm.s32 $0x180;
	s26 =	simm.s32 $0x300  }
.LBB2_1:
0x3c: {  	[tilespmem:$0xB700] =	vst v0  }
0x3d: {  	[tilespmem:$0xB710] =	vst v0  }
0x3e: {  	[tilespmem:$0xB720] =	vst v0  }
0x3f: {  	[tilespmem:$0xB730] =	vst v0  }
0x40: {  	[tilespmem:$0xB740] =	vst v0  }
0x41: {  	[tilespmem:$0xB750] =	vst v0  }
0x42: {  	[tilespmem:$0xB760] =	vst v0  }
0x43: {  	[tilespmem:$0xB770] =	vst v0  }
0x44: {  	[tilespmem:$0xB780] =	vst v0  }
0x45: {  	[tilespmem:$0xB790] =	vst v0  }
0x46: {  	[tilespmem:$0xB7A0] =	vst v0  }
0x47: {  	[tilespmem:$0xB7B0] =	vst v0  }
0x48: {  	[tilespmem:$0xB7C0] =	vst v0  }
0x49: {  	[tilespmem:$0xB7D0] =	vst v0  }
0x4a: {  	[tilespmem:$0xB7E0] =	vst v0  }
0x4b: {  	[tilespmem:$0xB7F0] =	vst v0  }
0x4c: {  	[tilespmem:$0xB800] =	vst v0  }
0x4d: {  	[tilespmem:$0xB810] =	vst v0  }
0x4e: {  	[tilespmem:$0xB820] =	vst v0  }
0x4f: {  	[tilespmem:$0xB830] =	vst v0  }
0x50: {  	[tilespmem:$0xB840] =	vst v0  }
0x51: {  	[tilespmem:$0xB850] =	vst v0  }
0x52: {  	[tilespmem:$0xB860] =	vst v0  }
0x53: {  	[tilespmem:$0xB870] =	vst v0  }
0x54: {  	[tilespmem:$0xB880] =	vst v0  }
0x55: {  	[tilespmem:$0xB890] =	vst v0  }
0x56: {  	[tilespmem:$0xB8A0] =	vst v0  }
0x57: {  	[tilespmem:$0xB8B0] =	vst v0  }
0x58: {  	[tilespmem:$0xB8C0] =	vst v0  }
0x59: {  	[tilespmem:$0xB8D0] =	vst v0  }
0x5a: {  	[tilespmem:$0xB8E0] =	vst v0  }
0x5b: {  	[tilespmem:$0xB8F0] =	vst v0  }
0x5c: {  	[tilespmem:$0xB900] =	vst v0  }
0x5d: {  	[tilespmem:$0xB910] =	vst v0  }
0x5e: {  	[tilespmem:$0xB920] =	vst v0  }
0x5f: {  	[tilespmem:$0xB930] =	vst v0  }
0x60: {  	[tilespmem:$0xB940] =	vst v0  }
0x61: {  	[tilespmem:$0xB950] =	vst v0  }
0x62: {  	[tilespmem:$0xB960] =	vst v0  }
0x63: {  	[tilespmem:$0xB970] =	vst v0  }
0x64: {  	[tilespmem:$0xB980] =	vst v0  }
0x65: {  	[tilespmem:$0xB990] =	vst v0  }
0x66: {  	[tilespmem:$0xB9A0] =	vst v0  }
0x67: {  	[tilespmem:$0xB9B0] =	vst v0  }
0x68: {  	[tilespmem:$0xB9C0] =	vst v0  }
0x69: {  	[tilespmem:$0xB9D0] =	vst v0  }
0x6a: {  	[tilespmem:$0xB9E0] =	vst v0  }
0x6b: {  	[tilespmem:$0xB9F0] =	vst v0  }
0x6c: {  	[tilespmem:$0xBA00] =	vst v0  }
0x6d: {  	[tilespmem:$0xBA10] =	vst v0  }
0x6e: {  	[tilespmem:$0xBA20] =	vst v0  }
0x6f: {  	[tilespmem:$0xBA30] =	vst v0  }
0x70: {  	[tilespmem:$0xBA40] =	vst v0  }
0x71: {  	[tilespmem:$0xBA50] =	vst v0  }
0x72: {  	[tilespmem:$0xBA60] =	vst v0  }
0x73: {  	[tilespmem:$0xBA70] =	vst v0  }
0x74: {  	[tilespmem:$0xBA80] =	vst v0  }
0x75: {  	[tilespmem:$0xBA90] =	vst v0  }
0x76: {  	[tilespmem:$0xBAA0] =	vst v0  }
0x77: {  	[tilespmem:$0xBAB0] =	vst v0  }
0x78: {  	[tilespmem:$0xBAC0] =	vst v0  }
0x79: {  	[tilespmem:$0xBAD0] =	vst v0  }
0x7a: {  	[tilespmem:$0xBAE0] =	vst v0  }
0x7b: {  	[tilespmem:$0xBAF0] =	vst v0  }
0x7c: {  	[tilespmem:$0xBB00] =	vst v0  }
0x7d: {  	[tilespmem:$0xBB10] =	vst v0  }
0x7e: {  	[tilespmem:$0xBB20] =	vst v0  }
0x7f: {  	[tilespmem:$0xBB30] =	vst v0  }
0x80: {  	[tilespmem:$0xBB40] =	vst v0  }
0x81: {  	[tilespmem:$0xBB50] =	vst v0  }
0x82: {  	[tilespmem:$0xBB60] =	vst v0  }
0x83: {  	[tilespmem:$0xBB70] =	vst v0  }
0x84: {  	[tilespmem:$0xBB80] =	vst v0  }
0x85: {  	[tilespmem:$0xBB90] =	vst v0  }
0x86: {  	[tilespmem:$0xBBA0] =	vst v0  }
0x87: {  	[tilespmem:$0xBBB0] =	vst v0  }
0x88: {  	[tilespmem:$0xBBC0] =	vst v0  }
0x89: {  	[tilespmem:$0xBBD0] =	vst v0  }
0x8a: {  	[tilespmem:$0xBBE0] =	vst v0  }
0x8b: {  	[tilespmem:$0xBBF0] =	vst v0  }
0x8c: {  	[tilespmem:$0xBC00] =	vst v0  }
0x8d: {  	[tilespmem:$0xBC10] =	vst v0  }
0x8e: {  	[tilespmem:$0xBC20] =	vst v0  }
0x8f: {  	[tilespmem:$0xBC30] =	vst v0  }
0x90: {  	[tilespmem:$0xBC40] =	vst v0  }
0x91: {  	[tilespmem:$0xBC50] =	vst v0  }
0x92: {  	[tilespmem:$0xBC60] =	vst v0  }
0x93: {  	[tilespmem:$0xBC70] =	vst v0  }
0x94: {  	[tilespmem:$0xBC80] =	vst v0  }
0x95: {  	[tilespmem:$0xBC90] =	vst v0  }
0x96: {  	[tilespmem:$0xBCA0] =	vst v0  }
0x97: {  	[tilespmem:$0xBCB0] =	vst v0  }
0x98: {  	[tilespmem:$0xBCC0] =	vst v0  }
0x99: {  	[tilespmem:$0xBCD0] =	vst v0  }
0x9a: {  	[tilespmem:$0xBCE0] =	vst v0  }
0x9b: {  	[tilespmem:$0xBCF0] =	vst v0  }
0x9c: {  	[tilespmem:$0xBD00] =	vst v0  }
0x9d: {  	[tilespmem:$0xBD10] =	vst v0  }
0x9e: {  	[tilespmem:$0xBD20] =	vst v0  }
0x9f: {  	[tilespmem:$0xBD30] =	vst v0  }
0xa0: {  	[tilespmem:$0xBD40] =	vst v0  }
0xa1: {  	[tilespmem:$0xBD50] =	vst v0  }
0xa2: {  	[tilespmem:$0xBD60] =	vst v0  }
0xa3: {  	[tilespmem:$0xBD70] =	vst v0  }
0xa4: {  	[tilespmem:$0xBD80] =	vst v0  }
0xa5: {  	[tilespmem:$0xBD90] =	vst v0  }
0xa6: {  	[tilespmem:$0xBDA0] =	vst v0  }
0xa7: {  	[tilespmem:$0xBDB0] =	vst v0  }
0xa8: {  	[tilespmem:$0xBDC0] =	vst v0  }
0xa9: {  	[tilespmem:$0xBDD0] =	vst v0  }
0xaa: {  	[tilespmem:$0xBDE0] =	vst v0  }
0xab: {  	[tilespmem:$0xBDF0] =	vst v0  }
0xac: {  	[tilespmem:$0xBE00] =	vst v0  }
0xad: {  	[tilespmem:$0xBE10] =	vst v0  }
0xae: {  	[tilespmem:$0xBE20] =	vst v0  }
0xaf: {  	[tilespmem:$0xBE30] =	vst v0  }
0xb0: {  	[tilespmem:$0xBE40] =	vst v0  }
0xb1: {  	[tilespmem:$0xBE50] =	vst v0  }
0xb2: {  	[tilespmem:$0xBE60] =	vst v0  }
0xb3: {  	[tilespmem:$0xBE70] =	vst v0  }
0xb4: {  	[tilespmem:$0xBE80] =	vst v0  }
0xb5: {  	[tilespmem:$0xBE90] =	vst v0  }
0xb6: {  	[tilespmem:$0xBEA0] =	vst v0  }
0xb7: {  	[tilespmem:$0xBEB0] =	vst v0  }
0xb8: {  	[tilespmem:$0xBEC0] =	vst v0  }
0xb9: {  	[tilespmem:$0xBED0] =	vst v0  }
0xba: {  	[tilespmem:$0xBEE0] =	vst v0  }
0xbb: {  	[tilespmem:$0xBEF0] =	vst v0  }
0xbc: {  	[spmem:s22] =	stream.linear.scatter [tilespmem:s11], [sflag:$0x4], $0x800, $0x38;
	[tilespmem:$0x1FF00] =	vst v63  }
0xbd: {  	s8 =	rddreg [dreg:$0xe]  }
0xbe: {  	[spmem:s8] =	stream.linear.scatter [tilespmem:s11], [sflag:$0x4], $0x800, $0x38;
	[tilespmem:$0x1FF00] =	vst v63  }
0xbf: {  	s23 =	rddreg [dreg:$0xf]  }
0xc0: {  	[spmem:s23] =	stream.linear.scatter [tilespmem:s11], [sflag:$0x4], $0x800, $0x38;
	[tilespmem:$0x1FF00] =	vst v63  }
0xc1: {  	s9 =	rddreg [dreg:$0x13]  }
0xc2: {  	[spmem:s9] =	stream.linear.scatter [tilespmem:s11], [sflag:$0x4], $0x800, $0x38;
	[tilespmem:$0x1FF00] =	vst v63  }
0xc3: {  	s22 =	rddreg [dreg:$0x14]  }
0xc4: {  	[spmem:s22] =	stream.linear.scatter [tilespmem:s11], [sflag:$0x4], $0x800, $0x38;
	[tilespmem:$0x1FF00] =	vst v63  }
0xc5: {  	s23 =	rddreg [dreg:$0x15]  }
0xc6: {  	[spmem:s23] =	stream.linear.scatter [tilespmem:s11], [sflag:$0x4], $0x800, $0x38;
	[tilespmem:$0x1FF00] =	vst v63  }
0xc7: {  	s9 =	rddreg [dreg:$0x16]  }
0xc8: {  	[spmem:s9] =	stream.linear.scatter [tilespmem:s11], [sflag:$0x4], $0x800, $0x38;
	[tilespmem:$0x1FF00] =	vst v63  }
0xc9: {  	s22 =	rddreg [dreg:$0x17]  }
0xca: {  	[spmem:s22] =	stream.linear.scatter [tilespmem:s11], [sflag:$0x4], $0x800, $0x38;
	[tilespmem:$0x1FF00] =	vst v63  }
0xcb: {  	_ = 	snop  }
0xcc: {  	[spmem:s21] =	stream.linear.scatter [tilespmem:s11], [sflag:$0x4], $0x800, $0x38;
	[tilespmem:$0x1FF00] =	vst v63  }
0xcd: {  	s23 =	rddreg [dreg:$0x18]  }
0xce: {  	[spmem:s23] =	stream.linear.scatter [tilespmem:s11], [sflag:$0x4], $0x800, $0x38;
	[tilespmem:$0x1FF00] =	vst v63  }
0xcf: {  	s8 =	rddreg [dreg:$0x19]  }
0xd0: {  	[spmem:s8] =	stream.linear.scatter [tilespmem:s11], [sflag:$0x4], $0x800, $0x38;
	[tilespmem:$0x1FF00] =	vst v63  }
0xd1: {  	s21 =	rddreg [dreg:$0x1a]  }
0xd2: {  	[spmem:s21] =	stream.linear.scatter [tilespmem:s11], [sflag:$0x4], $0x800, $0x38;
	[tilespmem:$0x1FF00] =	vst v63  }
0xd3: {  	s22 =	rddreg [dreg:$0x1b]  }
0xd4: {  	[spmem:s22] =	stream.linear.scatter [tilespmem:s11], [sflag:$0x4], $0x800, $0x38;
	[tilespmem:$0x1FF00] =	vst v63  }
0xd5: {  	s23 =	rddreg [dreg:$0x1c]  }
0xd6: {  	[spmem:s23] =	stream.linear.scatter [tilespmem:s11], [sflag:$0x4], $0x800, $0x38;
	[tilespmem:$0x1FF00] =	vst v63  }
0xd7: {  	s8 =	rddreg [dreg:$0x1d]  }
0xd8: {  	[spmem:s8] =	stream.linear.scatter [tilespmem:s11], [sflag:$0x4], $0x800, $0x38;
	[tilespmem:$0x1FF00] =	vst v63  }
0xd9: {  	s21 =	rddreg [dreg:$0x1e]  }
0xda: {  	[spmem:s21] =	stream.linear.scatter [tilespmem:s11], [sflag:$0x4], $0x800, $0x38;
	[tilespmem:$0x1FF00] =	vst v63  }
0xdb: {  	s22 =	rddreg [dreg:$0x1f]  }
0xdc: {  	[spmem:s10] =	stream.linear.scatter [tilespmem:s11], [sflag:$0x4], $0x800, $0x38;
	[tilespmem:$0x1FF00] =	vst v63  }
0xdd: {  	s8 =	sld [smem:$0x7EA]  }
0xde: {  	[spmem:s22] =	stream.linear.scatter [tilespmem:s11], [sflag:$0x4], $0x800, $0x38;
	[tilespmem:$0x1FF00] =	vst v63  }
0xdf: {  	s23 =	smov.u32 s10;
	s10 =	sld [smem:$0x7EB]  }
0xe0: {  	[spmem:s8] =	stream.linear.scatter [tilespmem:s11], [sflag:$0x4], $0x800, $0x38;
	[tilespmem:$0x1FF00] =	vst v63  }
0xe1: {  	s21 =	sld [smem:$0x7EC]  }
0xe2: {  	[spmem:s10] =	stream.linear.scatter [tilespmem:s11], [sflag:$0x4], $0x800, $0x38;
	[tilespmem:$0x1FF00] =	vst v63  }
0xe3: {  	s22 =	sld [smem:$0x7ED]  }
0xe4: {  	[spmem:s21] =	stream.linear.scatter [tilespmem:s11], [sflag:$0x4], $0x800, $0x38;
	[tilespmem:$0x1FF00] =	vst v63  }
0xe5: {  	s8 =	sld [smem:$0x7EE]  }
0xe6: {  	[spmem:s22] =	stream.linear.scatter [tilespmem:s11], [sflag:$0x4], $0x800, $0x38;
	[tilespmem:$0x1FF00] =	vst v63  }
0xe7: {  	s10 =	sld [smem:$0x7EF]  }
0xe8: {  	[spmem:s8] =	stream.linear.scatter [tilespmem:s11], [sflag:$0x4], $0x800, $0x38;
	[tilespmem:$0x1FF00] =	vst v63  }
0xe9: {  	_ = 	snop  }
0xea: {  	[spmem:s10] =	stream.linear.scatter [tilespmem:s11], [sflag:$0x4], $0x800, $0x38;
	[tilespmem:$0x1FF00] =	vst v63  }
0xeb: {  	s21 =	sld [smem:$0x7F0]  }
0xec: {  	[spmem:s24] =	stream.linear.scatter [tilespmem:s11], [sflag:$0x4], $0x800, $0x38;
	[tilespmem:$0x1FF00] =	vst v63  }
0xed: {  	s22 =	sld [smem:$0x7F1]  }
0xee: {  	[spmem:s21] =	stream.linear.scatter [tilespmem:s11], [sflag:$0x4], $0x800, $0x38;
	[tilespmem:$0x1FF00] =	vst v63  }
0xef: {  	s8 =	sld [smem:$0x7F2]  }
0xf0: {  	[spmem:s22] =	stream.linear.scatter [tilespmem:s11], [sflag:$0x4], $0x800, $0x38;
	[tilespmem:$0x1FF00] =	vst v63  }
0xf1: {  	s10 =	sld [smem:$0x7F3]  }
0xf2: {  	[spmem:s8] =	stream.linear.scatter [tilespmem:s11], [sflag:$0x4], $0x800, $0x38;
	[tilespmem:$0x1FF00] =	vst v63  }
0xf3: {  	s21 =	sld [smem:$0x7F4]  }
0xf4: {  	[spmem:s10] =	stream.linear.scatter [tilespmem:s11], [sflag:$0x4], $0x800, $0x38;
	[tilespmem:$0x1FF00] =	vst v63  }
0xf5: {  	s22 =	sld [smem:$0x7F5]  }
0xf6: {  	[spmem:s21] =	stream.linear.scatter [tilespmem:s11], [sflag:$0x4], $0x800, $0x38;
	[tilespmem:$0x1FF00] =	vst v63  }
0xf7: {  	s8 =	sld [smem:$0x7F6]  }
0xf8: {  	[spmem:s22] =	stream.linear.scatter [tilespmem:s11], [sflag:$0x4], $0x800, $0x38;
	[tilespmem:$0x1FF00] =	vst v63  }
0xf9: {  	_ = 	snop  }
0xfa: {  	[spmem:s8] =	stream.linear.scatter [tilespmem:s11], [sflag:$0x4], $0x800, $0x38;
	[tilespmem:$0x1FF00] =	vst v63  }
0xfb: {  	s9 =	smov.u32 s5;
	s10 =	sld [smem:$0x7F7]  }
0xfc: {  	[spmem:s9] =	stream.linear.scatter [tilespmem:s11], [sflag:$0x4], $0x800, $0x38;
	[tilespmem:$0x1FF00] =	vst v63  }
0xfd: {  	s21 =	sld [smem:$0x7F8]  }
0xfe: {  	[spmem:s10] =	stream.linear.scatter [tilespmem:s11], [sflag:$0x4], $0x800, $0x38;
	[tilespmem:$0x1FF00] =	vst v63  }
0xff: {  	s22 =	sld [smem:$0x7F9]  }
0x100: {  	[spmem:s21] =	stream.linear.scatter [tilespmem:s11], [sflag:$0x4], $0x800, $0x38;
	[tilespmem:$0x1FF00] =	vst v63  }
0x101: {  	s5 =	smov.u32 s9;
	s9 =	sld [smem:$0x7FA]  }
0x102: {  	[spmem:s22] =	stream.linear.scatter [tilespmem:s11], [sflag:$0x4], $0x800, $0x38;
	[tilespmem:$0x1FF00] =	vst v63  }
0x103: {  	s10 =	sld [smem:$0x7FB]  }
0x104: {  	[spmem:s9] =	stream.linear.scatter [tilespmem:s11], [sflag:$0x4], $0x800, $0x38;
	[tilespmem:$0x1FF00] =	vst v63  }
0x105: {  	s21 =	sld [smem:$0x7FC]  }
0x106: {  	[spmem:s10] =	stream.linear.scatter [tilespmem:s11], [sflag:$0x4], $0x800, $0x38;
	[tilespmem:$0x1FF00] =	vst v63  }
0x107: {  	s22 =	sld [smem:$0x7FD]  }
0x108: {  	[spmem:s21] =	stream.linear.scatter [tilespmem:s11], [sflag:$0x4], $0x800, $0x38;
	[tilespmem:$0x1FF00] =	vst v63  }
0x109: {  	_ = 	snop  }
0x10a: {  	[spmem:s22] =	stream.linear.scatter [tilespmem:s11], [sflag:$0x4], $0x800, $0x38;
	[tilespmem:$0x1FF00] =	vst v63  }
0x10b: {  	_ =	swait.ge [sflag:s12], $0x800  }
0x10c: {  	[sflag:s12] =	ssyncset.done $0x0  }
0x10d: {  	[sflag:s12] =	ssyncadd.s32 $0xFFFFF800  }
0x10e: {  	_ =	swait.ge [sflag:s12], $0x800  }
0x10f: {  	[sflag:s12] =	ssyncset.done $0x0  }
0x110: {  	[sflag:s12] =	ssyncadd.s32 $0xFFFFF800  }
0x111: {  	_ =	swait.ge [sflag:s12], $0x800  }
0x112: {  	[sflag:s12] =	ssyncset.done $0x0  }
0x113: {  	[sflag:s12] =	ssyncadd.s32 $0xFFFFF800  }
0x114: {  	_ =	swait.ge [sflag:s12], $0x800  }
0x115: {  	[sflag:s12] =	ssyncset.done $0x0  }
0x116: {  	[sflag:s12] =	ssyncadd.s32 $0xFFFFF800  }
0x117: {  	_ =	swait.ge [sflag:s12], $0x800  }
0x118: {  	[sflag:s12] =	ssyncset.done $0x0  }
0x119: {  	[sflag:s12] =	ssyncadd.s32 $0xFFFFF800  }
0x11a: {  	_ =	swait.ge [sflag:s12], $0x800  }
0x11b: {  	[sflag:s12] =	ssyncset.done $0x0  }
0x11c: {  	[sflag:s12] =	ssyncadd.s32 $0xFFFFF800  }
0x11d: {  	_ =	swait.ge [sflag:s12], $0x800  }
0x11e: {  	[sflag:s12] =	ssyncset.done $0x0  }
0x11f: {  	[sflag:s12] =	ssyncadd.s32 $0xFFFFF800  }
0x120: {  	_ =	swait.ge [sflag:s12], $0x800  }
0x121: {  	[sflag:s12] =	ssyncset.done $0x0  }
0x122: {  	[sflag:s12] =	ssyncadd.s32 $0xFFFFF800  }
0x123: {  	_ =	swait.ge [sflag:s12], $0x800  }
0x124: {  	[sflag:s12] =	ssyncset.done $0x0  }
0x125: {  	[sflag:s12] =	ssyncadd.s32 $0xFFFFF800  }
0x126: {  	_ =	swait.ge [sflag:s12], $0x800  }
0x127: {  	[sflag:s12] =	ssyncset.done $0x0  }
0x128: {  	[sflag:s12] =	ssyncadd.s32 $0xFFFFF800  }
0x129: {  	_ =	swait.ge [sflag:s12], $0x800  }
0x12a: {  	[sflag:s12] =	ssyncset.done $0x0  }
0x12b: {  	[sflag:s12] =	ssyncadd.s32 $0xFFFFF800  }
0x12c: {  	_ =	swait.ge [sflag:s12], $0x800  }
0x12d: {  	[sflag:s12] =	ssyncset.done $0x0  }
0x12e: {  	[sflag:s12] =	ssyncadd.s32 $0xFFFFF800  }
0x12f: {  	_ =	swait.ge [sflag:s12], $0x800  }
0x130: {  	[sflag:s12] =	ssyncset.done $0x0  }
0x131: {  	[sflag:s12] =	ssyncadd.s32 $0xFFFFF800  }
0x132: {  	_ =	swait.ge [sflag:s12], $0x800  }
0x133: {  	[sflag:s12] =	ssyncset.done $0x0  }
0x134: {  	[sflag:s12] =	ssyncadd.s32 $0xFFFFF800  }
0x135: {  	_ =	swait.ge [sflag:s12], $0x800  }
0x136: {  	[sflag:s12] =	ssyncset.done $0x0  }
0x137: {  	[sflag:s12] =	ssyncadd.s32 $0xFFFFF800  }
0x138: {  	_ =	swait.ge [sflag:s12], $0x800  }
0x139: {  	[sflag:s12] =	ssyncset.done $0x0  }
0x13a: {  	[sflag:s12] =	ssyncadd.s32 $0xFFFFF800  }
0x13b: {  	_ =	swait.ge [sflag:s12], $0x800  }
0x13c: {  	[sflag:s12] =	ssyncset.done $0x0  }
0x13d: {  	[sflag:s12] =	ssyncadd.s32 $0xFFFFF800  }
0x13e: {  	_ =	swait.ge [sflag:s12], $0x800  }
0x13f: {  	[sflag:s12] =	ssyncset.done $0x0  }
0x140: {  	[sflag:s12] =	ssyncadd.s32 $0xFFFFF800  }
0x141: {  	_ =	swait.ge [sflag:s12], $0x800  }
0x142: {  	[sflag:s12] =	ssyncset.done $0x0  }
0x143: {  	[sflag:s12] =	ssyncadd.s32 $0xFFFFF800  }
0x144: {  	_ =	swait.ge [sflag:s12], $0x800  }
0x145: {  	[sflag:s12] =	ssyncset.done $0x0  }
0x146: {  	[sflag:s12] =	ssyncadd.s32 $0xFFFFF800  }
0x147: {  	_ =	swait.ge [sflag:s12], $0x800  }
0x148: {  	[sflag:s12] =	ssyncset.done $0x0  }
0x149: {  	[sflag:s12] =	ssyncadd.s32 $0xFFFFF800  }
0x14a: {  	_ =	swait.ge [sflag:s12], $0x800  }
0x14b: {  	[sflag:s12] =	ssyncset.done $0x0  }
0x14c: {  	[sflag:s12] =	ssyncadd.s32 $0xFFFFF800  }
0x14d: {  	_ =	swait.ge [sflag:s12], $0x800  }
0x14e: {  	[sflag:s12] =	ssyncset.done $0x0  }
0x14f: {  	[sflag:s12] =	ssyncadd.s32 $0xFFFFF800  }
0x150: {  	_ =	swait.ge [sflag:s12], $0x800  }
0x151: {  	[sflag:s12] =	ssyncset.done $0x0  }
0x152: {  	[sflag:s12] =	ssyncadd.s32 $0xFFFFF800  }
0x153: {  	_ =	swait.ge [sflag:s12], $0x800  }
0x154: {  	[sflag:s12] =	ssyncset.done $0x0  }
0x155: {  	[sflag:s12] =	ssyncadd.s32 $0xFFFFF800  }
0x156: {  	_ =	swait.ge [sflag:s12], $0x800  }
0x157: {  	[sflag:s12] =	ssyncset.done $0x0  }
0x158: {  	[sflag:s12] =	ssyncadd.s32 $0xFFFFF800  }
0x159: {  	_ =	swait.ge [sflag:s12], $0x800  }
0x15a: {  	[sflag:s12] =	ssyncset.done $0x0  }
0x15b: {  	[sflag:s12] =	ssyncadd.s32 $0xFFFFF800  }
0x15c: {  	_ =	swait.ge [sflag:s12], $0x800  }
0x15d: {  	[sflag:s12] =	ssyncset.done $0x0  }
0x15e: {  	[sflag:s12] =	ssyncadd.s32 $0xFFFFF800  }
0x15f: {  	_ =	swait.ge [sflag:s12], $0x800  }
0x160: {  	[sflag:s12] =	ssyncset.done $0x0  }
0x161: {  	[sflag:s12] =	ssyncadd.s32 $0xFFFFF800  }
0x162: {  	_ =	swait.ge [sflag:s12], $0x800  }
0x163: {  	[sflag:s12] =	ssyncset.done $0x0  }
0x164: {  	[sflag:s12] =	ssyncadd.s32 $0xFFFFF800  }
0x165: {  	_ =	swait.ge [sflag:s12], $0x800  }
0x166: {  	[sflag:s12] =	ssyncset.done $0x0  }
0x167: {  	[sflag:s12] =	ssyncadd.s32 $0xFFFFF800  }
0x168: {  	_ =	swait.ge [sflag:s12], $0x800  }
0x169: {  	[sflag:s12] =	ssyncset.done $0x0  }
0x16a: {  	[sflag:s12] =	ssyncadd.s32 $0xFFFFF800  }
0x16b: {  	_ =	swait.ge [sflag:s12], $0x800  }
0x16c: {  	[sflag:s12] =	ssyncset.done $0x0  }
0x16d: {  	[sflag:s12] =	ssyncadd.s32 $0xFFFFF800  }
0x16e: {  	_ =	swait.ge [sflag:s12], $0x800  }
0x16f: {  	[sflag:s12] =	ssyncset.done $0x0  }
0x170: {  	[sflag:s12] =	ssyncadd.s32 $0xFFFFF800  }
0x171: {  	_ =	swait.ge [sflag:s12], $0x800  }
0x172: {  	[sflag:s12] =	ssyncset.done $0x0  }
0x173: {  	[sflag:s12] =	ssyncadd.s32 $0xFFFFF800  }
0x174: {  	_ =	swait.ge [sflag:s12], $0x800  }
0x175: {  	[sflag:s12] =	ssyncset.done $0x0  }
0x176: {  	[sflag:s12] =	ssyncadd.s32 $0xFFFFF800  }
0x177: {  	_ =	swait.ge [sflag:s12], $0x800  }
0x178: {  	[sflag:s12] =	ssyncset.done $0x0  }
0x179: {  	[sflag:s12] =	ssyncadd.s32 $0xFFFFF800  }
0x17a: {  	_ =	swait.ge [sflag:s12], $0x800  }
0x17b: {  	[sflag:s12] =	ssyncset.done $0x0  }
0x17c: {  	[sflag:s12] =	ssyncadd.s32 $0xFFFFF800  }
0x17d: {  	_ =	swait.ge [sflag:s12], $0x800  }
0x17e: {  	[sflag:s12] =	ssyncset.done $0x0  }
0x17f: {  	[sflag:s12] =	ssyncadd.s32 $0xFFFFF800  }
0x180: {  	_ =	swait.ge [sflag:s12], $0x800  }
0x181: {  	[sflag:s12] =	ssyncset.done $0x0  }
0x182: {  	[sflag:s12] =	ssyncadd.s32 $0xFFFFF800  }
0x183: {  	[bflag:$0x0] =	sbarrier.arrive $0xFFFF  }
0x184: {  	s9 =	rddreg [dreg:$0x3]  }
0x185: {  	[tilespmem:s2], [sflag:$0x1] =	stream.linear.gather [hbm4b:s9+s2], $0x78, $0x38;
	[tilespmem:$0x1FF00] =	vst v63  }
0x186: {  	s10 =	rddreg [dreg:$0x4]  }
0x187: {  	[tilespmem:s13], [sflag:$0x1] =	stream.linear.gather [hbm4b:s10+s2], $0x78, $0x38;
	[tilespmem:$0x1FF00] =	vst v63  }
0x188: {  	s21 =	rddreg [dreg:$0x5]  }
0x189: {  	[tilespmem:s14], [sflag:$0x2] =	stream.linear.gather [hbm4b:s21+s2], $0x78, $0x38;
	[tilespmem:$0x1FF00] =	vst v63  }
0x18a: {  	s22 =	rddreg [dreg:$0x6]  }
0x18b: {  	[tilespmem:s15], [sflag:$0x2] =	stream.linear.gather [hbm4b:s22+s2], $0x78, $0x38;
	[tilespmem:$0x1FF00] =	vst v63  }
0x18c: {  	s9 =	rddreg [dreg:$0xc]  }
0x18d: {  	[tilespmem:s16], [sflag:$0x3] =	stream.linear.gather [hbm4b:s9+s2], $0x78, $0x38;
	[tilespmem:$0x1FF00] =	vst v63  }
0x18e: {  	s10 =	rddreg [dreg:$0xd]  }
0x18f: {  	[tilespmem:s17], [sflag:$0x3] =	stream.linear.gather [hbm4b:s10+s2], $0x78, $0x38;
	[tilespmem:$0x1FF00] =	vst v63  }
0x190: {  	_ =	swait.ge [sflag:s20], $0x78  }
0x191: {  	[sflag:s20] =	ssyncset.done $0x0  }
0x192: {  	[sflag:s20] =	ssyncadd.s32 $0xFFFFFF88  }
0x193: {  	_ =	swait.ge [sflag:s20], $0x78  }
0x194: {  	[sflag:s20] =	ssyncset.done $0x0  }
0x195: {  	[sflag:s20] =	ssyncadd.s32 $0xFFFFFF88  }
0x196: {  	[tilespmem:s26], [sflag:$0x4] =	stream.indirect.gather [hbm4b:s4+s25], $0x80, s2, s25, $0xb8;
	[tilespmem:$0x1FF00] =	vst v63  }
0x197: {  	_ =	swait.ge [sflag:s28], $0x78  }
0x198: {  	[sflag:s28] =	ssyncset.done $0x0  }
0x199: {  	[sflag:s28] =	ssyncadd.s32 $0xFFFFFF88  }
0x19a: {  	_ =	swait.ge [sflag:s28], $0x78  }
0x19b: {  	[sflag:s28] =	ssyncset.done $0x0  }
0x19c: {  	[sflag:s28] =	ssyncadd.s32 $0xFFFFFF88  }
0x19d: {  	[tilespmem:s29], [sflag:$0x5] =	stream.indirect.gather [hbm4b:s4+s25], $0x80, s14, s25, $0xb8;
	[tilespmem:$0x1FF00] =	vst v63  }
0x19e: {  	_ =	swait.ge [sflag:s12], $0x3C00  }
0x19f: {  	[sflag:s12] =	ssyncset.done $0x0  }
0x1a0: {  	[sflag:s12] =	ssyncadd.s32 $0xFFFFC400  }
0x1a1: {  	_ =	swait.ge [sflag:s30], $0x78  }
0x1a2: {  	[sflag:s30] =	ssyncset.done $0x0  }
0x1a3: {  	[sflag:s30] =	ssyncadd.s32 $0xFFFFFF88  }
0x1a4: {  	_ =	swait.ge [sflag:s30], $0x78  }
0x1a5: {  	[sflag:s30] =	ssyncset.done $0x0  }
0x1a6: {  	[sflag:s30] =	ssyncadd.s32 $0xFFFFFF88  }
0x1a7: {  	[tilespmem:s31], [sflag:$0x6] =	stream.indirect.gather [hbm4b:s4+s25], $0x80, s16, s25, $0xb8;
	[tilespmem:$0x1FF00] =	vst v63  }
0x1a8: {  	_ = 	snop  }
0x1a9: {  	[spmem:s1] =	stream.indirect.scatter.add.f32 [tilespmem:s26], [sflag:$0x7], $0x80, s13, s25, $0xb8;
	[tilespmem:$0x1FF00] =	vst v63  }
0x1aa: {  	_ =	swait.ge [sflag:s0], $0x3C00  }
0x1ab: {  	s8 =	sadd.s32 $0x0, s18;
	[sflag:s0] =	ssyncset.done $0x0  }
0x1ac: {  	s21 =	sadd.s32 $0x5A0, s8;
	s10 =	sadd.s32 $0x0, s19;
	[sflag:s0] =	ssyncadd.s32 $0xFFFFC400  }
0x1ad: {  	[tilespmem:s2], [sflag:$0x1] =	stream.linear.gather [hbm4b:s21+s2], $0x78, $0x38;
	[tilespmem:$0x1FF00] =	vst v63  }
0x1ae: {  	s22 =	sadd.s32 $0x5A0, s10  }
0x1af: {  	[tilespmem:s13], [sflag:$0x1] =	stream.linear.gather [hbm4b:s22+s2], $0x78, $0x38;
	[tilespmem:$0x1FF00] =	vst v63  }
0x1b0: {  	_ =	swait.ge [sflag:s3], $0x3C00  }
0x1b1: {  	[sflag:s3] =	ssyncset.done $0x0  }
0x1b2: {  	[sflag:s3] =	ssyncadd.s32 $0xFFFFC400  }
0x1b3: {  	_ =	swait.ge [sflag:s20], $0x78  }
0x1b4: {  	[sflag:s20] =	ssyncset.done $0x0  }
0x1b5: {  	[sflag:s20] =	ssyncadd.s32 $0xFFFFFF88  }
0x1b6: {  	_ =	swait.ge [sflag:s20], $0x78  }
0x1b7: {  	[sflag:s20] =	ssyncset.done $0x0  }
0x1b8: {  	[sflag:s20] =	ssyncadd.s32 $0xFFFFFF88  }
0x1b9: {  	[tilespmem:s26], [sflag:$0x4] =	stream.indirect.gather [hbm4b:s4+s25], $0x80, s2, s25, $0xb8;
	[tilespmem:$0x1FF00] =	vst v63  }
0x1ba: {  	_ = 	snop  }
0x1bb: {  	[spmem:s1] =	stream.indirect.scatter.add.f32 [tilespmem:s29], [sflag:$0x7], $0x80, s15, s25, $0xb8;
	[tilespmem:$0x1FF00] =	vst v63  }
0x1bc: {  	_ =	swait.ge [sflag:s0], $0x3C00  }
0x1bd: {  	[sflag:s0] =	ssyncset.done $0x0  }
0x1be: {  	s21 =	sadd.s32 $0x780, s8;
	[sflag:s0] =	ssyncadd.s32 $0xFFFFC400  }
0x1bf: {  	[tilespmem:s14], [sflag:$0x2] =	stream.linear.gather [hbm4b:s21+s2], $0x78, $0x38;
	[tilespmem:$0x1FF00] =	vst v63  }
0x1c0: {  	s22 =	sadd.s32 $0x780, s10  }
0x1c1: {  	[tilespmem:s15], [sflag:$0x2] =	stream.linear.gather [hbm4b:s22+s2], $0x78, $0x38;
	[tilespmem:$0x1FF00] =	vst v63  }
0x1c2: {  	_ =	swait.ge [sflag:s6], $0x3C00  }
0x1c3: {  	[sflag:s6] =	ssyncset.done $0x0  }
0x1c4: {  	[sflag:s6] =	ssyncadd.s32 $0xFFFFC400  }
0x1c5: {  	_ =	swait.ge [sflag:s28], $0x78  }
0x1c6: {  	[sflag:s28] =	ssyncset.done $0x0  }
0x1c7: {  	[sflag:s28] =	ssyncadd.s32 $0xFFFFFF88  }
0x1c8: {  	_ =	swait.ge [sflag:s28], $0x78  }
0x1c9: {  	[sflag:s28] =	ssyncset.done $0x0  }
0x1ca: {  	[sflag:s28] =	ssyncadd.s32 $0xFFFFFF88  }
0x1cb: {  	[tilespmem:s29], [sflag:$0x5] =	stream.indirect.gather [hbm4b:s4+s25], $0x80, s14, s25, $0xb8;
	[tilespmem:$0x1FF00] =	vst v63  }
0x1cc: {  	_ = 	snop  }
0x1cd: {  	[spmem:s1] =	stream.indirect.scatter.add.f32 [tilespmem:s31], [sflag:$0x7], $0x80, s17, s25, $0xb8;
	[tilespmem:$0x1FF00] =	vst v63  }
0x1ce: {  	_ =	swait.ge [sflag:s0], $0x3C00  }
0x1cf: {  	[sflag:s0] =	ssyncset.done $0x0  }
0x1d0: {  	s8 =	sadd.s32 $0x960, s8;
	[sflag:s0] =	ssyncadd.s32 $0xFFFFC400  }
0x1d1: {  	[tilespmem:s16], [sflag:$0x3] =	stream.linear.gather [hbm4b:s8+s2], $0x78, $0x38;
	[tilespmem:$0x1FF00] =	vst v63  }
0x1d2: {  	s9 =	sadd.s32 $0x960, s10;
	s8 =	simm.s32 $0x5A0  }
.LBB2_2:
0x1d3: {  	[tilespmem:s17], [sflag:$0x3] =	stream.linear.gather [hbm4b:s9+s2], $0x78, $0x38;
	[tilespmem:$0x1FF00] =	vst v63  }
0x1d4: {  	s10 =	smov.u32 s8  }
0x1d5: {  	p0 =	sne.s32 s8, $0x97E0;
	s8 =	sadd.s32 $0x5A0, s8;
	_ =	swait.ge [sflag:s12], $0x3C00  }
0x1d6: {  	[sflag:s12] =	ssyncset.done $0x0  }
0x1d7: {  	[sflag:s12] =	ssyncadd.s32 $0xFFFFC400  }
0x1d8: {  	_ =	swait.ge [sflag:s30], $0x78  }
0x1d9: {  	[sflag:s30] =	ssyncset.done $0x0  }
0x1da: {  	[sflag:s30] =	ssyncadd.s32 $0xFFFFFF88  }
0x1db: {  	_ =	swait.ge [sflag:s30], $0x78  }
0x1dc: {  	[sflag:s30] =	ssyncset.done $0x0  }
0x1dd: {  	[sflag:s30] =	ssyncadd.s32 $0xFFFFFF88  }
0x1de: {  	[tilespmem:s31], [sflag:$0x6] =	stream.indirect.gather [hbm4b:s4+s25], $0x80, s16, s25, $0xb8;
	[tilespmem:$0x1FF00] =	vst v63  }
0x1df: {  	_ = 	snop  }
0x1e0: {  	[spmem:s1] =	stream.indirect.scatter.add.f32 [tilespmem:s26], [sflag:$0x7], $0x80, s13, s25, $0xb8;
	[tilespmem:$0x1FF00] =	vst v63  }
0x1e1: {  	_ =	swait.ge [sflag:s0], $0x3C00  }
0x1e2: {  	s9 =	sadd.s32 s10, s18;
	[sflag:s0] =	ssyncset.done $0x0  }
0x1e3: {  	s10 =	sadd.s32 s10, s19;
	s21 =	sadd.s32 $0x5A0, s9;
	[sflag:s0] =	ssyncadd.s32 $0xFFFFC400  }
0x1e4: {  	[tilespmem:s2], [sflag:$0x1] =	stream.linear.gather [hbm4b:s21+s2], $0x78, $0x38;
	[tilespmem:$0x1FF00] =	vst v63  }
0x1e5: {  	s21 =	sadd.s32 $0x5A0, s10  }
0x1e6: {  	[tilespmem:s13], [sflag:$0x1] =	stream.linear.gather [hbm4b:s21+s2], $0x78, $0x38;
	[tilespmem:$0x1FF00] =	vst v63  }
0x1e7: {  	_ =	swait.ge [sflag:s3], $0x3C00  }
0x1e8: {  	[sflag:s3] =	ssyncset.done $0x0  }
0x1e9: {  	[sflag:s3] =	ssyncadd.s32 $0xFFFFC400  }
0x1ea: {  	_ =	swait.ge [sflag:s20], $0x78  }
0x1eb: {  	[sflag:s20] =	ssyncset.done $0x0  }
0x1ec: {  	[sflag:s20] =	ssyncadd.s32 $0xFFFFFF88  }
0x1ed: {  	_ =	swait.ge [sflag:s20], $0x78  }
0x1ee: {  	[sflag:s20] =	ssyncset.done $0x0  }
0x1ef: {  	[sflag:s20] =	ssyncadd.s32 $0xFFFFFF88  }
0x1f0: {  	[tilespmem:s26], [sflag:$0x4] =	stream.indirect.gather [hbm4b:s4+s25], $0x80, s2, s25, $0xb8;
	[tilespmem:$0x1FF00] =	vst v63  }
0x1f1: {  	_ = 	snop  }
0x1f2: {  	[spmem:s1] =	stream.indirect.scatter.add.f32 [tilespmem:s29], [sflag:$0x7], $0x80, s15, s25, $0xb8;
	[tilespmem:$0x1FF00] =	vst v63  }
0x1f3: {  	_ =	swait.ge [sflag:s0], $0x3C00  }
0x1f4: {  	[sflag:s0] =	ssyncset.done $0x0  }
0x1f5: {  	s21 =	sadd.s32 $0x780, s9;
	[sflag:s0] =	ssyncadd.s32 $0xFFFFC400  }
0x1f6: {  	[tilespmem:s14], [sflag:$0x2] =	stream.linear.gather [hbm4b:s21+s2], $0x78, $0x38;
	[tilespmem:$0x1FF00] =	vst v63  }
0x1f7: {  	s21 =	sadd.s32 $0x780, s10  }
0x1f8: {  	[tilespmem:s15], [sflag:$0x2] =	stream.linear.gather [hbm4b:s21+s2], $0x78, $0x38;
	[tilespmem:$0x1FF00] =	vst v63  }
0x1f9: {  	_ =	swait.ge [sflag:s6], $0x3C00  }
0x1fa: {  	[sflag:s6] =	ssyncset.done $0x0  }
0x1fb: {  	[sflag:s6] =	ssyncadd.s32 $0xFFFFC400  }
0x1fc: {  	_ =	swait.ge [sflag:s28], $0x78  }
0x1fd: {  	[sflag:s28] =	ssyncset.done $0x0  }
0x1fe: {  	[sflag:s28] =	ssyncadd.s32 $0xFFFFFF88  }
0x1ff: {  	_ =	swait.ge [sflag:s28], $0x78  }
0x200: {  	[sflag:s28] =	ssyncset.done $0x0  }
0x201: {  	[sflag:s28] =	ssyncadd.s32 $0xFFFFFF88  }
0x202: {  	[tilespmem:s29], [sflag:$0x5] =	stream.indirect.gather [hbm4b:s4+s25], $0x80, s14, s25, $0xb8;
	[tilespmem:$0x1FF00] =	vst v63  }
0x203: {  	_ = 	snop  }
0x204: {  	[spmem:s1] =	stream.indirect.scatter.add.f32 [tilespmem:s31], [sflag:$0x7], $0x80, s17, s25, $0xb8;
	[tilespmem:$0x1FF00] =	vst v63  }
.Ltmp0:
0x205: {  	_ =	swait.ge [sflag:s0], $0x3C00;
	(pc) =	sbr.rel @p0 .LBB2_2-.Ltmp0, $4  }
0x206: {  	[sflag:s0] =	ssyncset.done $0x0  }
0x207: {  	s9 =	sadd.s32 $0x960, s9;
	[sflag:s0] =	ssyncadd.s32 $0xFFFFC400  }
0x208: {  	[tilespmem:s16], [sflag:$0x3] =	stream.linear.gather [hbm4b:s9+s2], $0x78, $0x38;
	[tilespmem:$0x1FF00] =	vst v63  }
0x209: {  	s9 =	sadd.s32 $0x960, s10  }
0x20a: {  	[tilespmem:s17], [sflag:$0x3] =	stream.linear.gather [hbm4b:s9+s2], $0x78, $0x38;
	[tilespmem:$0x1FF00] =	vst v63  }
0x20b: {  	_ =	swait.ge [sflag:s12], $0x3C00  }
0x20c: {  	[sflag:s12] =	ssyncset.done $0x0  }
0x20d: {  	[sflag:s12] =	ssyncadd.s32 $0xFFFFC400  }
0x20e: {  	_ =	swait.ge [sflag:s3], $0x3C00  }
0x20f: {  	[sflag:s3] =	ssyncset.done $0x0  }
0x210: {  	[sflag:s3] =	ssyncadd.s32 $0xFFFFC400  }
0x211: {  	_ =	swait.ge [sflag:s30], $0x78  }
0x212: {  	[sflag:s30] =	ssyncset.done $0x0  }
0x213: {  	[sflag:s30] =	ssyncadd.s32 $0xFFFFFF88  }
0x214: {  	_ =	swait.ge [sflag:s30], $0x78  }
0x215: {  	[sflag:s30] =	ssyncset.done $0x0  }
0x216: {  	[sflag:s30] =	ssyncadd.s32 $0xFFFFFF88  }
0x217: {  	s8 =	stileid.u32;
	[bflag:$0x0] =	sbarrier.arrive $0xFFFF  }
0x218: {  	s8 =	sshll.u32 s8, $0x6;
	s22 =	rddreg [dreg:$0x10]  }
0x219: {  	s8 =	sor.u32 $0x1C04, s8;
	s10 =	rddreg [dreg:$0x7];
	s21 =	sshrl.u32 s22, $0x3  }
0x21a: {  	[hbm:s10], [sflag:s8] =	dma.local [spmem:s21], $0x800  }
0x21b: {  	s21 =	rddreg [dreg:$0x11]  }
0x21c: {  	s10 =	rddreg [dreg:$0x8];
	s9 =	sshrl.u32 s21, $0x3  }
0x21d: {  	[hbm:s10], [sflag:s8] =	dma.local [spmem:s9], $0x800  }
0x21e: {  	s9 =	sshrl.u32 s23, $0x3;
	s10 =	rddreg [dreg:$0x9]  }
0x21f: {  	[hbm:s10], [sflag:s8] =	dma.local [spmem:s9], $0x800  }
0x220: {  	s9 =	sshrl.u32 s24, $0x3;
	s10 =	rddreg [dreg:$0xa]  }
0x221: {  	[hbm:s10], [sflag:s8] =	dma.local [spmem:s9], $0x800  }
0x222: {  	s9 =	sshrl.u32 s5, $0x3;
	s10 =	rddreg [dreg:$0xb]  }
0x223: {  	[hbm:s10], [sflag:s8] =	dma.local [spmem:s9], $0x800  }
0x224: {  	_ =	swait.ge [sflag:s12], $0x800  }
0x225: {  	[sflag:s12] =	ssyncset.done $0x0  }
0x226: {  	[sflag:s12] =	ssyncadd.s32 $0xFFFFF800  }
0x227: {  	_ =	swait.ge [sflag:s12], $0x800  }
0x228: {  	[sflag:s12] =	ssyncset.done $0x0  }
0x229: {  	[sflag:s12] =	ssyncadd.s32 $0xFFFFF800  }
0x22a: {  	_ =	swait.ge [sflag:s12], $0x800  }
0x22b: {  	[sflag:s12] =	ssyncset.done $0x0  }
0x22c: {  	[sflag:s12] =	ssyncadd.s32 $0xFFFFF800  }
0x22d: {  	_ =	swait.ge [sflag:s12], $0x800  }
0x22e: {  	[sflag:s12] =	ssyncset.done $0x0  }
0x22f: {  	[sflag:s12] =	ssyncadd.s32 $0xFFFFF800  }
0x230: {  	_ =	swait.ge [sflag:s12], $0x800  }
0x231: {  	s7 =	sadd.s32 $0x1, s7;
	s10 =	smov.u32 s23;
	s23 =	rddreg [dreg:$0x12]  }
0x232: {  	p0 =	sne.s32 s7, s23  }
.Ltmp1:
0x233: {  	_ = 	snop;
	(pc) =	sbr.rel @p0 .LBB2_1-.Ltmp1, $3  }
0x234: {  	_ =	sdelay $0x1  }
0x235: {  	[sflag:s12] =	ssyncset.done $0x0  }
0x236: {  	[sflag:s12] =	ssyncadd.s32 $0xFFFFF800  }
0x237: {  	_ =	sfence.sel $0x180000  }
0x238: {  	[bflag:$0x0] =	sbarrier.arrive $0xFFFF  }
0x239: {  	_ =	strace $0x9000004D  }
0x23a: {  	s0 =	stileid.u32;
	[bflag:$0x2] =	sbarrier.arrive $0xFFFF  }
0x23b: {  	p0 =	sne.s32 s0, $0x0;
	s0 =	rddreg [dreg:$0x2]  }
0x23c: {  	s0 =	sadd.s32 @!p0 $0x100000, s0  }
0x23d: {  	[sflag:s0] =	ssyncadd.tile.s32 @!p0 $0x1;
	_ =	shalt  }
.Lfunc_end2:
_tile_overlayer_lowered:
.L_overlay_start_2:
0x23e: {  	(tag) =	ssettag $0x2  }
0x23f: {  	s0 =	rddreg [dreg:$0x0];
	s2 =	stileid.u32  }
0x240: {  	s1 =	rddreg [dreg:$0x1];
	p0 =	sne.s32 s2, $0x0  }
0x241: {  	s3 =	rddreg [dreg:$0x2];
	[bflag:$0x3] =	sbarrier.arrive $0xFFFF;
	s2 =	simm.s32 @!p0 $0x1C07  }
0x242: {  	[timem:s3], [sflag:s2] =	dma.local @!p0 [hbm:s0], s1  }
0x243: {  	s0 =	simm.s32 @!p0 $0x7  }
0x244: {  	_ =	swait.ge @!p0 [sflag:s0], s1  }
0x245: {  	s1 =	ssub.s32 @!p0 $0x0, s1;
	[sflag:s0] =	ssyncset.done @!p0 $0x0  }
0x246: {  	[sflag:s0] =	ssyncadd.s32 @!p0 s1  }
0x247: {  	[bflag:$0x3] =	sbarrier.arrive $0xFFFF  }
0x248: {  	_ =	shalt  }

// kernel: kernel.8.cloned.1.call-start
scs
__scs_entry_jumppad:
0x0: {  	(pc) =	sbr.rel $0x88, $3  }
0x1: {  	(tag) =	ssettag $0x0;
	lr =	simm.s32 $0x1  }
0x2: {  	[smem:$0x3F9A] =	sst lr;
	_ =	strace $0xD0000000  }
0x3: {  	_ = 	snop  }
0x4: {  	_ = 	snop  }
0x5: {  	_ = 	snop  }
0x6: {  	_ = 	snop  }
0x7: {  	_ = 	snop  }
__scs_overlays_trampoline_lowered:
0x8: {  	[smem:$0x3FA9] =	sst s0  }
0x9: {  	[smem:$0x3FAA] =	sst s1  }
0xa: {  	[smem:$0x3FAB] =	sst s2  }
0xb: {  	[smem:$0x3FAC] =	sst s3  }
0xc: {  	[smem:$0x3FAD] =	sst s4  }
0xd: {  	[smem:$0x3FAE] =	sst s5  }
0xe: {  	[smem:$0x3FAF] =	sst s6  }
0xf: {  	[smem:$0x3FB0] =	sst s7  }
0x10: {  	[smem:$0x3FB1] =	sst s8  }
0x11: {  	[smem:$0x3FB2] =	sst s9;
	s0 =	simm.s32 @!p0 $0x0  }
0x12: {  	s1 =	sld [smem:$0x3F98];
	s0 =	simm.s32 @p0 $0x1  }
0x13: {  	[smem:$0x3FB3] =	sst s0;
	s0 =	simm.s32 @!p1 $0x0  }
0x14: {  	s2 =	sld [smem:$0x3F97];
	s0 =	simm.s32 @p1 $0x1  }
0x15: {  	[smem:$0x3FB4] =	sst s0;
	s0 =	simm.s32 @!p2 $0x0  }
0x16: {  	s3 =	sld [smem:$0x3FDB];
	s0 =	simm.s32 @p2 $0x1  }
0x17: {  	s4 =	simm.s32 $0x1BF5;
	[smem:$0x3FB6] =	sst s0  }
0x18: {  	s0 =	sld [smem:$0x3F99];
	_ =	swait.ge [sflag:s4], $0x0  }
0x19: {  	s7 =	sld [smem:$0x3F9A]  }
0x1a: {  	s8 =	sadd.s32 $0xFFFFE003, lr  }
0x1b: {  	s9 =	sadd.s32 $0xFFFFFEF7, lr;
	s5 =	simm.s32 $0xFFFFFFFF;
	p2 =	slt.u32 s8, $0xFFFFF086  }
0x1c: {  	p1 =	slt.u32 s9, $0xF7A;
	s5 =	simm.s32 @!p2 $0x0  }
0x1d: {  	s5 =	simm.s32 @p1 $0x1;
	p0 =	seq.s32 s7, s2  }
0x1e: {  	s7 =	smul.u32 @!p0 $0xF7A, s2;
	p2 =	seq.s32 @!p0 s5, $0x0  }
0x1f: {  	s9 =	smul.u32 $0xF7A, s1;
	s8 =	simm.s32 @!p0 $0x1BF5;
	p2 =	por !p2, p0  }
0x20: {  	[sflag:s8] =	ssyncset.s32 @!p0 $0xFFFFF086;
	s6 =	sadd.s32 @!p0 s3, s7;
	s7 =	simm.s32 @!p0 $0x108  }
0x21: {  	s3 =	sadd.s32 s3, s9;
	s6 =	sadd.s32 @!p0 $0x88, s6;
	s7 =	simm.s32 @p2 $0x1082  }
0x22: {  	[simem:s7], [sflag:s8] =	dma.local @!p0 [hbm:s6], $0xF7A  }
0x23: {  	s9 =	sor.u32 $0xD0000000, s2;
	s6 =	simm.s32 $0x108;
	_ =	swait.ge @!p0 [sflag:s8], $0x0  }
0x24: {  	s3 =	sadd.s32 $0x88, s3;
	s6 =	simm.s32 @!p1 $0x1082;
	[sflag:s4] =	ssyncset.s32 $0xFFFFF086  }
0x25: {  	[simem:s6], [sflag:s4] =	dma.local [hbm:s3], $0xF7A  }
0x26: {  	[smem:$0x3F9A] =	sst s1;
	(tag) =	ssettag s2;
	_ =	strace s9  }
0x27: {  	s1 =	sld [smem:$0x3FAA]  }
0x28: {  	s2 =	sld [smem:$0x3FAB]  }
0x29: {  	s4 =	sld [smem:$0x3FAD]  }
0x2a: {  	p0 =	seq.s32 s5, $0x0;
	s5 =	sld [smem:$0x3FAE]  }
0x2b: {  	s6 =	sld [smem:$0x3FAF]  }
0x2c: {  	s7 =	sld [smem:$0x3FB0]  }
0x2d: {  	s3 =	simm.s32 $0x108;
	s8 =	sld [smem:$0x3FB1]  }
0x2e: {  	s3 =	simm.s32 @!p0 $0x1082;
	s9 =	sld [smem:$0x3FB2]  }
0x2f: {  	lr =	sadd.s32 s0, s3;
	s0 =	sld [smem:$0x3FA9]  }
0x30: {  	s3 =	sld [smem:$0x3FAC]  }
0x31: {  	[smem:$0x3FB5] =	sst s10  }
0x32: {  	s10 =	sld [smem:$0x3FB3];
	_ =	sdelay $0x3  }
0x33: {  	p0 =	seq.s32 s10, $0x1;
	s10 =	sld [smem:$0x3FB5];
	_ =	sdelay $0x3  }
0x34: {  	[smem:$0x3FB5] =	sst s10  }
0x35: {  	s10 =	sld [smem:$0x3FB4];
	_ =	sdelay $0x3  }
0x36: {  	p1 =	seq.s32 s10, $0x1;
	s10 =	sld [smem:$0x3FB5];
	_ =	sdelay $0x3  }
0x37: {  	[smem:$0x3FB5] =	sst s10  }
0x38: {  	s10 =	sld [smem:$0x3FB6]  }
0x39: {  	_ = 	snop;
	(pc) =	sbr.ind lr, $3  }
0x3a: {  	_ = 	snop  }
0x3b: {  	_ = 	snop  }
0x3c: {  	p2 =	seq.s32 s10, $0x1;
	s10 =	sld [smem:$0x3FB5]  }
0x3d: {  	_ =	shalt  }
0x3e: {  	_ =	shalt  }
0x3f: {  	_ =	shalt  }
0x40: {  	_ =	shalt  }
0x41: {  	_ =	shalt  }
0x42: {  	_ =	shalt  }
0x43: {  	_ =	shalt  }
0x44: {  	_ =	shalt  }
0x45: {  	_ =	shalt  }
0x46: {  	_ =	shalt  }
0x47: {  	_ =	shalt  }
0x48: {  	_ =	shalt  }
0x49: {  	_ =	shalt  }
0x4a: {  	_ =	shalt  }
0x4b: {  	_ =	shalt  }
0x4c: {  	_ =	shalt  }
0x4d: {  	_ =	shalt  }
0x4e: {  	_ =	shalt  }
0x4f: {  	_ =	shalt  }
0x50: {  	_ =	shalt  }
0x51: {  	_ =	shalt  }
0x52: {  	_ =	shalt  }
0x53: {  	_ =	shalt  }
0x54: {  	_ =	shalt  }
0x55: {  	_ =	shalt  }
0x56: {  	_ =	shalt  }
0x57: {  	_ =	shalt  }
0x58: {  	_ =	shalt  }
0x59: {  	_ =	shalt  }
0x5a: {  	_ =	shalt  }
0x5b: {  	_ =	shalt  }
0x5c: {  	_ =	shalt  }
0x5d: {  	_ =	shalt  }
0x5e: {  	_ =	shalt  }
0x5f: {  	_ =	shalt  }
0x60: {  	_ =	shalt  }
0x61: {  	_ =	shalt  }
0x62: {  	_ =	shalt  }
0x63: {  	_ =	shalt  }
0x64: {  	_ =	shalt  }
0x65: {  	_ =	shalt  }
0x66: {  	_ =	shalt  }
0x67: {  	_ =	shalt  }
0x68: {  	_ =	shalt  }
0x69: {  	_ =	shalt  }
0x6a: {  	_ =	shalt  }
0x6b: {  	_ =	shalt  }
0x6c: {  	_ =	shalt  }
0x6d: {  	_ =	shalt  }
0x6e: {  	_ =	shalt  }
0x6f: {  	_ =	shalt  }
0x70: {  	_ =	shalt  }
0x71: {  	_ =	shalt  }
0x72: {  	_ =	shalt  }
0x73: {  	_ =	shalt  }
0x74: {  	_ =	shalt  }
0x75: {  	_ =	shalt  }
0x76: {  	_ =	shalt  }
0x77: {  	_ =	shalt  }
0x78: {  	_ =	shalt  }
0x79: {  	_ =	shalt  }
0x7a: {  	_ =	shalt  }
0x7b: {  	_ =	shalt  }
0x7c: {  	_ =	shalt  }
0x7d: {  	_ =	shalt  }
0x7e: {  	_ =	shalt  }
0x7f: {  	_ =	shalt  }
0x80: {  	_ =	shalt  }
0x81: {  	_ =	shalt  }
0x82: {  	_ =	shalt  }
0x83: {  	_ =	shalt  }
0x84: {  	_ =	shalt  }
0x85: {  	_ =	shalt  }
0x86: {  	_ =	shalt  }
0x87: {  	_ =	shalt  }
.Lfunc_end0:
.L_simem_size_0:
called_computation_lowered:
.L_overlay_start_0:
0x88: {  	s2 =	sld [smem:$0x3FD9]  }
0x89: {  	s3 =	sld [smem:$0x3FFE];
	_ =	sdelay $0x1  }
0x8a: {  	s1 =	srdreg.scid  }
0x8b: {  	s0 =	sand.u32 $0x1, s1  }
0x8c: {  	s17 =	sshll.u32 s0, $0xA;
	s2 =	sadd.s32 s3, s2  }
0x8d: {  	s2 =	sadd.s32 s2, s17  }
0x8e: {  	[smem:$0x3FC1] =	sst s2  }
0x8f: {  	_ = 	snop  }
0x90: {  	s2 =	sld [smem:$0x3FC7]  }
0x91: {  	s18 =	sld [smem:$0x3FD0];
	(tm) =	ssettm $0x1  }
0x92: {  	s4 =	sld [smem:$0x3FFB];
	_ =	sdelay $0x3  }
0x93: {  	_ =	strace s4  }
0x94: {  	s4 =	sld [smem:$0x3FFC];
	_ =	sdelay $0x3  }
0x95: {  	_ =	strace s4  }
0x96: {  	s4 =	sld [smem:$0x3FFD];
	_ =	sdelay $0x3  }
0x97: {  	_ =	strace s4  }
0x98: {  	_ =	strace $0x8FFFFFFF  }
0x99: {  	s19 =	sld [smem:$0x3FDB];
	_ =	sdelay $0x1  }
0x9a: {  	s5 =	simm.s32 $_scs_section_size  }
0x9b: {  	s6 =	simm.s32 $_size__tile_overlayer_lowered;
	s7 =	simm.s32 $_tile_overlayer_lowered  }
0x9c: {  	s22 =	simm.s32 $0x1BFF;
	s21 =	sshll.u32 s7, $0x1;
	s4 =	sadd.s32 s5, s19  }
0x9d: {  	s8 =	simm.s32 $0x0;
	s20 =	sshll.u32 s6, $0x1;
	s6 =	sadd.s32 s21, s4  }
0x9e: {  	[timem:s8], [sflag:s22] =	dma.local [hbm:s6], s20  }
0x9f: {  	_ =	swait.ge [sflag:s22], s20  }
0xa0: {  	s5 =	ssub.s32 $0x0, s20;
	[sflag:s22] =	ssyncset.done $0x0  }
0xa1: {  	[sflag:s22] =	ssyncadd.s32 s5;
	_ =	sdelay $0x1  }
0xa2: {  	s23 =	simm.s32 $0x1B8B  }
0xa3: {  	_ =	swait.ge [sflag:s23], $0x1  }
0xa4: {  	[sflag:s23] =	ssyncset.done $0x0  }
0xa5: {  	s25 =	simm.s32 $0x1B8E;
	s24 =	sld [smem:$0x3FFE];
	[sflag:s23] =	ssyncadd.s32 $0xFFFFFFFF  }
0xa6: {  	s26 =	simm.s32 $execute0_lowered;
	[smem:$0x3FD2] =	sst s25  }
0xa7: {  	s6 =	sshll.u32 s26, $0x1;
	_ =	strace $0x80000046;
	[dreg:$0x1] =	wrdreg $0xFFFFFFFF  }
0xa8: {  	s28 =	simm.s32 $_size_execute0_lowered;
	s4 =	sadd.s32 s4, s6;
	[dreg:$0x0] =	wrdreg $0x0  }
0xa9: {  	s6 =	sshll.u32 s28, $0x1;
	[dreg:$0x2] =	wrdreg s4  }
0xaa: {  	[dreg:$0x3] =	wrdreg s6  }
0xab: {  	[dreg:$0x4] =	wrdreg $0xC0  }
0xac: {  	_ =	task [dreg:s8], $0x5FFFF  }
0xad: {  	[dreg:$0x1] =	wrdreg $0xFFFFFFFF  }
0xae: {  	[dreg:$0x0] =	wrdreg $0x60  }
0xaf: {  	[dreg:$0x2] =	wrdreg s24  }
0xb0: {  	[dreg:$0x3] =	wrdreg s2  }
0xb1: {  	[dreg:$0x4] =	wrdreg s18  }
0xb2: {  	[dreg:$0x5] =	wrdreg $0x9  }
0xb3: {  	_ =	task.clear_ibuf [dreg:s8], $0x6FFFF;
	_ =	strace $0x90000046  }
0xb4: {  	s29 =	simm.s32 $0x9;
	_ =	strace $0x80000048  }
0xb5: {  	_ =	swait.ge [sflag:s29], $0x1  }
0xb6: {  	[sflag:s29] =	ssyncadd.s32 $0xFFFFFFFF  }
0xb7: {  	_ =	strace $0x90000048  }
0xb8: {  	_ =	sfence  }
0xb9: {  	s30 =	sld [smem:$0x0];
	_ =	sdelay $0x2  }
0xba: {  	s31 =	sshll.u32 s1, $0xD;
	s1 =	sshrl.u32 s1, $0x2  }
0xbb: {  	s3 =	sand.u32 $0x4000, s31;
	s1 =	sadd.s32 s1, s30  }
0xbc: {  	s0 =	sor.u32 s3, s0;
	s1 =	sshll.u32 s1, $0x11  }
0xbd: {  	s0 =	sor.u32 s1, s0  }
0xbe: {  	s0 =	sadd.s32 $0x8F2B, s0  }
0xbf: {  	[sflag:s0] =	ssyncadd.remote.s32 $0x1  }
0xc0: {  	_ =	sfence.sel $0xFFFF  }
0xc1: {  	[dreg:$0x0] =	wrdreg $0xFFFFFFFF;
	(pc) =	sbr.abs _section_cstart, $3  }
0xc2: {  	[dreg:$0x1] =	wrdreg $0xFFFFFFFF  }
0xc3: {  	_ =	task.clear_ibuf [dreg:s8], $0x2FFFF;
	_ =	strace $0x9FFFFFFF  }
0xc4: {  	(tm) =	ssettm $0x7FFFFFFF  }
0xc5: {  	_ =	shalt  }
tec
execute0_lowered:
.L_overlay_start_1:
0x0: {  	(tag) =	ssettag $0x1  }
0x1: {  	s0 =	rddreg [dreg:$0x0]  }
0x2: {  	s2 =	rddreg [dreg:$0x1];
	s1 =	srdreg.scid  }
0x3: {  	s16 =	stileid.u32;
	s11 =	rddreg [dreg:$0x2]  }
0x4: {  	s3 =	simm.s32 $0x0;
	s17 =	simm.s32 $0x80;
	s18 =	simm.s32 $0x4  }
0x5: {  	s19 =	simm.s32 $0x180;
	s20 =	simm.s32 $0x5;
	s21 =	simm.s32 $0x4180  }
0x6: {  	s22 =	simm.s32 $0x1;
	s23 =	simm.s32 $0x2;
	s28 =	simm.s32 $0x8180  }
0x7: {  	s29 =	simm.s32 $0xA980;
	s30 =	simm.s32 $0x100;
	s31 =	simm.s32 $0x9  }
0x8: {  	s1 =	sand.u32 $0x1, s1;
	s4 =	sshll.u32 s16, $0x1;
	[smem:$0x7FF] =	sst s3  }
0x9: {  	s9 =	sadd.s32 $0x1E00, s0;
	p0 =	sgt.u32 s16, $0x7;
	s8 =	sor.u32 s1, s4  }
0xa: {  	_ =	strace $0x80000047;
	s1 =	ssub.s32 $0x2, s1;
	s4 =	smul.u32 $0x528, s8  }
0xb: {  	s24 =	sshrl.u32 s1, $0x1;
	s6 =	sshll.u32 s8, $0x7;
	s26 =	sshll.u32 s8, $0x4  }
0xc: {  	s12 =	sor.u32 $0x40, s8;
	s14 =	sshll.u32 s8, $0xB;
	s15 =	smul.u32 $0xA00, s8  }
0xd: {  	s1 =	ssub.s32 s1, s24;
	s10 =	sor.u32 $0x1000, s6;
	s6 =	sadd.s32 s9, s26  }
0xe: {  	s13 =	sshll.u32 s12, $0x4;
	s12 =	sshll.u32 s12, $0xB;
	s24 =	simm.s32 $0x7  }
0xf: {  	s26 =	simm.s32 $0x3;
	s5 =	sadd.s32 s4, s0;
	s0 =	sadd.s32 $0x17000, s0  }
0x10: {  	s7 =	sshrl.u32 s10, $0x3;
	s8 =	sadd.s32 s9, s13;
	s10 =	sshll.u32 s10, $0x4  }
0x11: {  	s11 =	sadd.s32 s11, s15;
	s25 =	sadd.s32 $0xCA00, s5;
	s5 =	sadd.s32 $0x2400, s5  }
0x12: {  	s7 =	sadd.s32 s9, s7;
	s9 =	sadd.s32 s0, s14;
	s10 =	sadd.s32 s0, s10  }
0x13: {  	s12 =	sadd.s32 s0, s12;
	s13 =	sadd.s32 $0x10, s11;
	s14 =	smax.u32 s1, $0x1  }
0x14: {  	v0 =	vimm.f32 $0.0e+00;
	v1 =	vimm.f32 $1.000000000e+00;
	s1 =	simm.s32 $0x0;
	[dreg:$0x4] =	wrdreg s25;
	s25 =	simm.s32 $0x8  }
.LBB2_1:
0x15: {  	s0 =	rddreg [dreg:$0x4];
	s4 =	simm.s32 $0xD180  }
0x16: {  	[tilespmem:s4], [sflag:$0x3] =	stream.linear.gather [hbm4b:s0+s3], $0x2940, $0x38;
	[tilespmem:$0x12480] =	vst v63  }
0x17: {  	s16 =	simm.s32 $0xFB00;
	s15 =	simm.s32 $0x100;
	s0 =	simm.s32 $0x0  }
0x18: {  	[tilespmem:s16], [sflag:$0x3] =	stream.linear.gather [hbm4b:s5+s3], $0x2940, $0x38;
	[tilespmem:$0x12480] =	vst v63  }
.LBB2_2:
0x19: {  	p1 =	sne.s32 s15, $0x9F00;
	[tilespmem:s0+$0xA9B0] =	vst v0  }
0x1a: {  	[tilespmem:s0+$0x8180] =	vst v0  }
0x1b: {  	[tilespmem:s0+$0xA980] =	vst v0  }
.Ltmp0:
0x1c: {  	[tilespmem:s0+$0x8190] =	vst v0;
	(pc) =	sbr.rel @p1 .LBB2_2-.Ltmp0, $4  }
0x1d: {  	[tilespmem:s0+$0xA990] =	vst v0  }
0x1e: {  	[tilespmem:s0+$0x81A0] =	vst v0  }
0x1f: {  	[tilespmem:s0+$0xA9A0] =	vst v0  }
0x20: {  	[tilespmem:s0+$0x81B0] =	vst v0;
	s0 =	sshra.s32 s15, $0x2;
	s15 =	sadd.s32 $0x100, s15  }
0x21: {  	[tilespmem:s0+$0xA9B0] =	vst v0  }
0x22: {  	[tilespmem:s0+$0x8180] =	vst v0  }
0x23: {  	[tilespmem:s0+$0xA980] =	vst v0  }
0x24: {  	[tilespmem:s0+$0x8190] =	vst v0  }
0x25: {  	[tilespmem:s0+$0xA990] =	vst v0  }
0x26: {  	[tilespmem:s0+$0x81A0] =	vst v0  }
0x27: {  	[tilespmem:s0+$0xA9A0] =	vst v0  }
0x28: {  	[tilespmem:s0+$0x81B0] =	vst v0  }
0x29: {  	[tilespmem:s3], [sflag:$0x4] =	stream.linear.gather [hbm4b:s6+s3], $0x80, $0x38;
	[tilespmem:$0x12480] =	vst v63  }
0x2a: {  	_ = 	snop  }
0x2b: {  	[tilespmem:s17], [sflag:$0x5] =	stream.linear.gather [hbm4b:s7+s3], $0x80, $0x38;
	[tilespmem:$0x12480] =	vst v63  }
0x2c: {  	s0 =	simm.s32 @!p0 $0x0;
	s15 =	simm.s32 @!p0 $0x100  }
0x2d: {  	[tilespmem:s15], [sflag:$0x6] =	stream.linear.gather @!p0 [hbm4b:s8+s0], $0x80, $0x38;
	[tilespmem:$0x12480] =	vst v63  }
0x2e: {  	_ =	swait.ge [sflag:s18], $0x80  }
0x2f: {  	[sflag:s18] =	ssyncset.done $0x0  }
0x30: {  	[sflag:s18] =	ssyncadd.s32 $0xFFFFFF80  }
0x31: {  	[tilespmem:s19], [sflag:$0x1] =	stream.indirect.gather [hbm4b:s2+s17], $0x80, s3, s17, $0xb8;
	[tilespmem:$0x12480] =	vst v63  }
0x32: {  	_ =	swait.ge [sflag:s20], $0x80  }
0x33: {  	[sflag:s20] =	ssyncset.done $0x0  }
0x34: {  	[sflag:s20] =	ssyncadd.s32 $0xFFFFFF80  }
0x35: {  	[tilespmem:s21], [sflag:$0x2] =	stream.indirect.gather [hbm4b:s2+s17], $0x80, s17, s17, $0xb8;
	[tilespmem:$0x12480] =	vst v63  }
0x36: {  	_ =	swait.ge [sflag:s22], $0x4000  }
0x37: {  	[sflag:s22] =	ssyncset.done $0x0  }
0x38: {  	[sflag:s22] =	ssyncadd.s32 $0xFFFFC000  }
0x39: {  	[hbm4b:s9+s3] =	stream.linear.scatter [tilespmem:s19], [sflag:$0x7], $0x4000, $0x38;
	[tilespmem:$0x12480] =	vst v63  }
0x3a: {  	_ =	swait.ge [sflag:s23], $0x4000  }
0x3b: {  	[sflag:s23] =	ssyncset.done $0x0  }
0x3c: {  	s16 =	simm.s32 @!p0 $0x6;
	[sflag:s23] =	ssyncadd.s32 $0xFFFFC000  }
0x3d: {  	[hbm4b:s10+s3] =	stream.linear.scatter [tilespmem:s21], [sflag:$0x8], $0x4000, $0x38;
	[tilespmem:$0x12480] =	vst v63  }
0x3e: {  	_ =	swait.ge @!p0 [sflag:s16], $0x80  }
0x3f: {  	[sflag:s16] =	ssyncset.done @!p0 $0x0  }
0x40: {  	[sflag:s16] =	ssyncadd.s32 @!p0 $0xFFFFFF80;
	s16 =	simm.s32 @!p0 $0x7  }
0x41: {  	_ =	swait.ge @!p0 [sflag:s16], $0x4000  }
0x42: {  	[sflag:s16] =	ssyncset.done @!p0 $0x0  }
0x43: {  	s4 =	simm.s32 @!p0 $0x180;
	[sflag:s16] =	ssyncadd.s32 @!p0 $0xFFFFC000;
	s16 =	simm.s32 @!p0 $0x80  }
0x44: {  	[tilespmem:s4], [sflag:$0x1] =	stream.indirect.gather @!p0 [hbm4b:s2+s16], $0x80, s15, s16, $0xb8;
	[tilespmem:$0x12480] =	vst v63  }
0x45: {  	s15 =	simm.s32 @!p0 $0x1  }
0x46: {  	_ =	swait.ge @!p0 [sflag:s15], $0x4000  }
0x47: {  	[sflag:s15] =	ssyncset.done @!p0 $0x0  }
0x48: {  	[sflag:s15] =	ssyncadd.s32 @!p0 $0xFFFFC000  }
0x49: {  	[hbm4b:s12+s0] =	stream.linear.scatter @!p0 [tilespmem:s4], [sflag:$0x7], $0x4000, $0x38;
	[tilespmem:$0x12480] =	vst v63  }
0x4a: {  	_ =	swait.ge [sflag:s24], $0x4000  }
0x4b: {  	[sflag:s24] =	ssyncset.done $0x0  }
0x4c: {  	[sflag:s24] =	ssyncadd.s32 $0xFFFFC000  }
0x4d: {  	_ =	swait.ge [sflag:s25], $0x4000  }
0x4e: {  	[sflag:s25] =	ssyncset.done $0x0  }
0x4f: {  	[sflag:s25] =	ssyncadd.s32 $0xFFFFC000  }
0x50: {  	_ =	swait.ge [sflag:s26], $0x2940  }
0x51: {  	[sflag:s26] =	ssyncset.done $0x0  }
0x52: {  	[sflag:s26] =	ssyncadd.s32 $0xFFFFD6C0  }
0x53: {  	_ =	swait.ge [sflag:s26], $0x2940  }
0x54: {  	[sflag:s26] =	ssyncset.done $0x0  }
0x55: {  	s0 =	simm.s32 $0x0;
	[sflag:s26] =	ssyncadd.s32 $0xFFFFD6C0  }
.LBB2_4:
0x56: {  	s4 =	sshra.s32 s0, $0x2  }
0x57: {  	v2 =	vld [tilespmem:s4+$0xD180];
	_ =	sdelay $0x7  }
0x58: {  	[tilespmem:v2+s28+$0x0] =	vst.idx.add.f32.msk $0xffff, v1  }
0x59: {  	v2 =	vld [tilespmem:s4+$0xFB00];
	_ =	sdelay $0x7  }
0x5a: {  	[tilespmem:v2+s29+$0x0] =	vst.idx.add.f32.msk $0xffff, v1  }
0x5b: {  	v2 =	vld [tilespmem:s4+$0xD190];
	_ =	sdelay $0x7  }
0x5c: {  	[tilespmem:v2+s28+$0x0] =	vst.idx.add.f32.msk $0xffff, v1  }
0x5d: {  	v2 =	vld [tilespmem:s4+$0xFB10];
	_ =	sdelay $0x7  }
0x5e: {  	[tilespmem:v2+s29+$0x0] =	vst.idx.add.f32.msk $0xffff, v1  }
0x5f: {  	v2 =	vld [tilespmem:s4+$0xD1A0];
	_ =	sdelay $0x7  }
0x60: {  	[tilespmem:v2+s28+$0x0] =	vst.idx.add.f32.msk $0xffff, v1  }
0x61: {  	v2 =	vld [tilespmem:s4+$0xFB20];
	_ =	sdelay $0x2  }
0x62: {  	p1 =	sne.s32 s0, $0xA440  }
.Ltmp1:
0x63: {  	_ = 	snop;
	(pc) =	sbr.rel @p1 .LBB2_4-.Ltmp1, $2  }
0x64: {  	_ =	sdelay $0x2  }
0x65: {  	s0 =	sadd.s32 $0xC0, s0;
	[tilespmem:v2+s29+$0x0] =	vst.idx.add.f32.msk $0xffff, v1  }
0x66: {  	[hbm4b:s11+s17] =	stream.strided.scatter [tilespmem:s28], [sflag:$0x9], $0x2800, s30, s17, $0x38;
	[tilespmem:$0x12480] =	vst v63  }
0x67: {  	s1 =	sadd.s32 $0x1, s1;
	_ =	swait.ge [sflag:s31], $0x2800  }
0x68: {  	p1 =	sne.s32 s1, s14;
	[sflag:s31] =	ssyncset.done $0x0  }
.Ltmp2:
0x69: {  	[sflag:s31] =	ssyncadd.s32 $0xFFFFD800;
	(pc) =	sbr.rel @p1 .LBB2_1-.Ltmp2, $4  }
0x6a: {  	[hbm4b:s13+s17] =	stream.strided.scatter [tilespmem:s29], [sflag:$0x9], $0x2800, s30, s17, $0x38;
	[tilespmem:$0x12480] =	vst v63  }
0x6b: {  	_ =	swait.ge [sflag:s31], $0x2800  }
0x6c: {  	[sflag:s31] =	ssyncset.done $0x0  }
0x6d: {  	[sflag:s31] =	ssyncadd.s32 $0xFFFFD800  }
0x6e: {  	_ =	sfence.sel $0x180000  }
0x6f: {  	[bflag:$0x0] =	sbarrier.arrive $0xFFFF  }
0x70: {  	_ =	strace $0x90000047  }
0x71: {  	s0 =	stileid.u32;
	[bflag:$0x2] =	sbarrier.arrive $0xFFFF  }
0x72: {  	p0 =	sne.s32 s0, $0x0;
	s0 =	rddreg [dreg:$0x3]  }
0x73: {  	s0 =	sadd.s32 @!p0 $0x100000, s0  }
0x74: {  	[sflag:s0] =	ssyncadd.tile.s32 @!p0 $0x1;
	_ =	shalt  }
.Lfunc_end2:
_tile_overlayer_lowered:
.L_overlay_start_2:
0x75: {  	(tag) =	ssettag $0x2  }
0x76: {  	s0 =	rddreg [dreg:$0x0];
	s2 =	stileid.u32  }
0x77: {  	s1 =	rddreg [dreg:$0x1];
	p0 =	sne.s32 s2, $0x0  }
0x78: {  	s3 =	rddreg [dreg:$0x2];
	[bflag:$0x3] =	sbarrier.arrive $0xFFFF;
	s2 =	simm.s32 @!p0 $0x1C09  }
0x79: {  	[timem:s3], [sflag:s2] =	dma.local @!p0 [hbm:s0], s1  }
0x7a: {  	s0 =	simm.s32 @!p0 $0x9  }
0x7b: {  	_ =	swait.ge @!p0 [sflag:s0], s1  }
0x7c: {  	s1 =	ssub.s32 @!p0 $0x0, s1;
	[sflag:s0] =	ssyncset.done @!p0 $0x0  }
0x7d: {  	[sflag:s0] =	ssyncadd.s32 @!p0 s1  }
0x7e: {  	[bflag:$0x3] =	sbarrier.arrive $0xFFFF  }
0x7f: {  	_ =	shalt  }

</sc_bundles>
